<compile_context>
chip_gen: v7x
topology: tpu7x:2x2x1
jax: 0.10.2.dev20260603
libtpu: 0.0.44.dev20260713+nightly
codegen_flags: <defaults>
</compile_context>

<pallas_src>
import jax
import jax.numpy as jnp
from jax import lax
from jax.experimental import pallas as pl
from jax.experimental.pallas import tpu as pltpu
from jax.experimental.pallas import tpu_sc as plsc

N = 10000
DEG = 32
D = 128
OUT_D = 64
BETA = 0.2

NC, NS = 2, 16
NW = NC * NS
CH = 5
N_CH = N // CH
E = N_CH * DEG
E_PER_W = E // NW
GB = 80
NB = E_PER_W // GB
SLOTS = 5

B = 400


def _sc_gather(x, col3):
    mesh = plsc.VectorSubcoreMesh(core_axis_name="c", subcore_axis_name="s",
                                  num_cores=NC, num_subcores=NS)

    def body(x_hbm, col_hbm, out_hbm, idx_v, rows_v, *sems):
        gsems, osems = sems[:SLOTS], sems[SLOTS:]
        wid = lax.axis_index("s") * NC + lax.axis_index("c")
        pltpu.sync_copy(col_hbm.at[wid], idx_v)
        row0 = lambda b: (b * NW + wid) * GB

        for s in range(SLOTS):
            pltpu.async_copy(x_hbm.at[idx_v.at[s]], rows_v.at[s], gsems[s])

        def step(i, carry):
            for s in range(SLOTS):
                b = i * SLOTS + s
                pltpu.make_async_copy(x_hbm.at[idx_v.at[b]], rows_v.at[s],
                                      gsems[s]).wait()
                pltpu.async_copy(rows_v.at[s],
                                 out_hbm.at[pl.ds(row0(b), GB)],
                                 osems[s])

                @pl.when(b + SLOTS < NB)
                def _():
                    pltpu.make_async_copy(
                        rows_v.at[s], out_hbm.at[pl.ds(row0(b), GB)],
                        osems[s]).wait()
                    pltpu.async_copy(x_hbm.at[idx_v.at[b + SLOTS]],
                                     rows_v.at[s], gsems[s])
            return carry

        lax.fori_loop(0, NB // SLOTS, step, 0)
        for s in range(SLOTS):
            pltpu.make_async_copy(
                rows_v.at[s],
                out_hbm.at[pl.ds(row0(NB - SLOTS + s), GB)],
                osems[s]).wait()

    return pl.kernel(
        body,
        out_type=jax.ShapeDtypeStruct((E, D), jnp.float32),
        mesh=mesh,
        scratch_types=[
            pltpu.VMEM((NB, GB), jnp.int32),
            pltpu.VMEM((SLOTS, GB, D), jnp.float32),
        ] + [pltpu.SemaphoreType.DMA] * (2 * SLOTS),
    )(x, col3)


def _tc_body(x_ref, g_ref,
             wn1_ref, bn1_ref, ws1_ref, bs1_ref, wa1_ref, ba1_ref, wb1_ref, bb1_ref,
             wn2_ref, bn2_ref, ws2_ref, bs2_ref, wa2_ref, ba2_ref, wb2_ref, bb2_ref,
             o_ref, dwt_ref):
    xb = x_ref[...]
    g = g_ref[...]
    gflat = g.reshape(DEG * B, D)
    diff = xb[None, :, :] - g
    dwt_ref[...] = jnp.sum(diff * diff, axis=-1)
    nd = jnp.sqrt(dwt_ref[...]) * (1.0 / (250.0 + 1e-8))
    dwt = (jnp.exp(-0.3 * nd) * 1.4426950408889634)[:, :, None]

    def attn(tgt, wn_ref, bn_ref, ws_ref, bs_ref, wa_ref, ba_ref, wb_ref, bb_ref):
        sg = jnp.dot(gflat, wn_ref[...], preferred_element_type=jnp.float32) + bn_ref[...]
        e = jnp.exp2(sg.reshape(DEG, B, D) * dwt)
        denom = jnp.sum(e, axis=0)
        nbout = jnp.sum(e * g, axis=0) / denom
        sa = jnp.dot(tgt, ws_ref[...], preferred_element_type=jnp.float32) + bs_ref[...]
        ctx = BETA * (sa * tgt) + (1.0 - BETA) * nbout
        h = jnp.dot(ctx, wa_ref[...], preferred_element_type=jnp.float32) + ba_ref[...]
        h = jnp.maximum(h, 0.01 * h)
        o = jnp.dot(h, wb_ref[...], preferred_element_type=jnp.float32) + bb_ref[...]
        return jnp.maximum(o, 0.0)

    y1 = attn(xb, wn1_ref, bn1_ref, ws1_ref, bs1_ref, wa1_ref, ba1_ref, wb1_ref, bb1_ref)
    o_ref[...] = attn(y1, wn2_ref, bn2_ref, ws2_ref, bs2_ref, wa2_ref, ba2_ref, wb2_ref, bb2_ref)


def _tc_fused(c, x, G2, *weights):
    wspecs = [pl.BlockSpec(w.shape, lambda i: (0, 0)) for w in weights]
    off = c * (N_CH // B)
    return pl.pallas_call(
        _tc_body,
        grid=(N_CH // B,),
        in_specs=[
            pl.BlockSpec((B, D), lambda i: (i + off, 0)),
            pl.BlockSpec((DEG, B, D), lambda i: (0, i, 0)),
        ] + wspecs,
        out_specs=pl.BlockSpec((B, OUT_D), lambda i: (i, 0)),
        out_shape=jax.ShapeDtypeStruct((N_CH, OUT_D), jnp.float32),
        scratch_shapes=[pltpu.VMEM((DEG, B), jnp.float32)],
        compiler_params=pltpu.CompilerParams(
            dimension_semantics=("arbitrary",),
        ),
    )(x, G2, *weights)


def kernel(x, edge_index, W_self1, b_self1, W_nb1, b_nb1, W_ffn1a, b_ffn1a,
           W_ffn1b, b_ffn1b, W_self2, b_self2, W_nb2, b_nb2, W_ffn2a, b_ffn2a,
           W_ffn2b, b_ffn2b):
    colT = edge_index[1].astype(jnp.int32).reshape(N, DEG).T
    r = lambda b: b.reshape(1, -1)
    w = (W_nb1.T, r(b_nb1), W_self1.T, r(b_self1), W_ffn1a.T, r(b_ffn1a), W_ffn1b.T, r(b_ffn1b),
         W_nb2.T, r(b_nb2), W_self2.T, r(b_self2), W_ffn2a.T, r(b_ffn2a), W_ffn2b.T, r(b_ffn2b))
    col4 = (colT.reshape(DEG, CH, N_CH).transpose(1, 0, 2)
            .reshape(CH, NB, NW, GB).transpose(0, 2, 1, 3))
    gs, outs = [], []
    gs.append(_sc_gather(x, col4[0]).reshape(DEG, N_CH, D))
    for c in range(1, CH):
        gs.append(_sc_gather(x, col4[c]).reshape(DEG, N_CH, D))
        outs.append(_tc_fused(c - 1, x, gs[c - 1], *w))
    outs.append(_tc_fused(CH - 1, x, gs[CH - 1], *w))
    return jnp.concatenate(outs, axis=0) if CH > 1 else outs[0]

# --- scband reference (transcript-rebuilt; emitter-appended) ---
"""Pipeline reference for scband-graph-attention-encoder-18803366822027 (READ-ONLY COPY).

The authoritative reference and input builder live on the scoring server;
editing this copy changes nothing except your own understanding.
"""

import jax, jax.numpy as jnp
import numpy as np

N = 10000
DEG = 32
GENE_DIM = 128
REDUCED_DIM = 64
BETA = 0.2


def _linear_params(key, out_dim, in_dim):
    kw, _ = jax.random.split(key)
    bound = float(np.sqrt(6.0 / in_dim))
    W = jax.random.uniform(kw, (out_dim, in_dim), minval=-bound, maxval=bound, dtype=jnp.float32)
    b = jnp.zeros((out_dim,), dtype=jnp.float32)
    return W, b


def setup_inputs(seed: int = 0) -> dict:
    key = jax.random.key(seed)
    ks = jax.random.split(key, 16)
    x = jax.random.normal(ks[0], (N, GENE_DIM), dtype=jnp.float32)
    # fixed-degree graph: row is sorted with exactly DEG neighbors per node,
    # col is random node indices in [0, N)
    row = jnp.repeat(jnp.arange(N, dtype=jnp.int64), DEG)
    col = jax.random.randint(ks[1], (N * DEG,), 0, N, dtype=jnp.int64)
    edge_index = jnp.stack([row, col], axis=0)
    W_self1, b_self1 = _linear_params(ks[2], GENE_DIM, GENE_DIM)
    W_nb1, b_nb1 = _linear_params(ks[3], GENE_DIM, GENE_DIM)
    W_ffn1a, b_ffn1a = _linear_params(ks[4], GENE_DIM, GENE_DIM)
    W_ffn1b, b_ffn1b = _linear_params(ks[5], GENE_DIM, GENE_DIM)  # attention1 reduced_dim == gene_dim
    W_self2, b_self2 = _linear_params(ks[6], GENE_DIM, GENE_DIM)
    W_nb2, b_nb2 = _linear_params(ks[7], GENE_DIM, GENE_DIM)
    W_ffn2a, b_ffn2a = _linear_params(ks[8], GENE_DIM, GENE_DIM)
    W_ffn2b, b_ffn2b = _linear_params(ks[9], REDUCED_DIM, GENE_DIM)
    return {
        "x": x, "edge_index": edge_index,
        "W_self1": W_self1, "b_self1": b_self1, "W_nb1": W_nb1, "b_nb1": b_nb1,
        "W_ffn1a": W_ffn1a, "b_ffn1a": b_ffn1a, "W_ffn1b": W_ffn1b, "b_ffn1b": b_ffn1b,
        "W_self2": W_self2, "b_self2": b_self2, "W_nb2": W_nb2, "b_nb2": b_nb2,
        "W_ffn2a": W_ffn2a, "b_ffn2a": b_ffn2a, "W_ffn2b": W_ffn2b, "b_ffn2b": b_ffn2b,
    }


def _self_neighbor_attention(target, neighbors, distances, Ws, bs, Wn, bn, Wa, ba, Wb, bb):
    min_dist = 0.0
    max_dist = 250.0
    nd = (distances - min_dist) / (max_dist - min_dist + 1e-08)
    self_attn_weights = target @ Ws.T + bs
    neighbor_attn_scores = neighbors @ Wn.T + bn
    alpha = 0.3
    distance_weights = jnp.exp(-alpha * nd)
    weighted = neighbor_attn_scores * distance_weights[..., None]
    neighbor_attn_weights = jax.nn.softmax(weighted, axis=1)
    neighbor_attn_output = jnp.sum(neighbor_attn_weights * neighbors, axis=1)
    context = BETA * (self_attn_weights * target) + (1.0 - BETA) * neighbor_attn_output
    h = context @ Wa.T + ba
    h = jnp.where(h >= 0, h, 0.01 * h)  # LeakyReLU(0.01)
    out = h @ Wb.T + bb
    return out, self_attn_weights, neighbor_attn_weights


def reference(x, edge_index, W_self1, b_self1, W_nb1, b_nb1, W_ffn1a, b_ffn1a, W_ffn1b, b_ffn1b,
              W_self2, b_self2, W_nb2, b_nb2, W_ffn2a, b_ffn2a, W_ffn2b, b_ffn2b):
    n, d = x.shape
    col = edge_index[1]
    deg = col.shape[0] // n
    # gather neighbor features; row is sorted with fixed degree, so reshape is the
    # exact equivalent of the torch per-node padding (no padding needed)
    neighbors = jnp.take(x, col, axis=0).reshape(n, deg, d)
    distances = jnp.linalg.norm(x[:, None, :] - neighbors, axis=-1)  # [n, deg]
    x_agg, _, _ = _self_neighbor_attention(x, neighbors, distances,
                                           W_self1, b_self1, W_nb1, b_nb1,
                                           W_ffn1a, b_ffn1a, W_ffn1b, b_ffn1b)
    x_agg = jax.nn.relu(x_agg)
    # dropout is identity in eval mode
    x_agg, _, _ = _self_neighbor_attention(x_agg, neighbors, distances,
                                           W_self2, b_self2, W_nb2, b_nb2,
                                           W_ffn2a, b_ffn2a, W_ffn2b, b_ffn2b)
    x_agg = jax.nn.relu(x_agg)
    return x_agg

if __name__ == "__main__":
    import jax
    _d = setup_inputs()
    print(jax.jit(kernel)(*tuple(_d.values())))

</pallas_src>

<mosaic_0001>
#map = affine_map<(d0, d1) -> (0, 0)>
#map1 = affine_map<(d0, d1) -> (0, 0, 0)>
module attributes {stable_mosaic.version = 14 : i64} {
  func.func @body(%arg0: i32, %arg1: i32, %arg2: memref<10000x128xf32, #tpu.memory_space<hbm>>, %arg3: memref<32x25x80xi32, #tpu.memory_space<hbm>>, %arg4: memref<64000x128xf32, #tpu.memory_space<hbm>>, %arg5: memref<25x80xi32, #tpu.memory_space<vmem>>, %arg6: memref<5x80x128xf32, #tpu.memory_space<vmem>>, %arg7: memref<!tpu.dma_semaphore, #tpu.memory_space<semaphore_mem>>, %arg8: memref<!tpu.dma_semaphore, #tpu.memory_space<semaphore_mem>>, %arg9: memref<!tpu.dma_semaphore, #tpu.memory_space<semaphore_mem>>, %arg10: memref<!tpu.dma_semaphore, #tpu.memory_space<semaphore_mem>>, %arg11: memref<!tpu.dma_semaphore, #tpu.memory_space<semaphore_mem>>, %arg12: memref<!tpu.dma_semaphore, #tpu.memory_space<semaphore_mem>>, %arg13: memref<!tpu.dma_semaphore, #tpu.memory_space<semaphore_mem>>, %arg14: memref<!tpu.dma_semaphore, #tpu.memory_space<semaphore_mem>>, %arg15: memref<!tpu.dma_semaphore, #tpu.memory_space<semaphore_mem>>, %arg16: memref<!tpu.dma_semaphore, #tpu.memory_space<semaphore_mem>>) attributes {dimension_semantics = [#tpu.dimension_semantics<core_parallel>, #tpu.dimension_semantics<subcore_parallel>], iteration_bounds = array<i64: 2, 16>, scalar_prefetch = 0 : i64, scratch_operands = 12 : i64, tpu.core_type = #tpu.core_type<sc_vector_subcore>, window_params = [{transform_indices = #map}, {transform_indices = #map1}, {transform_indices = #map}]} {
    %mul3A = arith.constant 2 : i32
    %mul3A_0 = arith.muli %arg1, %mul3A : i32
    %add3A = arith.addi %mul3A_0, %arg0 : i32
    "tpu.region"() ({
      %run_scoped3A = tpu.sem_alloc : memref<!tpu.dma_semaphore, #tpu.memory_space<semaphore_mem>>
      %dma_start3A_149 = arith.constant 0 : i32
      %dma_start3A_150 = arith.constant 0 : i32
      %dma_start3A_151 = tpu.memref_slice %arg3[%add3A, %dma_start3A_149, %dma_start3A_150] : memref<32x25x80xi32, #tpu.memory_space<hbm>> -> memref<1x25x80xi32, #tpu.memory_space<hbm>>
      %dma_start3A_152 = tpu.memref_squeeze %dma_start3A_151 : memref<1x25x80xi32, #tpu.memory_space<hbm>> -> memref<25x80xi32, #tpu.memory_space<hbm>>
      %dma_start3A_153 = arith.constant 0 : i32
      %dma_start3A_154 = arith.constant 0 : i32
      %dma_start3A_155 = tpu.memref_slice %arg3[%add3A, %dma_start3A_153, %dma_start3A_154] : memref<32x25x80xi32, #tpu.memory_space<hbm>> -> memref<1x25x80xi32, #tpu.memory_space<hbm>>
      %dma_start3A_156 = tpu.memref_squeeze %dma_start3A_155 : memref<1x25x80xi32, #tpu.memory_space<hbm>> -> memref<25x80xi32, #tpu.memory_space<hbm>>
      tpu.enqueue_dma source(%dma_start3A_156 : memref<25x80xi32, #tpu.memory_space<hbm>>) target(%arg5 : memref<25x80xi32, #tpu.memory_space<vmem>>) target_semaphore(%run_scoped3A : memref<!tpu.dma_semaphore, #tpu.memory_space<semaphore_mem>>)
      %dma_wait3A_157 = arith.constant 0 : i32
      %dma_wait3A_158 = arith.constant 0 : i32
      %dma_wait3A_159 = tpu.memref_slice %arg3[%add3A, %dma_wait3A_157, %dma_wait3A_158] : memref<32x25x80xi32, #tpu.memory_space<hbm>> -> memref<1x25x80xi32, #tpu.memory_space<hbm>>
      %dma_wait3A_160 = tpu.memref_squeeze %dma_wait3A_159 : memref<1x25x80xi32, #tpu.memory_space<hbm>> -> memref<25x80xi32, #tpu.memory_space<hbm>>
      %dma_wait3A_161 = arith.constant 0 : i32
      %dma_wait3A_162 = arith.constant 0 : i32
      %dma_wait3A_163 = tpu.memref_slice %arg3[%add3A, %dma_wait3A_161, %dma_wait3A_162] : memref<32x25x80xi32, #tpu.memory_space<hbm>> -> memref<1x25x80xi32, #tpu.memory_space<hbm>>
      %dma_wait3A_164 = tpu.memref_squeeze %dma_wait3A_163 : memref<1x25x80xi32, #tpu.memory_space<hbm>> -> memref<25x80xi32, #tpu.memory_space<hbm>>
      tpu.wait_dma2 semaphore(%run_scoped3A : memref<!tpu.dma_semaphore, #tpu.memory_space<semaphore_mem>>) src(%dma_wait3A_164 : memref<25x80xi32, #tpu.memory_space<hbm>>) dst(%arg5 : memref<25x80xi32, #tpu.memory_space<vmem>>)
      tpu.yield
    }) : () -> ()
    %dma_start3A = arith.constant 0 : i32
    %dma_start3A_1 = arith.constant 0 : i32
    %dma_start3A_2 = arith.constant 0 : i32
    %dma_start3A_3 = arith.constant 0 : i32
    %dma_start3A_4 = tpu.memref_slice %arg6[%dma_start3A_1, %dma_start3A_2, %dma_start3A_3] : memref<5x80x128xf32, #tpu.memory_space<vmem>> -> memref<1x80x128xf32, #tpu.memory_space<vmem>>
    %dma_start3A_5 = tpu.memref_squeeze %dma_start3A_4 : memref<1x80x128xf32, #tpu.memory_space<vmem>> -> memref<80x128xf32, #tpu.memory_space<vmem>>
    %dma_start3A_6 = arith.constant 0 : i32
    %dma_start3A_7 = tpu.memref_slice %arg5[%dma_start3A, %dma_start3A_6] : memref<25x80xi32, #tpu.memory_space<vmem>> -> memref<1x80xi32, #tpu.memory_space<vmem>>
    %dma_start3A_8 = tpu.memref_squeeze %dma_start3A_7 : memref<1x80xi32, #tpu.memory_space<vmem>> -> memref<80xi32, #tpu.memory_space<vmem>>
    %dma_start3A_9 = arith.constant 0 : i32
    %dma_start3A_10 = arith.constant 0 : i32
    %dma_start3A_11 = tpu.memref_slice %arg2[%dma_start3A_9, %dma_start3A_10] : memref<10000x128xf32, #tpu.memory_space<hbm>> -> memref<10000x128xf32, #tpu.memory_space<hbm>>
    tpu.enqueue_indirect_dma source(%dma_start3A_11 : memref<10000x128xf32, #tpu.memory_space<hbm>>) target(%dma_start3A_5 : memref<80x128xf32, #tpu.memory_space<vmem>>) offsets(%dma_start3A_8 : memref<80xi32, #tpu.memory_space<vmem>>) semaphore(%arg7 : memref<!tpu.dma_semaphore, #tpu.memory_space<semaphore_mem>>)
    %dma_start3A_12 = arith.constant 1 : i32
    %dma_start3A_13 = arith.constant 1 : i32
    %dma_start3A_14 = arith.constant 0 : i32
    %dma_start3A_15 = arith.constant 0 : i32
    %dma_start3A_16 = tpu.memref_slice %arg6[%dma_start3A_13, %dma_start3A_14, %dma_start3A_15] : memref<5x80x128xf32, #tpu.memory_space<vmem>> -> memref<1x80x128xf32, #tpu.memory_space<vmem>>
    %dma_start3A_17 = tpu.memref_squeeze %dma_start3A_16 : memref<1x80x128xf32, #tpu.memory_space<vmem>> -> memref<80x128xf32, #tpu.memory_space<vmem>>
    %dma_start3A_18 = arith.constant 0 : i32
    %dma_start3A_19 = tpu.memref_slice %arg5[%dma_start3A_12, %dma_start3A_18] : memref<25x80xi32, #tpu.memory_space<vmem>> -> memref<1x80xi32, #tpu.memory_space<vmem>>
    %dma_start3A_20 = tpu.memref_squeeze %dma_start3A_19 : memref<1x80xi32, #tpu.memory_space<vmem>> -> memref<80xi32, #tpu.memory_space<vmem>>
    %dma_start3A_21 = arith.constant 0 : i32
    %dma_start3A_22 = arith.constant 0 : i32
    %dma_start3A_23 = tpu.memref_slice %arg2[%dma_start3A_21, %dma_start3A_22] : memref<10000x128xf32, #tpu.memory_space<hbm>> -> memref<10000x128xf32, #tpu.memory_space<hbm>>
    tpu.enqueue_indirect_dma source(%dma_start3A_23 : memref<10000x128xf32, #tpu.memory_space<hbm>>) target(%dma_start3A_17 : memref<80x128xf32, #tpu.memory_space<vmem>>) offsets(%dma_start3A_20 : memref<80xi32, #tpu.memory_space<vmem>>) semaphore(%arg8 : memref<!tpu.dma_semaphore, #tpu.memory_space<semaphore_mem>>)
    %dma_start3A_24 = arith.constant 2 : i32
    %dma_start3A_25 = arith.constant 2 : i32
    %dma_start3A_26 = arith.constant 0 : i32
    %dma_start3A_27 = arith.constant 0 : i32
    %dma_start3A_28 = tpu.memref_slice %arg6[%dma_start3A_25, %dma_start3A_26, %dma_start3A_27] : memref<5x80x128xf32, #tpu.memory_space<vmem>> -> memref<1x80x128xf32, #tpu.memory_space<vmem>>
    %dma_start3A_29 = tpu.memref_squeeze %dma_start3A_28 : memref<1x80x128xf32, #tpu.memory_space<vmem>> -> memref<80x128xf32, #tpu.memory_space<vmem>>
    %dma_start3A_30 = arith.constant 0 : i32
    %dma_start3A_31 = tpu.memref_slice %arg5[%dma_start3A_24, %dma_start3A_30] : memref<25x80xi32, #tpu.memory_space<vmem>> -> memref<1x80xi32, #tpu.memory_space<vmem>>
    %dma_start3A_32 = tpu.memref_squeeze %dma_start3A_31 : memref<1x80xi32, #tpu.memory_space<vmem>> -> memref<80xi32, #tpu.memory_space<vmem>>
    %dma_start3A_33 = arith.constant 0 : i32
    %dma_start3A_34 = arith.constant 0 : i32
    %dma_start3A_35 = tpu.memref_slice %arg2[%dma_start3A_33, %dma_start3A_34] : memref<10000x128xf32, #tpu.memory_space<hbm>> -> memref<10000x128xf32, #tpu.memory_space<hbm>>
    tpu.enqueue_indirect_dma source(%dma_start3A_35 : memref<10000x128xf32, #tpu.memory_space<hbm>>) target(%dma_start3A_29 : memref<80x128xf32, #tpu.memory_space<vmem>>) offsets(%dma_start3A_32 : memref<80xi32, #tpu.memory_space<vmem>>) semaphore(%arg9 : memref<!tpu.dma_semaphore, #tpu.memory_space<semaphore_mem>>)
    %dma_start3A_36 = arith.constant 3 : i32
    %dma_start3A_37 = arith.constant 3 : i32
    %dma_start3A_38 = arith.constant 0 : i32
    %dma_start3A_39 = arith.constant 0 : i32
    %dma_start3A_40 = tpu.memref_slice %arg6[%dma_start3A_37, %dma_start3A_38, %dma_start3A_39] : memref<5x80x128xf32, #tpu.memory_space<vmem>> -> memref<1x80x128xf32, #tpu.memory_space<vmem>>
    %dma_start3A_41 = tpu.memref_squeeze %dma_start3A_40 : memref<1x80x128xf32, #tpu.memory_space<vmem>> -> memref<80x128xf32, #tpu.memory_space<vmem>>
    %dma_start3A_42 = arith.constant 0 : i32
    %dma_start3A_43 = tpu.memref_slice %arg5[%dma_start3A_36, %dma_start3A_42] : memref<25x80xi32, #tpu.memory_space<vmem>> -> memref<1x80xi32, #tpu.memory_space<vmem>>
    %dma_start3A_44 = tpu.memref_squeeze %dma_start3A_43 : memref<1x80xi32, #tpu.memory_space<vmem>> -> memref<80xi32, #tpu.memory_space<vmem>>
    %dma_start3A_45 = arith.constant 0 : i32
    %dma_start3A_46 = arith.constant 0 : i32
    %dma_start3A_47 = tpu.memref_slice %arg2[%dma_start3A_45, %dma_start3A_46] : memref<10000x128xf32, #tpu.memory_space<hbm>> -> memref<10000x128xf32, #tpu.memory_space<hbm>>
    tpu.enqueue_indirect_dma source(%dma_start3A_47 : memref<10000x128xf32, #tpu.memory_space<hbm>>) target(%dma_start3A_41 : memref<80x128xf32, #tpu.memory_space<vmem>>) offsets(%dma_start3A_44 : memref<80xi32, #tpu.memory_space<vmem>>) semaphore(%arg10 : memref<!tpu.dma_semaphore, #tpu.memory_space<semaphore_mem>>)
    %dma_start3A_48 = arith.constant 4 : i32
    %dma_start3A_49 = arith.constant 4 : i32
    %dma_start3A_50 = arith.constant 0 : i32
    %dma_start3A_51 = arith.constant 0 : i32
    %dma_start3A_52 = tpu.memref_slice %arg6[%dma_start3A_49, %dma_start3A_50, %dma_start3A_51] : memref<5x80x128xf32, #tpu.memory_space<vmem>> -> memref<1x80x128xf32, #tpu.memory_space<vmem>>
    %dma_start3A_53 = tpu.memref_squeeze %dma_start3A_52 : memref<1x80x128xf32, #tpu.memory_space<vmem>> -> memref<80x128xf32, #tpu.memory_space<vmem>>
    %dma_start3A_54 = arith.constant 0 : i32
    %dma_start3A_55 = tpu.memref_slice %arg5[%dma_start3A_48, %dma_start3A_54] : memref<25x80xi32, #tpu.memory_space<vmem>> -> memref<1x80xi32, #tpu.memory_space<vmem>>
    %dma_start3A_56 = tpu.memref_squeeze %dma_start3A_55 : memref<1x80xi32, #tpu.memory_space<vmem>> -> memref<80xi32, #tpu.memory_space<vmem>>
    %dma_start3A_57 = arith.constant 0 : i32
    %dma_start3A_58 = arith.constant 0 : i32
    %dma_start3A_59 = tpu.memref_slice %arg2[%dma_start3A_57, %dma_start3A_58] : memref<10000x128xf32, #tpu.memory_space<hbm>> -> memref<10000x128xf32, #tpu.memory_space<hbm>>
    tpu.enqueue_indirect_dma source(%dma_start3A_59 : memref<10000x128xf32, #tpu.memory_space<hbm>>) target(%dma_start3A_53 : memref<80x128xf32, #tpu.memory_space<vmem>>) offsets(%dma_start3A_56 : memref<80xi32, #tpu.memory_space<vmem>>) semaphore(%arg11 : memref<!tpu.dma_semaphore, #tpu.memory_space<semaphore_mem>>)
    %scan3A = arith.constant 0 : i32
    %scan3A_60 = arith.constant 0 : i32
    %scan3A_61 = arith.constant 5 : i32
    %scan3A_62 = arith.addi %scan3A_60, %scan3A_61 : i32
    %scan3A_63 = arith.constant 1 : i32
    scf.for %scan3A_149 = %scan3A_60 to %scan3A_62 step %scan3A_63  : i32 {
      %mul3A_150 = arith.constant 5 : i32
      %mul3A_151 = arith.muli %scan3A_149, %mul3A_150 : i32
      %add3A_152 = arith.constant 0 : i32
      %add3A_153 = arith.addi %mul3A_151, %add3A_152 : i32
      %dma_wait3A_154 = arith.constant 0 : i32
      %dma_wait3A_155 = arith.constant 0 : i32
      %dma_wait3A_156 = arith.constant 0 : i32
      %dma_wait3A_157 = tpu.memref_slice %arg6[%dma_wait3A_154, %dma_wait3A_155, %dma_wait3A_156] : memref<5x80x128xf32, #tpu.memory_space<vmem>> -> memref<1x80x128xf32, #tpu.memory_space<vmem>>
      %dma_wait3A_158 = tpu.memref_squeeze %dma_wait3A_157 : memref<1x80x128xf32, #tpu.memory_space<vmem>> -> memref<80x128xf32, #tpu.memory_space<vmem>>
      %dma_wait3A_159 = arith.constant 0 : i32
      %dma_wait3A_160 = tpu.memref_slice %arg5[%add3A_153, %dma_wait3A_159] : memref<25x80xi32, #tpu.memory_space<vmem>> -> memref<1x80xi32, #tpu.memory_space<vmem>>
      %dma_wait3A_161 = tpu.memref_squeeze %dma_wait3A_160 : memref<1x80xi32, #tpu.memory_space<vmem>> -> memref<80xi32, #tpu.memory_space<vmem>>
      %dma_wait3A_162 = arith.constant 0 : i32
      %dma_wait3A_163 = arith.constant 0 : i32
      %dma_wait3A_164 = tpu.memref_slice %arg2[%dma_wait3A_162, %dma_wait3A_163] : memref<10000x128xf32, #tpu.memory_space<hbm>> -> memref<10000x128xf32, #tpu.memory_space<hbm>>
      tpu.wait_indirect_dma semaphore(%arg7 : memref<!tpu.dma_semaphore, #tpu.memory_space<semaphore_mem>>) src(%dma_wait3A_164 : memref<10000x128xf32, #tpu.memory_space<hbm>>) dst(%dma_wait3A_158 : memref<80x128xf32, #tpu.memory_space<vmem>>)
      %mul3A_165 = arith.constant 32 : i32
      %mul3A_166 = arith.muli %add3A_153, %mul3A_165 : i32
      %add3A_167 = arith.addi %mul3A_166, %add3A : i32
      %mul3A_168 = arith.constant 80 : i32
      %mul3A_169 = arith.muli %add3A_167, %mul3A_168 : i32
      %dma_start3A_170 = arith.constant 0 : i32
      %dma_start3A_171 = arith.constant 0 : i32
      %dma_start3A_172 = arith.constant 0 : i32
      %dma_start3A_173 = tpu.memref_slice %arg6[%dma_start3A_170, %dma_start3A_171, %dma_start3A_172] : memref<5x80x128xf32, #tpu.memory_space<vmem>> -> memref<1x80x128xf32, #tpu.memory_space<vmem>>
      %dma_start3A_174 = tpu.memref_squeeze %dma_start3A_173 : memref<1x80x128xf32, #tpu.memory_space<vmem>> -> memref<80x128xf32, #tpu.memory_space<vmem>>
      %dma_start3A_175 = arith.constant 0 : i32
      %dma_start3A_176 = tpu.memref_slice %arg4[%mul3A_169, %dma_start3A_175] : memref<64000x128xf32, #tpu.memory_space<hbm>> -> memref<80x128xf32, #tpu.memory_space<hbm>>
      %dma_start3A_177 = arith.constant 0 : i32
      %dma_start3A_178 = tpu.memref_slice %arg4[%mul3A_169, %dma_start3A_177] : memref<64000x128xf32, #tpu.memory_space<hbm>> -> memref<80x128xf32, #tpu.memory_space<hbm>>
      %dma_start3A_179 = arith.constant 0 : i32
      %dma_start3A_180 = arith.constant 0 : i32
      %dma_start3A_181 = tpu.memref_slice %arg6[%dma_start3A_170, %dma_start3A_179, %dma_start3A_180] : memref<5x80x128xf32, #tpu.memory_space<vmem>> -> memref<1x80x128xf32, #tpu.memory_space<vmem>>
      %dma_start3A_182 = tpu.memref_squeeze %dma_start3A_181 : memref<1x80x128xf32, #tpu.memory_space<vmem>> -> memref<80x128xf32, #tpu.memory_space<vmem>>
      tpu.enqueue_dma source(%dma_start3A_182 : memref<80x128xf32, #tpu.memory_space<vmem>>) target(%dma_start3A_178 : memref<80x128xf32, #tpu.memory_space<hbm>>) target_semaphore(%arg12 : memref<!tpu.dma_semaphore, #tpu.memory_space<semaphore_mem>>)
      %add3A_183 = arith.constant 5 : i32
      %add3A_184 = arith.addi %add3A_153, %add3A_183 : i32
      %lt3A = arith.constant 25 : i32
      %lt3A_185 = arith.cmpi slt, %add3A_184, %lt3A : i32
      %convert_element_type3A = arith.extui %lt3A_185 : i1 to i32
      %cond3A = arith.constant 0 : i32
      %cond3A_186 = arith.cmpi ne, %convert_element_type3A, %cond3A : i32
      scf.if %cond3A_186 {
        %mul3A_347 = arith.constant 32 : i32
        %mul3A_348 = arith.muli %add3A_153, %mul3A_347 : i32
        %add3A_349 = arith.addi %mul3A_348, %add3A : i32
        %mul3A_350 = arith.constant 80 : i32
        %mul3A_351 = arith.muli %add3A_349, %mul3A_350 : i32
        %dma_wait3A_352 = arith.constant 0 : i32
        %dma_wait3A_353 = arith.constant 0 : i32
        %dma_wait3A_354 = arith.constant 0 : i32
        %dma_wait3A_355 = tpu.memref_slice %arg6[%dma_wait3A_352, %dma_wait3A_353, %dma_wait3A_354] : memref<5x80x128xf32, #tpu.memory_space<vmem>> -> memref<1x80x128xf32, #tpu.memory_space<vmem>>
        %dma_wait3A_356 = tpu.memref_squeeze %dma_wait3A_355 : memref<1x80x128xf32, #tpu.memory_space<vmem>> -> memref<80x128xf32, #tpu.memory_space<vmem>>
        %dma_wait3A_357 = arith.constant 0 : i32
        %dma_wait3A_358 = tpu.memref_slice %arg4[%mul3A_351, %dma_wait3A_357] : memref<64000x128xf32, #tpu.memory_space<hbm>> -> memref<80x128xf32, #tpu.memory_space<hbm>>
        %dma_wait3A_359 = arith.constant 0 : i32
        %dma_wait3A_360 = tpu.memref_slice %arg4[%mul3A_351, %dma_wait3A_359] : memref<64000x128xf32, #tpu.memory_space<hbm>> -> memref<80x128xf32, #tpu.memory_space<hbm>>
        %dma_wait3A_361 = arith.constant 0 : i32
        %dma_wait3A_362 = arith.constant 0 : i32
        %dma_wait3A_363 = tpu.memref_slice %arg6[%dma_wait3A_352, %dma_wait3A_361, %dma_wait3A_362] : memref<5x80x128xf32, #tpu.memory_space<vmem>> -> memref<1x80x128xf32, #tpu.memory_space<vmem>>
        %dma_wait3A_364 = tpu.memref_squeeze %dma_wait3A_363 : memref<1x80x128xf32, #tpu.memory_space<vmem>> -> memref<80x128xf32, #tpu.memory_space<vmem>>
        tpu.wait_dma2 semaphore(%arg12 : memref<!tpu.dma_semaphore, #tpu.memory_space<semaphore_mem>>) src(%dma_wait3A_364 : memref<80x128xf32, #tpu.memory_space<vmem>>) dst(%dma_wait3A_360 : memref<80x128xf32, #tpu.memory_space<hbm>>)
        %add3A_365 = arith.constant 5 : i32
        %add3A_366 = arith.addi %add3A_153, %add3A_365 : i32
        %dma_start3A_367 = arith.constant 0 : i32
        %dma_start3A_368 = arith.constant 0 : i32
        %dma_start3A_369 = arith.constant 0 : i32
        %dma_start3A_370 = tpu.memref_slice %arg6[%dma_start3A_367, %dma_start3A_368, %dma_start3A_369] : memref<5x80x128xf32, #tpu.memory_space<vmem>> -> memref<1x80x128xf32, #tpu.memory_space<vmem>>
        %dma_start3A_371 = tpu.memref_squeeze %dma_start3A_370 : memref<1x80x128xf32, #tpu.memory_space<vmem>> -> memref<80x128xf32, #tpu.memory_space<vmem>>
        %dma_start3A_372 = arith.constant 0 : i32
        %dma_start3A_373 = tpu.memref_slice %arg5[%add3A_366, %dma_start3A_372] : memref<25x80xi32, #tpu.memory_space<vmem>> -> memref<1x80xi32, #tpu.memory_space<vmem>>
        %dma_start3A_374 = tpu.memref_squeeze %dma_start3A_373 : memref<1x80xi32, #tpu.memory_space<vmem>> -> memref<80xi32, #tpu.memory_space<vmem>>
        %dma_start3A_375 = arith.constant 0 : i32
        %dma_start3A_376 = arith.constant 0 : i32
        %dma_start3A_377 = tpu.memref_slice %arg2[%dma_start3A_375, %dma_start3A_376] : memref<10000x128xf32, #tpu.memory_space<hbm>> -> memref<10000x128xf32, #tpu.memory_space<hbm>>
        tpu.enqueue_indirect_dma source(%dma_start3A_377 : memref<10000x128xf32, #tpu.memory_space<hbm>>) target(%dma_start3A_371 : memref<80x128xf32, #tpu.memory_space<vmem>>) offsets(%dma_start3A_374 : memref<80xi32, #tpu.memory_space<vmem>>) semaphore(%arg7 : memref<!tpu.dma_semaphore, #tpu.memory_space<semaphore_mem>>)
      } else {
      }
      %mul3A_187 = arith.constant 5 : i32
      %mul3A_188 = arith.muli %scan3A_149, %mul3A_187 : i32
      %add3A_189 = arith.constant 1 : i32
      %add3A_190 = arith.addi %mul3A_188, %add3A_189 : i32
      %dma_wait3A_191 = arith.constant 1 : i32
      %dma_wait3A_192 = arith.constant 0 : i32
      %dma_wait3A_193 = arith.constant 0 : i32
      %dma_wait3A_194 = tpu.memref_slice %arg6[%dma_wait3A_191, %dma_wait3A_192, %dma_wait3A_193] : memref<5x80x128xf32, #tpu.memory_space<vmem>> -> memref<1x80x128xf32, #tpu.memory_space<vmem>>
      %dma_wait3A_195 = tpu.memref_squeeze %dma_wait3A_194 : memref<1x80x128xf32, #tpu.memory_space<vmem>> -> memref<80x128xf32, #tpu.memory_space<vmem>>
      %dma_wait3A_196 = arith.constant 0 : i32
      %dma_wait3A_197 = tpu.memref_slice %arg5[%add3A_190, %dma_wait3A_196] : memref<25x80xi32, #tpu.memory_space<vmem>> -> memref<1x80xi32, #tpu.memory_space<vmem>>
      %dma_wait3A_198 = tpu.memref_squeeze %dma_wait3A_197 : memref<1x80xi32, #tpu.memory_space<vmem>> -> memref<80xi32, #tpu.memory_space<vmem>>
      %dma_wait3A_199 = arith.constant 0 : i32
      %dma_wait3A_200 = arith.constant 0 : i32
      %dma_wait3A_201 = tpu.memref_slice %arg2[%dma_wait3A_199, %dma_wait3A_200] : memref<10000x128xf32, #tpu.memory_space<hbm>> -> memref<10000x128xf32, #tpu.memory_space<hbm>>
      tpu.wait_indirect_dma semaphore(%arg8 : memref<!tpu.dma_semaphore, #tpu.memory_space<semaphore_mem>>) src(%dma_wait3A_201 : memref<10000x128xf32, #tpu.memory_space<hbm>>) dst(%dma_wait3A_195 : memref<80x128xf32, #tpu.memory_space<vmem>>)
      %mul3A_202 = arith.constant 32 : i32
      %mul3A_203 = arith.muli %add3A_190, %mul3A_202 : i32
      %add3A_204 = arith.addi %mul3A_203, %add3A : i32
      %mul3A_205 = arith.constant 80 : i32
      %mul3A_206 = arith.muli %add3A_204, %mul3A_205 : i32
      %dma_start3A_207 = arith.constant 1 : i32
      %dma_start3A_208 = arith.constant 0 : i32
      %dma_start3A_209 = arith.constant 0 : i32
      %dma_start3A_210 = tpu.memref_slice %arg6[%dma_start3A_207, %dma_start3A_208, %dma_start3A_209] : memref<5x80x128xf32, #tpu.memory_space<vmem>> -> memref<1x80x128xf32, #tpu.memory_space<vmem>>
      %dma_start3A_211 = tpu.memref_squeeze %dma_start3A_210 : memref<1x80x128xf32, #tpu.memory_space<vmem>> -> memref<80x128xf32, #tpu.memory_space<vmem>>
      %dma_start3A_212 = arith.constant 0 : i32
      %dma_start3A_213 = tpu.memref_slice %arg4[%mul3A_206, %dma_start3A_212] : memref<64000x128xf32, #tpu.memory_space<hbm>> -> memref<80x128xf32, #tpu.memory_space<hbm>>
      %dma_start3A_214 = arith.constant 0 : i32
      %dma_start3A_215 = tpu.memref_slice %arg4[%mul3A_206, %dma_start3A_214] : memref<64000x128xf32, #tpu.memory_space<hbm>> -> memref<80x128xf32, #tpu.memory_space<hbm>>
      %dma_start3A_216 = arith.constant 0 : i32
      %dma_start3A_217 = arith.constant 0 : i32
      %dma_start3A_218 = tpu.memref_slice %arg6[%dma_start3A_207, %dma_start3A_216, %dma_start3A_217] : memref<5x80x128xf32, #tpu.memory_space<vmem>> -> memref<1x80x128xf32, #tpu.memory_space<vmem>>
      %dma_start3A_219 = tpu.memref_squeeze %dma_start3A_218 : memref<1x80x128xf32, #tpu.memory_space<vmem>> -> memref<80x128xf32, #tpu.memory_space<vmem>>
      tpu.enqueue_dma source(%dma_start3A_219 : memref<80x128xf32, #tpu.memory_space<vmem>>) target(%dma_start3A_215 : memref<80x128xf32, #tpu.memory_space<hbm>>) target_semaphore(%arg13 : memref<!tpu.dma_semaphore, #tpu.memory_space<semaphore_mem>>)
      %add3A_220 = arith.constant 5 : i32
      %add3A_221 = arith.addi %add3A_190, %add3A_220 : i32
      %lt3A_222 = arith.constant 25 : i32
      %lt3A_223 = arith.cmpi slt, %add3A_221, %lt3A_222 : i32
      %convert_element_type3A_224 = arith.extui %lt3A_223 : i1 to i32
      %cond3A_225 = arith.constant 0 : i32
      %cond3A_226 = arith.cmpi ne, %convert_element_type3A_224, %cond3A_225 : i32
      scf.if %cond3A_226 {
        %mul3A_347 = arith.constant 32 : i32
        %mul3A_348 = arith.muli %add3A_190, %mul3A_347 : i32
        %add3A_349 = arith.addi %mul3A_348, %add3A : i32
        %mul3A_350 = arith.constant 80 : i32
        %mul3A_351 = arith.muli %add3A_349, %mul3A_350 : i32
        %dma_wait3A_352 = arith.constant 1 : i32
        %dma_wait3A_353 = arith.constant 0 : i32
        %dma_wait3A_354 = arith.constant 0 : i32
        %dma_wait3A_355 = tpu.memref_slice %arg6[%dma_wait3A_352, %dma_wait3A_353, %dma_wait3A_354] : memref<5x80x128xf32, #tpu.memory_space<vmem>> -> memref<1x80x128xf32, #tpu.memory_space<vmem>>
        %dma_wait3A_356 = tpu.memref_squeeze %dma_wait3A_355 : memref<1x80x128xf32, #tpu.memory_space<vmem>> -> memref<80x128xf32, #tpu.memory_space<vmem>>
        %dma_wait3A_357 = arith.constant 0 : i32
        %dma_wait3A_358 = tpu.memref_slice %arg4[%mul3A_351, %dma_wait3A_357] : memref<64000x128xf32, #tpu.memory_space<hbm>> -> memref<80x128xf32, #tpu.memory_space<hbm>>
        %dma_wait3A_359 = arith.constant 0 : i32
        %dma_wait3A_360 = tpu.memref_slice %arg4[%mul3A_351, %dma_wait3A_359] : memref<64000x128xf32, #tpu.memory_space<hbm>> -> memref<80x128xf32, #tpu.memory_space<hbm>>
        %dma_wait3A_361 = arith.constant 0 : i32
        %dma_wait3A_362 = arith.constant 0 : i32
        %dma_wait3A_363 = tpu.memref_slice %arg6[%dma_wait3A_352, %dma_wait3A_361, %dma_wait3A_362] : memref<5x80x128xf32, #tpu.memory_space<vmem>> -> memref<1x80x128xf32, #tpu.memory_space<vmem>>
        %dma_wait3A_364 = tpu.memref_squeeze %dma_wait3A_363 : memref<1x80x128xf32, #tpu.memory_space<vmem>> -> memref<80x128xf32, #tpu.memory_space<vmem>>
        tpu.wait_dma2 semaphore(%arg13 : memref<!tpu.dma_semaphore, #tpu.memory_space<semaphore_mem>>) src(%dma_wait3A_364 : memref<80x128xf32, #tpu.memory_space<vmem>>) dst(%dma_wait3A_360 : memref<80x128xf32, #tpu.memory_space<hbm>>)
        %add3A_365 = arith.constant 5 : i32
        %add3A_366 = arith.addi %add3A_190, %add3A_365 : i32
        %dma_start3A_367 = arith.constant 1 : i32
        %dma_start3A_368 = arith.constant 0 : i32
        %dma_start3A_369 = arith.constant 0 : i32
        %dma_start3A_370 = tpu.memref_slice %arg6[%dma_start3A_367, %dma_start3A_368, %dma_start3A_369] : memref<5x80x128xf32, #tpu.memory_space<vmem>> -> memref<1x80x128xf32, #tpu.memory_space<vmem>>
        %dma_start3A_371 = tpu.memref_squeeze %dma_start3A_370 : memref<1x80x128xf32, #tpu.memory_space<vmem>> -> memref<80x128xf32, #tpu.memory_space<vmem>>
        %dma_start3A_372 = arith.constant 0 : i32
        %dma_start3A_373 = tpu.memref_slice %arg5[%add3A_366, %dma_start3A_372] : memref<25x80xi32, #tpu.memory_space<vmem>> -> memref<1x80xi32, #tpu.memory_space<vmem>>
        %dma_start3A_374 = tpu.memref_squeeze %dma_start3A_373 : memref<1x80xi32, #tpu.memory_space<vmem>> -> memref<80xi32, #tpu.memory_space<vmem>>
        %dma_start3A_375 = arith.constant 0 : i32
        %dma_start3A_376 = arith.constant 0 : i32
        %dma_start3A_377 = tpu.memref_slice %arg2[%dma_start3A_375, %dma_start3A_376] : memref<10000x128xf32, #tpu.memory_space<hbm>> -> memref<10000x128xf32, #tpu.memory_space<hbm>>
        tpu.enqueue_indirect_dma source(%dma_start3A_377 : memref<10000x128xf32, #tpu.memory_space<hbm>>) target(%dma_start3A_371 : memref<80x128xf32, #tpu.memory_space<vmem>>) offsets(%dma_start3A_374 : memref<80xi32, #tpu.memory_space<vmem>>) semaphore(%arg8 : memref<!tpu.dma_semaphore, #tpu.memory_space<semaphore_mem>>)
      } else {
      }
      %mul3A_227 = arith.constant 5 : i32
      %mul3A_228 = arith.muli %scan3A_149, %mul3A_227 : i32
      %add3A_229 = arith.constant 2 : i32
      %add3A_230 = arith.addi %mul3A_228, %add3A_229 : i32
      %dma_wait3A_231 = arith.constant 2 : i32
      %dma_wait3A_232 = arith.constant 0 : i32
      %dma_wait3A_233 = arith.constant 0 : i32
      %dma_wait3A_234 = tpu.memref_slice %arg6[%dma_wait3A_231, %dma_wait3A_232, %dma_wait3A_233] : memref<5x80x128xf32, #tpu.memory_space<vmem>> -> memref<1x80x128xf32, #tpu.memory_space<vmem>>
      %dma_wait3A_235 = tpu.memref_squeeze %dma_wait3A_234 : memref<1x80x128xf32, #tpu.memory_space<vmem>> -> memref<80x128xf32, #tpu.memory_space<vmem>>
      %dma_wait3A_236 = arith.constant 0 : i32
      %dma_wait3A_237 = tpu.memref_slice %arg5[%add3A_230, %dma_wait3A_236] : memref<25x80xi32, #tpu.memory_space<vmem>> -> memref<1x80xi32, #tpu.memory_space<vmem>>
      %dma_wait3A_238 = tpu.memref_squeeze %dma_wait3A_237 : memref<1x80xi32, #tpu.memory_space<vmem>> -> memref<80xi32, #tpu.memory_space<vmem>>
      %dma_wait3A_239 = arith.constant 0 : i32
      %dma_wait3A_240 = arith.constant 0 : i32
      %dma_wait3A_241 = tpu.memref_slice %arg2[%dma_wait3A_239, %dma_wait3A_240] : memref<10000x128xf32, #tpu.memory_space<hbm>> -> memref<10000x128xf32, #tpu.memory_space<hbm>>
      tpu.wait_indirect_dma semaphore(%arg9 : memref<!tpu.dma_semaphore, #tpu.memory_space<semaphore_mem>>) src(%dma_wait3A_241 : memref<10000x128xf32, #tpu.memory_space<hbm>>) dst(%dma_wait3A_235 : memref<80x128xf32, #tpu.memory_space<vmem>>)
      %mul3A_242 = arith.constant 32 : i32
      %mul3A_243 = arith.muli %add3A_230, %mul3A_242 : i32
      %add3A_244 = arith.addi %mul3A_243, %add3A : i32
      %mul3A_245 = arith.constant 80 : i32
      %mul3A_246 = arith.muli %add3A_244, %mul3A_245 : i32
      %dma_start3A_247 = arith.constant 2 : i32
      %dma_start3A_248 = arith.constant 0 : i32
      %dma_start3A_249 = arith.constant 0 : i32
      %dma_start3A_250 = tpu.memref_slice %arg6[%dma_start3A_247, %dma_start3A_248, %dma_start3A_249] : memref<5x80x128xf32, #tpu.memory_space<vmem>> -> memref<1x80x128xf32, #tpu.memory_space<vmem>>
      %dma_start3A_251 = tpu.memref_squeeze %dma_start3A_250 : memref<1x80x128xf32, #tpu.memory_space<vmem>> -> memref<80x128xf32, #tpu.memory_space<vmem>>
      %dma_start3A_252 = arith.constant 0 : i32
      %dma_start3A_253 = tpu.memref_slice %arg4[%mul3A_246, %dma_start3A_252] : memref<64000x128xf32, #tpu.memory_space<hbm>> -> memref<80x128xf32, #tpu.memory_space<hbm>>
      %dma_start3A_254 = arith.constant 0 : i32
      %dma_start3A_255 = tpu.memref_slice %arg4[%mul3A_246, %dma_start3A_254] : memref<64000x128xf32, #tpu.memory_space<hbm>> -> memref<80x128xf32, #tpu.memory_space<hbm>>
      %dma_start3A_256 = arith.constant 0 : i32
      %dma_start3A_257 = arith.constant 0 : i32
      %dma_start3A_258 = tpu.memref_slice %arg6[%dma_start3A_247, %dma_start3A_256, %dma_start3A_257] : memref<5x80x128xf32, #tpu.memory_space<vmem>> -> memref<1x80x128xf32, #tpu.memory_space<vmem>>
      %dma_start3A_259 = tpu.memref_squeeze %dma_start3A_258 : memref<1x80x128xf32, #tpu.memory_space<vmem>> -> memref<80x128xf32, #tpu.memory_space<vmem>>
      tpu.enqueue_dma source(%dma_start3A_259 : memref<80x128xf32, #tpu.memory_space<vmem>>) target(%dma_start3A_255 : memref<80x128xf32, #tpu.memory_space<hbm>>) target_semaphore(%arg14 : memref<!tpu.dma_semaphore, #tpu.memory_space<semaphore_mem>>)
      %add3A_260 = arith.constant 5 : i32
      %add3A_261 = arith.addi %add3A_230, %add3A_260 : i32
      %lt3A_262 = arith.constant 25 : i32
      %lt3A_263 = arith.cmpi slt, %add3A_261, %lt3A_262 : i32
      %convert_element_type3A_264 = arith.extui %lt3A_263 : i1 to i32
      %cond3A_265 = arith.constant 0 : i32
      %cond3A_266 = arith.cmpi ne, %convert_element_type3A_264, %cond3A_265 : i32
      scf.if %cond3A_266 {
        %mul3A_347 = arith.constant 32 : i32
        %mul3A_348 = arith.muli %add3A_230, %mul3A_347 : i32
        %add3A_349 = arith.addi %mul3A_348, %add3A : i32
        %mul3A_350 = arith.constant 80 : i32
        %mul3A_351 = arith.muli %add3A_349, %mul3A_350 : i32
        %dma_wait3A_352 = arith.constant 2 : i32
        %dma_wait3A_353 = arith.constant 0 : i32
        %dma_wait3A_354 = arith.constant 0 : i32
        %dma_wait3A_355 = tpu.memref_slice %arg6[%dma_wait3A_352, %dma_wait3A_353, %dma_wait3A_354] : memref<5x80x128xf32, #tpu.memory_space<vmem>> -> memref<1x80x128xf32, #tpu.memory_space<vmem>>
        %dma_wait3A_356 = tpu.memref_squeeze %dma_wait3A_355 : memref<1x80x128xf32, #tpu.memory_space<vmem>> -> memref<80x128xf32, #tpu.memory_space<vmem>>
        %dma_wait3A_357 = arith.constant 0 : i32
        %dma_wait3A_358 = tpu.memref_slice %arg4[%mul3A_351, %dma_wait3A_357] : memref<64000x128xf32, #tpu.memory_space<hbm>> -> memref<80x128xf32, #tpu.memory_space<hbm>>
        %dma_wait3A_359 = arith.constant 0 : i32
        %dma_wait3A_360 = tpu.memref_slice %arg4[%mul3A_351, %dma_wait3A_359] : memref<64000x128xf32, #tpu.memory_space<hbm>> -> memref<80x128xf32, #tpu.memory_space<hbm>>
        %dma_wait3A_361 = arith.constant 0 : i32
        %dma_wait3A_362 = arith.constant 0 : i32
        %dma_wait3A_363 = tpu.memref_slice %arg6[%dma_wait3A_352, %dma_wait3A_361, %dma_wait3A_362] : memref<5x80x128xf32, #tpu.memory_space<vmem>> -> memref<1x80x128xf32, #tpu.memory_space<vmem>>
        %dma_wait3A_364 = tpu.memref_squeeze %dma_wait3A_363 : memref<1x80x128xf32, #tpu.memory_space<vmem>> -> memref<80x128xf32, #tpu.memory_space<vmem>>
        tpu.wait_dma2 semaphore(%arg14 : memref<!tpu.dma_semaphore, #tpu.memory_space<semaphore_mem>>) src(%dma_wait3A_364 : memref<80x128xf32, #tpu.memory_space<vmem>>) dst(%dma_wait3A_360 : memref<80x128xf32, #tpu.memory_space<hbm>>)
        %add3A_365 = arith.constant 5 : i32
        %add3A_366 = arith.addi %add3A_230, %add3A_365 : i32
        %dma_start3A_367 = arith.constant 2 : i32
        %dma_start3A_368 = arith.constant 0 : i32
        %dma_start3A_369 = arith.constant 0 : i32
        %dma_start3A_370 = tpu.memref_slice %arg6[%dma_start3A_367, %dma_start3A_368, %dma_start3A_369] : memref<5x80x128xf32, #tpu.memory_space<vmem>> -> memref<1x80x128xf32, #tpu.memory_space<vmem>>
        %dma_start3A_371 = tpu.memref_squeeze %dma_start3A_370 : memref<1x80x128xf32, #tpu.memory_space<vmem>> -> memref<80x128xf32, #tpu.memory_space<vmem>>
        %dma_start3A_372 = arith.constant 0 : i32
        %dma_start3A_373 = tpu.memref_slice %arg5[%add3A_366, %dma_start3A_372] : memref<25x80xi32, #tpu.memory_space<vmem>> -> memref<1x80xi32, #tpu.memory_space<vmem>>
        %dma_start3A_374 = tpu.memref_squeeze %dma_start3A_373 : memref<1x80xi32, #tpu.memory_space<vmem>> -> memref<80xi32, #tpu.memory_space<vmem>>
        %dma_start3A_375 = arith.constant 0 : i32
        %dma_start3A_376 = arith.constant 0 : i32
        %dma_start3A_377 = tpu.memref_slice %arg2[%dma_start3A_375, %dma_start3A_376] : memref<10000x128xf32, #tpu.memory_space<hbm>> -> memref<10000x128xf32, #tpu.memory_space<hbm>>
        tpu.enqueue_indirect_dma source(%dma_start3A_377 : memref<10000x128xf32, #tpu.memory_space<hbm>>) target(%dma_start3A_371 : memref<80x128xf32, #tpu.memory_space<vmem>>) offsets(%dma_start3A_374 : memref<80xi32, #tpu.memory_space<vmem>>) semaphore(%arg9 : memref<!tpu.dma_semaphore, #tpu.memory_space<semaphore_mem>>)
      } else {
      }
      %mul3A_267 = arith.constant 5 : i32
      %mul3A_268 = arith.muli %scan3A_149, %mul3A_267 : i32
      %add3A_269 = arith.constant 3 : i32
      %add3A_270 = arith.addi %mul3A_268, %add3A_269 : i32
      %dma_wait3A_271 = arith.constant 3 : i32
      %dma_wait3A_272 = arith.constant 0 : i32
      %dma_wait3A_273 = arith.constant 0 : i32
      %dma_wait3A_274 = tpu.memref_slice %arg6[%dma_wait3A_271, %dma_wait3A_272, %dma_wait3A_273] : memref<5x80x128xf32, #tpu.memory_space<vmem>> -> memref<1x80x128xf32, #tpu.memory_space<vmem>>
      %dma_wait3A_275 = tpu.memref_squeeze %dma_wait3A_274 : memref<1x80x128xf32, #tpu.memory_space<vmem>> -> memref<80x128xf32, #tpu.memory_space<vmem>>
      %dma_wait3A_276 = arith.constant 0 : i32
      %dma_wait3A_277 = tpu.memref_slice %arg5[%add3A_270, %dma_wait3A_276] : memref<25x80xi32, #tpu.memory_space<vmem>> -> memref<1x80xi32, #tpu.memory_space<vmem>>
      %dma_wait3A_278 = tpu.memref_squeeze %dma_wait3A_277 : memref<1x80xi32, #tpu.memory_space<vmem>> -> memref<80xi32, #tpu.memory_space<vmem>>
      %dma_wait3A_279 = arith.constant 0 : i32
      %dma_wait3A_280 = arith.constant 0 : i32
      %dma_wait3A_281 = tpu.memref_slice %arg2[%dma_wait3A_279, %dma_wait3A_280] : memref<10000x128xf32, #tpu.memory_space<hbm>> -> memref<10000x128xf32, #tpu.memory_space<hbm>>
      tpu.wait_indirect_dma semaphore(%arg10 : memref<!tpu.dma_semaphore, #tpu.memory_space<semaphore_mem>>) src(%dma_wait3A_281 : memref<10000x128xf32, #tpu.memory_space<hbm>>) dst(%dma_wait3A_275 : memref<80x128xf32, #tpu.memory_space<vmem>>)
      %mul3A_282 = arith.constant 32 : i32
      %mul3A_283 = arith.muli %add3A_270, %mul3A_282 : i32
      %add3A_284 = arith.addi %mul3A_283, %add3A : i32
      %mul3A_285 = arith.constant 80 : i32
      %mul3A_286 = arith.muli %add3A_284, %mul3A_285 : i32
      %dma_start3A_287 = arith.constant 3 : i32
      %dma_start3A_288 = arith.constant 0 : i32
      %dma_start3A_289 = arith.constant 0 : i32
      %dma_start3A_290 = tpu.memref_slice %arg6[%dma_start3A_287, %dma_start3A_288, %dma_start3A_289] : memref<5x80x128xf32, #tpu.memory_space<vmem>> -> memref<1x80x128xf32, #tpu.memory_space<vmem>>
      %dma_start3A_291 = tpu.memref_squeeze %dma_start3A_290 : memref<1x80x128xf32, #tpu.memory_space<vmem>> -> memref<80x128xf32, #tpu.memory_space<vmem>>
      %dma_start3A_292 = arith.constant 0 : i32
      %dma_start3A_293 = tpu.memref_slice %arg4[%mul3A_286, %dma_start3A_292] : memref<64000x128xf32, #tpu.memory_space<hbm>> -> memref<80x128xf32, #tpu.memory_space<hbm>>
      %dma_start3A_294 = arith.constant 0 : i32
      %dma_start3A_295 = tpu.memref_slice %arg4[%mul3A_286, %dma_start3A_294] : memref<64000x128xf32, #tpu.memory_space<hbm>> -> memref<80x128xf32, #tpu.memory_space<hbm>>
      %dma_start3A_296 = arith.constant 0 : i32
      %dma_start3A_297 = arith.constant 0 : i32
      %dma_start3A_298 = tpu.memref_slice %arg6[%dma_start3A_287, %dma_start3A_296, %dma_start3A_297] : memref<5x80x128xf32, #tpu.memory_space<vmem>> -> memref<1x80x128xf32, #tpu.memory_space<vmem>>
      %dma_start3A_299 = tpu.memref_squeeze %dma_start3A_298 : memref<1x80x128xf32, #tpu.memory_space<vmem>> -> memref<80x128xf32, #tpu.memory_space<vmem>>
      tpu.enqueue_dma source(%dma_start3A_299 : memref<80x128xf32, #tpu.memory_space<vmem>>) target(%dma_start3A_295 : memref<80x128xf32, #tpu.memory_space<hbm>>) target_semaphore(%arg15 : memref<!tpu.dma_semaphore, #tpu.memory_space<semaphore_mem>>)
      %add3A_300 = arith.constant 5 : i32
      %add3A_301 = arith.addi %add3A_270, %add3A_300 : i32
      %lt3A_302 = arith.constant 25 : i32
      %lt3A_303 = arith.cmpi slt, %add3A_301, %lt3A_302 : i32
      %convert_element_type3A_304 = arith.extui %lt3A_303 : i1 to i32
      %cond3A_305 = arith.constant 0 : i32
      %cond3A_306 = arith.cmpi ne, %convert_element_type3A_304, %cond3A_305 : i32
      scf.if %cond3A_306 {
        %mul3A_347 = arith.constant 32 : i32
        %mul3A_348 = arith.muli %add3A_270, %mul3A_347 : i32
        %add3A_349 = arith.addi %mul3A_348, %add3A : i32
        %mul3A_350 = arith.constant 80 : i32
        %mul3A_351 = arith.muli %add3A_349, %mul3A_350 : i32
        %dma_wait3A_352 = arith.constant 3 : i32
        %dma_wait3A_353 = arith.constant 0 : i32
        %dma_wait3A_354 = arith.constant 0 : i32
        %dma_wait3A_355 = tpu.memref_slice %arg6[%dma_wait3A_352, %dma_wait3A_353, %dma_wait3A_354] : memref<5x80x128xf32, #tpu.memory_space<vmem>> -> memref<1x80x128xf32, #tpu.memory_space<vmem>>
        %dma_wait3A_356 = tpu.memref_squeeze %dma_wait3A_355 : memref<1x80x128xf32, #tpu.memory_space<vmem>> -> memref<80x128xf32, #tpu.memory_space<vmem>>
        %dma_wait3A_357 = arith.constant 0 : i32
        %dma_wait3A_358 = tpu.memref_slice %arg4[%mul3A_351, %dma_wait3A_357] : memref<64000x128xf32, #tpu.memory_space<hbm>> -> memref<80x128xf32, #tpu.memory_space<hbm>>
        %dma_wait3A_359 = arith.constant 0 : i32
        %dma_wait3A_360 = tpu.memref_slice %arg4[%mul3A_351, %dma_wait3A_359] : memref<64000x128xf32, #tpu.memory_space<hbm>> -> memref<80x128xf32, #tpu.memory_space<hbm>>
        %dma_wait3A_361 = arith.constant 0 : i32
        %dma_wait3A_362 = arith.constant 0 : i32
        %dma_wait3A_363 = tpu.memref_slice %arg6[%dma_wait3A_352, %dma_wait3A_361, %dma_wait3A_362] : memref<5x80x128xf32, #tpu.memory_space<vmem>> -> memref<1x80x128xf32, #tpu.memory_space<vmem>>
        %dma_wait3A_364 = tpu.memref_squeeze %dma_wait3A_363 : memref<1x80x128xf32, #tpu.memory_space<vmem>> -> memref<80x128xf32, #tpu.memory_space<vmem>>
        tpu.wait_dma2 semaphore(%arg15 : memref<!tpu.dma_semaphore, #tpu.memory_space<semaphore_mem>>) src(%dma_wait3A_364 : memref<80x128xf32, #tpu.memory_space<vmem>>) dst(%dma_wait3A_360 : memref<80x128xf32, #tpu.memory_space<hbm>>)
        %add3A_365 = arith.constant 5 : i32
        %add3A_366 = arith.addi %add3A_270, %add3A_365 : i32
        %dma_start3A_367 = arith.constant 3 : i32
        %dma_start3A_368 = arith.constant 0 : i32
        %dma_start3A_369 = arith.constant 0 : i32
        %dma_start3A_370 = tpu.memref_slice %arg6[%dma_start3A_367, %dma_start3A_368, %dma_start3A_369] : memref<5x80x128xf32, #tpu.memory_space<vmem>> -> memref<1x80x128xf32, #tpu.memory_space<vmem>>
        %dma_start3A_371 = tpu.memref_squeeze %dma_start3A_370 : memref<1x80x128xf32, #tpu.memory_space<vmem>> -> memref<80x128xf32, #tpu.memory_space<vmem>>
        %dma_start3A_372 = arith.constant 0 : i32
        %dma_start3A_373 = tpu.memref_slice %arg5[%add3A_366, %dma_start3A_372] : memref<25x80xi32, #tpu.memory_space<vmem>> -> memref<1x80xi32, #tpu.memory_space<vmem>>
        %dma_start3A_374 = tpu.memref_squeeze %dma_start3A_373 : memref<1x80xi32, #tpu.memory_space<vmem>> -> memref<80xi32, #tpu.memory_space<vmem>>
        %dma_start3A_375 = arith.constant 0 : i32
        %dma_start3A_376 = arith.constant 0 : i32
        %dma_start3A_377 = tpu.memref_slice %arg2[%dma_start3A_375, %dma_start3A_376] : memref<10000x128xf32, #tpu.memory_space<hbm>> -> memref<10000x128xf32, #tpu.memory_space<hbm>>
        tpu.enqueue_indirect_dma source(%dma_start3A_377 : memref<10000x128xf32, #tpu.memory_space<hbm>>) target(%dma_start3A_371 : memref<80x128xf32, #tpu.memory_space<vmem>>) offsets(%dma_start3A_374 : memref<80xi32, #tpu.memory_space<vmem>>) semaphore(%arg10 : memref<!tpu.dma_semaphore, #tpu.memory_space<semaphore_mem>>)
      } else {
      }
      %mul3A_307 = arith.constant 5 : i32
      %mul3A_308 = arith.muli %scan3A_149, %mul3A_307 : i32
      %add3A_309 = arith.constant 4 : i32
      %add3A_310 = arith.addi %mul3A_308, %add3A_309 : i32
      %dma_wait3A_311 = arith.constant 4 : i32
      %dma_wait3A_312 = arith.constant 0 : i32
      %dma_wait3A_313 = arith.constant 0 : i32
      %dma_wait3A_314 = tpu.memref_slice %arg6[%dma_wait3A_311, %dma_wait3A_312, %dma_wait3A_313] : memref<5x80x128xf32, #tpu.memory_space<vmem>> -> memref<1x80x128xf32, #tpu.memory_space<vmem>>
      %dma_wait3A_315 = tpu.memref_squeeze %dma_wait3A_314 : memref<1x80x128xf32, #tpu.memory_space<vmem>> -> memref<80x128xf32, #tpu.memory_space<vmem>>
      %dma_wait3A_316 = arith.constant 0 : i32
      %dma_wait3A_317 = tpu.memref_slice %arg5[%add3A_310, %dma_wait3A_316] : memref<25x80xi32, #tpu.memory_space<vmem>> -> memref<1x80xi32, #tpu.memory_space<vmem>>
      %dma_wait3A_318 = tpu.memref_squeeze %dma_wait3A_317 : memref<1x80xi32, #tpu.memory_space<vmem>> -> memref<80xi32, #tpu.memory_space<vmem>>
      %dma_wait3A_319 = arith.constant 0 : i32
      %dma_wait3A_320 = arith.constant 0 : i32
      %dma_wait3A_321 = tpu.memref_slice %arg2[%dma_wait3A_319, %dma_wait3A_320] : memref<10000x128xf32, #tpu.memory_space<hbm>> -> memref<10000x128xf32, #tpu.memory_space<hbm>>
      tpu.wait_indirect_dma semaphore(%arg11 : memref<!tpu.dma_semaphore, #tpu.memory_space<semaphore_mem>>) src(%dma_wait3A_321 : memref<10000x128xf32, #tpu.memory_space<hbm>>) dst(%dma_wait3A_315 : memref<80x128xf32, #tpu.memory_space<vmem>>)
      %mul3A_322 = arith.constant 32 : i32
      %mul3A_323 = arith.muli %add3A_310, %mul3A_322 : i32
      %add3A_324 = arith.addi %mul3A_323, %add3A : i32
      %mul3A_325 = arith.constant 80 : i32
      %mul3A_326 = arith.muli %add3A_324, %mul3A_325 : i32
      %dma_start3A_327 = arith.constant 4 : i32
      %dma_start3A_328 = arith.constant 0 : i32
      %dma_start3A_329 = arith.constant 0 : i32
      %dma_start3A_330 = tpu.memref_slice %arg6[%dma_start3A_327, %dma_start3A_328, %dma_start3A_329] : memref<5x80x128xf32, #tpu.memory_space<vmem>> -> memref<1x80x128xf32, #tpu.memory_space<vmem>>
      %dma_start3A_331 = tpu.memref_squeeze %dma_start3A_330 : memref<1x80x128xf32, #tpu.memory_space<vmem>> -> memref<80x128xf32, #tpu.memory_space<vmem>>
      %dma_start3A_332 = arith.constant 0 : i32
      %dma_start3A_333 = tpu.memref_slice %arg4[%mul3A_326, %dma_start3A_332] : memref<64000x128xf32, #tpu.memory_space<hbm>> -> memref<80x128xf32, #tpu.memory_space<hbm>>
      %dma_start3A_334 = arith.constant 0 : i32
      %dma_start3A_335 = tpu.memref_slice %arg4[%mul3A_326, %dma_start3A_334] : memref<64000x128xf32, #tpu.memory_space<hbm>> -> memref<80x128xf32, #tpu.memory_space<hbm>>
      %dma_start3A_336 = arith.constant 0 : i32
      %dma_start3A_337 = arith.constant 0 : i32
      %dma_start3A_338 = tpu.memref_slice %arg6[%dma_start3A_327, %dma_start3A_336, %dma_start3A_337] : memref<5x80x128xf32, #tpu.memory_space<vmem>> -> memref<1x80x128xf32, #tpu.memory_space<vmem>>
      %dma_start3A_339 = tpu.memref_squeeze %dma_start3A_338 : memref<1x80x128xf32, #tpu.memory_space<vmem>> -> memref<80x128xf32, #tpu.memory_space<vmem>>
      tpu.enqueue_dma source(%dma_start3A_339 : memref<80x128xf32, #tpu.memory_space<vmem>>) target(%dma_start3A_335 : memref<80x128xf32, #tpu.memory_space<hbm>>) target_semaphore(%arg16 : memref<!tpu.dma_semaphore, #tpu.memory_space<semaphore_mem>>)
      %add3A_340 = arith.constant 5 : i32
      %add3A_341 = arith.addi %add3A_310, %add3A_340 : i32
      %lt3A_342 = arith.constant 25 : i32
      %lt3A_343 = arith.cmpi slt, %add3A_341, %lt3A_342 : i32
      %convert_element_type3A_344 = arith.extui %lt3A_343 : i1 to i32
      %cond3A_345 = arith.constant 0 : i32
      %cond3A_346 = arith.cmpi ne, %convert_element_type3A_344, %cond3A_345 : i32
      scf.if %cond3A_346 {
        %mul3A_347 = arith.constant 32 : i32
        %mul3A_348 = arith.muli %add3A_310, %mul3A_347 : i32
        %add3A_349 = arith.addi %mul3A_348, %add3A : i32
        %mul3A_350 = arith.constant 80 : i32
        %mul3A_351 = arith.muli %add3A_349, %mul3A_350 : i32
        %dma_wait3A_352 = arith.constant 4 : i32
        %dma_wait3A_353 = arith.constant 0 : i32
        %dma_wait3A_354 = arith.constant 0 : i32
        %dma_wait3A_355 = tpu.memref_slice %arg6[%dma_wait3A_352, %dma_wait3A_353, %dma_wait3A_354] : memref<5x80x128xf32, #tpu.memory_space<vmem>> -> memref<1x80x128xf32, #tpu.memory_space<vmem>>
        %dma_wait3A_356 = tpu.memref_squeeze %dma_wait3A_355 : memref<1x80x128xf32, #tpu.memory_space<vmem>> -> memref<80x128xf32, #tpu.memory_space<vmem>>
        %dma_wait3A_357 = arith.constant 0 : i32
        %dma_wait3A_358 = tpu.memref_slice %arg4[%mul3A_351, %dma_wait3A_357] : memref<64000x128xf32, #tpu.memory_space<hbm>> -> memref<80x128xf32, #tpu.memory_space<hbm>>
        %dma_wait3A_359 = arith.constant 0 : i32
        %dma_wait3A_360 = tpu.memref_slice %arg4[%mul3A_351, %dma_wait3A_359] : memref<64000x128xf32, #tpu.memory_space<hbm>> -> memref<80x128xf32, #tpu.memory_space<hbm>>
        %dma_wait3A_361 = arith.constant 0 : i32
        %dma_wait3A_362 = arith.constant 0 : i32
        %dma_wait3A_363 = tpu.memref_slice %arg6[%dma_wait3A_352, %dma_wait3A_361, %dma_wait3A_362] : memref<5x80x128xf32, #tpu.memory_space<vmem>> -> memref<1x80x128xf32, #tpu.memory_space<vmem>>
        %dma_wait3A_364 = tpu.memref_squeeze %dma_wait3A_363 : memref<1x80x128xf32, #tpu.memory_space<vmem>> -> memref<80x128xf32, #tpu.memory_space<vmem>>
        tpu.wait_dma2 semaphore(%arg16 : memref<!tpu.dma_semaphore, #tpu.memory_space<semaphore_mem>>) src(%dma_wait3A_364 : memref<80x128xf32, #tpu.memory_space<vmem>>) dst(%dma_wait3A_360 : memref<80x128xf32, #tpu.memory_space<hbm>>)
        %add3A_365 = arith.constant 5 : i32
        %add3A_366 = arith.addi %add3A_310, %add3A_365 : i32
        %dma_start3A_367 = arith.constant 4 : i32
        %dma_start3A_368 = arith.constant 0 : i32
        %dma_start3A_369 = arith.constant 0 : i32
        %dma_start3A_370 = tpu.memref_slice %arg6[%dma_start3A_367, %dma_start3A_368, %dma_start3A_369] : memref<5x80x128xf32, #tpu.memory_space<vmem>> -> memref<1x80x128xf32, #tpu.memory_space<vmem>>
        %dma_start3A_371 = tpu.memref_squeeze %dma_start3A_370 : memref<1x80x128xf32, #tpu.memory_space<vmem>> -> memref<80x128xf32, #tpu.memory_space<vmem>>
        %dma_start3A_372 = arith.constant 0 : i32
        %dma_start3A_373 = tpu.memref_slice %arg5[%add3A_366, %dma_start3A_372] : memref<25x80xi32, #tpu.memory_space<vmem>> -> memref<1x80xi32, #tpu.memory_space<vmem>>
        %dma_start3A_374 = tpu.memref_squeeze %dma_start3A_373 : memref<1x80xi32, #tpu.memory_space<vmem>> -> memref<80xi32, #tpu.memory_space<vmem>>
        %dma_start3A_375 = arith.constant 0 : i32
        %dma_start3A_376 = arith.constant 0 : i32
        %dma_start3A_377 = tpu.memref_slice %arg2[%dma_start3A_375, %dma_start3A_376] : memref<10000x128xf32, #tpu.memory_space<hbm>> -> memref<10000x128xf32, #tpu.memory_space<hbm>>
        tpu.enqueue_indirect_dma source(%dma_start3A_377 : memref<10000x128xf32, #tpu.memory_space<hbm>>) target(%dma_start3A_371 : memref<80x128xf32, #tpu.memory_space<vmem>>) offsets(%dma_start3A_374 : memref<80xi32, #tpu.memory_space<vmem>>) semaphore(%arg11 : memref<!tpu.dma_semaphore, #tpu.memory_space<semaphore_mem>>)
      } else {
      }
    }
    %scan3A_64 = arith.constant 5 : i32
    %add3A_65 = arith.constant 640 : i32
    %add3A_66 = arith.addi %add3A_65, %add3A : i32
    %mul3A_67 = arith.constant 80 : i32
    %mul3A_68 = arith.muli %add3A_66, %mul3A_67 : i32
    %dma_wait3A = arith.constant 0 : i32
    %dma_wait3A_69 = arith.constant 0 : i32
    %dma_wait3A_70 = arith.constant 0 : i32
    %dma_wait3A_71 = tpu.memref_slice %arg6[%dma_wait3A, %dma_wait3A_69, %dma_wait3A_70] : memref<5x80x128xf32, #tpu.memory_space<vmem>> -> memref<1x80x128xf32, #tpu.memory_space<vmem>>
    %dma_wait3A_72 = tpu.memref_squeeze %dma_wait3A_71 : memref<1x80x128xf32, #tpu.memory_space<vmem>> -> memref<80x128xf32, #tpu.memory_space<vmem>>
    %dma_wait3A_73 = arith.constant 0 : i32
    %dma_wait3A_74 = tpu.memref_slice %arg4[%mul3A_68, %dma_wait3A_73] : memref<64000x128xf32, #tpu.memory_space<hbm>> -> memref<80x128xf32, #tpu.memory_space<hbm>>
    %dma_wait3A_75 = arith.constant 0 : i32
    %dma_wait3A_76 = tpu.memref_slice %arg4[%mul3A_68, %dma_wait3A_75] : memref<64000x128xf32, #tpu.memory_space<hbm>> -> memref<80x128xf32, #tpu.memory_space<hbm>>
    %dma_wait3A_77 = arith.constant 0 : i32
    %dma_wait3A_78 = arith.constant 0 : i32
    %dma_wait3A_79 = tpu.memref_slice %arg6[%dma_wait3A, %dma_wait3A_77, %dma_wait3A_78] : memref<5x80x128xf32, #tpu.memory_space<vmem>> -> memref<1x80x128xf32, #tpu.memory_space<vmem>>
    %dma_wait3A_80 = tpu.memref_squeeze %dma_wait3A_79 : memref<1x80x128xf32, #tpu.memory_space<vmem>> -> memref<80x128xf32, #tpu.memory_space<vmem>>
    tpu.wait_dma2 semaphore(%arg12 : memref<!tpu.dma_semaphore, #tpu.memory_space<semaphore_mem>>) src(%dma_wait3A_80 : memref<80x128xf32, #tpu.memory_space<vmem>>) dst(%dma_wait3A_76 : memref<80x128xf32, #tpu.memory_space<hbm>>)
    %add3A_81 = arith.constant 672 : i32
    %add3A_82 = arith.addi %add3A_81, %add3A : i32
    %mul3A_83 = arith.constant 80 : i32
    %mul3A_84 = arith.muli %add3A_82, %mul3A_83 : i32
    %dma_wait3A_85 = arith.constant 1 : i32
    %dma_wait3A_86 = arith.constant 0 : i32
    %dma_wait3A_87 = arith.constant 0 : i32
    %dma_wait3A_88 = tpu.memref_slice %arg6[%dma_wait3A_85, %dma_wait3A_86, %dma_wait3A_87] : memref<5x80x128xf32, #tpu.memory_space<vmem>> -> memref<1x80x128xf32, #tpu.memory_space<vmem>>
    %dma_wait3A_89 = tpu.memref_squeeze %dma_wait3A_88 : memref<1x80x128xf32, #tpu.memory_space<vmem>> -> memref<80x128xf32, #tpu.memory_space<vmem>>
    %dma_wait3A_90 = arith.constant 0 : i32
    %dma_wait3A_91 = tpu.memref_slice %arg4[%mul3A_84, %dma_wait3A_90] : memref<64000x128xf32, #tpu.memory_space<hbm>> -> memref<80x128xf32, #tpu.memory_space<hbm>>
    %dma_wait3A_92 = arith.constant 0 : i32
    %dma_wait3A_93 = tpu.memref_slice %arg4[%mul3A_84, %dma_wait3A_92] : memref<64000x128xf32, #tpu.memory_space<hbm>> -> memref<80x128xf32, #tpu.memory_space<hbm>>
    %dma_wait3A_94 = arith.constant 0 : i32
    %dma_wait3A_95 = arith.constant 0 : i32
    %dma_wait3A_96 = tpu.memref_slice %arg6[%dma_wait3A_85, %dma_wait3A_94, %dma_wait3A_95] : memref<5x80x128xf32, #tpu.memory_space<vmem>> -> memref<1x80x128xf32, #tpu.memory_space<vmem>>
    %dma_wait3A_97 = tpu.memref_squeeze %dma_wait3A_96 : memref<1x80x128xf32, #tpu.memory_space<vmem>> -> memref<80x128xf32, #tpu.memory_space<vmem>>
    tpu.wait_dma2 semaphore(%arg13 : memref<!tpu.dma_semaphore, #tpu.memory_space<semaphore_mem>>) src(%dma_wait3A_97 : memref<80x128xf32, #tpu.memory_space<vmem>>) dst(%dma_wait3A_93 : memref<80x128xf32, #tpu.memory_space<hbm>>)
    %add3A_98 = arith.constant 704 : i32
    %add3A_99 = arith.addi %add3A_98, %add3A : i32
    %mul3A_100 = arith.constant 80 : i32
    %mul3A_101 = arith.muli %add3A_99, %mul3A_100 : i32
    %dma_wait3A_102 = arith.constant 2 : i32
    %dma_wait3A_103 = arith.constant 0 : i32
    %dma_wait3A_104 = arith.constant 0 : i32
    %dma_wait3A_105 = tpu.memref_slice %arg6[%dma_wait3A_102, %dma_wait3A_103, %dma_wait3A_104] : memref<5x80x128xf32, #tpu.memory_space<vmem>> -> memref<1x80x128xf32, #tpu.memory_space<vmem>>
    %dma_wait3A_106 = tpu.memref_squeeze %dma_wait3A_105 : memref<1x80x128xf32, #tpu.memory_space<vmem>> -> memref<80x128xf32, #tpu.memory_space<vmem>>
    %dma_wait3A_107 = arith.constant 0 : i32
    %dma_wait3A_108 = tpu.memref_slice %arg4[%mul3A_101, %dma_wait3A_107] : memref<64000x128xf32, #tpu.memory_space<hbm>> -> memref<80x128xf32, #tpu.memory_space<hbm>>
    %dma_wait3A_109 = arith.constant 0 : i32
    %dma_wait3A_110 = tpu.memref_slice %arg4[%mul3A_101, %dma_wait3A_109] : memref<64000x128xf32, #tpu.memory_space<hbm>> -> memref<80x128xf32, #tpu.memory_space<hbm>>
    %dma_wait3A_111 = arith.constant 0 : i32
    %dma_wait3A_112 = arith.constant 0 : i32
    %dma_wait3A_113 = tpu.memref_slice %arg6[%dma_wait3A_102, %dma_wait3A_111, %dma_wait3A_112] : memref<5x80x128xf32, #tpu.memory_space<vmem>> -> memref<1x80x128xf32, #tpu.memory_space<vmem>>
    %dma_wait3A_114 = tpu.memref_squeeze %dma_wait3A_113 : memref<1x80x128xf32, #tpu.memory_space<vmem>> -> memref<80x128xf32, #tpu.memory_space<vmem>>
    tpu.wait_dma2 semaphore(%arg14 : memref<!tpu.dma_semaphore, #tpu.memory_space<semaphore_mem>>) src(%dma_wait3A_114 : memref<80x128xf32, #tpu.memory_space<vmem>>) dst(%dma_wait3A_110 : memref<80x128xf32, #tpu.memory_space<hbm>>)
    %add3A_115 = arith.constant 736 : i32
    %add3A_116 = arith.addi %add3A_115, %add3A : i32
    %mul3A_117 = arith.constant 80 : i32
    %mul3A_118 = arith.muli %add3A_116, %mul3A_117 : i32
    %dma_wait3A_119 = arith.constant 3 : i32
    %dma_wait3A_120 = arith.constant 0 : i32
    %dma_wait3A_121 = arith.constant 0 : i32
    %dma_wait3A_122 = tpu.memref_slice %arg6[%dma_wait3A_119, %dma_wait3A_120, %dma_wait3A_121] : memref<5x80x128xf32, #tpu.memory_space<vmem>> -> memref<1x80x128xf32, #tpu.memory_space<vmem>>
    %dma_wait3A_123 = tpu.memref_squeeze %dma_wait3A_122 : memref<1x80x128xf32, #tpu.memory_space<vmem>> -> memref<80x128xf32, #tpu.memory_space<vmem>>
    %dma_wait3A_124 = arith.constant 0 : i32
    %dma_wait3A_125 = tpu.memref_slice %arg4[%mul3A_118, %dma_wait3A_124] : memref<64000x128xf32, #tpu.memory_space<hbm>> -> memref<80x128xf32, #tpu.memory_space<hbm>>
    %dma_wait3A_126 = arith.constant 0 : i32
    %dma_wait3A_127 = tpu.memref_slice %arg4[%mul3A_118, %dma_wait3A_126] : memref<64000x128xf32, #tpu.memory_space<hbm>> -> memref<80x128xf32, #tpu.memory_space<hbm>>
    %dma_wait3A_128 = arith.constant 0 : i32
    %dma_wait3A_129 = arith.constant 0 : i32
    %dma_wait3A_130 = tpu.memref_slice %arg6[%dma_wait3A_119, %dma_wait3A_128, %dma_wait3A_129] : memref<5x80x128xf32, #tpu.memory_space<vmem>> -> memref<1x80x128xf32, #tpu.memory_space<vmem>>
    %dma_wait3A_131 = tpu.memref_squeeze %dma_wait3A_130 : memref<1x80x128xf32, #tpu.memory_space<vmem>> -> memref<80x128xf32, #tpu.memory_space<vmem>>
    tpu.wait_dma2 semaphore(%arg15 : memref<!tpu.dma_semaphore, #tpu.memory_space<semaphore_mem>>) src(%dma_wait3A_131 : memref<80x128xf32, #tpu.memory_space<vmem>>) dst(%dma_wait3A_127 : memref<80x128xf32, #tpu.memory_space<hbm>>)
    %add3A_132 = arith.constant 768 : i32
    %add3A_133 = arith.addi %add3A_132, %add3A : i32
    %mul3A_134 = arith.constant 80 : i32
    %mul3A_135 = arith.muli %add3A_133, %mul3A_134 : i32
    %dma_wait3A_136 = arith.constant 4 : i32
    %dma_wait3A_137 = arith.constant 0 : i32
    %dma_wait3A_138 = arith.constant 0 : i32
    %dma_wait3A_139 = tpu.memref_slice %arg6[%dma_wait3A_136, %dma_wait3A_137, %dma_wait3A_138] : memref<5x80x128xf32, #tpu.memory_space<vmem>> -> memref<1x80x128xf32, #tpu.memory_space<vmem>>
    %dma_wait3A_140 = tpu.memref_squeeze %dma_wait3A_139 : memref<1x80x128xf32, #tpu.memory_space<vmem>> -> memref<80x128xf32, #tpu.memory_space<vmem>>
    %dma_wait3A_141 = arith.constant 0 : i32
    %dma_wait3A_142 = tpu.memref_slice %arg4[%mul3A_135, %dma_wait3A_141] : memref<64000x128xf32, #tpu.memory_space<hbm>> -> memref<80x128xf32, #tpu.memory_space<hbm>>
    %dma_wait3A_143 = arith.constant 0 : i32
    %dma_wait3A_144 = tpu.memref_slice %arg4[%mul3A_135, %dma_wait3A_143] : memref<64000x128xf32, #tpu.memory_space<hbm>> -> memref<80x128xf32, #tpu.memory_space<hbm>>
    %dma_wait3A_145 = arith.constant 0 : i32
    %dma_wait3A_146 = arith.constant 0 : i32
    %dma_wait3A_147 = tpu.memref_slice %arg6[%dma_wait3A_136, %dma_wait3A_145, %dma_wait3A_146] : memref<5x80x128xf32, #tpu.memory_space<vmem>> -> memref<1x80x128xf32, #tpu.memory_space<vmem>>
    %dma_wait3A_148 = tpu.memref_squeeze %dma_wait3A_147 : memref<1x80x128xf32, #tpu.memory_space<vmem>> -> memref<80x128xf32, #tpu.memory_space<vmem>>
    tpu.wait_dma2 semaphore(%arg16 : memref<!tpu.dma_semaphore, #tpu.memory_space<semaphore_mem>>) src(%dma_wait3A_148 : memref<80x128xf32, #tpu.memory_space<vmem>>) dst(%dma_wait3A_144 : memref<80x128xf32, #tpu.memory_space<hbm>>)
    return
  }
}

#map = affine_map<(d0, d1) -> (0, 0)>
#map1 = affine_map<(d0, d1) -> (0, 0, 0)>
module attributes {stable_mosaic.version = 14 : i64} {
  func.func @body(%arg0: i32, %arg1: i32, %arg2: memref<10000x128xf32, #tpu.memory_space<hbm>>, %arg3: memref<32x25x80xi32, #tpu.memory_space<hbm>>, %arg4: memref<64000x128xf32, #tpu.memory_space<hbm>>, %arg5: memref<25x80xi32, #tpu.memory_space<vmem>>, %arg6: memref<5x80x128xf32, #tpu.memory_space<vmem>>, %arg7: memref<!tpu.dma_semaphore, #tpu.memory_space<semaphore_mem>>, %arg8: memref<!tpu.dma_semaphore, #tpu.memory_space<semaphore_mem>>, %arg9: memref<!tpu.dma_semaphore, #tpu.memory_space<semaphore_mem>>, %arg10: memref<!tpu.dma_semaphore, #tpu.memory_space<semaphore_mem>>, %arg11: memref<!tpu.dma_semaphore, #tpu.memory_space<semaphore_mem>>, %arg12: memref<!tpu.dma_semaphore, #tpu.memory_space<semaphore_mem>>, %arg13: memref<!tpu.dma_semaphore, #tpu.memory_space<semaphore_mem>>, %arg14: memref<!tpu.dma_semaphore, #tpu.memory_space<semaphore_mem>>, %arg15: memref<!tpu.dma_semaphore, #tpu.memory_space<semaphore_mem>>, %arg16: memref<!tpu.dma_semaphore, #tpu.memory_space<semaphore_mem>>) attributes {dimension_semantics = [#tpu.dimension_semantics<core_parallel>, #tpu.dimension_semantics<subcore_parallel>], iteration_bounds = array<i64: 2, 16>, scalar_prefetch = 0 : i64, scratch_operands = 12 : i64, tpu.core_type = #tpu.core_type<sc_vector_subcore>, window_params = [{transform_indices = #map}, {transform_indices = #map1}, {transform_indices = #map}]} {
    %mul3A = arith.constant 2 : i32
    %mul3A_0 = arith.muli %arg1, %mul3A : i32
    %add3A = arith.addi %mul3A_0, %arg0 : i32
    "tpu.region"() ({
      %run_scoped3A = tpu.sem_alloc : memref<!tpu.dma_semaphore, #tpu.memory_space<semaphore_mem>>
      %dma_start3A_149 = arith.constant 0 : i32
      %dma_start3A_150 = arith.constant 0 : i32
      %dma_start3A_151 = tpu.memref_slice %arg3[%add3A, %dma_start3A_149, %dma_start3A_150] : memref<32x25x80xi32, #tpu.memory_space<hbm>> -> memref<1x25x80xi32, #tpu.memory_space<hbm>>
      %dma_start3A_152 = tpu.memref_squeeze %dma_start3A_151 : memref<1x25x80xi32, #tpu.memory_space<hbm>> -> memref<25x80xi32, #tpu.memory_space<hbm>>
      %dma_start3A_153 = arith.constant 0 : i32
      %dma_start3A_154 = arith.constant 0 : i32
      %dma_start3A_155 = tpu.memref_slice %arg3[%add3A, %dma_start3A_153, %dma_start3A_154] : memref<32x25x80xi32, #tpu.memory_space<hbm>> -> memref<1x25x80xi32, #tpu.memory_space<hbm>>
      %dma_start3A_156 = tpu.memref_squeeze %dma_start3A_155 : memref<1x25x80xi32, #tpu.memory_space<hbm>> -> memref<25x80xi32, #tpu.memory_space<hbm>>
      tpu.enqueue_dma source(%dma_start3A_156 : memref<25x80xi32, #tpu.memory_space<hbm>>) target(%arg5 : memref<25x80xi32, #tpu.memory_space<vmem>>) target_semaphore(%run_scoped3A : memref<!tpu.dma_semaphore, #tpu.memory_space<semaphore_mem>>)
      %dma_wait3A_157 = arith.constant 0 : i32
      %dma_wait3A_158 = arith.constant 0 : i32
      %dma_wait3A_159 = tpu.memref_slice %arg3[%add3A, %dma_wait3A_157, %dma_wait3A_158] : memref<32x25x80xi32, #tpu.memory_space<hbm>> -> memref<1x25x80xi32, #tpu.memory_space<hbm>>
      %dma_wait3A_160 = tpu.memref_squeeze %dma_wait3A_159 : memref<1x25x80xi32, #tpu.memory_space<hbm>> -> memref<25x80xi32, #tpu.memory_space<hbm>>
      %dma_wait3A_161 = arith.constant 0 : i32
      %dma_wait3A_162 = arith.constant 0 : i32
      %dma_wait3A_163 = tpu.memref_slice %arg3[%add3A, %dma_wait3A_161, %dma_wait3A_162] : memref<32x25x80xi32, #tpu.memory_space<hbm>> -> memref<1x25x80xi32, #tpu.memory_space<hbm>>
      %dma_wait3A_164 = tpu.memref_squeeze %dma_wait3A_163 : memref<1x25x80xi32, #tpu.memory_space<hbm>> -> memref<25x80xi32, #tpu.memory_space<hbm>>
      tpu.wait_dma2 semaphore(%run_scoped3A : memref<!tpu.dma_semaphore, #tpu.memory_space<semaphore_mem>>) src(%dma_wait3A_164 : memref<25x80xi32, #tpu.memory_space<hbm>>) dst(%arg5 : memref<25x80xi32, #tpu.memory_space<vmem>>)
      tpu.yield
    }) : () -> ()
    %dma_start3A = arith.constant 0 : i32
    %dma_start3A_1 = arith.constant 0 : i32
    %dma_start3A_2 = arith.constant 0 : i32
    %dma_start3A_3 = arith.constant 0 : i32
    %dma_start3A_4 = tpu.memref_slice %arg6[%dma_start3A_1, %dma_start3A_2, %dma_start3A_3] : memref<5x80x128xf32, #tpu.memory_space<vmem>> -> memref<1x80x128xf32, #tpu.memory_space<vmem>>
    %dma_start3A_5 = tpu.memref_squeeze %dma_start3A_4 : memref<1x80x128xf32, #tpu.memory_space<vmem>> -> memref<80x128xf32, #tpu.memory_space<vmem>>
    %dma_start3A_6 = arith.constant 0 : i32
    %dma_start3A_7 = tpu.memref_slice %arg5[%dma_start3A, %dma_start3A_6] : memref<25x80xi32, #tpu.memory_space<vmem>> -> memref<1x80xi32, #tpu.memory_space<vmem>>
    %dma_start3A_8 = tpu.memref_squeeze %dma_start3A_7 : memref<1x80xi32, #tpu.memory_space<vmem>> -> memref<80xi32, #tpu.memory_space<vmem>>
    %dma_start3A_9 = arith.constant 0 : i32
    %dma_start3A_10 = arith.constant 0 : i32
    %dma_start3A_11 = tpu.memref_slice %arg2[%dma_start3A_9, %dma_start3A_10] : memref<10000x128xf32, #tpu.memory_space<hbm>> -> memref<10000x128xf32, #tpu.memory_space<hbm>>
    tpu.enqueue_indirect_dma source(%dma_start3A_11 : memref<10000x128xf32, #tpu.memory_space<hbm>>) target(%dma_start3A_5 : memref<80x128xf32, #tpu.memory_space<vmem>>) offsets(%dma_start3A_8 : memref<80xi32, #tpu.memory_space<vmem>>) semaphore(%arg7 : memref<!tpu.dma_semaphore, #tpu.memory_space<semaphore_mem>>)
    %dma_start3A_12 = arith.constant 1 : i32
    %dma_start3A_13 = arith.constant 1 : i32
    %dma_start3A_14 = arith.constant 0 : i32
    %dma_start3A_15 = arith.constant 0 : i32
    %dma_start3A_16 = tpu.memref_slice %arg6[%dma_start3A_13, %dma_start3A_14, %dma_start3A_15] : memref<5x80x128xf32, #tpu.memory_space<vmem>> -> memref<1x80x128xf32, #tpu.memory_space<vmem>>
    %dma_start3A_17 = tpu.memref_squeeze %dma_start3A_16 : memref<1x80x128xf32, #tpu.memory_space<vmem>> -> memref<80x128xf32, #tpu.memory_space<vmem>>
    %dma_start3A_18 = arith.constant 0 : i32
    %dma_start3A_19 = tpu.memref_slice %arg5[%dma_start3A_12, %dma_start3A_18] : memref<25x80xi32, #tpu.memory_space<vmem>> -> memref<1x80xi32, #tpu.memory_space<vmem>>
    %dma_start3A_20 = tpu.memref_squeeze %dma_start3A_19 : memref<1x80xi32, #tpu.memory_space<vmem>> -> memref<80xi32, #tpu.memory_space<vmem>>
    %dma_start3A_21 = arith.constant 0 : i32
    %dma_start3A_22 = arith.constant 0 : i32
    %dma_start3A_23 = tpu.memref_slice %arg2[%dma_start3A_21, %dma_start3A_22] : memref<10000x128xf32, #tpu.memory_space<hbm>> -> memref<10000x128xf32, #tpu.memory_space<hbm>>
    tpu.enqueue_indirect_dma source(%dma_start3A_23 : memref<10000x128xf32, #tpu.memory_space<hbm>>) target(%dma_start3A_17 : memref<80x128xf32, #tpu.memory_space<vmem>>) offsets(%dma_start3A_20 : memref<80xi32, #tpu.memory_space<vmem>>) semaphore(%arg8 : memref<!tpu.dma_semaphore, #tpu.memory_space<semaphore_mem>>)
    %dma_start3A_24 = arith.constant 2 : i32
    %dma_start3A_25 = arith.constant 2 : i32
    %dma_start3A_26 = arith.constant 0 : i32
    %dma_start3A_27 = arith.constant 0 : i32
    %dma_start3A_28 = tpu.memref_slice %arg6[%dma_start3A_25, %dma_start3A_26, %dma_start3A_27] : memref<5x80x128xf32, #tpu.memory_space<vmem>> -> memref<1x80x128xf32, #tpu.memory_space<vmem>>
    %dma_start3A_29 = tpu.memref_squeeze %dma_start3A_28 : memref<1x80x128xf32, #tpu.memory_space<vmem>> -> memref<80x128xf32, #tpu.memory_space<vmem>>
    %dma_start3A_30 = arith.constant 0 : i32
    %dma_start3A_31 = tpu.memref_slice %arg5[%dma_start3A_24, %dma_start3A_30] : memref<25x80xi32, #tpu.memory_space<vmem>> -> memref<1x80xi32, #tpu.memory_space<vmem>>
    %dma_start3A_32 = tpu.memref_squeeze %dma_start3A_31 : memref<1x80xi32, #tpu.memory_space<vmem>> -> memref<80xi32, #tpu.memory_space<vmem>>
    %dma_start3A_33 = arith.constant 0 : i32
    %dma_start3A_34 = arith.constant 0 : i32
    %dma_start3A_35 = tpu.memref_slice %arg2[%dma_start3A_33, %dma_start3A_34] : memref<10000x128xf32, #tpu.memory_space<hbm>> -> memref<10000x128xf32, #tpu.memory_space<hbm>>
    tpu.enqueue_indirect_dma source(%dma_start3A_35 : memref<10000x128xf32, #tpu.memory_space<hbm>>) target(%dma_start3A_29 : memref<80x128xf32, #tpu.memory_space<vmem>>) offsets(%dma_start3A_32 : memref<80xi32, #tpu.memory_space<vmem>>) semaphore(%arg9 : memref<!tpu.dma_semaphore, #tpu.memory_space<semaphore_mem>>)
    %dma_start3A_36 = arith.constant 3 : i32
    %dma_start3A_37 = arith.constant 3 : i32
    %dma_start3A_38 = arith.constant 0 : i32
    %dma_start3A_39 = arith.constant 0 : i32
    %dma_start3A_40 = tpu.memref_slice %arg6[%dma_start3A_37, %dma_start3A_38, %dma_start3A_39] : memref<5x80x128xf32, #tpu.memory_space<vmem>> -> memref<1x80x128xf32, #tpu.memory_space<vmem>>
    %dma_start3A_41 = tpu.memref_squeeze %dma_start3A_40 : memref<1x80x128xf32, #tpu.memory_space<vmem>> -> memref<80x128xf32, #tpu.memory_space<vmem>>
    %dma_start3A_42 = arith.constant 0 : i32
    %dma_start3A_43 = tpu.memref_slice %arg5[%dma_start3A_36, %dma_start3A_42] : memref<25x80xi32, #tpu.memory_space<vmem>> -> memref<1x80xi32, #tpu.memory_space<vmem>>
    %dma_start3A_44 = tpu.memref_squeeze %dma_start3A_43 : memref<1x80xi32, #tpu.memory_space<vmem>> -> memref<80xi32, #tpu.memory_space<vmem>>
    %dma_start3A_45 = arith.constant 0 : i32
    %dma_start3A_46 = arith.constant 0 : i32
    %dma_start3A_47 = tpu.memref_slice %arg2[%dma_start3A_45, %dma_start3A_46] : memref<10000x128xf32, #tpu.memory_space<hbm>> -> memref<10000x128xf32, #tpu.memory_space<hbm>>
    tpu.enqueue_indirect_dma source(%dma_start3A_47 : memref<10000x128xf32, #tpu.memory_space<hbm>>) target(%dma_start3A_41 : memref<80x128xf32, #tpu.memory_space<vmem>>) offsets(%dma_start3A_44 : memref<80xi32, #tpu.memory_space<vmem>>) semaphore(%arg10 : memref<!tpu.dma_semaphore, #tpu.memory_space<semaphore_mem>>)
    %dma_start3A_48 = arith.constant 4 : i32
    %dma_start3A_49 = arith.constant 4 : i32
    %dma_start3A_50 = arith.constant 0 : i32
    %dma_start3A_51 = arith.constant 0 : i32
    %dma_start3A_52 = tpu.memref_slice %arg6[%dma_start3A_49, %dma_start3A_50, %dma_start3A_51] : memref<5x80x128xf32, #tpu.memory_space<vmem>> -> memref<1x80x128xf32, #tpu.memory_space<vmem>>
    %dma_start3A_53 = tpu.memref_squeeze %dma_start3A_52 : memref<1x80x128xf32, #tpu.memory_space<vmem>> -> memref<80x128xf32, #tpu.memory_space<vmem>>
    %dma_start3A_54 = arith.constant 0 : i32
    %dma_start3A_55 = tpu.memref_slice %arg5[%dma_start3A_48, %dma_start3A_54] : memref<25x80xi32, #tpu.memory_space<vmem>> -> memref<1x80xi32, #tpu.memory_space<vmem>>
    %dma_start3A_56 = tpu.memref_squeeze %dma_start3A_55 : memref<1x80xi32, #tpu.memory_space<vmem>> -> memref<80xi32, #tpu.memory_space<vmem>>
    %dma_start3A_57 = arith.constant 0 : i32
    %dma_start3A_58 = arith.constant 0 : i32
    %dma_start3A_59 = tpu.memref_slice %arg2[%dma_start3A_57, %dma_start3A_58] : memref<10000x128xf32, #tpu.memory_space<hbm>> -> memref<10000x128xf32, #tpu.memory_space<hbm>>
    tpu.enqueue_indirect_dma source(%dma_start3A_59 : memref<10000x128xf32, #tpu.memory_space<hbm>>) target(%dma_start3A_53 : memref<80x128xf32, #tpu.memory_space<vmem>>) offsets(%dma_start3A_56 : memref<80xi32, #tpu.memory_space<vmem>>) semaphore(%arg11 : memref<!tpu.dma_semaphore, #tpu.memory_space<semaphore_mem>>)
    %scan3A = arith.constant 0 : i32
    %scan3A_60 = arith.constant 0 : i32
    %scan3A_61 = arith.constant 5 : i32
    %scan3A_62 = arith.addi %scan3A_60, %scan3A_61 : i32
    %scan3A_63 = arith.constant 1 : i32
    scf.for %scan3A_149 = %scan3A_60 to %scan3A_62 step %scan3A_63  : i32 {
      %mul3A_150 = arith.constant 5 : i32
      %mul3A_151 = arith.muli %scan3A_149, %mul3A_150 : i32
      %add3A_152 = arith.constant 0 : i32
      %add3A_153 = arith.addi %mul3A_151, %add3A_152 : i32
      %dma_wait3A_154 = arith.constant 0 : i32
      %dma_wait3A_155 = arith.constant 0 : i32
      %dma_wait3A_156 = arith.constant 0 : i32
      %dma_wait3A_157 = tpu.memref_slice %arg6[%dma_wait3A_154, %dma_wait3A_155, %dma_wait3A_156] : memref<5x80x128xf32, #tpu.memory_space<vmem>> -> memref<1x80x128xf32, #tpu.memory_space<vmem>>
      %dma_wait3A_158 = tpu.memref_squeeze %dma_wait3A_157 : memref<1x80x128xf32, #tpu.memory_space<vmem>> -> memref<80x128xf32, #tpu.memory_space<vmem>>
      %dma_wait3A_159 = arith.constant 0 : i32
      %dma_wait3A_160 = tpu.memref_slice %arg5[%add3A_153, %dma_wait3A_159] : memref<25x80xi32, #tpu.memory_space<vmem>> -> memref<1x80xi32, #tpu.memory_space<vmem>>
      %dma_wait3A_161 = tpu.memref_squeeze %dma_wait3A_160 : memref<1x80xi32, #tpu.memory_space<vmem>> -> memref<80xi32, #tpu.memory_space<vmem>>
      %dma_wait3A_162 = arith.constant 0 : i32
      %dma_wait3A_163 = arith.constant 0 : i32
      %dma_wait3A_164 = tpu.memref_slice %arg2[%dma_wait3A_162, %dma_wait3A_163] : memref<10000x128xf32, #tpu.memory_space<hbm>> -> memref<10000x128xf32, #tpu.memory_space<hbm>>
      tpu.wait_indirect_dma semaphore(%arg7 : memref<!tpu.dma_semaphore, #tpu.memory_space<semaphore_mem>>) src(%dma_wait3A_164 : memref<10000x128xf32, #tpu.memory_space<hbm>>) dst(%dma_wait3A_158 : memref<80x128xf32, #tpu.memory_space<vmem>>)
      %mul3A_165 = arith.constant 32 : i32
      %mul3A_166 = arith.muli %add3A_153, %mul3A_165 : i32
      %add3A_167 = arith.addi %mul3A_166, %add3A : i32
      %mul3A_168 = arith.constant 80 : i32
      %mul3A_169 = arith.muli %add3A_167, %mul3A_168 : i32
      %dma_start3A_170 = arith.constant 0 : i32
      %dma_start3A_171 = arith.constant 0 : i32
      %dma_start3A_172 = arith.constant 0 : i32
      %dma_start3A_173 = tpu.memref_slice %arg6[%dma_start3A_170, %dma_start3A_171, %dma_start3A_172] : memref<5x80x128xf32, #tpu.memory_space<vmem>> -> memref<1x80x128xf32, #tpu.memory_space<vmem>>
      %dma_start3A_174 = tpu.memref_squeeze %dma_start3A_173 : memref<1x80x128xf32, #tpu.memory_space<vmem>> -> memref<80x128xf32, #tpu.memory_space<vmem>>
      %dma_start3A_175 = arith.constant 0 : i32
      %dma_start3A_176 = tpu.memref_slice %arg4[%mul3A_169, %dma_start3A_175] : memref<64000x128xf32, #tpu.memory_space<hbm>> -> memref<80x128xf32, #tpu.memory_space<hbm>>
      %dma_start3A_177 = arith.constant 0 : i32
      %dma_start3A_178 = tpu.memref_slice %arg4[%mul3A_169, %dma_start3A_177] : memref<64000x128xf32, #tpu.memory_space<hbm>> -> memref<80x128xf32, #tpu.memory_space<hbm>>
      %dma_start3A_179 = arith.constant 0 : i32
      %dma_start3A_180 = arith.constant 0 : i32
      %dma_start3A_181 = tpu.memref_slice %arg6[%dma_start3A_170, %dma_start3A_179, %dma_start3A_180] : memref<5x80x128xf32, #tpu.memory_space<vmem>> -> memref<1x80x128xf32, #tpu.memory_space<vmem>>
      %dma_start3A_182 = tpu.memref_squeeze %dma_start3A_181 : memref<1x80x128xf32, #tpu.memory_space<vmem>> -> memref<80x128xf32, #tpu.memory_space<vmem>>
      tpu.enqueue_dma source(%dma_start3A_182 : memref<80x128xf32, #tpu.memory_space<vmem>>) target(%dma_start3A_178 : memref<80x128xf32, #tpu.memory_space<hbm>>) target_semaphore(%arg12 : memref<!tpu.dma_semaphore, #tpu.memory_space<semaphore_mem>>)
      %add3A_183 = arith.constant 5 : i32
      %add3A_184 = arith.addi %add3A_153, %add3A_183 : i32
      %lt3A = arith.constant 25 : i32
      %lt3A_185 = arith.cmpi slt, %add3A_184, %lt3A : i32
      %convert_element_type3A = arith.extui %lt3A_185 : i1 to i32
      %cond3A = arith.constant 0 : i32
      %cond3A_186 = arith.cmpi ne, %convert_element_type3A, %cond3A : i32
      scf.if %cond3A_186 {
        %mul3A_347 = arith.constant 32 : i32
        %mul3A_348 = arith.muli %add3A_153, %mul3A_347 : i32
        %add3A_349 = arith.addi %mul3A_348, %add3A : i32
        %mul3A_350 = arith.constant 80 : i32
        %mul3A_351 = arith.muli %add3A_349, %mul3A_350 : i32
        %dma_wait3A_352 = arith.constant 0 : i32
        %dma_wait3A_353 = arith.constant 0 : i32
        %dma_wait3A_354 = arith.constant 0 : i32
        %dma_wait3A_355 = tpu.memref_slice %arg6[%dma_wait3A_352, %dma_wait3A_353, %dma_wait3A_354] : memref<5x80x128xf32, #tpu.memory_space<vmem>> -> memref<1x80x128xf32, #tpu.memory_space<vmem>>
        %dma_wait3A_356 = tpu.memref_squeeze %dma_wait3A_355 : memref<1x80x128xf32, #tpu.memory_space<vmem>> -> memref<80x128xf32, #tpu.memory_space<vmem>>
        %dma_wait3A_357 = arith.constant 0 : i32
        %dma_wait3A_358 = tpu.memref_slice %arg4[%mul3A_351, %dma_wait3A_357] : memref<64000x128xf32, #tpu.memory_space<hbm>> -> memref<80x128xf32, #tpu.memory_space<hbm>>
        %dma_wait3A_359 = arith.constant 0 : i32
        %dma_wait3A_360 = tpu.memref_slice %arg4[%mul3A_351, %dma_wait3A_359] : memref<64000x128xf32, #tpu.memory_space<hbm>> -> memref<80x128xf32, #tpu.memory_space<hbm>>
        %dma_wait3A_361 = arith.constant 0 : i32
        %dma_wait3A_362 = arith.constant 0 : i32
        %dma_wait3A_363 = tpu.memref_slice %arg6[%dma_wait3A_352, %dma_wait3A_361, %dma_wait3A_362] : memref<5x80x128xf32, #tpu.memory_space<vmem>> -> memref<1x80x128xf32, #tpu.memory_space<vmem>>
        %dma_wait3A_364 = tpu.memref_squeeze %dma_wait3A_363 : memref<1x80x128xf32, #tpu.memory_space<vmem>> -> memref<80x128xf32, #tpu.memory_space<vmem>>
        tpu.wait_dma2 semaphore(%arg12 : memref<!tpu.dma_semaphore, #tpu.memory_space<semaphore_mem>>) src(%dma_wait3A_364 : memref<80x128xf32, #tpu.memory_space<vmem>>) dst(%dma_wait3A_360 : memref<80x128xf32, #tpu.memory_space<hbm>>)
        %add3A_365 = arith.constant 5 : i32
        %add3A_366 = arith.addi %add3A_153, %add3A_365 : i32
        %dma_start3A_367 = arith.constant 0 : i32
        %dma_start3A_368 = arith.constant 0 : i32
        %dma_start3A_369 = arith.constant 0 : i32
        %dma_start3A_370 = tpu.memref_slice %arg6[%dma_start3A_367, %dma_start3A_368, %dma_start3A_369] : memref<5x80x128xf32, #tpu.memory_space<vmem>> -> memref<1x80x128xf32, #tpu.memory_space<vmem>>
        %dma_start3A_371 = tpu.memref_squeeze %dma_start3A_370 : memref<1x80x128xf32, #tpu.memory_space<vmem>> -> memref<80x128xf32, #tpu.memory_space<vmem>>
        %dma_start3A_372 = arith.constant 0 : i32
        %dma_start3A_373 = tpu.memref_slice %arg5[%add3A_366, %dma_start3A_372] : memref<25x80xi32, #tpu.memory_space<vmem>> -> memref<1x80xi32, #tpu.memory_space<vmem>>
        %dma_start3A_374 = tpu.memref_squeeze %dma_start3A_373 : memref<1x80xi32, #tpu.memory_space<vmem>> -> memref<80xi32, #tpu.memory_space<vmem>>
        %dma_start3A_375 = arith.constant 0 : i32
        %dma_start3A_376 = arith.constant 0 : i32
        %dma_start3A_377 = tpu.memref_slice %arg2[%dma_start3A_375, %dma_start3A_376] : memref<10000x128xf32, #tpu.memory_space<hbm>> -> memref<10000x128xf32, #tpu.memory_space<hbm>>
        tpu.enqueue_indirect_dma source(%dma_start3A_377 : memref<10000x128xf32, #tpu.memory_space<hbm>>) target(%dma_start3A_371 : memref<80x128xf32, #tpu.memory_space<vmem>>) offsets(%dma_start3A_374 : memref<80xi32, #tpu.memory_space<vmem>>) semaphore(%arg7 : memref<!tpu.dma_semaphore, #tpu.memory_space<semaphore_mem>>)
      } else {
      }
      %mul3A_187 = arith.constant 5 : i32
      %mul3A_188 = arith.muli %scan3A_149, %mul3A_187 : i32
      %add3A_189 = arith.constant 1 : i32
      %add3A_190 = arith.addi %mul3A_188, %add3A_189 : i32
      %dma_wait3A_191 = arith.constant 1 : i32
      %dma_wait3A_192 = arith.constant 0 : i32
      %dma_wait3A_193 = arith.constant 0 : i32
      %dma_wait3A_194 = tpu.memref_slice %arg6[%dma_wait3A_191, %dma_wait3A_192, %dma_wait3A_193] : memref<5x80x128xf32, #tpu.memory_space<vmem>> -> memref<1x80x128xf32, #tpu.memory_space<vmem>>
      %dma_wait3A_195 = tpu.memref_squeeze %dma_wait3A_194 : memref<1x80x128xf32, #tpu.memory_space<vmem>> -> memref<80x128xf32, #tpu.memory_space<vmem>>
      %dma_wait3A_196 = arith.constant 0 : i32
      %dma_wait3A_197 = tpu.memref_slice %arg5[%add3A_190, %dma_wait3A_196] : memref<25x80xi32, #tpu.memory_space<vmem>> -> memref<1x80xi32, #tpu.memory_space<vmem>>
      %dma_wait3A_198 = tpu.memref_squeeze %dma_wait3A_197 : memref<1x80xi32, #tpu.memory_space<vmem>> -> memref<80xi32, #tpu.memory_space<vmem>>
      %dma_wait3A_199 = arith.constant 0 : i32
      %dma_wait3A_200 = arith.constant 0 : i32
      %dma_wait3A_201 = tpu.memref_slice %arg2[%dma_wait3A_199, %dma_wait3A_200] : memref<10000x128xf32, #tpu.memory_space<hbm>> -> memref<10000x128xf32, #tpu.memory_space<hbm>>
      tpu.wait_indirect_dma semaphore(%arg8 : memref<!tpu.dma_semaphore, #tpu.memory_space<semaphore_mem>>) src(%dma_wait3A_201 : memref<10000x128xf32, #tpu.memory_space<hbm>>) dst(%dma_wait3A_195 : memref<80x128xf32, #tpu.memory_space<vmem>>)
      %mul3A_202 = arith.constant 32 : i32
      %mul3A_203 = arith.muli %add3A_190, %mul3A_202 : i32
      %add3A_204 = arith.addi %mul3A_203, %add3A : i32
      %mul3A_205 = arith.constant 80 : i32
      %mul3A_206 = arith.muli %add3A_204, %mul3A_205 : i32
      %dma_start3A_207 = arith.constant 1 : i32
      %dma_start3A_208 = arith.constant 0 : i32
      %dma_start3A_209 = arith.constant 0 : i32
      %dma_start3A_210 = tpu.memref_slice %arg6[%dma_start3A_207, %dma_start3A_208, %dma_start3A_209] : memref<5x80x128xf32, #tpu.memory_space<vmem>> -> memref<1x80x128xf32, #tpu.memory_space<vmem>>
      %dma_start3A_211 = tpu.memref_squeeze %dma_start3A_210 : memref<1x80x128xf32, #tpu.memory_space<vmem>> -> memref<80x128xf32, #tpu.memory_space<vmem>>
      %dma_start3A_212 = arith.constant 0 : i32
      %dma_start3A_213 = tpu.memref_slice %arg4[%mul3A_206, %dma_start3A_212] : memref<64000x128xf32, #tpu.memory_space<hbm>> -> memref<80x128xf32, #tpu.memory_space<hbm>>
      %dma_start3A_214 = arith.constant 0 : i32
      %dma_start3A_215 = tpu.memref_slice %arg4[%mul3A_206, %dma_start3A_214] : memref<64000x128xf32, #tpu.memory_space<hbm>> -> memref<80x128xf32, #tpu.memory_space<hbm>>
      %dma_start3A_216 = arith.constant 0 : i32
      %dma_start3A_217 = arith.constant 0 : i32
      %dma_start3A_218 = tpu.memref_slice %arg6[%dma_start3A_207, %dma_start3A_216, %dma_start3A_217] : memref<5x80x128xf32, #tpu.memory_space<vmem>> -> memref<1x80x128xf32, #tpu.memory_space<vmem>>
      %dma_start3A_219 = tpu.memref_squeeze %dma_start3A_218 : memref<1x80x128xf32, #tpu.memory_space<vmem>> -> memref<80x128xf32, #tpu.memory_space<vmem>>
      tpu.enqueue_dma source(%dma_start3A_219 : memref<80x128xf32, #tpu.memory_space<vmem>>) target(%dma_start3A_215 : memref<80x128xf32, #tpu.memory_space<hbm>>) target_semaphore(%arg13 : memref<!tpu.dma_semaphore, #tpu.memory_space<semaphore_mem>>)
      %add3A_220 = arith.constant 5 : i32
      %add3A_221 = arith.addi %add3A_190, %add3A_220 : i32
      %lt3A_222 = arith.constant 25 : i32
      %lt3A_223 = arith.cmpi slt, %add3A_221, %lt3A_222 : i32
      %convert_element_type3A_224 = arith.extui %lt3A_223 : i1 to i32
      %cond3A_225 = arith.constant 0 : i32
      %cond3A_226 = arith.cmpi ne, %convert_element_type3A_224, %cond3A_225 : i32
      scf.if %cond3A_226 {
        %mul3A_347 = arith.constant 32 : i32
        %mul3A_348 = arith.muli %add3A_190, %mul3A_347 : i32
        %add3A_349 = arith.addi %mul3A_348, %add3A : i32
        %mul3A_350 = arith.constant 80 : i32
        %mul3A_351 = arith.muli %add3A_349, %mul3A_350 : i32
        %dma_wait3A_352 = arith.constant 1 : i32
        %dma_wait3A_353 = arith.constant 0 : i32
        %dma_wait3A_354 = arith.constant 0 : i32
        %dma_wait3A_355 = tpu.memref_slice %arg6[%dma_wait3A_352, %dma_wait3A_353, %dma_wait3A_354] : memref<5x80x128xf32, #tpu.memory_space<vmem>> -> memref<1x80x128xf32, #tpu.memory_space<vmem>>
        %dma_wait3A_356 = tpu.memref_squeeze %dma_wait3A_355 : memref<1x80x128xf32, #tpu.memory_space<vmem>> -> memref<80x128xf32, #tpu.memory_space<vmem>>
        %dma_wait3A_357 = arith.constant 0 : i32
        %dma_wait3A_358 = tpu.memref_slice %arg4[%mul3A_351, %dma_wait3A_357] : memref<64000x128xf32, #tpu.memory_space<hbm>> -> memref<80x128xf32, #tpu.memory_space<hbm>>
        %dma_wait3A_359 = arith.constant 0 : i32
        %dma_wait3A_360 = tpu.memref_slice %arg4[%mul3A_351, %dma_wait3A_359] : memref<64000x128xf32, #tpu.memory_space<hbm>> -> memref<80x128xf32, #tpu.memory_space<hbm>>
        %dma_wait3A_361 = arith.constant 0 : i32
        %dma_wait3A_362 = arith.constant 0 : i32
        %dma_wait3A_363 = tpu.memref_slice %arg6[%dma_wait3A_352, %dma_wait3A_361, %dma_wait3A_362] : memref<5x80x128xf32, #tpu.memory_space<vmem>> -> memref<1x80x128xf32, #tpu.memory_space<vmem>>
        %dma_wait3A_364 = tpu.memref_squeeze %dma_wait3A_363 : memref<1x80x128xf32, #tpu.memory_space<vmem>> -> memref<80x128xf32, #tpu.memory_space<vmem>>
        tpu.wait_dma2 semaphore(%arg13 : memref<!tpu.dma_semaphore, #tpu.memory_space<semaphore_mem>>) src(%dma_wait3A_364 : memref<80x128xf32, #tpu.memory_space<vmem>>) dst(%dma_wait3A_360 : memref<80x128xf32, #tpu.memory_space<hbm>>)
        %add3A_365 = arith.constant 5 : i32
        %add3A_366 = arith.addi %add3A_190, %add3A_365 : i32
        %dma_start3A_367 = arith.constant 1 : i32
        %dma_start3A_368 = arith.constant 0 : i32
        %dma_start3A_369 = arith.constant 0 : i32
        %dma_start3A_370 = tpu.memref_slice %arg6[%dma_start3A_367, %dma_start3A_368, %dma_start3A_369] : memref<5x80x128xf32, #tpu.memory_space<vmem>> -> memref<1x80x128xf32, #tpu.memory_space<vmem>>
        %dma_start3A_371 = tpu.memref_squeeze %dma_start3A_370 : memref<1x80x128xf32, #tpu.memory_space<vmem>> -> memref<80x128xf32, #tpu.memory_space<vmem>>
        %dma_start3A_372 = arith.constant 0 : i32
        %dma_start3A_373 = tpu.memref_slice %arg5[%add3A_366, %dma_start3A_372] : memref<25x80xi32, #tpu.memory_space<vmem>> -> memref<1x80xi32, #tpu.memory_space<vmem>>
        %dma_start3A_374 = tpu.memref_squeeze %dma_start3A_373 : memref<1x80xi32, #tpu.memory_space<vmem>> -> memref<80xi32, #tpu.memory_space<vmem>>
        %dma_start3A_375 = arith.constant 0 : i32
        %dma_start3A_376 = arith.constant 0 : i32
        %dma_start3A_377 = tpu.memref_slice %arg2[%dma_start3A_375, %dma_start3A_376] : memref<10000x128xf32, #tpu.memory_space<hbm>> -> memref<10000x128xf32, #tpu.memory_space<hbm>>
        tpu.enqueue_indirect_dma source(%dma_start3A_377 : memref<10000x128xf32, #tpu.memory_space<hbm>>) target(%dma_start3A_371 : memref<80x128xf32, #tpu.memory_space<vmem>>) offsets(%dma_start3A_374 : memref<80xi32, #tpu.memory_space<vmem>>) semaphore(%arg8 : memref<!tpu.dma_semaphore, #tpu.memory_space<semaphore_mem>>)
      } else {
      }
      %mul3A_227 = arith.constant 5 : i32
      %mul3A_228 = arith.muli %scan3A_149, %mul3A_227 : i32
      %add3A_229 = arith.constant 2 : i32
      %add3A_230 = arith.addi %mul3A_228, %add3A_229 : i32
      %dma_wait3A_231 = arith.constant 2 : i32
      %dma_wait3A_232 = arith.constant 0 : i32
      %dma_wait3A_233 = arith.constant 0 : i32
      %dma_wait3A_234 = tpu.memref_slice %arg6[%dma_wait3A_231, %dma_wait3A_232, %dma_wait3A_233] : memref<5x80x128xf32, #tpu.memory_space<vmem>> -> memref<1x80x128xf32, #tpu.memory_space<vmem>>
      %dma_wait3A_235 = tpu.memref_squeeze %dma_wait3A_234 : memref<1x80x128xf32, #tpu.memory_space<vmem>> -> memref<80x128xf32, #tpu.memory_space<vmem>>
      %dma_wait3A_236 = arith.constant 0 : i32
      %dma_wait3A_237 = tpu.memref_slice %arg5[%add3A_230, %dma_wait3A_236] : memref<25x80xi32, #tpu.memory_space<vmem>> -> memref<1x80xi32, #tpu.memory_space<vmem>>
      %dma_wait3A_238 = tpu.memref_squeeze %dma_wait3A_237 : memref<1x80xi32, #tpu.memory_space<vmem>> -> memref<80xi32, #tpu.memory_space<vmem>>
      %dma_wait3A_239 = arith.constant 0 : i32
      %dma_wait3A_240 = arith.constant 0 : i32
      %dma_wait3A_241 = tpu.memref_slice %arg2[%dma_wait3A_239, %dma_wait3A_240] : memref<10000x128xf32, #tpu.memory_space<hbm>> -> memref<10000x128xf32, #tpu.memory_space<hbm>>
      tpu.wait_indirect_dma semaphore(%arg9 : memref<!tpu.dma_semaphore, #tpu.memory_space<semaphore_mem>>) src(%dma_wait3A_241 : memref<10000x128xf32, #tpu.memory_space<hbm>>) dst(%dma_wait3A_235 : memref<80x128xf32, #tpu.memory_space<vmem>>)
      %mul3A_242 = arith.constant 32 : i32
      %mul3A_243 = arith.muli %add3A_230, %mul3A_242 : i32
      %add3A_244 = arith.addi %mul3A_243, %add3A : i32
      %mul3A_245 = arith.constant 80 : i32
      %mul3A_246 = arith.muli %add3A_244, %mul3A_245 : i32
      %dma_start3A_247 = arith.constant 2 : i32
      %dma_start3A_248 = arith.constant 0 : i32
      %dma_start3A_249 = arith.constant 0 : i32
      %dma_start3A_250 = tpu.memref_slice %arg6[%dma_start3A_247, %dma_start3A_248, %dma_start3A_249] : memref<5x80x128xf32, #tpu.memory_space<vmem>> -> memref<1x80x128xf32, #tpu.memory_space<vmem>>
      %dma_start3A_251 = tpu.memref_squeeze %dma_start3A_250 : memref<1x80x128xf32, #tpu.memory_space<vmem>> -> memref<80x128xf32, #tpu.memory_space<vmem>>
      %dma_start3A_252 = arith.constant 0 : i32
      %dma_start3A_253 = tpu.memref_slice %arg4[%mul3A_246, %dma_start3A_252] : memref<64000x128xf32, #tpu.memory_space<hbm>> -> memref<80x128xf32, #tpu.memory_space<hbm>>
      %dma_start3A_254 = arith.constant 0 : i32
      %dma_start3A_255 = tpu.memref_slice %arg4[%mul3A_246, %dma_start3A_254] : memref<64000x128xf32, #tpu.memory_space<hbm>> -> memref<80x128xf32, #tpu.memory_space<hbm>>
      %dma_start3A_256 = arith.constant 0 : i32
      %dma_start3A_257 = arith.constant 0 : i32
      %dma_start3A_258 = tpu.memref_slice %arg6[%dma_start3A_247, %dma_start3A_256, %dma_start3A_257] : memref<5x80x128xf32, #tpu.memory_space<vmem>> -> memref<1x80x128xf32, #tpu.memory_space<vmem>>
      %dma_start3A_259 = tpu.memref_squeeze %dma_start3A_258 : memref<1x80x128xf32, #tpu.memory_space<vmem>> -> memref<80x128xf32, #tpu.memory_space<vmem>>
      tpu.enqueue_dma source(%dma_start3A_259 : memref<80x128xf32, #tpu.memory_space<vmem>>) target(%dma_start3A_255 : memref<80x128xf32, #tpu.memory_space<hbm>>) target_semaphore(%arg14 : memref<!tpu.dma_semaphore, #tpu.memory_space<semaphore_mem>>)
      %add3A_260 = arith.constant 5 : i32
      %add3A_261 = arith.addi %add3A_230, %add3A_260 : i32
      %lt3A_262 = arith.constant 25 : i32
      %lt3A_263 = arith.cmpi slt, %add3A_261, %lt3A_262 : i32
      %convert_element_type3A_264 = arith.extui %lt3A_263 : i1 to i32
      %cond3A_265 = arith.constant 0 : i32
      %cond3A_266 = arith.cmpi ne, %convert_element_type3A_264, %cond3A_265 : i32
      scf.if %cond3A_266 {
        %mul3A_347 = arith.constant 32 : i32
        %mul3A_348 = arith.muli %add3A_230, %mul3A_347 : i32
        %add3A_349 = arith.addi %mul3A_348, %add3A : i32
        %mul3A_350 = arith.constant 80 : i32
        %mul3A_351 = arith.muli %add3A_349, %mul3A_350 : i32
        %dma_wait3A_352 = arith.constant 2 : i32
        %dma_wait3A_353 = arith.constant 0 : i32
        %dma_wait3A_354 = arith.constant 0 : i32
        %dma_wait3A_355 = tpu.memref_slice %arg6[%dma_wait3A_352, %dma_wait3A_353, %dma_wait3A_354] : memref<5x80x128xf32, #tpu.memory_space<vmem>> -> memref<1x80x128xf32, #tpu.memory_space<vmem>>
        %dma_wait3A_356 = tpu.memref_squeeze %dma_wait3A_355 : memref<1x80x128xf32, #tpu.memory_space<vmem>> -> memref<80x128xf32, #tpu.memory_space<vmem>>
        %dma_wait3A_357 = arith.constant 0 : i32
        %dma_wait3A_358 = tpu.memref_slice %arg4[%mul3A_351, %dma_wait3A_357] : memref<64000x128xf32, #tpu.memory_space<hbm>> -> memref<80x128xf32, #tpu.memory_space<hbm>>
        %dma_wait3A_359 = arith.constant 0 : i32
        %dma_wait3A_360 = tpu.memref_slice %arg4[%mul3A_351, %dma_wait3A_359] : memref<64000x128xf32, #tpu.memory_space<hbm>> -> memref<80x128xf32, #tpu.memory_space<hbm>>
        %dma_wait3A_361 = arith.constant 0 : i32
        %dma_wait3A_362 = arith.constant 0 : i32
        %dma_wait3A_363 = tpu.memref_slice %arg6[%dma_wait3A_352, %dma_wait3A_361, %dma_wait3A_362] : memref<5x80x128xf32, #tpu.memory_space<vmem>> -> memref<1x80x128xf32, #tpu.memory_space<vmem>>
        %dma_wait3A_364 = tpu.memref_squeeze %dma_wait3A_363 : memref<1x80x128xf32, #tpu.memory_space<vmem>> -> memref<80x128xf32, #tpu.memory_space<vmem>>
        tpu.wait_dma2 semaphore(%arg14 : memref<!tpu.dma_semaphore, #tpu.memory_space<semaphore_mem>>) src(%dma_wait3A_364 : memref<80x128xf32, #tpu.memory_space<vmem>>) dst(%dma_wait3A_360 : memref<80x128xf32, #tpu.memory_space<hbm>>)
        %add3A_365 = arith.constant 5 : i32
        %add3A_366 = arith.addi %add3A_230, %add3A_365 : i32
        %dma_start3A_367 = arith.constant 2 : i32
        %dma_start3A_368 = arith.constant 0 : i32
        %dma_start3A_369 = arith.constant 0 : i32
        %dma_start3A_370 = tpu.memref_slice %arg6[%dma_start3A_367, %dma_start3A_368, %dma_start3A_369] : memref<5x80x128xf32, #tpu.memory_space<vmem>> -> memref<1x80x128xf32, #tpu.memory_space<vmem>>
        %dma_start3A_371 = tpu.memref_squeeze %dma_start3A_370 : memref<1x80x128xf32, #tpu.memory_space<vmem>> -> memref<80x128xf32, #tpu.memory_space<vmem>>
        %dma_start3A_372 = arith.constant 0 : i32
        %dma_start3A_373 = tpu.memref_slice %arg5[%add3A_366, %dma_start3A_372] : memref<25x80xi32, #tpu.memory_space<vmem>> -> memref<1x80xi32, #tpu.memory_space<vmem>>
        %dma_start3A_374 = tpu.memref_squeeze %dma_start3A_373 : memref<1x80xi32, #tpu.memory_space<vmem>> -> memref<80xi32, #tpu.memory_space<vmem>>
        %dma_start3A_375 = arith.constant 0 : i32
        %dma_start3A_376 = arith.constant 0 : i32
        %dma_start3A_377 = tpu.memref_slice %arg2[%dma_start3A_375, %dma_start3A_376] : memref<10000x128xf32, #tpu.memory_space<hbm>> -> memref<10000x128xf32, #tpu.memory_space<hbm>>
        tpu.enqueue_indirect_dma source(%dma_start3A_377 : memref<10000x128xf32, #tpu.memory_space<hbm>>) target(%dma_start3A_371 : memref<80x128xf32, #tpu.memory_space<vmem>>) offsets(%dma_start3A_374 : memref<80xi32, #tpu.memory_space<vmem>>) semaphore(%arg9 : memref<!tpu.dma_semaphore, #tpu.memory_space<semaphore_mem>>)
      } else {
      }
      %mul3A_267 = arith.constant 5 : i32
      %mul3A_268 = arith.muli %scan3A_149, %mul3A_267 : i32
      %add3A_269 = arith.constant 3 : i32
      %add3A_270 = arith.addi %mul3A_268, %add3A_269 : i32
      %dma_wait3A_271 = arith.constant 3 : i32
      %dma_wait3A_272 = arith.constant 0 : i32
      %dma_wait3A_273 = arith.constant 0 : i32
      %dma_wait3A_274 = tpu.memref_slice %arg6[%dma_wait3A_271, %dma_wait3A_272, %dma_wait3A_273] : memref<5x80x128xf32, #tpu.memory_space<vmem>> -> memref<1x80x128xf32, #tpu.memory_space<vmem>>
      %dma_wait3A_275 = tpu.memref_squeeze %dma_wait3A_274 : memref<1x80x128xf32, #tpu.memory_space<vmem>> -> memref<80x128xf32, #tpu.memory_space<vmem>>
      %dma_wait3A_276 = arith.constant 0 : i32
      %dma_wait3A_277 = tpu.memref_slice %arg5[%add3A_270, %dma_wait3A_276] : memref<25x80xi32, #tpu.memory_space<vmem>> -> memref<1x80xi32, #tpu.memory_space<vmem>>
      %dma_wait3A_278 = tpu.memref_squeeze %dma_wait3A_277 : memref<1x80xi32, #tpu.memory_space<vmem>> -> memref<80xi32, #tpu.memory_space<vmem>>
      %dma_wait3A_279 = arith.constant 0 : i32
      %dma_wait3A_280 = arith.constant 0 : i32
      %dma_wait3A_281 = tpu.memref_slice %arg2[%dma_wait3A_279, %dma_wait3A_280] : memref<10000x128xf32, #tpu.memory_space<hbm>> -> memref<10000x128xf32, #tpu.memory_space<hbm>>
      tpu.wait_indirect_dma semaphore(%arg10 : memref<!tpu.dma_semaphore, #tpu.memory_space<semaphore_mem>>) src(%dma_wait3A_281 : memref<10000x128xf32, #tpu.memory_space<hbm>>) dst(%dma_wait3A_275 : memref<80x128xf32, #tpu.memory_space<vmem>>)
      %mul3A_282 = arith.constant 32 : i32
      %mul3A_283 = arith.muli %add3A_270, %mul3A_282 : i32
      %add3A_284 = arith.addi %mul3A_283, %add3A : i32
      %mul3A_285 = arith.constant 80 : i32
      %mul3A_286 = arith.muli %add3A_284, %mul3A_285 : i32
      %dma_start3A_287 = arith.constant 3 : i32
      %dma_start3A_288 = arith.constant 0 : i32
      %dma_start3A_289 = arith.constant 0 : i32
      %dma_start3A_290 = tpu.memref_slice %arg6[%dma_start3A_287, %dma_start3A_288, %dma_start3A_289] : memref<5x80x128xf32, #tpu.memory_space<vmem>> -> memref<1x80x128xf32, #tpu.memory_space<vmem>>
      %dma_start3A_291 = tpu.memref_squeeze %dma_start3A_290 : memref<1x80x128xf32, #tpu.memory_space<vmem>> -> memref<80x128xf32, #tpu.memory_space<vmem>>
      %dma_start3A_292 = arith.constant 0 : i32
      %dma_start3A_293 = tpu.memref_slice %arg4[%mul3A_286, %dma_start3A_292] : memref<64000x128xf32, #tpu.memory_space<hbm>> -> memref<80x128xf32, #tpu.memory_space<hbm>>
      %dma_start3A_294 = arith.constant 0 : i32
      %dma_start3A_295 = tpu.memref_slice %arg4[%mul3A_286, %dma_start3A_294] : memref<64000x128xf32, #tpu.memory_space<hbm>> -> memref<80x128xf32, #tpu.memory_space<hbm>>
      %dma_start3A_296 = arith.constant 0 : i32
      %dma_start3A_297 = arith.constant 0 : i32
      %dma_start3A_298 = tpu.memref_slice %arg6[%dma_start3A_287, %dma_start3A_296, %dma_start3A_297] : memref<5x80x128xf32, #tpu.memory_space<vmem>> -> memref<1x80x128xf32, #tpu.memory_space<vmem>>
      %dma_start3A_299 = tpu.memref_squeeze %dma_start3A_298 : memref<1x80x128xf32, #tpu.memory_space<vmem>> -> memref<80x128xf32, #tpu.memory_space<vmem>>
      tpu.enqueue_dma source(%dma_start3A_299 : memref<80x128xf32, #tpu.memory_space<vmem>>) target(%dma_start3A_295 : memref<80x128xf32, #tpu.memory_space<hbm>>) target_semaphore(%arg15 : memref<!tpu.dma_semaphore, #tpu.memory_space<semaphore_mem>>)
      %add3A_300 = arith.constant 5 : i32
      %add3A_301 = arith.addi %add3A_270, %add3A_300 : i32
      %lt3A_302 = arith.constant 25 : i32
      %lt3A_303 = arith.cmpi slt, %add3A_301, %lt3A_302 : i32
      %convert_element_type3A_304 = arith.extui %lt3A_303 : i1 to i32
      %cond3A_305 = arith.constant 0 : i32
      %cond3A_306 = arith.cmpi ne, %convert_element_type3A_304, %cond3A_305 : i32
      scf.if %cond3A_306 {
        %mul3A_347 = arith.constant 32 : i32
        %mul3A_348 = arith.muli %add3A_270, %mul3A_347 : i32
        %add3A_349 = arith.addi %mul3A_348, %add3A : i32
        %mul3A_350 = arith.constant 80 : i32
        %mul3A_351 = arith.muli %add3A_349, %mul3A_350 : i32
        %dma_wait3A_352 = arith.constant 3 : i32
        %dma_wait3A_353 = arith.constant 0 : i32
        %dma_wait3A_354 = arith.constant 0 : i32
        %dma_wait3A_355 = tpu.memref_slice %arg6[%dma_wait3A_352, %dma_wait3A_353, %dma_wait3A_354] : memref<5x80x128xf32, #tpu.memory_space<vmem>> -> memref<1x80x128xf32, #tpu.memory_space<vmem>>
        %dma_wait3A_356 = tpu.memref_squeeze %dma_wait3A_355 : memref<1x80x128xf32, #tpu.memory_space<vmem>> -> memref<80x128xf32, #tpu.memory_space<vmem>>
        %dma_wait3A_357 = arith.constant 0 : i32
        %dma_wait3A_358 = tpu.memref_slice %arg4[%mul3A_351, %dma_wait3A_357] : memref<64000x128xf32, #tpu.memory_space<hbm>> -> memref<80x128xf32, #tpu.memory_space<hbm>>
        %dma_wait3A_359 = arith.constant 0 : i32
        %dma_wait3A_360 = tpu.memref_slice %arg4[%mul3A_351, %dma_wait3A_359] : memref<64000x128xf32, #tpu.memory_space<hbm>> -> memref<80x128xf32, #tpu.memory_space<hbm>>
        %dma_wait3A_361 = arith.constant 0 : i32
        %dma_wait3A_362 = arith.constant 0 : i32
        %dma_wait3A_363 = tpu.memref_slice %arg6[%dma_wait3A_352, %dma_wait3A_361, %dma_wait3A_362] : memref<5x80x128xf32, #tpu.memory_space<vmem>> -> memref<1x80x128xf32, #tpu.memory_space<vmem>>
        %dma_wait3A_364 = tpu.memref_squeeze %dma_wait3A_363 : memref<1x80x128xf32, #tpu.memory_space<vmem>> -> memref<80x128xf32, #tpu.memory_space<vmem>>
        tpu.wait_dma2 semaphore(%arg15 : memref<!tpu.dma_semaphore, #tpu.memory_space<semaphore_mem>>) src(%dma_wait3A_364 : memref<80x128xf32, #tpu.memory_space<vmem>>) dst(%dma_wait3A_360 : memref<80x128xf32, #tpu.memory_space<hbm>>)
        %add3A_365 = arith.constant 5 : i32
        %add3A_366 = arith.addi %add3A_270, %add3A_365 : i32
        %dma_start3A_367 = arith.constant 3 : i32
        %dma_start3A_368 = arith.constant 0 : i32
        %dma_start3A_369 = arith.constant 0 : i32
        %dma_start3A_370 = tpu.memref_slice %arg6[%dma_start3A_367, %dma_start3A_368, %dma_start3A_369] : memref<5x80x128xf32, #tpu.memory_space<vmem>> -> memref<1x80x128xf32, #tpu.memory_space<vmem>>
        %dma_start3A_371 = tpu.memref_squeeze %dma_start3A_370 : memref<1x80x128xf32, #tpu.memory_space<vmem>> -> memref<80x128xf32, #tpu.memory_space<vmem>>
        %dma_start3A_372 = arith.constant 0 : i32
        %dma_start3A_373 = tpu.memref_slice %arg5[%add3A_366, %dma_start3A_372] : memref<25x80xi32, #tpu.memory_space<vmem>> -> memref<1x80xi32, #tpu.memory_space<vmem>>
        %dma_start3A_374 = tpu.memref_squeeze %dma_start3A_373 : memref<1x80xi32, #tpu.memory_space<vmem>> -> memref<80xi32, #tpu.memory_space<vmem>>
        %dma_start3A_375 = arith.constant 0 : i32
        %dma_start3A_376 = arith.constant 0 : i32
        %dma_start3A_377 = tpu.memref_slice %arg2[%dma_start3A_375, %dma_start3A_376] : memref<10000x128xf32, #tpu.memory_space<hbm>> -> memref<10000x128xf32, #tpu.memory_space<hbm>>
        tpu.enqueue_indirect_dma source(%dma_start3A_377 : memref<10000x128xf32, #tpu.memory_space<hbm>>) target(%dma_start3A_371 : memref<80x128xf32, #tpu.memory_space<vmem>>) offsets(%dma_start3A_374 : memref<80xi32, #tpu.memory_space<vmem>>) semaphore(%arg10 : memref<!tpu.dma_semaphore, #tpu.memory_space<semaphore_mem>>)
      } else {
      }
      %mul3A_307 = arith.constant 5 : i32
      %mul3A_308 = arith.muli %scan3A_149, %mul3A_307 : i32
      %add3A_309 = arith.constant 4 : i32
      %add3A_310 = arith.addi %mul3A_308, %add3A_309 : i32
      %dma_wait3A_311 = arith.constant 4 : i32
      %dma_wait3A_312 = arith.constant 0 : i32
      %dma_wait3A_313 = arith.constant 0 : i32
      %dma_wait3A_314 = tpu.memref_slice %arg6[%dma_wait3A_311, %dma_wait3A_312, %dma_wait3A_313] : memref<5x80x128xf32, #tpu.memory_space<vmem>> -> memref<1x80x128xf32, #tpu.memory_space<vmem>>
      %dma_wait3A_315 = tpu.memref_squeeze %dma_wait3A_314 : memref<1x80x128xf32, #tpu.memory_space<vmem>> -> memref<80x128xf32, #tpu.memory_space<vmem>>
      %dma_wait3A_316 = arith.constant 0 : i32
      %dma_wait3A_317 = tpu.memref_slice %arg5[%add3A_310, %dma_wait3A_316] : memref<25x80xi32, #tpu.memory_space<vmem>> -> memref<1x80xi32, #tpu.memory_space<vmem>>
      %dma_wait3A_318 = tpu.memref_squeeze %dma_wait3A_317 : memref<1x80xi32, #tpu.memory_space<vmem>> -> memref<80xi32, #tpu.memory_space<vmem>>
      %dma_wait3A_319 = arith.constant 0 : i32
      %dma_wait3A_320 = arith.constant 0 : i32
      %dma_wait3A_321 = tpu.memref_slice %arg2[%dma_wait3A_319, %dma_wait3A_320] : memref<10000x128xf32, #tpu.memory_space<hbm>> -> memref<10000x128xf32, #tpu.memory_space<hbm>>
      tpu.wait_indirect_dma semaphore(%arg11 : memref<!tpu.dma_semaphore, #tpu.memory_space<semaphore_mem>>) src(%dma_wait3A_321 : memref<10000x128xf32, #tpu.memory_space<hbm>>) dst(%dma_wait3A_315 : memref<80x128xf32, #tpu.memory_space<vmem>>)
      %mul3A_322 = arith.constant 32 : i32
      %mul3A_323 = arith.muli %add3A_310, %mul3A_322 : i32
      %add3A_324 = arith.addi %mul3A_323, %add3A : i32
      %mul3A_325 = arith.constant 80 : i32
      %mul3A_326 = arith.muli %add3A_324, %mul3A_325 : i32
      %dma_start3A_327 = arith.constant 4 : i32
      %dma_start3A_328 = arith.constant 0 : i32
      %dma_start3A_329 = arith.constant 0 : i32
      %dma_start3A_330 = tpu.memref_slice %arg6[%dma_start3A_327, %dma_start3A_328, %dma_start3A_329] : memref<5x80x128xf32, #tpu.memory_space<vmem>> -> memref<1x80x128xf32, #tpu.memory_space<vmem>>
      %dma_start3A_331 = tpu.memref_squeeze %dma_start3A_330 : memref<1x80x128xf32, #tpu.memory_space<vmem>> -> memref<80x128xf32, #tpu.memory_space<vmem>>
      %dma_start3A_332 = arith.constant 0 : i32
      %dma_start3A_333 = tpu.memref_slice %arg4[%mul3A_326, %dma_start3A_332] : memref<64000x128xf32, #tpu.memory_space<hbm>> -> memref<80x128xf32, #tpu.memory_space<hbm>>
      %dma_start3A_334 = arith.constant 0 : i32
      %dma_start3A_335 = tpu.memref_slice %arg4[%mul3A_326, %dma_start3A_334] : memref<64000x128xf32, #tpu.memory_space<hbm>> -> memref<80x128xf32, #tpu.memory_space<hbm>>
      %dma_start3A_336 = arith.constant 0 : i32
      %dma_start3A_337 = arith.constant 0 : i32
      %dma_start3A_338 = tpu.memref_slice %arg6[%dma_start3A_327, %dma_start3A_336, %dma_start3A_337] : memref<5x80x128xf32, #tpu.memory_space<vmem>> -> memref<1x80x128xf32, #tpu.memory_space<vmem>>
      %dma_start3A_339 = tpu.memref_squeeze %dma_start3A_338 : memref<1x80x128xf32, #tpu.memory_space<vmem>> -> memref<80x128xf32, #tpu.memory_space<vmem>>
      tpu.enqueue_dma source(%dma_start3A_339 : memref<80x128xf32, #tpu.memory_space<vmem>>) target(%dma_start3A_335 : memref<80x128xf32, #tpu.memory_space<hbm>>) target_semaphore(%arg16 : memref<!tpu.dma_semaphore, #tpu.memory_space<semaphore_mem>>)
      %add3A_340 = arith.constant 5 : i32
      %add3A_341 = arith.addi %add3A_310, %add3A_340 : i32
      %lt3A_342 = arith.constant 25 : i32
      %lt3A_343 = arith.cmpi slt, %add3A_341, %lt3A_342 : i32
      %convert_element_type3A_344 = arith.extui %lt3A_343 : i1 to i32
      %cond3A_345 = arith.constant 0 : i32
      %cond3A_346 = arith.cmpi ne, %convert_element_type3A_344, %cond3A_345 : i32
      scf.if %cond3A_346 {
        %mul3A_347 = arith.constant 32 : i32
        %mul3A_348 = arith.muli %add3A_310, %mul3A_347 : i32
        %add3A_349 = arith.addi %mul3A_348, %add3A : i32
        %mul3A_350 = arith.constant 80 : i32
        %mul3A_351 = arith.muli %add3A_349, %mul3A_350 : i32
        %dma_wait3A_352 = arith.constant 4 : i32
        %dma_wait3A_353 = arith.constant 0 : i32
        %dma_wait3A_354 = arith.constant 0 : i32
        %dma_wait3A_355 = tpu.memref_slice %arg6[%dma_wait3A_352, %dma_wait3A_353, %dma_wait3A_354] : memref<5x80x128xf32, #tpu.memory_space<vmem>> -> memref<1x80x128xf32, #tpu.memory_space<vmem>>
        %dma_wait3A_356 = tpu.memref_squeeze %dma_wait3A_355 : memref<1x80x128xf32, #tpu.memory_space<vmem>> -> memref<80x128xf32, #tpu.memory_space<vmem>>
        %dma_wait3A_357 = arith.constant 0 : i32
        %dma_wait3A_358 = tpu.memref_slice %arg4[%mul3A_351, %dma_wait3A_357] : memref<64000x128xf32, #tpu.memory_space<hbm>> -> memref<80x128xf32, #tpu.memory_space<hbm>>
        %dma_wait3A_359 = arith.constant 0 : i32
        %dma_wait3A_360 = tpu.memref_slice %arg4[%mul3A_351, %dma_wait3A_359] : memref<64000x128xf32, #tpu.memory_space<hbm>> -> memref<80x128xf32, #tpu.memory_space<hbm>>
        %dma_wait3A_361 = arith.constant 0 : i32
        %dma_wait3A_362 = arith.constant 0 : i32
        %dma_wait3A_363 = tpu.memref_slice %arg6[%dma_wait3A_352, %dma_wait3A_361, %dma_wait3A_362] : memref<5x80x128xf32, #tpu.memory_space<vmem>> -> memref<1x80x128xf32, #tpu.memory_space<vmem>>
        %dma_wait3A_364 = tpu.memref_squeeze %dma_wait3A_363 : memref<1x80x128xf32, #tpu.memory_space<vmem>> -> memref<80x128xf32, #tpu.memory_space<vmem>>
        tpu.wait_dma2 semaphore(%arg16 : memref<!tpu.dma_semaphore, #tpu.memory_space<semaphore_mem>>) src(%dma_wait3A_364 : memref<80x128xf32, #tpu.memory_space<vmem>>) dst(%dma_wait3A_360 : memref<80x128xf32, #tpu.memory_space<hbm>>)
        %add3A_365 = arith.constant 5 : i32
        %add3A_366 = arith.addi %add3A_310, %add3A_365 : i32
        %dma_start3A_367 = arith.constant 4 : i32
        %dma_start3A_368 = arith.constant 0 : i32
        %dma_start3A_369 = arith.constant 0 : i32
        %dma_start3A_370 = tpu.memref_slice %arg6[%dma_start3A_367, %dma_start3A_368, %dma_start3A_369] : memref<5x80x128xf32, #tpu.memory_space<vmem>> -> memref<1x80x128xf32, #tpu.memory_space<vmem>>
        %dma_start3A_371 = tpu.memref_squeeze %dma_start3A_370 : memref<1x80x128xf32, #tpu.memory_space<vmem>> -> memref<80x128xf32, #tpu.memory_space<vmem>>
        %dma_start3A_372 = arith.constant 0 : i32
        %dma_start3A_373 = tpu.memref_slice %arg5[%add3A_366, %dma_start3A_372] : memref<25x80xi32, #tpu.memory_space<vmem>> -> memref<1x80xi32, #tpu.memory_space<vmem>>
        %dma_start3A_374 = tpu.memref_squeeze %dma_start3A_373 : memref<1x80xi32, #tpu.memory_space<vmem>> -> memref<80xi32, #tpu.memory_space<vmem>>
        %dma_start3A_375 = arith.constant 0 : i32
        %dma_start3A_376 = arith.constant 0 : i32
        %dma_start3A_377 = tpu.memref_slice %arg2[%dma_start3A_375, %dma_start3A_376] : memref<10000x128xf32, #tpu.memory_space<hbm>> -> memref<10000x128xf32, #tpu.memory_space<hbm>>
        tpu.enqueue_indirect_dma source(%dma_start3A_377 : memref<10000x128xf32, #tpu.memory_space<hbm>>) target(%dma_start3A_371 : memref<80x128xf32, #tpu.memory_space<vmem>>) offsets(%dma_start3A_374 : memref<80xi32, #tpu.memory_space<vmem>>) semaphore(%arg11 : memref<!tpu.dma_semaphore, #tpu.memory_space<semaphore_mem>>)
      } else {
      }
    }
    %scan3A_64 = arith.constant 5 : i32
    %add3A_65 = arith.constant 640 : i32
    %add3A_66 = arith.addi %add3A_65, %add3A : i32
    %mul3A_67 = arith.constant 80 : i32
    %mul3A_68 = arith.muli %add3A_66, %mul3A_67 : i32
    %dma_wait3A = arith.constant 0 : i32
    %dma_wait3A_69 = arith.constant 0 : i32
    %dma_wait3A_70 = arith.constant 0 : i32
    %dma_wait3A_71 = tpu.memref_slice %arg6[%dma_wait3A, %dma_wait3A_69, %dma_wait3A_70] : memref<5x80x128xf32, #tpu.memory_space<vmem>> -> memref<1x80x128xf32, #tpu.memory_space<vmem>>
    %dma_wait3A_72 = tpu.memref_squeeze %dma_wait3A_71 : memref<1x80x128xf32, #tpu.memory_space<vmem>> -> memref<80x128xf32, #tpu.memory_space<vmem>>
    %dma_wait3A_73 = arith.constant 0 : i32
    %dma_wait3A_74 = tpu.memref_slice %arg4[%mul3A_68, %dma_wait3A_73] : memref<64000x128xf32, #tpu.memory_space<hbm>> -> memref<80x128xf32, #tpu.memory_space<hbm>>
    %dma_wait3A_75 = arith.constant 0 : i32
    %dma_wait3A_76 = tpu.memref_slice %arg4[%mul3A_68, %dma_wait3A_75] : memref<64000x128xf32, #tpu.memory_space<hbm>> -> memref<80x128xf32, #tpu.memory_space<hbm>>
    %dma_wait3A_77 = arith.constant 0 : i32
    %dma_wait3A_78 = arith.constant 0 : i32
    %dma_wait3A_79 = tpu.memref_slice %arg6[%dma_wait3A, %dma_wait3A_77, %dma_wait3A_78] : memref<5x80x128xf32, #tpu.memory_space<vmem>> -> memref<1x80x128xf32, #tpu.memory_space<vmem>>
    %dma_wait3A_80 = tpu.memref_squeeze %dma_wait3A_79 : memref<1x80x128xf32, #tpu.memory_space<vmem>> -> memref<80x128xf32, #tpu.memory_space<vmem>>
    tpu.wait_dma2 semaphore(%arg12 : memref<!tpu.dma_semaphore, #tpu.memory_space<semaphore_mem>>) src(%dma_wait3A_80 : memref<80x128xf32, #tpu.memory_space<vmem>>) dst(%dma_wait3A_76 : memref<80x128xf32, #tpu.memory_space<hbm>>)
    %add3A_81 = arith.constant 672 : i32
    %add3A_82 = arith.addi %add3A_81, %add3A : i32
    %mul3A_83 = arith.constant 80 : i32
    %mul3A_84 = arith.muli %add3A_82, %mul3A_83 : i32
    %dma_wait3A_85 = arith.constant 1 : i32
    %dma_wait3A_86 = arith.constant 0 : i32
    %dma_wait3A_87 = arith.constant 0 : i32
    %dma_wait3A_88 = tpu.memref_slice %arg6[%dma_wait3A_85, %dma_wait3A_86, %dma_wait3A_87] : memref<5x80x128xf32, #tpu.memory_space<vmem>> -> memref<1x80x128xf32, #tpu.memory_space<vmem>>
    %dma_wait3A_89 = tpu.memref_squeeze %dma_wait3A_88 : memref<1x80x128xf32, #tpu.memory_space<vmem>> -> memref<80x128xf32, #tpu.memory_space<vmem>>
    %dma_wait3A_90 = arith.constant 0 : i32
    %dma_wait3A_91 = tpu.memref_slice %arg4[%mul3A_84, %dma_wait3A_90] : memref<64000x128xf32, #tpu.memory_space<hbm>> -> memref<80x128xf32, #tpu.memory_space<hbm>>
    %dma_wait3A_92 = arith.constant 0 : i32
    %dma_wait3A_93 = tpu.memref_slice %arg4[%mul3A_84, %dma_wait3A_92] : memref<64000x128xf32, #tpu.memory_space<hbm>> -> memref<80x128xf32, #tpu.memory_space<hbm>>
    %dma_wait3A_94 = arith.constant 0 : i32
    %dma_wait3A_95 = arith.constant 0 : i32
    %dma_wait3A_96 = tpu.memref_slice %arg6[%dma_wait3A_85, %dma_wait3A_94, %dma_wait3A_95] : memref<5x80x128xf32, #tpu.memory_space<vmem>> -> memref<1x80x128xf32, #tpu.memory_space<vmem>>
    %dma_wait3A_97 = tpu.memref_squeeze %dma_wait3A_96 : memref<1x80x128xf32, #tpu.memory_space<vmem>> -> memref<80x128xf32, #tpu.memory_space<vmem>>
    tpu.wait_dma2 semaphore(%arg13 : memref<!tpu.dma_semaphore, #tpu.memory_space<semaphore_mem>>) src(%dma_wait3A_97 : memref<80x128xf32, #tpu.memory_space<vmem>>) dst(%dma_wait3A_93 : memref<80x128xf32, #tpu.memory_space<hbm>>)
    %add3A_98 = arith.constant 704 : i32
    %add3A_99 = arith.addi %add3A_98, %add3A : i32
    %mul3A_100 = arith.constant 80 : i32
    %mul3A_101 = arith.muli %add3A_99, %mul3A_100 : i32
    %dma_wait3A_102 = arith.constant 2 : i32
    %dma_wait3A_103 = arith.constant 0 : i32
    %dma_wait3A_104 = arith.constant 0 : i32
    %dma_wait3A_105 = tpu.memref_slice %arg6[%dma_wait3A_102, %dma_wait3A_103, %dma_wait3A_104] : memref<5x80x128xf32, #tpu.memory_space<vmem>> -> memref<1x80x128xf32, #tpu.memory_space<vmem>>
    %dma_wait3A_106 = tpu.memref_squeeze %dma_wait3A_105 : memref<1x80x128xf32, #tpu.memory_space<vmem>> -> memref<80x128xf32, #tpu.memory_space<vmem>>
    %dma_wait3A_107 = arith.constant 0 : i32
    %dma_wait3A_108 = tpu.memref_slice %arg4[%mul3A_101, %dma_wait3A_107] : memref<64000x128xf32, #tpu.memory_space<hbm>> -> memref<80x128xf32, #tpu.memory_space<hbm>>
    %dma_wait3A_109 = arith.constant 0 : i32
    %dma_wait3A_110 = tpu.memref_slice %arg4[%mul3A_101, %dma_wait3A_109] : memref<64000x128xf32, #tpu.memory_space<hbm>> -> memref<80x128xf32, #tpu.memory_space<hbm>>
    %dma_wait3A_111 = arith.constant 0 : i32
    %dma_wait3A_112 = arith.constant 0 : i32
    %dma_wait3A_113 = tpu.memref_slice %arg6[%dma_wait3A_102, %dma_wait3A_111, %dma_wait3A_112] : memref<5x80x128xf32, #tpu.memory_space<vmem>> -> memref<1x80x128xf32, #tpu.memory_space<vmem>>
    %dma_wait3A_114 = tpu.memref_squeeze %dma_wait3A_113 : memref<1x80x128xf32, #tpu.memory_space<vmem>> -> memref<80x128xf32, #tpu.memory_space<vmem>>
    tpu.wait_dma2 semaphore(%arg14 : memref<!tpu.dma_semaphore, #tpu.memory_space<semaphore_mem>>) src(%dma_wait3A_114 : memref<80x128xf32, #tpu.memory_space<vmem>>) dst(%dma_wait3A_110 : memref<80x128xf32, #tpu.memory_space<hbm>>)
    %add3A_115 = arith.constant 736 : i32
    %add3A_116 = arith.addi %add3A_115, %add3A : i32
    %mul3A_117 = arith.constant 80 : i32
    %mul3A_118 = arith.muli %add3A_116, %mul3A_117 : i32
    %dma_wait3A_119 = arith.constant 3 : i32
    %dma_wait3A_120 = arith.constant 0 : i32
    %dma_wait3A_121 = arith.constant 0 : i32
    %dma_wait3A_122 = tpu.memref_slice %arg6[%dma_wait3A_119, %dma_wait3A_120, %dma_wait3A_121] : memref<5x80x128xf32, #tpu.memory_space<vmem>> -> memref<1x80x128xf32, #tpu.memory_space<vmem>>
    %dma_wait3A_123 = tpu.memref_squeeze %dma_wait3A_122 : memref<1x80x128xf32, #tpu.memory_space<vmem>> -> memref<80x128xf32, #tpu.memory_space<vmem>>
    %dma_wait3A_124 = arith.constant 0 : i32
    %dma_wait3A_125 = tpu.memref_slice %arg4[%mul3A_118, %dma_wait3A_124] : memref<64000x128xf32, #tpu.memory_space<hbm>> -> memref<80x128xf32, #tpu.memory_space<hbm>>
    %dma_wait3A_126 = arith.constant 0 : i32
    %dma_wait3A_127 = tpu.memref_slice %arg4[%mul3A_118, %dma_wait3A_126] : memref<64000x128xf32, #tpu.memory_space<hbm>> -> memref<80x128xf32, #tpu.memory_space<hbm>>
    %dma_wait3A_128 = arith.constant 0 : i32
    %dma_wait3A_129 = arith.constant 0 : i32
    %dma_wait3A_130 = tpu.memref_slice %arg6[%dma_wait3A_119, %dma_wait3A_128, %dma_wait3A_129] : memref<5x80x128xf32, #tpu.memory_space<vmem>> -> memref<1x80x128xf32, #tpu.memory_space<vmem>>
    %dma_wait3A_131 = tpu.memref_squeeze %dma_wait3A_130 : memref<1x80x128xf32, #tpu.memory_space<vmem>> -> memref<80x128xf32, #tpu.memory_space<vmem>>
    tpu.wait_dma2 semaphore(%arg15 : memref<!tpu.dma_semaphore, #tpu.memory_space<semaphore_mem>>) src(%dma_wait3A_131 : memref<80x128xf32, #tpu.memory_space<vmem>>) dst(%dma_wait3A_127 : memref<80x128xf32, #tpu.memory_space<hbm>>)
    %add3A_132 = arith.constant 768 : i32
    %add3A_133 = arith.addi %add3A_132, %add3A : i32
    %mul3A_134 = arith.constant 80 : i32
    %mul3A_135 = arith.muli %add3A_133, %mul3A_134 : i32
    %dma_wait3A_136 = arith.constant 4 : i32
    %dma_wait3A_137 = arith.constant 0 : i32
    %dma_wait3A_138 = arith.constant 0 : i32
    %dma_wait3A_139 = tpu.memref_slice %arg6[%dma_wait3A_136, %dma_wait3A_137, %dma_wait3A_138] : memref<5x80x128xf32, #tpu.memory_space<vmem>> -> memref<1x80x128xf32, #tpu.memory_space<vmem>>
    %dma_wait3A_140 = tpu.memref_squeeze %dma_wait3A_139 : memref<1x80x128xf32, #tpu.memory_space<vmem>> -> memref<80x128xf32, #tpu.memory_space<vmem>>
    %dma_wait3A_141 = arith.constant 0 : i32
    %dma_wait3A_142 = tpu.memref_slice %arg4[%mul3A_135, %dma_wait3A_141] : memref<64000x128xf32, #tpu.memory_space<hbm>> -> memref<80x128xf32, #tpu.memory_space<hbm>>
    %dma_wait3A_143 = arith.constant 0 : i32
    %dma_wait3A_144 = tpu.memref_slice %arg4[%mul3A_135, %dma_wait3A_143] : memref<64000x128xf32, #tpu.memory_space<hbm>> -> memref<80x128xf32, #tpu.memory_space<hbm>>
    %dma_wait3A_145 = arith.constant 0 : i32
    %dma_wait3A_146 = arith.constant 0 : i32
    %dma_wait3A_147 = tpu.memref_slice %arg6[%dma_wait3A_136, %dma_wait3A_145, %dma_wait3A_146] : memref<5x80x128xf32, #tpu.memory_space<vmem>> -> memref<1x80x128xf32, #tpu.memory_space<vmem>>
    %dma_wait3A_148 = tpu.memref_squeeze %dma_wait3A_147 : memref<1x80x128xf32, #tpu.memory_space<vmem>> -> memref<80x128xf32, #tpu.memory_space<vmem>>
    tpu.wait_dma2 semaphore(%arg16 : memref<!tpu.dma_semaphore, #tpu.memory_space<semaphore_mem>>) src(%dma_wait3A_148 : memref<80x128xf32, #tpu.memory_space<vmem>>) dst(%dma_wait3A_144 : memref<80x128xf32, #tpu.memory_space<hbm>>)
    return
  }
}

#map = affine_map<(d0, d1) -> (0, 0)>
#map1 = affine_map<(d0, d1) -> (0, 0, 0)>
module attributes {stable_mosaic.version = 14 : i64} {
  func.func @body(%arg0: i32, %arg1: i32, %arg2: memref<10000x128xf32, #tpu.memory_space<hbm>>, %arg3: memref<32x25x80xi32, #tpu.memory_space<hbm>>, %arg4: memref<64000x128xf32, #tpu.memory_space<hbm>>, %arg5: memref<25x80xi32, #tpu.memory_space<vmem>>, %arg6: memref<5x80x128xf32, #tpu.memory_space<vmem>>, %arg7: memref<!tpu.dma_semaphore, #tpu.memory_space<semaphore_mem>>, %arg8: memref<!tpu.dma_semaphore, #tpu.memory_space<semaphore_mem>>, %arg9: memref<!tpu.dma_semaphore, #tpu.memory_space<semaphore_mem>>, %arg10: memref<!tpu.dma_semaphore, #tpu.memory_space<semaphore_mem>>, %arg11: memref<!tpu.dma_semaphore, #tpu.memory_space<semaphore_mem>>, %arg12: memref<!tpu.dma_semaphore, #tpu.memory_space<semaphore_mem>>, %arg13: memref<!tpu.dma_semaphore, #tpu.memory_space<semaphore_mem>>, %arg14: memref<!tpu.dma_semaphore, #tpu.memory_space<semaphore_mem>>, %arg15: memref<!tpu.dma_semaphore, #tpu.memory_space<semaphore_mem>>, %arg16: memref<!tpu.dma_semaphore, #tpu.memory_space<semaphore_mem>>) attributes {dimension_semantics = [#tpu.dimension_semantics<core_parallel>, #tpu.dimension_semantics<subcore_parallel>], iteration_bounds = array<i64: 2, 16>, scalar_prefetch = 0 : i64, scratch_operands = 12 : i64, tpu.core_type = #tpu.core_type<sc_vector_subcore>, window_params = [{transform_indices = #map}, {transform_indices = #map1}, {transform_indices = #map}]} {
    %mul3A = arith.constant 2 : i32
    %mul3A_0 = arith.muli %arg1, %mul3A : i32
    %add3A = arith.addi %mul3A_0, %arg0 : i32
    "tpu.region"() ({
      %run_scoped3A = tpu.sem_alloc : memref<!tpu.dma_semaphore, #tpu.memory_space<semaphore_mem>>
      %dma_start3A_149 = arith.constant 0 : i32
      %dma_start3A_150 = arith.constant 0 : i32
      %dma_start3A_151 = tpu.memref_slice %arg3[%add3A, %dma_start3A_149, %dma_start3A_150] : memref<32x25x80xi32, #tpu.memory_space<hbm>> -> memref<1x25x80xi32, #tpu.memory_space<hbm>>
      %dma_start3A_152 = tpu.memref_squeeze %dma_start3A_151 : memref<1x25x80xi32, #tpu.memory_space<hbm>> -> memref<25x80xi32, #tpu.memory_space<hbm>>
      %dma_start3A_153 = arith.constant 0 : i32
      %dma_start3A_154 = arith.constant 0 : i32
      %dma_start3A_155 = tpu.memref_slice %arg3[%add3A, %dma_start3A_153, %dma_start3A_154] : memref<32x25x80xi32, #tpu.memory_space<hbm>> -> memref<1x25x80xi32, #tpu.memory_space<hbm>>
      %dma_start3A_156 = tpu.memref_squeeze %dma_start3A_155 : memref<1x25x80xi32, #tpu.memory_space<hbm>> -> memref<25x80xi32, #tpu.memory_space<hbm>>
      tpu.enqueue_dma source(%dma_start3A_156 : memref<25x80xi32, #tpu.memory_space<hbm>>) target(%arg5 : memref<25x80xi32, #tpu.memory_space<vmem>>) target_semaphore(%run_scoped3A : memref<!tpu.dma_semaphore, #tpu.memory_space<semaphore_mem>>)
      %dma_wait3A_157 = arith.constant 0 : i32
      %dma_wait3A_158 = arith.constant 0 : i32
      %dma_wait3A_159 = tpu.memref_slice %arg3[%add3A, %dma_wait3A_157, %dma_wait3A_158] : memref<32x25x80xi32, #tpu.memory_space<hbm>> -> memref<1x25x80xi32, #tpu.memory_space<hbm>>
      %dma_wait3A_160 = tpu.memref_squeeze %dma_wait3A_159 : memref<1x25x80xi32, #tpu.memory_space<hbm>> -> memref<25x80xi32, #tpu.memory_space<hbm>>
      %dma_wait3A_161 = arith.constant 0 : i32
      %dma_wait3A_162 = arith.constant 0 : i32
      %dma_wait3A_163 = tpu.memref_slice %arg3[%add3A, %dma_wait3A_161, %dma_wait3A_162] : memref<32x25x80xi32, #tpu.memory_space<hbm>> -> memref<1x25x80xi32, #tpu.memory_space<hbm>>
      %dma_wait3A_164 = tpu.memref_squeeze %dma_wait3A_163 : memref<1x25x80xi32, #tpu.memory_space<hbm>> -> memref<25x80xi32, #tpu.memory_space<hbm>>
      tpu.wait_dma2 semaphore(%run_scoped3A : memref<!tpu.dma_semaphore, #tpu.memory_space<semaphore_mem>>) src(%dma_wait3A_164 : memref<25x80xi32, #tpu.memory_space<hbm>>) dst(%arg5 : memref<25x80xi32, #tpu.memory_space<vmem>>)
      tpu.yield
    }) : () -> ()
    %dma_start3A = arith.constant 0 : i32
    %dma_start3A_1 = arith.constant 0 : i32
    %dma_start3A_2 = arith.constant 0 : i32
    %dma_start3A_3 = arith.constant 0 : i32
    %dma_start3A_4 = tpu.memref_slice %arg6[%dma_start3A_1, %dma_start3A_2, %dma_start3A_3] : memref<5x80x128xf32, #tpu.memory_space<vmem>> -> memref<1x80x128xf32, #tpu.memory_space<vmem>>
    %dma_start3A_5 = tpu.memref_squeeze %dma_start3A_4 : memref<1x80x128xf32, #tpu.memory_space<vmem>> -> memref<80x128xf32, #tpu.memory_space<vmem>>
    %dma_start3A_6 = arith.constant 0 : i32
    %dma_start3A_7 = tpu.memref_slice %arg5[%dma_start3A, %dma_start3A_6] : memref<25x80xi32, #tpu.memory_space<vmem>> -> memref<1x80xi32, #tpu.memory_space<vmem>>
    %dma_start3A_8 = tpu.memref_squeeze %dma_start3A_7 : memref<1x80xi32, #tpu.memory_space<vmem>> -> memref<80xi32, #tpu.memory_space<vmem>>
    %dma_start3A_9 = arith.constant 0 : i32
    %dma_start3A_10 = arith.constant 0 : i32
    %dma_start3A_11 = tpu.memref_slice %arg2[%dma_start3A_9, %dma_start3A_10] : memref<10000x128xf32, #tpu.memory_space<hbm>> -> memref<10000x128xf32, #tpu.memory_space<hbm>>
    tpu.enqueue_indirect_dma source(%dma_start3A_11 : memref<10000x128xf32, #tpu.memory_space<hbm>>) target(%dma_start3A_5 : memref<80x128xf32, #tpu.memory_space<vmem>>) offsets(%dma_start3A_8 : memref<80xi32, #tpu.memory_space<vmem>>) semaphore(%arg7 : memref<!tpu.dma_semaphore, #tpu.memory_space<semaphore_mem>>)
    %dma_start3A_12 = arith.constant 1 : i32
    %dma_start3A_13 = arith.constant 1 : i32
    %dma_start3A_14 = arith.constant 0 : i32
    %dma_start3A_15 = arith.constant 0 : i32
    %dma_start3A_16 = tpu.memref_slice %arg6[%dma_start3A_13, %dma_start3A_14, %dma_start3A_15] : memref<5x80x128xf32, #tpu.memory_space<vmem>> -> memref<1x80x128xf32, #tpu.memory_space<vmem>>
    %dma_start3A_17 = tpu.memref_squeeze %dma_start3A_16 : memref<1x80x128xf32, #tpu.memory_space<vmem>> -> memref<80x128xf32, #tpu.memory_space<vmem>>
    %dma_start3A_18 = arith.constant 0 : i32
    %dma_start3A_19 = tpu.memref_slice %arg5[%dma_start3A_12, %dma_start3A_18] : memref<25x80xi32, #tpu.memory_space<vmem>> -> memref<1x80xi32, #tpu.memory_space<vmem>>
    %dma_start3A_20 = tpu.memref_squeeze %dma_start3A_19 : memref<1x80xi32, #tpu.memory_space<vmem>> -> memref<80xi32, #tpu.memory_space<vmem>>
    %dma_start3A_21 = arith.constant 0 : i32
    %dma_start3A_22 = arith.constant 0 : i32
    %dma_start3A_23 = tpu.memref_slice %arg2[%dma_start3A_21, %dma_start3A_22] : memref<10000x128xf32, #tpu.memory_space<hbm>> -> memref<10000x128xf32, #tpu.memory_space<hbm>>
    tpu.enqueue_indirect_dma source(%dma_start3A_23 : memref<10000x128xf32, #tpu.memory_space<hbm>>) target(%dma_start3A_17 : memref<80x128xf32, #tpu.memory_space<vmem>>) offsets(%dma_start3A_20 : memref<80xi32, #tpu.memory_space<vmem>>) semaphore(%arg8 : memref<!tpu.dma_semaphore, #tpu.memory_space<semaphore_mem>>)
    %dma_start3A_24 = arith.constant 2 : i32
    %dma_start3A_25 = arith.constant 2 : i32
    %dma_start3A_26 = arith.constant 0 : i32
    %dma_start3A_27 = arith.constant 0 : i32
    %dma_start3A_28 = tpu.memref_slice %arg6[%dma_start3A_25, %dma_start3A_26, %dma_start3A_27] : memref<5x80x128xf32, #tpu.memory_space<vmem>> -> memref<1x80x128xf32, #tpu.memory_space<vmem>>
    %dma_start3A_29 = tpu.memref_squeeze %dma_start3A_28 : memref<1x80x128xf32, #tpu.memory_space<vmem>> -> memref<80x128xf32, #tpu.memory_space<vmem>>
    %dma_start3A_30 = arith.constant 0 : i32
    %dma_start3A_31 = tpu.memref_slice %arg5[%dma_start3A_24, %dma_start3A_30] : memref<25x80xi32, #tpu.memory_space<vmem>> -> memref<1x80xi32, #tpu.memory_space<vmem>>
    %dma_start3A_32 = tpu.memref_squeeze %dma_start3A_31 : memref<1x80xi32, #tpu.memory_space<vmem>> -> memref<80xi32, #tpu.memory_space<vmem>>
    %dma_start3A_33 = arith.constant 0 : i32
    %dma_start3A_34 = arith.constant 0 : i32
    %dma_start3A_35 = tpu.memref_slice %arg2[%dma_start3A_33, %dma_start3A_34] : memref<10000x128xf32, #tpu.memory_space<hbm>> -> memref<10000x128xf32, #tpu.memory_space<hbm>>
    tpu.enqueue_indirect_dma source(%dma_start3A_35 : memref<10000x128xf32, #tpu.memory_space<hbm>>) target(%dma_start3A_29 : memref<80x128xf32, #tpu.memory_space<vmem>>) offsets(%dma_start3A_32 : memref<80xi32, #tpu.memory_space<vmem>>) semaphore(%arg9 : memref<!tpu.dma_semaphore, #tpu.memory_space<semaphore_mem>>)
    %dma_start3A_36 = arith.constant 3 : i32
    %dma_start3A_37 = arith.constant 3 : i32
    %dma_start3A_38 = arith.constant 0 : i32
    %dma_start3A_39 = arith.constant 0 : i32
    %dma_start3A_40 = tpu.memref_slice %arg6[%dma_start3A_37, %dma_start3A_38, %dma_start3A_39] : memref<5x80x128xf32, #tpu.memory_space<vmem>> -> memref<1x80x128xf32, #tpu.memory_space<vmem>>
    %dma_start3A_41 = tpu.memref_squeeze %dma_start3A_40 : memref<1x80x128xf32, #tpu.memory_space<vmem>> -> memref<80x128xf32, #tpu.memory_space<vmem>>
    %dma_start3A_42 = arith.constant 0 : i32
    %dma_start3A_43 = tpu.memref_slice %arg5[%dma_start3A_36, %dma_start3A_42] : memref<25x80xi32, #tpu.memory_space<vmem>> -> memref<1x80xi32, #tpu.memory_space<vmem>>
    %dma_start3A_44 = tpu.memref_squeeze %dma_start3A_43 : memref<1x80xi32, #tpu.memory_space<vmem>> -> memref<80xi32, #tpu.memory_space<vmem>>
    %dma_start3A_45 = arith.constant 0 : i32
    %dma_start3A_46 = arith.constant 0 : i32
    %dma_start3A_47 = tpu.memref_slice %arg2[%dma_start3A_45, %dma_start3A_46] : memref<10000x128xf32, #tpu.memory_space<hbm>> -> memref<10000x128xf32, #tpu.memory_space<hbm>>
    tpu.enqueue_indirect_dma source(%dma_start3A_47 : memref<10000x128xf32, #tpu.memory_space<hbm>>) target(%dma_start3A_41 : memref<80x128xf32, #tpu.memory_space<vmem>>) offsets(%dma_start3A_44 : memref<80xi32, #tpu.memory_space<vmem>>) semaphore(%arg10 : memref<!tpu.dma_semaphore, #tpu.memory_space<semaphore_mem>>)
    %dma_start3A_48 = arith.constant 4 : i32
    %dma_start3A_49 = arith.constant 4 : i32
    %dma_start3A_50 = arith.constant 0 : i32
    %dma_start3A_51 = arith.constant 0 : i32
    %dma_start3A_52 = tpu.memref_slice %arg6[%dma_start3A_49, %dma_start3A_50, %dma_start3A_51] : memref<5x80x128xf32, #tpu.memory_space<vmem>> -> memref<1x80x128xf32, #tpu.memory_space<vmem>>
    %dma_start3A_53 = tpu.memref_squeeze %dma_start3A_52 : memref<1x80x128xf32, #tpu.memory_space<vmem>> -> memref<80x128xf32, #tpu.memory_space<vmem>>
    %dma_start3A_54 = arith.constant 0 : i32
    %dma_start3A_55 = tpu.memref_slice %arg5[%dma_start3A_48, %dma_start3A_54] : memref<25x80xi32, #tpu.memory_space<vmem>> -> memref<1x80xi32, #tpu.memory_space<vmem>>
    %dma_start3A_56 = tpu.memref_squeeze %dma_start3A_55 : memref<1x80xi32, #tpu.memory_space<vmem>> -> memref<80xi32, #tpu.memory_space<vmem>>
    %dma_start3A_57 = arith.constant 0 : i32
    %dma_start3A_58 = arith.constant 0 : i32
    %dma_start3A_59 = tpu.memref_slice %arg2[%dma_start3A_57, %dma_start3A_58] : memref<10000x128xf32, #tpu.memory_space<hbm>> -> memref<10000x128xf32, #tpu.memory_space<hbm>>
    tpu.enqueue_indirect_dma source(%dma_start3A_59 : memref<10000x128xf32, #tpu.memory_space<hbm>>) target(%dma_start3A_53 : memref<80x128xf32, #tpu.memory_space<vmem>>) offsets(%dma_start3A_56 : memref<80xi32, #tpu.memory_space<vmem>>) semaphore(%arg11 : memref<!tpu.dma_semaphore, #tpu.memory_space<semaphore_mem>>)
    %scan3A = arith.constant 0 : i32
    %scan3A_60 = arith.constant 0 : i32
    %scan3A_61 = arith.constant 5 : i32
    %scan3A_62 = arith.addi %scan3A_60, %scan3A_61 : i32
    %scan3A_63 = arith.constant 1 : i32
    scf.for %scan3A_149 = %scan3A_60 to %scan3A_62 step %scan3A_63  : i32 {
      %mul3A_150 = arith.constant 5 : i32
      %mul3A_151 = arith.muli %scan3A_149, %mul3A_150 : i32
      %add3A_152 = arith.constant 0 : i32
      %add3A_153 = arith.addi %mul3A_151, %add3A_152 : i32
      %dma_wait3A_154 = arith.constant 0 : i32
      %dma_wait3A_155 = arith.constant 0 : i32
      %dma_wait3A_156 = arith.constant 0 : i32
      %dma_wait3A_157 = tpu.memref_slice %arg6[%dma_wait3A_154, %dma_wait3A_155, %dma_wait3A_156] : memref<5x80x128xf32, #tpu.memory_space<vmem>> -> memref<1x80x128xf32, #tpu.memory_space<vmem>>
      %dma_wait3A_158 = tpu.memref_squeeze %dma_wait3A_157 : memref<1x80x128xf32, #tpu.memory_space<vmem>> -> memref<80x128xf32, #tpu.memory_space<vmem>>
      %dma_wait3A_159 = arith.constant 0 : i32
      %dma_wait3A_160 = tpu.memref_slice %arg5[%add3A_153, %dma_wait3A_159] : memref<25x80xi32, #tpu.memory_space<vmem>> -> memref<1x80xi32, #tpu.memory_space<vmem>>
      %dma_wait3A_161 = tpu.memref_squeeze %dma_wait3A_160 : memref<1x80xi32, #tpu.memory_space<vmem>> -> memref<80xi32, #tpu.memory_space<vmem>>
      %dma_wait3A_162 = arith.constant 0 : i32
      %dma_wait3A_163 = arith.constant 0 : i32
      %dma_wait3A_164 = tpu.memref_slice %arg2[%dma_wait3A_162, %dma_wait3A_163] : memref<10000x128xf32, #tpu.memory_space<hbm>> -> memref<10000x128xf32, #tpu.memory_space<hbm>>
      tpu.wait_indirect_dma semaphore(%arg7 : memref<!tpu.dma_semaphore, #tpu.memory_space<semaphore_mem>>) src(%dma_wait3A_164 : memref<10000x128xf32, #tpu.memory_space<hbm>>) dst(%dma_wait3A_158 : memref<80x128xf32, #tpu.memory_space<vmem>>)
      %mul3A_165 = arith.constant 32 : i32
      %mul3A_166 = arith.muli %add3A_153, %mul3A_165 : i32
      %add3A_167 = arith.addi %mul3A_166, %add3A : i32
      %mul3A_168 = arith.constant 80 : i32
      %mul3A_169 = arith.muli %add3A_167, %mul3A_168 : i32
      %dma_start3A_170 = arith.constant 0 : i32
      %dma_start3A_171 = arith.constant 0 : i32
      %dma_start3A_172 = arith.constant 0 : i32
      %dma_start3A_173 = tpu.memref_slice %arg6[%dma_start3A_170, %dma_start3A_171, %dma_start3A_172] : memref<5x80x128xf32, #tpu.memory_space<vmem>> -> memref<1x80x128xf32, #tpu.memory_space<vmem>>
      %dma_start3A_174 = tpu.memref_squeeze %dma_start3A_173 : memref<1x80x128xf32, #tpu.memory_space<vmem>> -> memref<80x128xf32, #tpu.memory_space<vmem>>
      %dma_start3A_175 = arith.constant 0 : i32
      %dma_start3A_176 = tpu.memref_slice %arg4[%mul3A_169, %dma_start3A_175] : memref<64000x128xf32, #tpu.memory_space<hbm>> -> memref<80x128xf32, #tpu.memory_space<hbm>>
      %dma_start3A_177 = arith.constant 0 : i32
      %dma_start3A_178 = tpu.memref_slice %arg4[%mul3A_169, %dma_start3A_177] : memref<64000x128xf32, #tpu.memory_space<hbm>> -> memref<80x128xf32, #tpu.memory_space<hbm>>
      %dma_start3A_179 = arith.constant 0 : i32
      %dma_start3A_180 = arith.constant 0 : i32
      %dma_start3A_181 = tpu.memref_slice %arg6[%dma_start3A_170, %dma_start3A_179, %dma_start3A_180] : memref<5x80x128xf32, #tpu.memory_space<vmem>> -> memref<1x80x128xf32, #tpu.memory_space<vmem>>
      %dma_start3A_182 = tpu.memref_squeeze %dma_start3A_181 : memref<1x80x128xf32, #tpu.memory_space<vmem>> -> memref<80x128xf32, #tpu.memory_space<vmem>>
      tpu.enqueue_dma source(%dma_start3A_182 : memref<80x128xf32, #tpu.memory_space<vmem>>) target(%dma_start3A_178 : memref<80x128xf32, #tpu.memory_space<hbm>>) target_semaphore(%arg12 : memref<!tpu.dma_semaphore, #tpu.memory_space<semaphore_mem>>)
      %add3A_183 = arith.constant 5 : i32
      %add3A_184 = arith.addi %add3A_153, %add3A_183 : i32
      %lt3A = arith.constant 25 : i32
      %lt3A_185 = arith.cmpi slt, %add3A_184, %lt3A : i32
      %convert_element_type3A = arith.extui %lt3A_185 : i1 to i32
      %cond3A = arith.constant 0 : i32
      %cond3A_186 = arith.cmpi ne, %convert_element_type3A, %cond3A : i32
      scf.if %cond3A_186 {
        %mul3A_347 = arith.constant 32 : i32
        %mul3A_348 = arith.muli %add3A_153, %mul3A_347 : i32
        %add3A_349 = arith.addi %mul3A_348, %add3A : i32
        %mul3A_350 = arith.constant 80 : i32
        %mul3A_351 = arith.muli %add3A_349, %mul3A_350 : i32
        %dma_wait3A_352 = arith.constant 0 : i32
        %dma_wait3A_353 = arith.constant 0 : i32
        %dma_wait3A_354 = arith.constant 0 : i32
        %dma_wait3A_355 = tpu.memref_slice %arg6[%dma_wait3A_352, %dma_wait3A_353, %dma_wait3A_354] : memref<5x80x128xf32, #tpu.memory_space<vmem>> -> memref<1x80x128xf32, #tpu.memory_space<vmem>>
        %dma_wait3A_356 = tpu.memref_squeeze %dma_wait3A_355 : memref<1x80x128xf32, #tpu.memory_space<vmem>> -> memref<80x128xf32, #tpu.memory_space<vmem>>
        %dma_wait3A_357 = arith.constant 0 : i32
        %dma_wait3A_358 = tpu.memref_slice %arg4[%mul3A_351, %dma_wait3A_357] : memref<64000x128xf32, #tpu.memory_space<hbm>> -> memref<80x128xf32, #tpu.memory_space<hbm>>
        %dma_wait3A_359 = arith.constant 0 : i32
        %dma_wait3A_360 = tpu.memref_slice %arg4[%mul3A_351, %dma_wait3A_359] : memref<64000x128xf32, #tpu.memory_space<hbm>> -> memref<80x128xf32, #tpu.memory_space<hbm>>
        %dma_wait3A_361 = arith.constant 0 : i32
        %dma_wait3A_362 = arith.constant 0 : i32
        %dma_wait3A_363 = tpu.memref_slice %arg6[%dma_wait3A_352, %dma_wait3A_361, %dma_wait3A_362] : memref<5x80x128xf32, #tpu.memory_space<vmem>> -> memref<1x80x128xf32, #tpu.memory_space<vmem>>
        %dma_wait3A_364 = tpu.memref_squeeze %dma_wait3A_363 : memref<1x80x128xf32, #tpu.memory_space<vmem>> -> memref<80x128xf32, #tpu.memory_space<vmem>>
        tpu.wait_dma2 semaphore(%arg12 : memref<!tpu.dma_semaphore, #tpu.memory_space<semaphore_mem>>) src(%dma_wait3A_364 : memref<80x128xf32, #tpu.memory_space<vmem>>) dst(%dma_wait3A_360 : memref<80x128xf32, #tpu.memory_space<hbm>>)
        %add3A_365 = arith.constant 5 : i32
        %add3A_366 = arith.addi %add3A_153, %add3A_365 : i32
        %dma_start3A_367 = arith.constant 0 : i32
        %dma_start3A_368 = arith.constant 0 : i32
        %dma_start3A_369 = arith.constant 0 : i32
        %dma_start3A_370 = tpu.memref_slice %arg6[%dma_start3A_367, %dma_start3A_368, %dma_start3A_369] : memref<5x80x128xf32, #tpu.memory_space<vmem>> -> memref<1x80x128xf32, #tpu.memory_space<vmem>>
        %dma_start3A_371 = tpu.memref_squeeze %dma_start3A_370 : memref<1x80x128xf32, #tpu.memory_space<vmem>> -> memref<80x128xf32, #tpu.memory_space<vmem>>
        %dma_start3A_372 = arith.constant 0 : i32
        %dma_start3A_373 = tpu.memref_slice %arg5[%add3A_366, %dma_start3A_372] : memref<25x80xi32, #tpu.memory_space<vmem>> -> memref<1x80xi32, #tpu.memory_space<vmem>>
        %dma_start3A_374 = tpu.memref_squeeze %dma_start3A_373 : memref<1x80xi32, #tpu.memory_space<vmem>> -> memref<80xi32, #tpu.memory_space<vmem>>
        %dma_start3A_375 = arith.constant 0 : i32
        %dma_start3A_376 = arith.constant 0 : i32
        %dma_start3A_377 = tpu.memref_slice %arg2[%dma_start3A_375, %dma_start3A_376] : memref<10000x128xf32, #tpu.memory_space<hbm>> -> memref<10000x128xf32, #tpu.memory_space<hbm>>
        tpu.enqueue_indirect_dma source(%dma_start3A_377 : memref<10000x128xf32, #tpu.memory_space<hbm>>) target(%dma_start3A_371 : memref<80x128xf32, #tpu.memory_space<vmem>>) offsets(%dma_start3A_374 : memref<80xi32, #tpu.memory_space<vmem>>) semaphore(%arg7 : memref<!tpu.dma_semaphore, #tpu.memory_space<semaphore_mem>>)
      } else {
      }
      %mul3A_187 = arith.constant 5 : i32
      %mul3A_188 = arith.muli %scan3A_149, %mul3A_187 : i32
      %add3A_189 = arith.constant 1 : i32
      %add3A_190 = arith.addi %mul3A_188, %add3A_189 : i32
      %dma_wait3A_191 = arith.constant 1 : i32
      %dma_wait3A_192 = arith.constant 0 : i32
      %dma_wait3A_193 = arith.constant 0 : i32
      %dma_wait3A_194 = tpu.memref_slice %arg6[%dma_wait3A_191, %dma_wait3A_192, %dma_wait3A_193] : memref<5x80x128xf32, #tpu.memory_space<vmem>> -> memref<1x80x128xf32, #tpu.memory_space<vmem>>
      %dma_wait3A_195 = tpu.memref_squeeze %dma_wait3A_194 : memref<1x80x128xf32, #tpu.memory_space<vmem>> -> memref<80x128xf32, #tpu.memory_space<vmem>>
      %dma_wait3A_196 = arith.constant 0 : i32
      %dma_wait3A_197 = tpu.memref_slice %arg5[%add3A_190, %dma_wait3A_196] : memref<25x80xi32, #tpu.memory_space<vmem>> -> memref<1x80xi32, #tpu.memory_space<vmem>>
      %dma_wait3A_198 = tpu.memref_squeeze %dma_wait3A_197 : memref<1x80xi32, #tpu.memory_space<vmem>> -> memref<80xi32, #tpu.memory_space<vmem>>
      %dma_wait3A_199 = arith.constant 0 : i32
      %dma_wait3A_200 = arith.constant 0 : i32
      %dma_wait3A_201 = tpu.memref_slice %arg2[%dma_wait3A_199, %dma_wait3A_200] : memref<10000x128xf32, #tpu.memory_space<hbm>> -> memref<10000x128xf32, #tpu.memory_space<hbm>>
      tpu.wait_indirect_dma semaphore(%arg8 : memref<!tpu.dma_semaphore, #tpu.memory_space<semaphore_mem>>) src(%dma_wait3A_201 : memref<10000x128xf32, #tpu.memory_space<hbm>>) dst(%dma_wait3A_195 : memref<80x128xf32, #tpu.memory_space<vmem>>)
      %mul3A_202 = arith.constant 32 : i32
      %mul3A_203 = arith.muli %add3A_190, %mul3A_202 : i32
      %add3A_204 = arith.addi %mul3A_203, %add3A : i32
      %mul3A_205 = arith.constant 80 : i32
      %mul3A_206 = arith.muli %add3A_204, %mul3A_205 : i32
      %dma_start3A_207 = arith.constant 1 : i32
      %dma_start3A_208 = arith.constant 0 : i32
      %dma_start3A_209 = arith.constant 0 : i32
      %dma_start3A_210 = tpu.memref_slice %arg6[%dma_start3A_207, %dma_start3A_208, %dma_start3A_209] : memref<5x80x128xf32, #tpu.memory_space<vmem>> -> memref<1x80x128xf32, #tpu.memory_space<vmem>>
      %dma_start3A_211 = tpu.memref_squeeze %dma_start3A_210 : memref<1x80x128xf32, #tpu.memory_space<vmem>> -> memref<80x128xf32, #tpu.memory_space<vmem>>
      %dma_start3A_212 = arith.constant 0 : i32
      %dma_start3A_213 = tpu.memref_slice %arg4[%mul3A_206, %dma_start3A_212] : memref<64000x128xf32, #tpu.memory_space<hbm>> -> memref<80x128xf32, #tpu.memory_space<hbm>>
      %dma_start3A_214 = arith.constant 0 : i32
      %dma_start3A_215 = tpu.memref_slice %arg4[%mul3A_206, %dma_start3A_214] : memref<64000x128xf32, #tpu.memory_space<hbm>> -> memref<80x128xf32, #tpu.memory_space<hbm>>
      %dma_start3A_216 = arith.constant 0 : i32
      %dma_start3A_217 = arith.constant 0 : i32
      %dma_start3A_218 = tpu.memref_slice %arg6[%dma_start3A_207, %dma_start3A_216, %dma_start3A_217] : memref<5x80x128xf32, #tpu.memory_space<vmem>> -> memref<1x80x128xf32, #tpu.memory_space<vmem>>
      %dma_start3A_219 = tpu.memref_squeeze %dma_start3A_218 : memref<1x80x128xf32, #tpu.memory_space<vmem>> -> memref<80x128xf32, #tpu.memory_space<vmem>>
      tpu.enqueue_dma source(%dma_start3A_219 : memref<80x128xf32, #tpu.memory_space<vmem>>) target(%dma_start3A_215 : memref<80x128xf32, #tpu.memory_space<hbm>>) target_semaphore(%arg13 : memref<!tpu.dma_semaphore, #tpu.memory_space<semaphore_mem>>)
      %add3A_220 = arith.constant 5 : i32
      %add3A_221 = arith.addi %add3A_190, %add3A_220 : i32
      %lt3A_222 = arith.constant 25 : i32
      %lt3A_223 = arith.cmpi slt, %add3A_221, %lt3A_222 : i32
      %convert_element_type3A_224 = arith.extui %lt3A_223 : i1 to i32
      %cond3A_225 = arith.constant 0 : i32
      %cond3A_226 = arith.cmpi ne, %convert_element_type3A_224, %cond3A_225 : i32
      scf.if %cond3A_226 {
        %mul3A_347 = arith.constant 32 : i32
        %mul3A_348 = arith.muli %add3A_190, %mul3A_347 : i32
        %add3A_349 = arith.addi %mul3A_348, %add3A : i32
        %mul3A_350 = arith.constant 80 : i32
        %mul3A_351 = arith.muli %add3A_349, %mul3A_350 : i32
        %dma_wait3A_352 = arith.constant 1 : i32
        %dma_wait3A_353 = arith.constant 0 : i32
        %dma_wait3A_354 = arith.constant 0 : i32
        %dma_wait3A_355 = tpu.memref_slice %arg6[%dma_wait3A_352, %dma_wait3A_353, %dma_wait3A_354] : memref<5x80x128xf32, #tpu.memory_space<vmem>> -> memref<1x80x128xf32, #tpu.memory_space<vmem>>
        %dma_wait3A_356 = tpu.memref_squeeze %dma_wait3A_355 : memref<1x80x128xf32, #tpu.memory_space<vmem>> -> memref<80x128xf32, #tpu.memory_space<vmem>>
        %dma_wait3A_357 = arith.constant 0 : i32
        %dma_wait3A_358 = tpu.memref_slice %arg4[%mul3A_351, %dma_wait3A_357] : memref<64000x128xf32, #tpu.memory_space<hbm>> -> memref<80x128xf32, #tpu.memory_space<hbm>>
        %dma_wait3A_359 = arith.constant 0 : i32
        %dma_wait3A_360 = tpu.memref_slice %arg4[%mul3A_351, %dma_wait3A_359] : memref<64000x128xf32, #tpu.memory_space<hbm>> -> memref<80x128xf32, #tpu.memory_space<hbm>>
        %dma_wait3A_361 = arith.constant 0 : i32
        %dma_wait3A_362 = arith.constant 0 : i32
        %dma_wait3A_363 = tpu.memref_slice %arg6[%dma_wait3A_352, %dma_wait3A_361, %dma_wait3A_362] : memref<5x80x128xf32, #tpu.memory_space<vmem>> -> memref<1x80x128xf32, #tpu.memory_space<vmem>>
        %dma_wait3A_364 = tpu.memref_squeeze %dma_wait3A_363 : memref<1x80x128xf32, #tpu.memory_space<vmem>> -> memref<80x128xf32, #tpu.memory_space<vmem>>
        tpu.wait_dma2 semaphore(%arg13 : memref<!tpu.dma_semaphore, #tpu.memory_space<semaphore_mem>>) src(%dma_wait3A_364 : memref<80x128xf32, #tpu.memory_space<vmem>>) dst(%dma_wait3A_360 : memref<80x128xf32, #tpu.memory_space<hbm>>)
        %add3A_365 = arith.constant 5 : i32
        %add3A_366 = arith.addi %add3A_190, %add3A_365 : i32
        %dma_start3A_367 = arith.constant 1 : i32
        %dma_start3A_368 = arith.constant 0 : i32
        %dma_start3A_369 = arith.constant 0 : i32
        %dma_start3A_370 = tpu.memref_slice %arg6[%dma_start3A_367, %dma_start3A_368, %dma_start3A_369] : memref<5x80x128xf32, #tpu.memory_space<vmem>> -> memref<1x80x128xf32, #tpu.memory_space<vmem>>
        %dma_start3A_371 = tpu.memref_squeeze %dma_start3A_370 : memref<1x80x128xf32, #tpu.memory_space<vmem>> -> memref<80x128xf32, #tpu.memory_space<vmem>>
        %dma_start3A_372 = arith.constant 0 : i32
        %dma_start3A_373 = tpu.memref_slice %arg5[%add3A_366, %dma_start3A_372] : memref<25x80xi32, #tpu.memory_space<vmem>> -> memref<1x80xi32, #tpu.memory_space<vmem>>
        %dma_start3A_374 = tpu.memref_squeeze %dma_start3A_373 : memref<1x80xi32, #tpu.memory_space<vmem>> -> memref<80xi32, #tpu.memory_space<vmem>>
        %dma_start3A_375 = arith.constant 0 : i32
        %dma_start3A_376 = arith.constant 0 : i32
        %dma_start3A_377 = tpu.memref_slice %arg2[%dma_start3A_375, %dma_start3A_376] : memref<10000x128xf32, #tpu.memory_space<hbm>> -> memref<10000x128xf32, #tpu.memory_space<hbm>>
        tpu.enqueue_indirect_dma source(%dma_start3A_377 : memref<10000x128xf32, #tpu.memory_space<hbm>>) target(%dma_start3A_371 : memref<80x128xf32, #tpu.memory_space<vmem>>) offsets(%dma_start3A_374 : memref<80xi32, #tpu.memory_space<vmem>>) semaphore(%arg8 : memref<!tpu.dma_semaphore, #tpu.memory_space<semaphore_mem>>)
      } else {
      }
      %mul3A_227 = arith.constant 5 : i32
      %mul3A_228 = arith.muli %scan3A_149, %mul3A_227 : i32
      %add3A_229 = arith.constant 2 : i32
      %add3A_230 = arith.addi %mul3A_228, %add3A_229 : i32
      %dma_wait3A_231 = arith.constant 2 : i32
      %dma_wait3A_232 = arith.constant 0 : i32
      %dma_wait3A_233 = arith.constant 0 : i32
      %dma_wait3A_234 = tpu.memref_slice %arg6[%dma_wait3A_231, %dma_wait3A_232, %dma_wait3A_233] : memref<5x80x128xf32, #tpu.memory_space<vmem>> -> memref<1x80x128xf32, #tpu.memory_space<vmem>>
      %dma_wait3A_235 = tpu.memref_squeeze %dma_wait3A_234 : memref<1x80x128xf32, #tpu.memory_space<vmem>> -> memref<80x128xf32, #tpu.memory_space<vmem>>
      %dma_wait3A_236 = arith.constant 0 : i32
      %dma_wait3A_237 = tpu.memref_slice %arg5[%add3A_230, %dma_wait3A_236] : memref<25x80xi32, #tpu.memory_space<vmem>> -> memref<1x80xi32, #tpu.memory_space<vmem>>
      %dma_wait3A_238 = tpu.memref_squeeze %dma_wait3A_237 : memref<1x80xi32, #tpu.memory_space<vmem>> -> memref<80xi32, #tpu.memory_space<vmem>>
      %dma_wait3A_239 = arith.constant 0 : i32
      %dma_wait3A_240 = arith.constant 0 : i32
      %dma_wait3A_241 = tpu.memref_slice %arg2[%dma_wait3A_239, %dma_wait3A_240] : memref<10000x128xf32, #tpu.memory_space<hbm>> -> memref<10000x128xf32, #tpu.memory_space<hbm>>
      tpu.wait_indirect_dma semaphore(%arg9 : memref<!tpu.dma_semaphore, #tpu.memory_space<semaphore_mem>>) src(%dma_wait3A_241 : memref<10000x128xf32, #tpu.memory_space<hbm>>) dst(%dma_wait3A_235 : memref<80x128xf32, #tpu.memory_space<vmem>>)
      %mul3A_242 = arith.constant 32 : i32
      %mul3A_243 = arith.muli %add3A_230, %mul3A_242 : i32
      %add3A_244 = arith.addi %mul3A_243, %add3A : i32
      %mul3A_245 = arith.constant 80 : i32
      %mul3A_246 = arith.muli %add3A_244, %mul3A_245 : i32
      %dma_start3A_247 = arith.constant 2 : i32
      %dma_start3A_248 = arith.constant 0 : i32
      %dma_start3A_249 = arith.constant 0 : i32
      %dma_start3A_250 = tpu.memref_slice %arg6[%dma_start3A_247, %dma_start3A_248, %dma_start3A_249] : memref<5x80x128xf32, #tpu.memory_space<vmem>> -> memref<1x80x128xf32, #tpu.memory_space<vmem>>
      %dma_start3A_251 = tpu.memref_squeeze %dma_start3A_250 : memref<1x80x128xf32, #tpu.memory_space<vmem>> -> memref<80x128xf32, #tpu.memory_space<vmem>>
      %dma_start3A_252 = arith.constant 0 : i32
      %dma_start3A_253 = tpu.memref_slice %arg4[%mul3A_246, %dma_start3A_252] : memref<64000x128xf32, #tpu.memory_space<hbm>> -> memref<80x128xf32, #tpu.memory_space<hbm>>
      %dma_start3A_254 = arith.constant 0 : i32
      %dma_start3A_255 = tpu.memref_slice %arg4[%mul3A_246, %dma_start3A_254] : memref<64000x128xf32, #tpu.memory_space<hbm>> -> memref<80x128xf32, #tpu.memory_space<hbm>>
      %dma_start3A_256 = arith.constant 0 : i32
      %dma_start3A_257 = arith.constant 0 : i32
      %dma_start3A_258 = tpu.memref_slice %arg6[%dma_start3A_247, %dma_start3A_256, %dma_start3A_257] : memref<5x80x128xf32, #tpu.memory_space<vmem>> -> memref<1x80x128xf32, #tpu.memory_space<vmem>>
      %dma_start3A_259 = tpu.memref_squeeze %dma_start3A_258 : memref<1x80x128xf32, #tpu.memory_space<vmem>> -> memref<80x128xf32, #tpu.memory_space<vmem>>
      tpu.enqueue_dma source(%dma_start3A_259 : memref<80x128xf32, #tpu.memory_space<vmem>>) target(%dma_start3A_255 : memref<80x128xf32, #tpu.memory_space<hbm>>) target_semaphore(%arg14 : memref<!tpu.dma_semaphore, #tpu.memory_space<semaphore_mem>>)
      %add3A_260 = arith.constant 5 : i32
      %add3A_261 = arith.addi %add3A_230, %add3A_260 : i32
      %lt3A_262 = arith.constant 25 : i32
      %lt3A_263 = arith.cmpi slt, %add3A_261, %lt3A_262 : i32
      %convert_element_type3A_264 = arith.extui %lt3A_263 : i1 to i32
      %cond3A_265 = arith.constant 0 : i32
      %cond3A_266 = arith.cmpi ne, %convert_element_type3A_264, %cond3A_265 : i32
      scf.if %cond3A_266 {
        %mul3A_347 = arith.constant 32 : i32
        %mul3A_348 = arith.muli %add3A_230, %mul3A_347 : i32
        %add3A_349 = arith.addi %mul3A_348, %add3A : i32
        %mul3A_350 = arith.constant 80 : i32
        %mul3A_351 = arith.muli %add3A_349, %mul3A_350 : i32
        %dma_wait3A_352 = arith.constant 2 : i32
        %dma_wait3A_353 = arith.constant 0 : i32
        %dma_wait3A_354 = arith.constant 0 : i32
        %dma_wait3A_355 = tpu.memref_slice %arg6[%dma_wait3A_352, %dma_wait3A_353, %dma_wait3A_354] : memref<5x80x128xf32, #tpu.memory_space<vmem>> -> memref<1x80x128xf32, #tpu.memory_space<vmem>>
        %dma_wait3A_356 = tpu.memref_squeeze %dma_wait3A_355 : memref<1x80x128xf32, #tpu.memory_space<vmem>> -> memref<80x128xf32, #tpu.memory_space<vmem>>
        %dma_wait3A_357 = arith.constant 0 : i32
        %dma_wait3A_358 = tpu.memref_slice %arg4[%mul3A_351, %dma_wait3A_357] : memref<64000x128xf32, #tpu.memory_space<hbm>> -> memref<80x128xf32, #tpu.memory_space<hbm>>
        %dma_wait3A_359 = arith.constant 0 : i32
        %dma_wait3A_360 = tpu.memref_slice %arg4[%mul3A_351, %dma_wait3A_359] : memref<64000x128xf32, #tpu.memory_space<hbm>> -> memref<80x128xf32, #tpu.memory_space<hbm>>
        %dma_wait3A_361 = arith.constant 0 : i32
        %dma_wait3A_362 = arith.constant 0 : i32
        %dma_wait3A_363 = tpu.memref_slice %arg6[%dma_wait3A_352, %dma_wait3A_361, %dma_wait3A_362] : memref<5x80x128xf32, #tpu.memory_space<vmem>> -> memref<1x80x128xf32, #tpu.memory_space<vmem>>
        %dma_wait3A_364 = tpu.memref_squeeze %dma_wait3A_363 : memref<1x80x128xf32, #tpu.memory_space<vmem>> -> memref<80x128xf32, #tpu.memory_space<vmem>>
        tpu.wait_dma2 semaphore(%arg14 : memref<!tpu.dma_semaphore, #tpu.memory_space<semaphore_mem>>) src(%dma_wait3A_364 : memref<80x128xf32, #tpu.memory_space<vmem>>) dst(%dma_wait3A_360 : memref<80x128xf32, #tpu.memory_space<hbm>>)
        %add3A_365 = arith.constant 5 : i32
        %add3A_366 = arith.addi %add3A_230, %add3A_365 : i32
        %dma_start3A_367 = arith.constant 2 : i32
        %dma_start3A_368 = arith.constant 0 : i32
        %dma_start3A_369 = arith.constant 0 : i32
        %dma_start3A_370 = tpu.memref_slice %arg6[%dma_start3A_367, %dma_start3A_368, %dma_start3A_369] : memref<5x80x128xf32, #tpu.memory_space<vmem>> -> memref<1x80x128xf32, #tpu.memory_space<vmem>>
        %dma_start3A_371 = tpu.memref_squeeze %dma_start3A_370 : memref<1x80x128xf32, #tpu.memory_space<vmem>> -> memref<80x128xf32, #tpu.memory_space<vmem>>
        %dma_start3A_372 = arith.constant 0 : i32
        %dma_start3A_373 = tpu.memref_slice %arg5[%add3A_366, %dma_start3A_372] : memref<25x80xi32, #tpu.memory_space<vmem>> -> memref<1x80xi32, #tpu.memory_space<vmem>>
        %dma_start3A_374 = tpu.memref_squeeze %dma_start3A_373 : memref<1x80xi32, #tpu.memory_space<vmem>> -> memref<80xi32, #tpu.memory_space<vmem>>
        %dma_start3A_375 = arith.constant 0 : i32
        %dma_start3A_376 = arith.constant 0 : i32
        %dma_start3A_377 = tpu.memref_slice %arg2[%dma_start3A_375, %dma_start3A_376] : memref<10000x128xf32, #tpu.memory_space<hbm>> -> memref<10000x128xf32, #tpu.memory_space<hbm>>
        tpu.enqueue_indirect_dma source(%dma_start3A_377 : memref<10000x128xf32, #tpu.memory_space<hbm>>) target(%dma_start3A_371 : memref<80x128xf32, #tpu.memory_space<vmem>>) offsets(%dma_start3A_374 : memref<80xi32, #tpu.memory_space<vmem>>) semaphore(%arg9 : memref<!tpu.dma_semaphore, #tpu.memory_space<semaphore_mem>>)
      } else {
      }
      %mul3A_267 = arith.constant 5 : i32
      %mul3A_268 = arith.muli %scan3A_149, %mul3A_267 : i32
      %add3A_269 = arith.constant 3 : i32
      %add3A_270 = arith.addi %mul3A_268, %add3A_269 : i32
      %dma_wait3A_271 = arith.constant 3 : i32
      %dma_wait3A_272 = arith.constant 0 : i32
      %dma_wait3A_273 = arith.constant 0 : i32
      %dma_wait3A_274 = tpu.memref_slice %arg6[%dma_wait3A_271, %dma_wait3A_272, %dma_wait3A_273] : memref<5x80x128xf32, #tpu.memory_space<vmem>> -> memref<1x80x128xf32, #tpu.memory_space<vmem>>
      %dma_wait3A_275 = tpu.memref_squeeze %dma_wait3A_274 : memref<1x80x128xf32, #tpu.memory_space<vmem>> -> memref<80x128xf32, #tpu.memory_space<vmem>>
      %dma_wait3A_276 = arith.constant 0 : i32
      %dma_wait3A_277 = tpu.memref_slice %arg5[%add3A_270, %dma_wait3A_276] : memref<25x80xi32, #tpu.memory_space<vmem>> -> memref<1x80xi32, #tpu.memory_space<vmem>>
      %dma_wait3A_278 = tpu.memref_squeeze %dma_wait3A_277 : memref<1x80xi32, #tpu.memory_space<vmem>> -> memref<80xi32, #tpu.memory_space<vmem>>
      %dma_wait3A_279 = arith.constant 0 : i32
      %dma_wait3A_280 = arith.constant 0 : i32
      %dma_wait3A_281 = tpu.memref_slice %arg2[%dma_wait3A_279, %dma_wait3A_280] : memref<10000x128xf32, #tpu.memory_space<hbm>> -> memref<10000x128xf32, #tpu.memory_space<hbm>>
      tpu.wait_indirect_dma semaphore(%arg10 : memref<!tpu.dma_semaphore, #tpu.memory_space<semaphore_mem>>) src(%dma_wait3A_281 : memref<10000x128xf32, #tpu.memory_space<hbm>>) dst(%dma_wait3A_275 : memref<80x128xf32, #tpu.memory_space<vmem>>)
      %mul3A_282 = arith.constant 32 : i32
      %mul3A_283 = arith.muli %add3A_270, %mul3A_282 : i32
      %add3A_284 = arith.addi %mul3A_283, %add3A : i32
      %mul3A_285 = arith.constant 80 : i32
      %mul3A_286 = arith.muli %add3A_284, %mul3A_285 : i32
      %dma_start3A_287 = arith.constant 3 : i32
      %dma_start3A_288 = arith.constant 0 : i32
      %dma_start3A_289 = arith.constant 0 : i32
      %dma_start3A_290 = tpu.memref_slice %arg6[%dma_start3A_287, %dma_start3A_288, %dma_start3A_289] : memref<5x80x128xf32, #tpu.memory_space<vmem>> -> memref<1x80x128xf32, #tpu.memory_space<vmem>>
      %dma_start3A_291 = tpu.memref_squeeze %dma_start3A_290 : memref<1x80x128xf32, #tpu.memory_space<vmem>> -> memref<80x128xf32, #tpu.memory_space<vmem>>
      %dma_start3A_292 = arith.constant 0 : i32
      %dma_start3A_293 = tpu.memref_slice %arg4[%mul3A_286, %dma_start3A_292] : memref<64000x128xf32, #tpu.memory_space<hbm>> -> memref<80x128xf32, #tpu.memory_space<hbm>>
      %dma_start3A_294 = arith.constant 0 : i32
      %dma_start3A_295 = tpu.memref_slice %arg4[%mul3A_286, %dma_start3A_294] : memref<64000x128xf32, #tpu.memory_space<hbm>> -> memref<80x128xf32, #tpu.memory_space<hbm>>
      %dma_start3A_296 = arith.constant 0 : i32
      %dma_start3A_297 = arith.constant 0 : i32
      %dma_start3A_298 = tpu.memref_slice %arg6[%dma_start3A_287, %dma_start3A_296, %dma_start3A_297] : memref<5x80x128xf32, #tpu.memory_space<vmem>> -> memref<1x80x128xf32, #tpu.memory_space<vmem>>
      %dma_start3A_299 = tpu.memref_squeeze %dma_start3A_298 : memref<1x80x128xf32, #tpu.memory_space<vmem>> -> memref<80x128xf32, #tpu.memory_space<vmem>>
      tpu.enqueue_dma source(%dma_start3A_299 : memref<80x128xf32, #tpu.memory_space<vmem>>) target(%dma_start3A_295 : memref<80x128xf32, #tpu.memory_space<hbm>>) target_semaphore(%arg15 : memref<!tpu.dma_semaphore, #tpu.memory_space<semaphore_mem>>)
      %add3A_300 = arith.constant 5 : i32
      %add3A_301 = arith.addi %add3A_270, %add3A_300 : i32
      %lt3A_302 = arith.constant 25 : i32
      %lt3A_303 = arith.cmpi slt, %add3A_301, %lt3A_302 : i32
      %convert_element_type3A_304 = arith.extui %lt3A_303 : i1 to i32
      %cond3A_305 = arith.constant 0 : i32
      %cond3A_306 = arith.cmpi ne, %convert_element_type3A_304, %cond3A_305 : i32
      scf.if %cond3A_306 {
        %mul3A_347 = arith.constant 32 : i32
        %mul3A_348 = arith.muli %add3A_270, %mul3A_347 : i32
        %add3A_349 = arith.addi %mul3A_348, %add3A : i32
        %mul3A_350 = arith.constant 80 : i32
        %mul3A_351 = arith.muli %add3A_349, %mul3A_350 : i32
        %dma_wait3A_352 = arith.constant 3 : i32
        %dma_wait3A_353 = arith.constant 0 : i32
        %dma_wait3A_354 = arith.constant 0 : i32
        %dma_wait3A_355 = tpu.memref_slice %arg6[%dma_wait3A_352, %dma_wait3A_353, %dma_wait3A_354] : memref<5x80x128xf32, #tpu.memory_space<vmem>> -> memref<1x80x128xf32, #tpu.memory_space<vmem>>
        %dma_wait3A_356 = tpu.memref_squeeze %dma_wait3A_355 : memref<1x80x128xf32, #tpu.memory_space<vmem>> -> memref<80x128xf32, #tpu.memory_space<vmem>>
        %dma_wait3A_357 = arith.constant 0 : i32
        %dma_wait3A_358 = tpu.memref_slice %arg4[%mul3A_351, %dma_wait3A_357] : memref<64000x128xf32, #tpu.memory_space<hbm>> -> memref<80x128xf32, #tpu.memory_space<hbm>>
        %dma_wait3A_359 = arith.constant 0 : i32
        %dma_wait3A_360 = tpu.memref_slice %arg4[%mul3A_351, %dma_wait3A_359] : memref<64000x128xf32, #tpu.memory_space<hbm>> -> memref<80x128xf32, #tpu.memory_space<hbm>>
        %dma_wait3A_361 = arith.constant 0 : i32
        %dma_wait3A_362 = arith.constant 0 : i32
        %dma_wait3A_363 = tpu.memref_slice %arg6[%dma_wait3A_352, %dma_wait3A_361, %dma_wait3A_362] : memref<5x80x128xf32, #tpu.memory_space<vmem>> -> memref<1x80x128xf32, #tpu.memory_space<vmem>>
        %dma_wait3A_364 = tpu.memref_squeeze %dma_wait3A_363 : memref<1x80x128xf32, #tpu.memory_space<vmem>> -> memref<80x128xf32, #tpu.memory_space<vmem>>
        tpu.wait_dma2 semaphore(%arg15 : memref<!tpu.dma_semaphore, #tpu.memory_space<semaphore_mem>>) src(%dma_wait3A_364 : memref<80x128xf32, #tpu.memory_space<vmem>>) dst(%dma_wait3A_360 : memref<80x128xf32, #tpu.memory_space<hbm>>)
        %add3A_365 = arith.constant 5 : i32
        %add3A_366 = arith.addi %add3A_270, %add3A_365 : i32
        %dma_start3A_367 = arith.constant 3 : i32
        %dma_start3A_368 = arith.constant 0 : i32
        %dma_start3A_369 = arith.constant 0 : i32
        %dma_start3A_370 = tpu.memref_slice %arg6[%dma_start3A_367, %dma_start3A_368, %dma_start3A_369] : memref<5x80x128xf32, #tpu.memory_space<vmem>> -> memref<1x80x128xf32, #tpu.memory_space<vmem>>
        %dma_start3A_371 = tpu.memref_squeeze %dma_start3A_370 : memref<1x80x128xf32, #tpu.memory_space<vmem>> -> memref<80x128xf32, #tpu.memory_space<vmem>>
        %dma_start3A_372 = arith.constant 0 : i32
        %dma_start3A_373 = tpu.memref_slice %arg5[%add3A_366, %dma_start3A_372] : memref<25x80xi32, #tpu.memory_space<vmem>> -> memref<1x80xi32, #tpu.memory_space<vmem>>
        %dma_start3A_374 = tpu.memref_squeeze %dma_start3A_373 : memref<1x80xi32, #tpu.memory_space<vmem>> -> memref<80xi32, #tpu.memory_space<vmem>>
        %dma_start3A_375 = arith.constant 0 : i32
        %dma_start3A_376 = arith.constant 0 : i32
        %dma_start3A_377 = tpu.memref_slice %arg2[%dma_start3A_375, %dma_start3A_376] : memref<10000x128xf32, #tpu.memory_space<hbm>> -> memref<10000x128xf32, #tpu.memory_space<hbm>>
        tpu.enqueue_indirect_dma source(%dma_start3A_377 : memref<10000x128xf32, #tpu.memory_space<hbm>>) target(%dma_start3A_371 : memref<80x128xf32, #tpu.memory_space<vmem>>) offsets(%dma_start3A_374 : memref<80xi32, #tpu.memory_space<vmem>>) semaphore(%arg10 : memref<!tpu.dma_semaphore, #tpu.memory_space<semaphore_mem>>)
      } else {
      }
      %mul3A_307 = arith.constant 5 : i32
      %mul3A_308 = arith.muli %scan3A_149, %mul3A_307 : i32
      %add3A_309 = arith.constant 4 : i32
      %add3A_310 = arith.addi %mul3A_308, %add3A_309 : i32
      %dma_wait3A_311 = arith.constant 4 : i32
      %dma_wait3A_312 = arith.constant 0 : i32
      %dma_wait3A_313 = arith.constant 0 : i32
      %dma_wait3A_314 = tpu.memref_slice %arg6[%dma_wait3A_311, %dma_wait3A_312, %dma_wait3A_313] : memref<5x80x128xf32, #tpu.memory_space<vmem>> -> memref<1x80x128xf32, #tpu.memory_space<vmem>>
      %dma_wait3A_315 = tpu.memref_squeeze %dma_wait3A_314 : memref<1x80x128xf32, #tpu.memory_space<vmem>> -> memref<80x128xf32, #tpu.memory_space<vmem>>
      %dma_wait3A_316 = arith.constant 0 : i32
      %dma_wait3A_317 = tpu.memref_slice %arg5[%add3A_310, %dma_wait3A_316] : memref<25x80xi32, #tpu.memory_space<vmem>> -> memref<1x80xi32, #tpu.memory_space<vmem>>
      %dma_wait3A_318 = tpu.memref_squeeze %dma_wait3A_317 : memref<1x80xi32, #tpu.memory_space<vmem>> -> memref<80xi32, #tpu.memory_space<vmem>>
      %dma_wait3A_319 = arith.constant 0 : i32
      %dma_wait3A_320 = arith.constant 0 : i32
      %dma_wait3A_321 = tpu.memref_slice %arg2[%dma_wait3A_319, %dma_wait3A_320] : memref<10000x128xf32, #tpu.memory_space<hbm>> -> memref<10000x128xf32, #tpu.memory_space<hbm>>
      tpu.wait_indirect_dma semaphore(%arg11 : memref<!tpu.dma_semaphore, #tpu.memory_space<semaphore_mem>>) src(%dma_wait3A_321 : memref<10000x128xf32, #tpu.memory_space<hbm>>) dst(%dma_wait3A_315 : memref<80x128xf32, #tpu.memory_space<vmem>>)
      %mul3A_322 = arith.constant 32 : i32
      %mul3A_323 = arith.muli %add3A_310, %mul3A_322 : i32
      %add3A_324 = arith.addi %mul3A_323, %add3A : i32
      %mul3A_325 = arith.constant 80 : i32
      %mul3A_326 = arith.muli %add3A_324, %mul3A_325 : i32
      %dma_start3A_327 = arith.constant 4 : i32
      %dma_start3A_328 = arith.constant 0 : i32
      %dma_start3A_329 = arith.constant 0 : i32
      %dma_start3A_330 = tpu.memref_slice %arg6[%dma_start3A_327, %dma_start3A_328, %dma_start3A_329] : memref<5x80x128xf32, #tpu.memory_space<vmem>> -> memref<1x80x128xf32, #tpu.memory_space<vmem>>
      %dma_start3A_331 = tpu.memref_squeeze %dma_start3A_330 : memref<1x80x128xf32, #tpu.memory_space<vmem>> -> memref<80x128xf32, #tpu.memory_space<vmem>>
      %dma_start3A_332 = arith.constant 0 : i32
      %dma_start3A_333 = tpu.memref_slice %arg4[%mul3A_326, %dma_start3A_332] : memref<64000x128xf32, #tpu.memory_space<hbm>> -> memref<80x128xf32, #tpu.memory_space<hbm>>
      %dma_start3A_334 = arith.constant 0 : i32
      %dma_start3A_335 = tpu.memref_slice %arg4[%mul3A_326, %dma_start3A_334] : memref<64000x128xf32, #tpu.memory_space<hbm>> -> memref<80x128xf32, #tpu.memory_space<hbm>>
      %dma_start3A_336 = arith.constant 0 : i32
      %dma_start3A_337 = arith.constant 0 : i32
      %dma_start3A_338 = tpu.memref_slice %arg6[%dma_start3A_327, %dma_start3A_336, %dma_start3A_337] : memref<5x80x128xf32, #tpu.memory_space<vmem>> -> memref<1x80x128xf32, #tpu.memory_space<vmem>>
      %dma_start3A_339 = tpu.memref_squeeze %dma_start3A_338 : memref<1x80x128xf32, #tpu.memory_space<vmem>> -> memref<80x128xf32, #tpu.memory_space<vmem>>
      tpu.enqueue_dma source(%dma_start3A_339 : memref<80x128xf32, #tpu.memory_space<vmem>>) target(%dma_start3A_335 : memref<80x128xf32, #tpu.memory_space<hbm>>) target_semaphore(%arg16 : memref<!tpu.dma_semaphore, #tpu.memory_space<semaphore_mem>>)
      %add3A_340 = arith.constant 5 : i32
      %add3A_341 = arith.addi %add3A_310, %add3A_340 : i32
      %lt3A_342 = arith.constant 25 : i32
      %lt3A_343 = arith.cmpi slt, %add3A_341, %lt3A_342 : i32
      %convert_element_type3A_344 = arith.extui %lt3A_343 : i1 to i32
      %cond3A_345 = arith.constant 0 : i32
      %cond3A_346 = arith.cmpi ne, %convert_element_type3A_344, %cond3A_345 : i32
      scf.if %cond3A_346 {
        %mul3A_347 = arith.constant 32 : i32
        %mul3A_348 = arith.muli %add3A_310, %mul3A_347 : i32
        %add3A_349 = arith.addi %mul3A_348, %add3A : i32
        %mul3A_350 = arith.constant 80 : i32
        %mul3A_351 = arith.muli %add3A_349, %mul3A_350 : i32
        %dma_wait3A_352 = arith.constant 4 : i32
        %dma_wait3A_353 = arith.constant 0 : i32
        %dma_wait3A_354 = arith.constant 0 : i32
        %dma_wait3A_355 = tpu.memref_slice %arg6[%dma_wait3A_352, %dma_wait3A_353, %dma_wait3A_354] : memref<5x80x128xf32, #tpu.memory_space<vmem>> -> memref<1x80x128xf32, #tpu.memory_space<vmem>>
        %dma_wait3A_356 = tpu.memref_squeeze %dma_wait3A_355 : memref<1x80x128xf32, #tpu.memory_space<vmem>> -> memref<80x128xf32, #tpu.memory_space<vmem>>
        %dma_wait3A_357 = arith.constant 0 : i32
        %dma_wait3A_358 = tpu.memref_slice %arg4[%mul3A_351, %dma_wait3A_357] : memref<64000x128xf32, #tpu.memory_space<hbm>> -> memref<80x128xf32, #tpu.memory_space<hbm>>
        %dma_wait3A_359 = arith.constant 0 : i32
        %dma_wait3A_360 = tpu.memref_slice %arg4[%mul3A_351, %dma_wait3A_359] : memref<64000x128xf32, #tpu.memory_space<hbm>> -> memref<80x128xf32, #tpu.memory_space<hbm>>
        %dma_wait3A_361 = arith.constant 0 : i32
        %dma_wait3A_362 = arith.constant 0 : i32
        %dma_wait3A_363 = tpu.memref_slice %arg6[%dma_wait3A_352, %dma_wait3A_361, %dma_wait3A_362] : memref<5x80x128xf32, #tpu.memory_space<vmem>> -> memref<1x80x128xf32, #tpu.memory_space<vmem>>
        %dma_wait3A_364 = tpu.memref_squeeze %dma_wait3A_363 : memref<1x80x128xf32, #tpu.memory_space<vmem>> -> memref<80x128xf32, #tpu.memory_space<vmem>>
        tpu.wait_dma2 semaphore(%arg16 : memref<!tpu.dma_semaphore, #tpu.memory_space<semaphore_mem>>) src(%dma_wait3A_364 : memref<80x128xf32, #tpu.memory_space<vmem>>) dst(%dma_wait3A_360 : memref<80x128xf32, #tpu.memory_space<hbm>>)
        %add3A_365 = arith.constant 5 : i32
        %add3A_366 = arith.addi %add3A_310, %add3A_365 : i32
        %dma_start3A_367 = arith.constant 4 : i32
        %dma_start3A_368 = arith.constant 0 : i32
        %dma_start3A_369 = arith.constant 0 : i32
        %dma_start3A_370 = tpu.memref_slice %arg6[%dma_start3A_367, %dma_start3A_368, %dma_start3A_369] : memref<5x80x128xf32, #tpu.memory_space<vmem>> -> memref<1x80x128xf32, #tpu.memory_space<vmem>>
        %dma_start3A_371 = tpu.memref_squeeze %dma_start3A_370 : memref<1x80x128xf32, #tpu.memory_space<vmem>> -> memref<80x128xf32, #tpu.memory_space<vmem>>
        %dma_start3A_372 = arith.constant 0 : i32
        %dma_start3A_373 = tpu.memref_slice %arg5[%add3A_366, %dma_start3A_372] : memref<25x80xi32, #tpu.memory_space<vmem>> -> memref<1x80xi32, #tpu.memory_space<vmem>>
        %dma_start3A_374 = tpu.memref_squeeze %dma_start3A_373 : memref<1x80xi32, #tpu.memory_space<vmem>> -> memref<80xi32, #tpu.memory_space<vmem>>
        %dma_start3A_375 = arith.constant 0 : i32
        %dma_start3A_376 = arith.constant 0 : i32
        %dma_start3A_377 = tpu.memref_slice %arg2[%dma_start3A_375, %dma_start3A_376] : memref<10000x128xf32, #tpu.memory_space<hbm>> -> memref<10000x128xf32, #tpu.memory_space<hbm>>
        tpu.enqueue_indirect_dma source(%dma_start3A_377 : memref<10000x128xf32, #tpu.memory_space<hbm>>) target(%dma_start3A_371 : memref<80x128xf32, #tpu.memory_space<vmem>>) offsets(%dma_start3A_374 : memref<80xi32, #tpu.memory_space<vmem>>) semaphore(%arg11 : memref<!tpu.dma_semaphore, #tpu.memory_space<semaphore_mem>>)
      } else {
      }
    }
    %scan3A_64 = arith.constant 5 : i32
    %add3A_65 = arith.constant 640 : i32
    %add3A_66 = arith.addi %add3A_65, %add3A : i32
    %mul3A_67 = arith.constant 80 : i32
    %mul3A_68 = arith.muli %add3A_66, %mul3A_67 : i32
    %dma_wait3A = arith.constant 0 : i32
    %dma_wait3A_69 = arith.constant 0 : i32
    %dma_wait3A_70 = arith.constant 0 : i32
    %dma_wait3A_71 = tpu.memref_slice %arg6[%dma_wait3A, %dma_wait3A_69, %dma_wait3A_70] : memref<5x80x128xf32, #tpu.memory_space<vmem>> -> memref<1x80x128xf32, #tpu.memory_space<vmem>>
    %dma_wait3A_72 = tpu.memref_squeeze %dma_wait3A_71 : memref<1x80x128xf32, #tpu.memory_space<vmem>> -> memref<80x128xf32, #tpu.memory_space<vmem>>
    %dma_wait3A_73 = arith.constant 0 : i32
    %dma_wait3A_74 = tpu.memref_slice %arg4[%mul3A_68, %dma_wait3A_73] : memref<64000x128xf32, #tpu.memory_space<hbm>> -> memref<80x128xf32, #tpu.memory_space<hbm>>
    %dma_wait3A_75 = arith.constant 0 : i32
    %dma_wait3A_76 = tpu.memref_slice %arg4[%mul3A_68, %dma_wait3A_75] : memref<64000x128xf32, #tpu.memory_space<hbm>> -> memref<80x128xf32, #tpu.memory_space<hbm>>
    %dma_wait3A_77 = arith.constant 0 : i32
    %dma_wait3A_78 = arith.constant 0 : i32
    %dma_wait3A_79 = tpu.memref_slice %arg6[%dma_wait3A, %dma_wait3A_77, %dma_wait3A_78] : memref<5x80x128xf32, #tpu.memory_space<vmem>> -> memref<1x80x128xf32, #tpu.memory_space<vmem>>
    %dma_wait3A_80 = tpu.memref_squeeze %dma_wait3A_79 : memref<1x80x128xf32, #tpu.memory_space<vmem>> -> memref<80x128xf32, #tpu.memory_space<vmem>>
    tpu.wait_dma2 semaphore(%arg12 : memref<!tpu.dma_semaphore, #tpu.memory_space<semaphore_mem>>) src(%dma_wait3A_80 : memref<80x128xf32, #tpu.memory_space<vmem>>) dst(%dma_wait3A_76 : memref<80x128xf32, #tpu.memory_space<hbm>>)
    %add3A_81 = arith.constant 672 : i32
    %add3A_82 = arith.addi %add3A_81, %add3A : i32
    %mul3A_83 = arith.constant 80 : i32
    %mul3A_84 = arith.muli %add3A_82, %mul3A_83 : i32
    %dma_wait3A_85 = arith.constant 1 : i32
    %dma_wait3A_86 = arith.constant 0 : i32
    %dma_wait3A_87 = arith.constant 0 : i32
    %dma_wait3A_88 = tpu.memref_slice %arg6[%dma_wait3A_85, %dma_wait3A_86, %dma_wait3A_87] : memref<5x80x128xf32, #tpu.memory_space<vmem>> -> memref<1x80x128xf32, #tpu.memory_space<vmem>>
    %dma_wait3A_89 = tpu.memref_squeeze %dma_wait3A_88 : memref<1x80x128xf32, #tpu.memory_space<vmem>> -> memref<80x128xf32, #tpu.memory_space<vmem>>
    %dma_wait3A_90 = arith.constant 0 : i32
    %dma_wait3A_91 = tpu.memref_slice %arg4[%mul3A_84, %dma_wait3A_90] : memref<64000x128xf32, #tpu.memory_space<hbm>> -> memref<80x128xf32, #tpu.memory_space<hbm>>
    %dma_wait3A_92 = arith.constant 0 : i32
    %dma_wait3A_93 = tpu.memref_slice %arg4[%mul3A_84, %dma_wait3A_92] : memref<64000x128xf32, #tpu.memory_space<hbm>> -> memref<80x128xf32, #tpu.memory_space<hbm>>
    %dma_wait3A_94 = arith.constant 0 : i32
    %dma_wait3A_95 = arith.constant 0 : i32
    %dma_wait3A_96 = tpu.memref_slice %arg6[%dma_wait3A_85, %dma_wait3A_94, %dma_wait3A_95] : memref<5x80x128xf32, #tpu.memory_space<vmem>> -> memref<1x80x128xf32, #tpu.memory_space<vmem>>
    %dma_wait3A_97 = tpu.memref_squeeze %dma_wait3A_96 : memref<1x80x128xf32, #tpu.memory_space<vmem>> -> memref<80x128xf32, #tpu.memory_space<vmem>>
    tpu.wait_dma2 semaphore(%arg13 : memref<!tpu.dma_semaphore, #tpu.memory_space<semaphore_mem>>) src(%dma_wait3A_97 : memref<80x128xf32, #tpu.memory_space<vmem>>) dst(%dma_wait3A_93 : memref<80x128xf32, #tpu.memory_space<hbm>>)
    %add3A_98 = arith.constant 704 : i32
    %add3A_99 = arith.addi %add3A_98, %add3A : i32
    %mul3A_100 = arith.constant 80 : i32
    %mul3A_101 = arith.muli %add3A_99, %mul3A_100 : i32
    %dma_wait3A_102 = arith.constant 2 : i32
    %dma_wait3A_103 = arith.constant 0 : i32
    %dma_wait3A_104 = arith.constant 0 : i32
    %dma_wait3A_105 = tpu.memref_slice %arg6[%dma_wait3A_102, %dma_wait3A_103, %dma_wait3A_104] : memref<5x80x128xf32, #tpu.memory_space<vmem>> -> memref<1x80x128xf32, #tpu.memory_space<vmem>>
    %dma_wait3A_106 = tpu.memref_squeeze %dma_wait3A_105 : memref<1x80x128xf32, #tpu.memory_space<vmem>> -> memref<80x128xf32, #tpu.memory_space<vmem>>
    %dma_wait3A_107 = arith.constant 0 : i32
    %dma_wait3A_108 = tpu.memref_slice %arg4[%mul3A_101, %dma_wait3A_107] : memref<64000x128xf32, #tpu.memory_space<hbm>> -> memref<80x128xf32, #tpu.memory_space<hbm>>
    %dma_wait3A_109 = arith.constant 0 : i32
    %dma_wait3A_110 = tpu.memref_slice %arg4[%mul3A_101, %dma_wait3A_109] : memref<64000x128xf32, #tpu.memory_space<hbm>> -> memref<80x128xf32, #tpu.memory_space<hbm>>
    %dma_wait3A_111 = arith.constant 0 : i32
    %dma_wait3A_112 = arith.constant 0 : i32
    %dma_wait3A_113 = tpu.memref_slice %arg6[%dma_wait3A_102, %dma_wait3A_111, %dma_wait3A_112] : memref<5x80x128xf32, #tpu.memory_space<vmem>> -> memref<1x80x128xf32, #tpu.memory_space<vmem>>
    %dma_wait3A_114 = tpu.memref_squeeze %dma_wait3A_113 : memref<1x80x128xf32, #tpu.memory_space<vmem>> -> memref<80x128xf32, #tpu.memory_space<vmem>>
    tpu.wait_dma2 semaphore(%arg14 : memref<!tpu.dma_semaphore, #tpu.memory_space<semaphore_mem>>) src(%dma_wait3A_114 : memref<80x128xf32, #tpu.memory_space<vmem>>) dst(%dma_wait3A_110 : memref<80x128xf32, #tpu.memory_space<hbm>>)
    %add3A_115 = arith.constant 736 : i32
    %add3A_116 = arith.addi %add3A_115, %add3A : i32
    %mul3A_117 = arith.constant 80 : i32
    %mul3A_118 = arith.muli %add3A_116, %mul3A_117 : i32
    %dma_wait3A_119 = arith.constant 3 : i32
    %dma_wait3A_120 = arith.constant 0 : i32
    %dma_wait3A_121 = arith.constant 0 : i32
    %dma_wait3A_122 = tpu.memref_slice %arg6[%dma_wait3A_119, %dma_wait3A_120, %dma_wait3A_121] : memref<5x80x128xf32, #tpu.memory_space<vmem>> -> memref<1x80x128xf32, #tpu.memory_space<vmem>>
    %dma_wait3A_123 = tpu.memref_squeeze %dma_wait3A_122 : memref<1x80x128xf32, #tpu.memory_space<vmem>> -> memref<80x128xf32, #tpu.memory_space<vmem>>
    %dma_wait3A_124 = arith.constant 0 : i32
    %dma_wait3A_125 = tpu.memref_slice %arg4[%mul3A_118, %dma_wait3A_124] : memref<64000x128xf32, #tpu.memory_space<hbm>> -> memref<80x128xf32, #tpu.memory_space<hbm>>
    %dma_wait3A_126 = arith.constant 0 : i32
    %dma_wait3A_127 = tpu.memref_slice %arg4[%mul3A_118, %dma_wait3A_126] : memref<64000x128xf32, #tpu.memory_space<hbm>> -> memref<80x128xf32, #tpu.memory_space<hbm>>
    %dma_wait3A_128 = arith.constant 0 : i32
    %dma_wait3A_129 = arith.constant 0 : i32
    %dma_wait3A_130 = tpu.memref_slice %arg6[%dma_wait3A_119, %dma_wait3A_128, %dma_wait3A_129] : memref<5x80x128xf32, #tpu.memory_space<vmem>> -> memref<1x80x128xf32, #tpu.memory_space<vmem>>
    %dma_wait3A_131 = tpu.memref_squeeze %dma_wait3A_130 : memref<1x80x128xf32, #tpu.memory_space<vmem>> -> memref<80x128xf32, #tpu.memory_space<vmem>>
    tpu.wait_dma2 semaphore(%arg15 : memref<!tpu.dma_semaphore, #tpu.memory_space<semaphore_mem>>) src(%dma_wait3A_131 : memref<80x128xf32, #tpu.memory_space<vmem>>) dst(%dma_wait3A_127 : memref<80x128xf32, #tpu.memory_space<hbm>>)
    %add3A_132 = arith.constant 768 : i32
    %add3A_133 = arith.addi %add3A_132, %add3A : i32
    %mul3A_134 = arith.constant 80 : i32
    %mul3A_135 = arith.muli %add3A_133, %mul3A_134 : i32
    %dma_wait3A_136 = arith.constant 4 : i32
    %dma_wait3A_137 = arith.constant 0 : i32
    %dma_wait3A_138 = arith.constant 0 : i32
    %dma_wait3A_139 = tpu.memref_slice %arg6[%dma_wait3A_136, %dma_wait3A_137, %dma_wait3A_138] : memref<5x80x128xf32, #tpu.memory_space<vmem>> -> memref<1x80x128xf32, #tpu.memory_space<vmem>>
    %dma_wait3A_140 = tpu.memref_squeeze %dma_wait3A_139 : memref<1x80x128xf32, #tpu.memory_space<vmem>> -> memref<80x128xf32, #tpu.memory_space<vmem>>
    %dma_wait3A_141 = arith.constant 0 : i32
    %dma_wait3A_142 = tpu.memref_slice %arg4[%mul3A_135, %dma_wait3A_141] : memref<64000x128xf32, #tpu.memory_space<hbm>> -> memref<80x128xf32, #tpu.memory_space<hbm>>
    %dma_wait3A_143 = arith.constant 0 : i32
    %dma_wait3A_144 = tpu.memref_slice %arg4[%mul3A_135, %dma_wait3A_143] : memref<64000x128xf32, #tpu.memory_space<hbm>> -> memref<80x128xf32, #tpu.memory_space<hbm>>
    %dma_wait3A_145 = arith.constant 0 : i32
    %dma_wait3A_146 = arith.constant 0 : i32
    %dma_wait3A_147 = tpu.memref_slice %arg6[%dma_wait3A_136, %dma_wait3A_145, %dma_wait3A_146] : memref<5x80x128xf32, #tpu.memory_space<vmem>> -> memref<1x80x128xf32, #tpu.memory_space<vmem>>
    %dma_wait3A_148 = tpu.memref_squeeze %dma_wait3A_147 : memref<1x80x128xf32, #tpu.memory_space<vmem>> -> memref<80x128xf32, #tpu.memory_space<vmem>>
    tpu.wait_dma2 semaphore(%arg16 : memref<!tpu.dma_semaphore, #tpu.memory_space<semaphore_mem>>) src(%dma_wait3A_148 : memref<80x128xf32, #tpu.memory_space<vmem>>) dst(%dma_wait3A_144 : memref<80x128xf32, #tpu.memory_space<hbm>>)
    return
  }
}

#map = affine_map<(d0, d1) -> (0, 0)>
#map1 = affine_map<(d0, d1) -> (0, 0, 0)>
module attributes {stable_mosaic.version = 14 : i64} {
  func.func @body(%arg0: i32, %arg1: i32, %arg2: memref<10000x128xf32, #tpu.memory_space<hbm>>, %arg3: memref<32x25x80xi32, #tpu.memory_space<hbm>>, %arg4: memref<64000x128xf32, #tpu.memory_space<hbm>>, %arg5: memref<25x80xi32, #tpu.memory_space<vmem>>, %arg6: memref<5x80x128xf32, #tpu.memory_space<vmem>>, %arg7: memref<!tpu.dma_semaphore, #tpu.memory_space<semaphore_mem>>, %arg8: memref<!tpu.dma_semaphore, #tpu.memory_space<semaphore_mem>>, %arg9: memref<!tpu.dma_semaphore, #tpu.memory_space<semaphore_mem>>, %arg10: memref<!tpu.dma_semaphore, #tpu.memory_space<semaphore_mem>>, %arg11: memref<!tpu.dma_semaphore, #tpu.memory_space<semaphore_mem>>, %arg12: memref<!tpu.dma_semaphore, #tpu.memory_space<semaphore_mem>>, %arg13: memref<!tpu.dma_semaphore, #tpu.memory_space<semaphore_mem>>, %arg14: memref<!tpu.dma_semaphore, #tpu.memory_space<semaphore_mem>>, %arg15: memref<!tpu.dma_semaphore, #tpu.memory_space<semaphore_mem>>, %arg16: memref<!tpu.dma_semaphore, #tpu.memory_space<semaphore_mem>>) attributes {dimension_semantics = [#tpu.dimension_semantics<core_parallel>, #tpu.dimension_semantics<subcore_parallel>], iteration_bounds = array<i64: 2, 16>, scalar_prefetch = 0 : i64, scratch_operands = 12 : i64, tpu.core_type = #tpu.core_type<sc_vector_subcore>, window_params = [{transform_indices = #map}, {transform_indices = #map1}, {transform_indices = #map}]} {
    %mul3A = arith.constant 2 : i32
    %mul3A_0 = arith.muli %arg1, %mul3A : i32
    %add3A = arith.addi %mul3A_0, %arg0 : i32
    "tpu.region"() ({
      %run_scoped3A = tpu.sem_alloc : memref<!tpu.dma_semaphore, #tpu.memory_space<semaphore_mem>>
      %dma_start3A_149 = arith.constant 0 : i32
      %dma_start3A_150 = arith.constant 0 : i32
      %dma_start3A_151 = tpu.memref_slice %arg3[%add3A, %dma_start3A_149, %dma_start3A_150] : memref<32x25x80xi32, #tpu.memory_space<hbm>> -> memref<1x25x80xi32, #tpu.memory_space<hbm>>
      %dma_start3A_152 = tpu.memref_squeeze %dma_start3A_151 : memref<1x25x80xi32, #tpu.memory_space<hbm>> -> memref<25x80xi32, #tpu.memory_space<hbm>>
      %dma_start3A_153 = arith.constant 0 : i32
      %dma_start3A_154 = arith.constant 0 : i32
      %dma_start3A_155 = tpu.memref_slice %arg3[%add3A, %dma_start3A_153, %dma_start3A_154] : memref<32x25x80xi32, #tpu.memory_space<hbm>> -> memref<1x25x80xi32, #tpu.memory_space<hbm>>
      %dma_start3A_156 = tpu.memref_squeeze %dma_start3A_155 : memref<1x25x80xi32, #tpu.memory_space<hbm>> -> memref<25x80xi32, #tpu.memory_space<hbm>>
      tpu.enqueue_dma source(%dma_start3A_156 : memref<25x80xi32, #tpu.memory_space<hbm>>) target(%arg5 : memref<25x80xi32, #tpu.memory_space<vmem>>) target_semaphore(%run_scoped3A : memref<!tpu.dma_semaphore, #tpu.memory_space<semaphore_mem>>)
      %dma_wait3A_157 = arith.constant 0 : i32
      %dma_wait3A_158 = arith.constant 0 : i32
      %dma_wait3A_159 = tpu.memref_slice %arg3[%add3A, %dma_wait3A_157, %dma_wait3A_158] : memref<32x25x80xi32, #tpu.memory_space<hbm>> -> memref<1x25x80xi32, #tpu.memory_space<hbm>>
      %dma_wait3A_160 = tpu.memref_squeeze %dma_wait3A_159 : memref<1x25x80xi32, #tpu.memory_space<hbm>> -> memref<25x80xi32, #tpu.memory_space<hbm>>
      %dma_wait3A_161 = arith.constant 0 : i32
      %dma_wait3A_162 = arith.constant 0 : i32
      %dma_wait3A_163 = tpu.memref_slice %arg3[%add3A, %dma_wait3A_161, %dma_wait3A_162] : memref<32x25x80xi32, #tpu.memory_space<hbm>> -> memref<1x25x80xi32, #tpu.memory_space<hbm>>
      %dma_wait3A_164 = tpu.memref_squeeze %dma_wait3A_163 : memref<1x25x80xi32, #tpu.memory_space<hbm>> -> memref<25x80xi32, #tpu.memory_space<hbm>>
      tpu.wait_dma2 semaphore(%run_scoped3A : memref<!tpu.dma_semaphore, #tpu.memory_space<semaphore_mem>>) src(%dma_wait3A_164 : memref<25x80xi32, #tpu.memory_space<hbm>>) dst(%arg5 : memref<25x80xi32, #tpu.memory_space<vmem>>)
      tpu.yield
    }) : () -> ()
    %dma_start3A = arith.constant 0 : i32
    %dma_start3A_1 = arith.constant 0 : i32
    %dma_start3A_2 = arith.constant 0 : i32
    %dma_start3A_3 = arith.constant 0 : i32
    %dma_start3A_4 = tpu.memref_slice %arg6[%dma_start3A_1, %dma_start3A_2, %dma_start3A_3] : memref<5x80x128xf32, #tpu.memory_space<vmem>> -> memref<1x80x128xf32, #tpu.memory_space<vmem>>
    %dma_start3A_5 = tpu.memref_squeeze %dma_start3A_4 : memref<1x80x128xf32, #tpu.memory_space<vmem>> -> memref<80x128xf32, #tpu.memory_space<vmem>>
    %dma_start3A_6 = arith.constant 0 : i32
    %dma_start3A_7 = tpu.memref_slice %arg5[%dma_start3A, %dma_start3A_6] : memref<25x80xi32, #tpu.memory_space<vmem>> -> memref<1x80xi32, #tpu.memory_space<vmem>>
    %dma_start3A_8 = tpu.memref_squeeze %dma_start3A_7 : memref<1x80xi32, #tpu.memory_space<vmem>> -> memref<80xi32, #tpu.memory_space<vmem>>
    %dma_start3A_9 = arith.constant 0 : i32
    %dma_start3A_10 = arith.constant 0 : i32
    %dma_start3A_11 = tpu.memref_slice %arg2[%dma_start3A_9, %dma_start3A_10] : memref<10000x128xf32, #tpu.memory_space<hbm>> -> memref<10000x128xf32, #tpu.memory_space<hbm>>
    tpu.enqueue_indirect_dma source(%dma_start3A_11 : memref<10000x128xf32, #tpu.memory_space<hbm>>) target(%dma_start3A_5 : memref<80x128xf32, #tpu.memory_space<vmem>>) offsets(%dma_start3A_8 : memref<80xi32, #tpu.memory_space<vmem>>) semaphore(%arg7 : memref<!tpu.dma_semaphore, #tpu.memory_space<semaphore_mem>>)
    %dma_start3A_12 = arith.constant 1 : i32
    %dma_start3A_13 = arith.constant 1 : i32
    %dma_start3A_14 = arith.constant 0 : i32
    %dma_start3A_15 = arith.constant 0 : i32
    %dma_start3A_16 = tpu.memref_slice %arg6[%dma_start3A_13, %dma_start3A_14, %dma_start3A_15] : memref<5x80x128xf32, #tpu.memory_space<vmem>> -> memref<1x80x128xf32, #tpu.memory_space<vmem>>
    %dma_start3A_17 = tpu.memref_squeeze %dma_start3A_16 : memref<1x80x128xf32, #tpu.memory_space<vmem>> -> memref<80x128xf32, #tpu.memory_space<vmem>>
    %dma_start3A_18 = arith.constant 0 : i32
    %dma_start3A_19 = tpu.memref_slice %arg5[%dma_start3A_12, %dma_start3A_18] : memref<25x80xi32, #tpu.memory_space<vmem>> -> memref<1x80xi32, #tpu.memory_space<vmem>>
    %dma_start3A_20 = tpu.memref_squeeze %dma_start3A_19 : memref<1x80xi32, #tpu.memory_space<vmem>> -> memref<80xi32, #tpu.memory_space<vmem>>
    %dma_start3A_21 = arith.constant 0 : i32
    %dma_start3A_22 = arith.constant 0 : i32
    %dma_start3A_23 = tpu.memref_slice %arg2[%dma_start3A_21, %dma_start3A_22] : memref<10000x128xf32, #tpu.memory_space<hbm>> -> memref<10000x128xf32, #tpu.memory_space<hbm>>
    tpu.enqueue_indirect_dma source(%dma_start3A_23 : memref<10000x128xf32, #tpu.memory_space<hbm>>) target(%dma_start3A_17 : memref<80x128xf32, #tpu.memory_space<vmem>>) offsets(%dma_start3A_20 : memref<80xi32, #tpu.memory_space<vmem>>) semaphore(%arg8 : memref<!tpu.dma_semaphore, #tpu.memory_space<semaphore_mem>>)
    %dma_start3A_24 = arith.constant 2 : i32
    %dma_start3A_25 = arith.constant 2 : i32
    %dma_start3A_26 = arith.constant 0 : i32
    %dma_start3A_27 = arith.constant 0 : i32
    %dma_start3A_28 = tpu.memref_slice %arg6[%dma_start3A_25, %dma_start3A_26, %dma_start3A_27] : memref<5x80x128xf32, #tpu.memory_space<vmem>> -> memref<1x80x128xf32, #tpu.memory_space<vmem>>
    %dma_start3A_29 = tpu.memref_squeeze %dma_start3A_28 : memref<1x80x128xf32, #tpu.memory_space<vmem>> -> memref<80x128xf32, #tpu.memory_space<vmem>>
    %dma_start3A_30 = arith.constant 0 : i32
    %dma_start3A_31 = tpu.memref_slice %arg5[%dma_start3A_24, %dma_start3A_30] : memref<25x80xi32, #tpu.memory_space<vmem>> -> memref<1x80xi32, #tpu.memory_space<vmem>>
    %dma_start3A_32 = tpu.memref_squeeze %dma_start3A_31 : memref<1x80xi32, #tpu.memory_space<vmem>> -> memref<80xi32, #tpu.memory_space<vmem>>
    %dma_start3A_33 = arith.constant 0 : i32
    %dma_start3A_34 = arith.constant 0 : i32
    %dma_start3A_35 = tpu.memref_slice %arg2[%dma_start3A_33, %dma_start3A_34] : memref<10000x128xf32, #tpu.memory_space<hbm>> -> memref<10000x128xf32, #tpu.memory_space<hbm>>
    tpu.enqueue_indirect_dma source(%dma_start3A_35 : memref<10000x128xf32, #tpu.memory_space<hbm>>) target(%dma_start3A_29 : memref<80x128xf32, #tpu.memory_space<vmem>>) offsets(%dma_start3A_32 : memref<80xi32, #tpu.memory_space<vmem>>) semaphore(%arg9 : memref<!tpu.dma_semaphore, #tpu.memory_space<semaphore_mem>>)
    %dma_start3A_36 = arith.constant 3 : i32
    %dma_start3A_37 = arith.constant 3 : i32
    %dma_start3A_38 = arith.constant 0 : i32
    %dma_start3A_39 = arith.constant 0 : i32
    %dma_start3A_40 = tpu.memref_slice %arg6[%dma_start3A_37, %dma_start3A_38, %dma_start3A_39] : memref<5x80x128xf32, #tpu.memory_space<vmem>> -> memref<1x80x128xf32, #tpu.memory_space<vmem>>
    %dma_start3A_41 = tpu.memref_squeeze %dma_start3A_40 : memref<1x80x128xf32, #tpu.memory_space<vmem>> -> memref<80x128xf32, #tpu.memory_space<vmem>>
    %dma_start3A_42 = arith.constant 0 : i32
    %dma_start3A_43 = tpu.memref_slice %arg5[%dma_start3A_36, %dma_start3A_42] : memref<25x80xi32, #tpu.memory_space<vmem>> -> memref<1x80xi32, #tpu.memory_space<vmem>>
    %dma_start3A_44 = tpu.memref_squeeze %dma_start3A_43 : memref<1x80xi32, #tpu.memory_space<vmem>> -> memref<80xi32, #tpu.memory_space<vmem>>
    %dma_start3A_45 = arith.constant 0 : i32
    %dma_start3A_46 = arith.constant 0 : i32
    %dma_start3A_47 = tpu.memref_slice %arg2[%dma_start3A_45, %dma_start3A_46] : memref<10000x128xf32, #tpu.memory_space<hbm>> -> memref<10000x128xf32, #tpu.memory_space<hbm>>
    tpu.enqueue_indirect_dma source(%dma_start3A_47 : memref<10000x128xf32, #tpu.memory_space<hbm>>) target(%dma_start3A_41 : memref<80x128xf32, #tpu.memory_space<vmem>>) offsets(%dma_start3A_44 : memref<80xi32, #tpu.memory_space<vmem>>) semaphore(%arg10 : memref<!tpu.dma_semaphore, #tpu.memory_space<semaphore_mem>>)
    %dma_start3A_48 = arith.constant 4 : i32
    %dma_start3A_49 = arith.constant 4 : i32
    %dma_start3A_50 = arith.constant 0 : i32
    %dma_start3A_51 = arith.constant 0 : i32
    %dma_start3A_52 = tpu.memref_slice %arg6[%dma_start3A_49, %dma_start3A_50, %dma_start3A_51] : memref<5x80x128xf32, #tpu.memory_space<vmem>> -> memref<1x80x128xf32, #tpu.memory_space<vmem>>
    %dma_start3A_53 = tpu.memref_squeeze %dma_start3A_52 : memref<1x80x128xf32, #tpu.memory_space<vmem>> -> memref<80x128xf32, #tpu.memory_space<vmem>>
    %dma_start3A_54 = arith.constant 0 : i32
    %dma_start3A_55 = tpu.memref_slice %arg5[%dma_start3A_48, %dma_start3A_54] : memref<25x80xi32, #tpu.memory_space<vmem>> -> memref<1x80xi32, #tpu.memory_space<vmem>>
    %dma_start3A_56 = tpu.memref_squeeze %dma_start3A_55 : memref<1x80xi32, #tpu.memory_space<vmem>> -> memref<80xi32, #tpu.memory_space<vmem>>
    %dma_start3A_57 = arith.constant 0 : i32
    %dma_start3A_58 = arith.constant 0 : i32
    %dma_start3A_59 = tpu.memref_slice %arg2[%dma_start3A_57, %dma_start3A_58] : memref<10000x128xf32, #tpu.memory_space<hbm>> -> memref<10000x128xf32, #tpu.memory_space<hbm>>
    tpu.enqueue_indirect_dma source(%dma_start3A_59 : memref<10000x128xf32, #tpu.memory_space<hbm>>) target(%dma_start3A_53 : memref<80x128xf32, #tpu.memory_space<vmem>>) offsets(%dma_start3A_56 : memref<80xi32, #tpu.memory_space<vmem>>) semaphore(%arg11 : memref<!tpu.dma_semaphore, #tpu.memory_space<semaphore_mem>>)
    %scan3A = arith.constant 0 : i32
    %scan3A_60 = arith.constant 0 : i32
    %scan3A_61 = arith.constant 5 : i32
    %scan3A_62 = arith.addi %scan3A_60, %scan3A_61 : i32
    %scan3A_63 = arith.constant 1 : i32
    scf.for %scan3A_149 = %scan3A_60 to %scan3A_62 step %scan3A_63  : i32 {
      %mul3A_150 = arith.constant 5 : i32
      %mul3A_151 = arith.muli %scan3A_149, %mul3A_150 : i32
      %add3A_152 = arith.constant 0 : i32
      %add3A_153 = arith.addi %mul3A_151, %add3A_152 : i32
      %dma_wait3A_154 = arith.constant 0 : i32
      %dma_wait3A_155 = arith.constant 0 : i32
      %dma_wait3A_156 = arith.constant 0 : i32
      %dma_wait3A_157 = tpu.memref_slice %arg6[%dma_wait3A_154, %dma_wait3A_155, %dma_wait3A_156] : memref<5x80x128xf32, #tpu.memory_space<vmem>> -> memref<1x80x128xf32, #tpu.memory_space<vmem>>
      %dma_wait3A_158 = tpu.memref_squeeze %dma_wait3A_157 : memref<1x80x128xf32, #tpu.memory_space<vmem>> -> memref<80x128xf32, #tpu.memory_space<vmem>>
      %dma_wait3A_159 = arith.constant 0 : i32
      %dma_wait3A_160 = tpu.memref_slice %arg5[%add3A_153, %dma_wait3A_159] : memref<25x80xi32, #tpu.memory_space<vmem>> -> memref<1x80xi32, #tpu.memory_space<vmem>>
      %dma_wait3A_161 = tpu.memref_squeeze %dma_wait3A_160 : memref<1x80xi32, #tpu.memory_space<vmem>> -> memref<80xi32, #tpu.memory_space<vmem>>
      %dma_wait3A_162 = arith.constant 0 : i32
      %dma_wait3A_163 = arith.constant 0 : i32
      %dma_wait3A_164 = tpu.memref_slice %arg2[%dma_wait3A_162, %dma_wait3A_163] : memref<10000x128xf32, #tpu.memory_space<hbm>> -> memref<10000x128xf32, #tpu.memory_space<hbm>>
      tpu.wait_indirect_dma semaphore(%arg7 : memref<!tpu.dma_semaphore, #tpu.memory_space<semaphore_mem>>) src(%dma_wait3A_164 : memref<10000x128xf32, #tpu.memory_space<hbm>>) dst(%dma_wait3A_158 : memref<80x128xf32, #tpu.memory_space<vmem>>)
      %mul3A_165 = arith.constant 32 : i32
      %mul3A_166 = arith.muli %add3A_153, %mul3A_165 : i32
      %add3A_167 = arith.addi %mul3A_166, %add3A : i32
      %mul3A_168 = arith.constant 80 : i32
      %mul3A_169 = arith.muli %add3A_167, %mul3A_168 : i32
      %dma_start3A_170 = arith.constant 0 : i32
      %dma_start3A_171 = arith.constant 0 : i32
      %dma_start3A_172 = arith.constant 0 : i32
      %dma_start3A_173 = tpu.memref_slice %arg6[%dma_start3A_170, %dma_start3A_171, %dma_start3A_172] : memref<5x80x128xf32, #tpu.memory_space<vmem>> -> memref<1x80x128xf32, #tpu.memory_space<vmem>>
      %dma_start3A_174 = tpu.memref_squeeze %dma_start3A_173 : memref<1x80x128xf32, #tpu.memory_space<vmem>> -> memref<80x128xf32, #tpu.memory_space<vmem>>
      %dma_start3A_175 = arith.constant 0 : i32
      %dma_start3A_176 = tpu.memref_slice %arg4[%mul3A_169, %dma_start3A_175] : memref<64000x128xf32, #tpu.memory_space<hbm>> -> memref<80x128xf32, #tpu.memory_space<hbm>>
      %dma_start3A_177 = arith.constant 0 : i32
      %dma_start3A_178 = tpu.memref_slice %arg4[%mul3A_169, %dma_start3A_177] : memref<64000x128xf32, #tpu.memory_space<hbm>> -> memref<80x128xf32, #tpu.memory_space<hbm>>
      %dma_start3A_179 = arith.constant 0 : i32
      %dma_start3A_180 = arith.constant 0 : i32
      %dma_start3A_181 = tpu.memref_slice %arg6[%dma_start3A_170, %dma_start3A_179, %dma_start3A_180] : memref<5x80x128xf32, #tpu.memory_space<vmem>> -> memref<1x80x128xf32, #tpu.memory_space<vmem>>
      %dma_start3A_182 = tpu.memref_squeeze %dma_start3A_181 : memref<1x80x128xf32, #tpu.memory_space<vmem>> -> memref<80x128xf32, #tpu.memory_space<vmem>>
      tpu.enqueue_dma source(%dma_start3A_182 : memref<80x128xf32, #tpu.memory_space<vmem>>) target(%dma_start3A_178 : memref<80x128xf32, #tpu.memory_space<hbm>>) target_semaphore(%arg12 : memref<!tpu.dma_semaphore, #tpu.memory_space<semaphore_mem>>)
      %add3A_183 = arith.constant 5 : i32
      %add3A_184 = arith.addi %add3A_153, %add3A_183 : i32
      %lt3A = arith.constant 25 : i32
      %lt3A_185 = arith.cmpi slt, %add3A_184, %lt3A : i32
      %convert_element_type3A = arith.extui %lt3A_185 : i1 to i32
      %cond3A = arith.constant 0 : i32
      %cond3A_186 = arith.cmpi ne, %convert_element_type3A, %cond3A : i32
      scf.if %cond3A_186 {
        %mul3A_347 = arith.constant 32 : i32
        %mul3A_348 = arith.muli %add3A_153, %mul3A_347 : i32
        %add3A_349 = arith.addi %mul3A_348, %add3A : i32
        %mul3A_350 = arith.constant 80 : i32
        %mul3A_351 = arith.muli %add3A_349, %mul3A_350 : i32
        %dma_wait3A_352 = arith.constant 0 : i32
        %dma_wait3A_353 = arith.constant 0 : i32
        %dma_wait3A_354 = arith.constant 0 : i32
        %dma_wait3A_355 = tpu.memref_slice %arg6[%dma_wait3A_352, %dma_wait3A_353, %dma_wait3A_354] : memref<5x80x128xf32, #tpu.memory_space<vmem>> -> memref<1x80x128xf32, #tpu.memory_space<vmem>>
        %dma_wait3A_356 = tpu.memref_squeeze %dma_wait3A_355 : memref<1x80x128xf32, #tpu.memory_space<vmem>> -> memref<80x128xf32, #tpu.memory_space<vmem>>
        %dma_wait3A_357 = arith.constant 0 : i32
        %dma_wait3A_358 = tpu.memref_slice %arg4[%mul3A_351, %dma_wait3A_357] : memref<64000x128xf32, #tpu.memory_space<hbm>> -> memref<80x128xf32, #tpu.memory_space<hbm>>
        %dma_wait3A_359 = arith.constant 0 : i32
        %dma_wait3A_360 = tpu.memref_slice %arg4[%mul3A_351, %dma_wait3A_359] : memref<64000x128xf32, #tpu.memory_space<hbm>> -> memref<80x128xf32, #tpu.memory_space<hbm>>
        %dma_wait3A_361 = arith.constant 0 : i32
        %dma_wait3A_362 = arith.constant 0 : i32
        %dma_wait3A_363 = tpu.memref_slice %arg6[%dma_wait3A_352, %dma_wait3A_361, %dma_wait3A_362] : memref<5x80x128xf32, #tpu.memory_space<vmem>> -> memref<1x80x128xf32, #tpu.memory_space<vmem>>
        %dma_wait3A_364 = tpu.memref_squeeze %dma_wait3A_363 : memref<1x80x128xf32, #tpu.memory_space<vmem>> -> memref<80x128xf32, #tpu.memory_space<vmem>>
        tpu.wait_dma2 semaphore(%arg12 : memref<!tpu.dma_semaphore, #tpu.memory_space<semaphore_mem>>) src(%dma_wait3A_364 : memref<80x128xf32, #tpu.memory_space<vmem>>) dst(%dma_wait3A_360 : memref<80x128xf32, #tpu.memory_space<hbm>>)
        %add3A_365 = arith.constant 5 : i32
        %add3A_366 = arith.addi %add3A_153, %add3A_365 : i32
        %dma_start3A_367 = arith.constant 0 : i32
        %dma_start3A_368 = arith.constant 0 : i32
        %dma_start3A_369 = arith.constant 0 : i32
        %dma_start3A_370 = tpu.memref_slice %arg6[%dma_start3A_367, %dma_start3A_368, %dma_start3A_369] : memref<5x80x128xf32, #tpu.memory_space<vmem>> -> memref<1x80x128xf32, #tpu.memory_space<vmem>>
        %dma_start3A_371 = tpu.memref_squeeze %dma_start3A_370 : memref<1x80x128xf32, #tpu.memory_space<vmem>> -> memref<80x128xf32, #tpu.memory_space<vmem>>
        %dma_start3A_372 = arith.constant 0 : i32
        %dma_start3A_373 = tpu.memref_slice %arg5[%add3A_366, %dma_start3A_372] : memref<25x80xi32, #tpu.memory_space<vmem>> -> memref<1x80xi32, #tpu.memory_space<vmem>>
        %dma_start3A_374 = tpu.memref_squeeze %dma_start3A_373 : memref<1x80xi32, #tpu.memory_space<vmem>> -> memref<80xi32, #tpu.memory_space<vmem>>
        %dma_start3A_375 = arith.constant 0 : i32
        %dma_start3A_376 = arith.constant 0 : i32
        %dma_start3A_377 = tpu.memref_slice %arg2[%dma_start3A_375, %dma_start3A_376] : memref<10000x128xf32, #tpu.memory_space<hbm>> -> memref<10000x128xf32, #tpu.memory_space<hbm>>
        tpu.enqueue_indirect_dma source(%dma_start3A_377 : memref<10000x128xf32, #tpu.memory_space<hbm>>) target(%dma_start3A_371 : memref<80x128xf32, #tpu.memory_space<vmem>>) offsets(%dma_start3A_374 : memref<80xi32, #tpu.memory_space<vmem>>) semaphore(%arg7 : memref<!tpu.dma_semaphore, #tpu.memory_space<semaphore_mem>>)
      } else {
      }
      %mul3A_187 = arith.constant 5 : i32
      %mul3A_188 = arith.muli %scan3A_149, %mul3A_187 : i32
      %add3A_189 = arith.constant 1 : i32
      %add3A_190 = arith.addi %mul3A_188, %add3A_189 : i32
      %dma_wait3A_191 = arith.constant 1 : i32
      %dma_wait3A_192 = arith.constant 0 : i32
      %dma_wait3A_193 = arith.constant 0 : i32
      %dma_wait3A_194 = tpu.memref_slice %arg6[%dma_wait3A_191, %dma_wait3A_192, %dma_wait3A_193] : memref<5x80x128xf32, #tpu.memory_space<vmem>> -> memref<1x80x128xf32, #tpu.memory_space<vmem>>
      %dma_wait3A_195 = tpu.memref_squeeze %dma_wait3A_194 : memref<1x80x128xf32, #tpu.memory_space<vmem>> -> memref<80x128xf32, #tpu.memory_space<vmem>>
      %dma_wait3A_196 = arith.constant 0 : i32
      %dma_wait3A_197 = tpu.memref_slice %arg5[%add3A_190, %dma_wait3A_196] : memref<25x80xi32, #tpu.memory_space<vmem>> -> memref<1x80xi32, #tpu.memory_space<vmem>>
      %dma_wait3A_198 = tpu.memref_squeeze %dma_wait3A_197 : memref<1x80xi32, #tpu.memory_space<vmem>> -> memref<80xi32, #tpu.memory_space<vmem>>
      %dma_wait3A_199 = arith.constant 0 : i32
      %dma_wait3A_200 = arith.constant 0 : i32
      %dma_wait3A_201 = tpu.memref_slice %arg2[%dma_wait3A_199, %dma_wait3A_200] : memref<10000x128xf32, #tpu.memory_space<hbm>> -> memref<10000x128xf32, #tpu.memory_space<hbm>>
      tpu.wait_indirect_dma semaphore(%arg8 : memref<!tpu.dma_semaphore, #tpu.memory_space<semaphore_mem>>) src(%dma_wait3A_201 : memref<10000x128xf32, #tpu.memory_space<hbm>>) dst(%dma_wait3A_195 : memref<80x128xf32, #tpu.memory_space<vmem>>)
      %mul3A_202 = arith.constant 32 : i32
      %mul3A_203 = arith.muli %add3A_190, %mul3A_202 : i32
      %add3A_204 = arith.addi %mul3A_203, %add3A : i32
      %mul3A_205 = arith.constant 80 : i32
      %mul3A_206 = arith.muli %add3A_204, %mul3A_205 : i32
      %dma_start3A_207 = arith.constant 1 : i32
      %dma_start3A_208 = arith.constant 0 : i32
      %dma_start3A_209 = arith.constant 0 : i32
      %dma_start3A_210 = tpu.memref_slice %arg6[%dma_start3A_207, %dma_start3A_208, %dma_start3A_209] : memref<5x80x128xf32, #tpu.memory_space<vmem>> -> memref<1x80x128xf32, #tpu.memory_space<vmem>>
      %dma_start3A_211 = tpu.memref_squeeze %dma_start3A_210 : memref<1x80x128xf32, #tpu.memory_space<vmem>> -> memref<80x128xf32, #tpu.memory_space<vmem>>
      %dma_start3A_212 = arith.constant 0 : i32
      %dma_start3A_213 = tpu.memref_slice %arg4[%mul3A_206, %dma_start3A_212] : memref<64000x128xf32, #tpu.memory_space<hbm>> -> memref<80x128xf32, #tpu.memory_space<hbm>>
      %dma_start3A_214 = arith.constant 0 : i32
      %dma_start3A_215 = tpu.memref_slice %arg4[%mul3A_206, %dma_start3A_214] : memref<64000x128xf32, #tpu.memory_space<hbm>> -> memref<80x128xf32, #tpu.memory_space<hbm>>
      %dma_start3A_216 = arith.constant 0 : i32
      %dma_start3A_217 = arith.constant 0 : i32
      %dma_start3A_218 = tpu.memref_slice %arg6[%dma_start3A_207, %dma_start3A_216, %dma_start3A_217] : memref<5x80x128xf32, #tpu.memory_space<vmem>> -> memref<1x80x128xf32, #tpu.memory_space<vmem>>
      %dma_start3A_219 = tpu.memref_squeeze %dma_start3A_218 : memref<1x80x128xf32, #tpu.memory_space<vmem>> -> memref<80x128xf32, #tpu.memory_space<vmem>>
      tpu.enqueue_dma source(%dma_start3A_219 : memref<80x128xf32, #tpu.memory_space<vmem>>) target(%dma_start3A_215 : memref<80x128xf32, #tpu.memory_space<hbm>>) target_semaphore(%arg13 : memref<!tpu.dma_semaphore, #tpu.memory_space<semaphore_mem>>)
      %add3A_220 = arith.constant 5 : i32
      %add3A_221 = arith.addi %add3A_190, %add3A_220 : i32
      %lt3A_222 = arith.constant 25 : i32
      %lt3A_223 = arith.cmpi slt, %add3A_221, %lt3A_222 : i32
      %convert_element_type3A_224 = arith.extui %lt3A_223 : i1 to i32
      %cond3A_225 = arith.constant 0 : i32
      %cond3A_226 = arith.cmpi ne, %convert_element_type3A_224, %cond3A_225 : i32
      scf.if %cond3A_226 {
        %mul3A_347 = arith.constant 32 : i32
        %mul3A_348 = arith.muli %add3A_190, %mul3A_347 : i32
        %add3A_349 = arith.addi %mul3A_348, %add3A : i32
        %mul3A_350 = arith.constant 80 : i32
        %mul3A_351 = arith.muli %add3A_349, %mul3A_350 : i32
        %dma_wait3A_352 = arith.constant 1 : i32
        %dma_wait3A_353 = arith.constant 0 : i32
        %dma_wait3A_354 = arith.constant 0 : i32
        %dma_wait3A_355 = tpu.memref_slice %arg6[%dma_wait3A_352, %dma_wait3A_353, %dma_wait3A_354] : memref<5x80x128xf32, #tpu.memory_space<vmem>> -> memref<1x80x128xf32, #tpu.memory_space<vmem>>
        %dma_wait3A_356 = tpu.memref_squeeze %dma_wait3A_355 : memref<1x80x128xf32, #tpu.memory_space<vmem>> -> memref<80x128xf32, #tpu.memory_space<vmem>>
        %dma_wait3A_357 = arith.constant 0 : i32
        %dma_wait3A_358 = tpu.memref_slice %arg4[%mul3A_351, %dma_wait3A_357] : memref<64000x128xf32, #tpu.memory_space<hbm>> -> memref<80x128xf32, #tpu.memory_space<hbm>>
        %dma_wait3A_359 = arith.constant 0 : i32
        %dma_wait3A_360 = tpu.memref_slice %arg4[%mul3A_351, %dma_wait3A_359] : memref<64000x128xf32, #tpu.memory_space<hbm>> -> memref<80x128xf32, #tpu.memory_space<hbm>>
        %dma_wait3A_361 = arith.constant 0 : i32
        %dma_wait3A_362 = arith.constant 0 : i32
        %dma_wait3A_363 = tpu.memref_slice %arg6[%dma_wait3A_352, %dma_wait3A_361, %dma_wait3A_362] : memref<5x80x128xf32, #tpu.memory_space<vmem>> -> memref<1x80x128xf32, #tpu.memory_space<vmem>>
        %dma_wait3A_364 = tpu.memref_squeeze %dma_wait3A_363 : memref<1x80x128xf32, #tpu.memory_space<vmem>> -> memref<80x128xf32, #tpu.memory_space<vmem>>
        tpu.wait_dma2 semaphore(%arg13 : memref<!tpu.dma_semaphore, #tpu.memory_space<semaphore_mem>>) src(%dma_wait3A_364 : memref<80x128xf32, #tpu.memory_space<vmem>>) dst(%dma_wait3A_360 : memref<80x128xf32, #tpu.memory_space<hbm>>)
        %add3A_365 = arith.constant 5 : i32
        %add3A_366 = arith.addi %add3A_190, %add3A_365 : i32
        %dma_start3A_367 = arith.constant 1 : i32
        %dma_start3A_368 = arith.constant 0 : i32
        %dma_start3A_369 = arith.constant 0 : i32
        %dma_start3A_370 = tpu.memref_slice %arg6[%dma_start3A_367, %dma_start3A_368, %dma_start3A_369] : memref<5x80x128xf32, #tpu.memory_space<vmem>> -> memref<1x80x128xf32, #tpu.memory_space<vmem>>
        %dma_start3A_371 = tpu.memref_squeeze %dma_start3A_370 : memref<1x80x128xf32, #tpu.memory_space<vmem>> -> memref<80x128xf32, #tpu.memory_space<vmem>>
        %dma_start3A_372 = arith.constant 0 : i32
        %dma_start3A_373 = tpu.memref_slice %arg5[%add3A_366, %dma_start3A_372] : memref<25x80xi32, #tpu.memory_space<vmem>> -> memref<1x80xi32, #tpu.memory_space<vmem>>
        %dma_start3A_374 = tpu.memref_squeeze %dma_start3A_373 : memref<1x80xi32, #tpu.memory_space<vmem>> -> memref<80xi32, #tpu.memory_space<vmem>>
        %dma_start3A_375 = arith.constant 0 : i32
        %dma_start3A_376 = arith.constant 0 : i32
        %dma_start3A_377 = tpu.memref_slice %arg2[%dma_start3A_375, %dma_start3A_376] : memref<10000x128xf32, #tpu.memory_space<hbm>> -> memref<10000x128xf32, #tpu.memory_space<hbm>>
        tpu.enqueue_indirect_dma source(%dma_start3A_377 : memref<10000x128xf32, #tpu.memory_space<hbm>>) target(%dma_start3A_371 : memref<80x128xf32, #tpu.memory_space<vmem>>) offsets(%dma_start3A_374 : memref<80xi32, #tpu.memory_space<vmem>>) semaphore(%arg8 : memref<!tpu.dma_semaphore, #tpu.memory_space<semaphore_mem>>)
      } else {
      }
      %mul3A_227 = arith.constant 5 : i32
      %mul3A_228 = arith.muli %scan3A_149, %mul3A_227 : i32
      %add3A_229 = arith.constant 2 : i32
      %add3A_230 = arith.addi %mul3A_228, %add3A_229 : i32
      %dma_wait3A_231 = arith.constant 2 : i32
      %dma_wait3A_232 = arith.constant 0 : i32
      %dma_wait3A_233 = arith.constant 0 : i32
      %dma_wait3A_234 = tpu.memref_slice %arg6[%dma_wait3A_231, %dma_wait3A_232, %dma_wait3A_233] : memref<5x80x128xf32, #tpu.memory_space<vmem>> -> memref<1x80x128xf32, #tpu.memory_space<vmem>>
      %dma_wait3A_235 = tpu.memref_squeeze %dma_wait3A_234 : memref<1x80x128xf32, #tpu.memory_space<vmem>> -> memref<80x128xf32, #tpu.memory_space<vmem>>
      %dma_wait3A_236 = arith.constant 0 : i32
      %dma_wait3A_237 = tpu.memref_slice %arg5[%add3A_230, %dma_wait3A_236] : memref<25x80xi32, #tpu.memory_space<vmem>> -> memref<1x80xi32, #tpu.memory_space<vmem>>
      %dma_wait3A_238 = tpu.memref_squeeze %dma_wait3A_237 : memref<1x80xi32, #tpu.memory_space<vmem>> -> memref<80xi32, #tpu.memory_space<vmem>>
      %dma_wait3A_239 = arith.constant 0 : i32
      %dma_wait3A_240 = arith.constant 0 : i32
      %dma_wait3A_241 = tpu.memref_slice %arg2[%dma_wait3A_239, %dma_wait3A_240] : memref<10000x128xf32, #tpu.memory_space<hbm>> -> memref<10000x128xf32, #tpu.memory_space<hbm>>
      tpu.wait_indirect_dma semaphore(%arg9 : memref<!tpu.dma_semaphore, #tpu.memory_space<semaphore_mem>>) src(%dma_wait3A_241 : memref<10000x128xf32, #tpu.memory_space<hbm>>) dst(%dma_wait3A_235 : memref<80x128xf32, #tpu.memory_space<vmem>>)
      %mul3A_242 = arith.constant 32 : i32
      %mul3A_243 = arith.muli %add3A_230, %mul3A_242 : i32
      %add3A_244 = arith.addi %mul3A_243, %add3A : i32
      %mul3A_245 = arith.constant 80 : i32
      %mul3A_246 = arith.muli %add3A_244, %mul3A_245 : i32
      %dma_start3A_247 = arith.constant 2 : i32
      %dma_start3A_248 = arith.constant 0 : i32
      %dma_start3A_249 = arith.constant 0 : i32
      %dma_start3A_250 = tpu.memref_slice %arg6[%dma_start3A_247, %dma_start3A_248, %dma_start3A_249] : memref<5x80x128xf32, #tpu.memory_space<vmem>> -> memref<1x80x128xf32, #tpu.memory_space<vmem>>
      %dma_start3A_251 = tpu.memref_squeeze %dma_start3A_250 : memref<1x80x128xf32, #tpu.memory_space<vmem>> -> memref<80x128xf32, #tpu.memory_space<vmem>>
      %dma_start3A_252 = arith.constant 0 : i32
      %dma_start3A_253 = tpu.memref_slice %arg4[%mul3A_246, %dma_start3A_252] : memref<64000x128xf32, #tpu.memory_space<hbm>> -> memref<80x128xf32, #tpu.memory_space<hbm>>
      %dma_start3A_254 = arith.constant 0 : i32
      %dma_start3A_255 = tpu.memref_slice %arg4[%mul3A_246, %dma_start3A_254] : memref<64000x128xf32, #tpu.memory_space<hbm>> -> memref<80x128xf32, #tpu.memory_space<hbm>>
      %dma_start3A_256 = arith.constant 0 : i32
      %dma_start3A_257 = arith.constant 0 : i32
      %dma_start3A_258 = tpu.memref_slice %arg6[%dma_start3A_247, %dma_start3A_256, %dma_start3A_257] : memref<5x80x128xf32, #tpu.memory_space<vmem>> -> memref<1x80x128xf32, #tpu.memory_space<vmem>>
      %dma_start3A_259 = tpu.memref_squeeze %dma_start3A_258 : memref<1x80x128xf32, #tpu.memory_space<vmem>> -> memref<80x128xf32, #tpu.memory_space<vmem>>
      tpu.enqueue_dma source(%dma_start3A_259 : memref<80x128xf32, #tpu.memory_space<vmem>>) target(%dma_start3A_255 : memref<80x128xf32, #tpu.memory_space<hbm>>) target_semaphore(%arg14 : memref<!tpu.dma_semaphore, #tpu.memory_space<semaphore_mem>>)
      %add3A_260 = arith.constant 5 : i32
      %add3A_261 = arith.addi %add3A_230, %add3A_260 : i32
      %lt3A_262 = arith.constant 25 : i32
      %lt3A_263 = arith.cmpi slt, %add3A_261, %lt3A_262 : i32
      %convert_element_type3A_264 = arith.extui %lt3A_263 : i1 to i32
      %cond3A_265 = arith.constant 0 : i32
      %cond3A_266 = arith.cmpi ne, %convert_element_type3A_264, %cond3A_265 : i32
      scf.if %cond3A_266 {
        %mul3A_347 = arith.constant 32 : i32
        %mul3A_348 = arith.muli %add3A_230, %mul3A_347 : i32
        %add3A_349 = arith.addi %mul3A_348, %add3A : i32
        %mul3A_350 = arith.constant 80 : i32
        %mul3A_351 = arith.muli %add3A_349, %mul3A_350 : i32
        %dma_wait3A_352 = arith.constant 2 : i32
        %dma_wait3A_353 = arith.constant 0 : i32
        %dma_wait3A_354 = arith.constant 0 : i32
        %dma_wait3A_355 = tpu.memref_slice %arg6[%dma_wait3A_352, %dma_wait3A_353, %dma_wait3A_354] : memref<5x80x128xf32, #tpu.memory_space<vmem>> -> memref<1x80x128xf32, #tpu.memory_space<vmem>>
        %dma_wait3A_356 = tpu.memref_squeeze %dma_wait3A_355 : memref<1x80x128xf32, #tpu.memory_space<vmem>> -> memref<80x128xf32, #tpu.memory_space<vmem>>
        %dma_wait3A_357 = arith.constant 0 : i32
        %dma_wait3A_358 = tpu.memref_slice %arg4[%mul3A_351, %dma_wait3A_357] : memref<64000x128xf32, #tpu.memory_space<hbm>> -> memref<80x128xf32, #tpu.memory_space<hbm>>
        %dma_wait3A_359 = arith.constant 0 : i32
        %dma_wait3A_360 = tpu.memref_slice %arg4[%mul3A_351, %dma_wait3A_359] : memref<64000x128xf32, #tpu.memory_space<hbm>> -> memref<80x128xf32, #tpu.memory_space<hbm>>
        %dma_wait3A_361 = arith.constant 0 : i32
        %dma_wait3A_362 = arith.constant 0 : i32
        %dma_wait3A_363 = tpu.memref_slice %arg6[%dma_wait3A_352, %dma_wait3A_361, %dma_wait3A_362] : memref<5x80x128xf32, #tpu.memory_space<vmem>> -> memref<1x80x128xf32, #tpu.memory_space<vmem>>
        %dma_wait3A_364 = tpu.memref_squeeze %dma_wait3A_363 : memref<1x80x128xf32, #tpu.memory_space<vmem>> -> memref<80x128xf32, #tpu.memory_space<vmem>>
        tpu.wait_dma2 semaphore(%arg14 : memref<!tpu.dma_semaphore, #tpu.memory_space<semaphore_mem>>) src(%dma_wait3A_364 : memref<80x128xf32, #tpu.memory_space<vmem>>) dst(%dma_wait3A_360 : memref<80x128xf32, #tpu.memory_space<hbm>>)
        %add3A_365 = arith.constant 5 : i32
        %add3A_366 = arith.addi %add3A_230, %add3A_365 : i32
        %dma_start3A_367 = arith.constant 2 : i32
        %dma_start3A_368 = arith.constant 0 : i32
        %dma_start3A_369 = arith.constant 0 : i32
        %dma_start3A_370 = tpu.memref_slice %arg6[%dma_start3A_367, %dma_start3A_368, %dma_start3A_369] : memref<5x80x128xf32, #tpu.memory_space<vmem>> -> memref<1x80x128xf32, #tpu.memory_space<vmem>>
        %dma_start3A_371 = tpu.memref_squeeze %dma_start3A_370 : memref<1x80x128xf32, #tpu.memory_space<vmem>> -> memref<80x128xf32, #tpu.memory_space<vmem>>
        %dma_start3A_372 = arith.constant 0 : i32
        %dma_start3A_373 = tpu.memref_slice %arg5[%add3A_366, %dma_start3A_372] : memref<25x80xi32, #tpu.memory_space<vmem>> -> memref<1x80xi32, #tpu.memory_space<vmem>>
        %dma_start3A_374 = tpu.memref_squeeze %dma_start3A_373 : memref<1x80xi32, #tpu.memory_space<vmem>> -> memref<80xi32, #tpu.memory_space<vmem>>
        %dma_start3A_375 = arith.constant 0 : i32
        %dma_start3A_376 = arith.constant 0 : i32
        %dma_start3A_377 = tpu.memref_slice %arg2[%dma_start3A_375, %dma_start3A_376] : memref<10000x128xf32, #tpu.memory_space<hbm>> -> memref<10000x128xf32, #tpu.memory_space<hbm>>
        tpu.enqueue_indirect_dma source(%dma_start3A_377 : memref<10000x128xf32, #tpu.memory_space<hbm>>) target(%dma_start3A_371 : memref<80x128xf32, #tpu.memory_space<vmem>>) offsets(%dma_start3A_374 : memref<80xi32, #tpu.memory_space<vmem>>) semaphore(%arg9 : memref<!tpu.dma_semaphore, #tpu.memory_space<semaphore_mem>>)
      } else {
      }
      %mul3A_267 = arith.constant 5 : i32
      %mul3A_268 = arith.muli %scan3A_149, %mul3A_267 : i32
      %add3A_269 = arith.constant 3 : i32
      %add3A_270 = arith.addi %mul3A_268, %add3A_269 : i32
      %dma_wait3A_271 = arith.constant 3 : i32
      %dma_wait3A_272 = arith.constant 0 : i32
      %dma_wait3A_273 = arith.constant 0 : i32
      %dma_wait3A_274 = tpu.memref_slice %arg6[%dma_wait3A_271, %dma_wait3A_272, %dma_wait3A_273] : memref<5x80x128xf32, #tpu.memory_space<vmem>> -> memref<1x80x128xf32, #tpu.memory_space<vmem>>
      %dma_wait3A_275 = tpu.memref_squeeze %dma_wait3A_274 : memref<1x80x128xf32, #tpu.memory_space<vmem>> -> memref<80x128xf32, #tpu.memory_space<vmem>>
      %dma_wait3A_276 = arith.constant 0 : i32
      %dma_wait3A_277 = tpu.memref_slice %arg5[%add3A_270, %dma_wait3A_276] : memref<25x80xi32, #tpu.memory_space<vmem>> -> memref<1x80xi32, #tpu.memory_space<vmem>>
      %dma_wait3A_278 = tpu.memref_squeeze %dma_wait3A_277 : memref<1x80xi32, #tpu.memory_space<vmem>> -> memref<80xi32, #tpu.memory_space<vmem>>
      %dma_wait3A_279 = arith.constant 0 : i32
      %dma_wait3A_280 = arith.constant 0 : i32
      %dma_wait3A_281 = tpu.memref_slice %arg2[%dma_wait3A_279, %dma_wait3A_280] : memref<10000x128xf32, #tpu.memory_space<hbm>> -> memref<10000x128xf32, #tpu.memory_space<hbm>>
      tpu.wait_indirect_dma semaphore(%arg10 : memref<!tpu.dma_semaphore, #tpu.memory_space<semaphore_mem>>) src(%dma_wait3A_281 : memref<10000x128xf32, #tpu.memory_space<hbm>>) dst(%dma_wait3A_275 : memref<80x128xf32, #tpu.memory_space<vmem>>)
      %mul3A_282 = arith.constant 32 : i32
      %mul3A_283 = arith.muli %add3A_270, %mul3A_282 : i32
      %add3A_284 = arith.addi %mul3A_283, %add3A : i32
      %mul3A_285 = arith.constant 80 : i32
      %mul3A_286 = arith.muli %add3A_284, %mul3A_285 : i32
      %dma_start3A_287 = arith.constant 3 : i32
      %dma_start3A_288 = arith.constant 0 : i32
      %dma_start3A_289 = arith.constant 0 : i32
      %dma_start3A_290 = tpu.memref_slice %arg6[%dma_start3A_287, %dma_start3A_288, %dma_start3A_289] : memref<5x80x128xf32, #tpu.memory_space<vmem>> -> memref<1x80x128xf32, #tpu.memory_space<vmem>>
      %dma_start3A_291 = tpu.memref_squeeze %dma_start3A_290 : memref<1x80x128xf32, #tpu.memory_space<vmem>> -> memref<80x128xf32, #tpu.memory_space<vmem>>
      %dma_start3A_292 = arith.constant 0 : i32
      %dma_start3A_293 = tpu.memref_slice %arg4[%mul3A_286, %dma_start3A_292] : memref<64000x128xf32, #tpu.memory_space<hbm>> -> memref<80x128xf32, #tpu.memory_space<hbm>>
      %dma_start3A_294 = arith.constant 0 : i32
      %dma_start3A_295 = tpu.memref_slice %arg4[%mul3A_286, %dma_start3A_294] : memref<64000x128xf32, #tpu.memory_space<hbm>> -> memref<80x128xf32, #tpu.memory_space<hbm>>
      %dma_start3A_296 = arith.constant 0 : i32
      %dma_start3A_297 = arith.constant 0 : i32
      %dma_start3A_298 = tpu.memref_slice %arg6[%dma_start3A_287, %dma_start3A_296, %dma_start3A_297] : memref<5x80x128xf32, #tpu.memory_space<vmem>> -> memref<1x80x128xf32, #tpu.memory_space<vmem>>
      %dma_start3A_299 = tpu.memref_squeeze %dma_start3A_298 : memref<1x80x128xf32, #tpu.memory_space<vmem>> -> memref<80x128xf32, #tpu.memory_space<vmem>>
      tpu.enqueue_dma source(%dma_start3A_299 : memref<80x128xf32, #tpu.memory_space<vmem>>) target(%dma_start3A_295 : memref<80x128xf32, #tpu.memory_space<hbm>>) target_semaphore(%arg15 : memref<!tpu.dma_semaphore, #tpu.memory_space<semaphore_mem>>)
      %add3A_300 = arith.constant 5 : i32
      %add3A_301 = arith.addi %add3A_270, %add3A_300 : i32
      %lt3A_302 = arith.constant 25 : i32
      %lt3A_303 = arith.cmpi slt, %add3A_301, %lt3A_302 : i32
      %convert_element_type3A_304 = arith.extui %lt3A_303 : i1 to i32
      %cond3A_305 = arith.constant 0 : i32
      %cond3A_306 = arith.cmpi ne, %convert_element_type3A_304, %cond3A_305 : i32
      scf.if %cond3A_306 {
        %mul3A_347 = arith.constant 32 : i32
        %mul3A_348 = arith.muli %add3A_270, %mul3A_347 : i32
        %add3A_349 = arith.addi %mul3A_348, %add3A : i32
        %mul3A_350 = arith.constant 80 : i32
        %mul3A_351 = arith.muli %add3A_349, %mul3A_350 : i32
        %dma_wait3A_352 = arith.constant 3 : i32
        %dma_wait3A_353 = arith.constant 0 : i32
        %dma_wait3A_354 = arith.constant 0 : i32
        %dma_wait3A_355 = tpu.memref_slice %arg6[%dma_wait3A_352, %dma_wait3A_353, %dma_wait3A_354] : memref<5x80x128xf32, #tpu.memory_space<vmem>> -> memref<1x80x128xf32, #tpu.memory_space<vmem>>
        %dma_wait3A_356 = tpu.memref_squeeze %dma_wait3A_355 : memref<1x80x128xf32, #tpu.memory_space<vmem>> -> memref<80x128xf32, #tpu.memory_space<vmem>>
        %dma_wait3A_357 = arith.constant 0 : i32
        %dma_wait3A_358 = tpu.memref_slice %arg4[%mul3A_351, %dma_wait3A_357] : memref<64000x128xf32, #tpu.memory_space<hbm>> -> memref<80x128xf32, #tpu.memory_space<hbm>>
        %dma_wait3A_359 = arith.constant 0 : i32
        %dma_wait3A_360 = tpu.memref_slice %arg4[%mul3A_351, %dma_wait3A_359] : memref<64000x128xf32, #tpu.memory_space<hbm>> -> memref<80x128xf32, #tpu.memory_space<hbm>>
        %dma_wait3A_361 = arith.constant 0 : i32
        %dma_wait3A_362 = arith.constant 0 : i32
        %dma_wait3A_363 = tpu.memref_slice %arg6[%dma_wait3A_352, %dma_wait3A_361, %dma_wait3A_362] : memref<5x80x128xf32, #tpu.memory_space<vmem>> -> memref<1x80x128xf32, #tpu.memory_space<vmem>>
        %dma_wait3A_364 = tpu.memref_squeeze %dma_wait3A_363 : memref<1x80x128xf32, #tpu.memory_space<vmem>> -> memref<80x128xf32, #tpu.memory_space<vmem>>
        tpu.wait_dma2 semaphore(%arg15 : memref<!tpu.dma_semaphore, #tpu.memory_space<semaphore_mem>>) src(%dma_wait3A_364 : memref<80x128xf32, #tpu.memory_space<vmem>>) dst(%dma_wait3A_360 : memref<80x128xf32, #tpu.memory_space<hbm>>)
        %add3A_365 = arith.constant 5 : i32
        %add3A_366 = arith.addi %add3A_270, %add3A_365 : i32
        %dma_start3A_367 = arith.constant 3 : i32
        %dma_start3A_368 = arith.constant 0 : i32
        %dma_start3A_369 = arith.constant 0 : i32
        %dma_start3A_370 = tpu.memref_slice %arg6[%dma_start3A_367, %dma_start3A_368, %dma_start3A_369] : memref<5x80x128xf32, #tpu.memory_space<vmem>> -> memref<1x80x128xf32, #tpu.memory_space<vmem>>
        %dma_start3A_371 = tpu.memref_squeeze %dma_start3A_370 : memref<1x80x128xf32, #tpu.memory_space<vmem>> -> memref<80x128xf32, #tpu.memory_space<vmem>>
        %dma_start3A_372 = arith.constant 0 : i32
        %dma_start3A_373 = tpu.memref_slice %arg5[%add3A_366, %dma_start3A_372] : memref<25x80xi32, #tpu.memory_space<vmem>> -> memref<1x80xi32, #tpu.memory_space<vmem>>
        %dma_start3A_374 = tpu.memref_squeeze %dma_start3A_373 : memref<1x80xi32, #tpu.memory_space<vmem>> -> memref<80xi32, #tpu.memory_space<vmem>>
        %dma_start3A_375 = arith.constant 0 : i32
        %dma_start3A_376 = arith.constant 0 : i32
        %dma_start3A_377 = tpu.memref_slice %arg2[%dma_start3A_375, %dma_start3A_376] : memref<10000x128xf32, #tpu.memory_space<hbm>> -> memref<10000x128xf32, #tpu.memory_space<hbm>>
        tpu.enqueue_indirect_dma source(%dma_start3A_377 : memref<10000x128xf32, #tpu.memory_space<hbm>>) target(%dma_start3A_371 : memref<80x128xf32, #tpu.memory_space<vmem>>) offsets(%dma_start3A_374 : memref<80xi32, #tpu.memory_space<vmem>>) semaphore(%arg10 : memref<!tpu.dma_semaphore, #tpu.memory_space<semaphore_mem>>)
      } else {
      }
      %mul3A_307 = arith.constant 5 : i32
      %mul3A_308 = arith.muli %scan3A_149, %mul3A_307 : i32
      %add3A_309 = arith.constant 4 : i32
      %add3A_310 = arith.addi %mul3A_308, %add3A_309 : i32
      %dma_wait3A_311 = arith.constant 4 : i32
      %dma_wait3A_312 = arith.constant 0 : i32
      %dma_wait3A_313 = arith.constant 0 : i32
      %dma_wait3A_314 = tpu.memref_slice %arg6[%dma_wait3A_311, %dma_wait3A_312, %dma_wait3A_313] : memref<5x80x128xf32, #tpu.memory_space<vmem>> -> memref<1x80x128xf32, #tpu.memory_space<vmem>>
      %dma_wait3A_315 = tpu.memref_squeeze %dma_wait3A_314 : memref<1x80x128xf32, #tpu.memory_space<vmem>> -> memref<80x128xf32, #tpu.memory_space<vmem>>
      %dma_wait3A_316 = arith.constant 0 : i32
      %dma_wait3A_317 = tpu.memref_slice %arg5[%add3A_310, %dma_wait3A_316] : memref<25x80xi32, #tpu.memory_space<vmem>> -> memref<1x80xi32, #tpu.memory_space<vmem>>
      %dma_wait3A_318 = tpu.memref_squeeze %dma_wait3A_317 : memref<1x80xi32, #tpu.memory_space<vmem>> -> memref<80xi32, #tpu.memory_space<vmem>>
      %dma_wait3A_319 = arith.constant 0 : i32
      %dma_wait3A_320 = arith.constant 0 : i32
      %dma_wait3A_321 = tpu.memref_slice %arg2[%dma_wait3A_319, %dma_wait3A_320] : memref<10000x128xf32, #tpu.memory_space<hbm>> -> memref<10000x128xf32, #tpu.memory_space<hbm>>
      tpu.wait_indirect_dma semaphore(%arg11 : memref<!tpu.dma_semaphore, #tpu.memory_space<semaphore_mem>>) src(%dma_wait3A_321 : memref<10000x128xf32, #tpu.memory_space<hbm>>) dst(%dma_wait3A_315 : memref<80x128xf32, #tpu.memory_space<vmem>>)
      %mul3A_322 = arith.constant 32 : i32
      %mul3A_323 = arith.muli %add3A_310, %mul3A_322 : i32
      %add3A_324 = arith.addi %mul3A_323, %add3A : i32
      %mul3A_325 = arith.constant 80 : i32
      %mul3A_326 = arith.muli %add3A_324, %mul3A_325 : i32
      %dma_start3A_327 = arith.constant 4 : i32
      %dma_start3A_328 = arith.constant 0 : i32
      %dma_start3A_329 = arith.constant 0 : i32
      %dma_start3A_330 = tpu.memref_slice %arg6[%dma_start3A_327, %dma_start3A_328, %dma_start3A_329] : memref<5x80x128xf32, #tpu.memory_space<vmem>> -> memref<1x80x128xf32, #tpu.memory_space<vmem>>
      %dma_start3A_331 = tpu.memref_squeeze %dma_start3A_330 : memref<1x80x128xf32, #tpu.memory_space<vmem>> -> memref<80x128xf32, #tpu.memory_space<vmem>>
      %dma_start3A_332 = arith.constant 0 : i32
      %dma_start3A_333 = tpu.memref_slice %arg4[%mul3A_326, %dma_start3A_332] : memref<64000x128xf32, #tpu.memory_space<hbm>> -> memref<80x128xf32, #tpu.memory_space<hbm>>
      %dma_start3A_334 = arith.constant 0 : i32
      %dma_start3A_335 = tpu.memref_slice %arg4[%mul3A_326, %dma_start3A_334] : memref<64000x128xf32, #tpu.memory_space<hbm>> -> memref<80x128xf32, #tpu.memory_space<hbm>>
      %dma_start3A_336 = arith.constant 0 : i32
      %dma_start3A_337 = arith.constant 0 : i32
      %dma_start3A_338 = tpu.memref_slice %arg6[%dma_start3A_327, %dma_start3A_336, %dma_start3A_337] : memref<5x80x128xf32, #tpu.memory_space<vmem>> -> memref<1x80x128xf32, #tpu.memory_space<vmem>>
      %dma_start3A_339 = tpu.memref_squeeze %dma_start3A_338 : memref<1x80x128xf32, #tpu.memory_space<vmem>> -> memref<80x128xf32, #tpu.memory_space<vmem>>
      tpu.enqueue_dma source(%dma_start3A_339 : memref<80x128xf32, #tpu.memory_space<vmem>>) target(%dma_start3A_335 : memref<80x128xf32, #tpu.memory_space<hbm>>) target_semaphore(%arg16 : memref<!tpu.dma_semaphore, #tpu.memory_space<semaphore_mem>>)
      %add3A_340 = arith.constant 5 : i32
      %add3A_341 = arith.addi %add3A_310, %add3A_340 : i32
      %lt3A_342 = arith.constant 25 : i32
      %lt3A_343 = arith.cmpi slt, %add3A_341, %lt3A_342 : i32
      %convert_element_type3A_344 = arith.extui %lt3A_343 : i1 to i32
      %cond3A_345 = arith.constant 0 : i32
      %cond3A_346 = arith.cmpi ne, %convert_element_type3A_344, %cond3A_345 : i32
      scf.if %cond3A_346 {
        %mul3A_347 = arith.constant 32 : i32
        %mul3A_348 = arith.muli %add3A_310, %mul3A_347 : i32
        %add3A_349 = arith.addi %mul3A_348, %add3A : i32
        %mul3A_350 = arith.constant 80 : i32
        %mul3A_351 = arith.muli %add3A_349, %mul3A_350 : i32
        %dma_wait3A_352 = arith.constant 4 : i32
        %dma_wait3A_353 = arith.constant 0 : i32
        %dma_wait3A_354 = arith.constant 0 : i32
        %dma_wait3A_355 = tpu.memref_slice %arg6[%dma_wait3A_352, %dma_wait3A_353, %dma_wait3A_354] : memref<5x80x128xf32, #tpu.memory_space<vmem>> -> memref<1x80x128xf32, #tpu.memory_space<vmem>>
        %dma_wait3A_356 = tpu.memref_squeeze %dma_wait3A_355 : memref<1x80x128xf32, #tpu.memory_space<vmem>> -> memref<80x128xf32, #tpu.memory_space<vmem>>
        %dma_wait3A_357 = arith.constant 0 : i32
        %dma_wait3A_358 = tpu.memref_slice %arg4[%mul3A_351, %dma_wait3A_357] : memref<64000x128xf32, #tpu.memory_space<hbm>> -> memref<80x128xf32, #tpu.memory_space<hbm>>
        %dma_wait3A_359 = arith.constant 0 : i32
        %dma_wait3A_360 = tpu.memref_slice %arg4[%mul3A_351, %dma_wait3A_359] : memref<64000x128xf32, #tpu.memory_space<hbm>> -> memref<80x128xf32, #tpu.memory_space<hbm>>
        %dma_wait3A_361 = arith.constant 0 : i32
        %dma_wait3A_362 = arith.constant 0 : i32
        %dma_wait3A_363 = tpu.memref_slice %arg6[%dma_wait3A_352, %dma_wait3A_361, %dma_wait3A_362] : memref<5x80x128xf32, #tpu.memory_space<vmem>> -> memref<1x80x128xf32, #tpu.memory_space<vmem>>
        %dma_wait3A_364 = tpu.memref_squeeze %dma_wait3A_363 : memref<1x80x128xf32, #tpu.memory_space<vmem>> -> memref<80x128xf32, #tpu.memory_space<vmem>>
        tpu.wait_dma2 semaphore(%arg16 : memref<!tpu.dma_semaphore, #tpu.memory_space<semaphore_mem>>) src(%dma_wait3A_364 : memref<80x128xf32, #tpu.memory_space<vmem>>) dst(%dma_wait3A_360 : memref<80x128xf32, #tpu.memory_space<hbm>>)
        %add3A_365 = arith.constant 5 : i32
        %add3A_366 = arith.addi %add3A_310, %add3A_365 : i32
        %dma_start3A_367 = arith.constant 4 : i32
        %dma_start3A_368 = arith.constant 0 : i32
        %dma_start3A_369 = arith.constant 0 : i32
        %dma_start3A_370 = tpu.memref_slice %arg6[%dma_start3A_367, %dma_start3A_368, %dma_start3A_369] : memref<5x80x128xf32, #tpu.memory_space<vmem>> -> memref<1x80x128xf32, #tpu.memory_space<vmem>>
        %dma_start3A_371 = tpu.memref_squeeze %dma_start3A_370 : memref<1x80x128xf32, #tpu.memory_space<vmem>> -> memref<80x128xf32, #tpu.memory_space<vmem>>
        %dma_start3A_372 = arith.constant 0 : i32
        %dma_start3A_373 = tpu.memref_slice %arg5[%add3A_366, %dma_start3A_372] : memref<25x80xi32, #tpu.memory_space<vmem>> -> memref<1x80xi32, #tpu.memory_space<vmem>>
        %dma_start3A_374 = tpu.memref_squeeze %dma_start3A_373 : memref<1x80xi32, #tpu.memory_space<vmem>> -> memref<80xi32, #tpu.memory_space<vmem>>
        %dma_start3A_375 = arith.constant 0 : i32
        %dma_start3A_376 = arith.constant 0 : i32
        %dma_start3A_377 = tpu.memref_slice %arg2[%dma_start3A_375, %dma_start3A_376] : memref<10000x128xf32, #tpu.memory_space<hbm>> -> memref<10000x128xf32, #tpu.memory_space<hbm>>
        tpu.enqueue_indirect_dma source(%dma_start3A_377 : memref<10000x128xf32, #tpu.memory_space<hbm>>) target(%dma_start3A_371 : memref<80x128xf32, #tpu.memory_space<vmem>>) offsets(%dma_start3A_374 : memref<80xi32, #tpu.memory_space<vmem>>) semaphore(%arg11 : memref<!tpu.dma_semaphore, #tpu.memory_space<semaphore_mem>>)
      } else {
      }
    }
    %scan3A_64 = arith.constant 5 : i32
    %add3A_65 = arith.constant 640 : i32
    %add3A_66 = arith.addi %add3A_65, %add3A : i32
    %mul3A_67 = arith.constant 80 : i32
    %mul3A_68 = arith.muli %add3A_66, %mul3A_67 : i32
    %dma_wait3A = arith.constant 0 : i32
    %dma_wait3A_69 = arith.constant 0 : i32
    %dma_wait3A_70 = arith.constant 0 : i32
    %dma_wait3A_71 = tpu.memref_slice %arg6[%dma_wait3A, %dma_wait3A_69, %dma_wait3A_70] : memref<5x80x128xf32, #tpu.memory_space<vmem>> -> memref<1x80x128xf32, #tpu.memory_space<vmem>>
    %dma_wait3A_72 = tpu.memref_squeeze %dma_wait3A_71 : memref<1x80x128xf32, #tpu.memory_space<vmem>> -> memref<80x128xf32, #tpu.memory_space<vmem>>
    %dma_wait3A_73 = arith.constant 0 : i32
    %dma_wait3A_74 = tpu.memref_slice %arg4[%mul3A_68, %dma_wait3A_73] : memref<64000x128xf32, #tpu.memory_space<hbm>> -> memref<80x128xf32, #tpu.memory_space<hbm>>
    %dma_wait3A_75 = arith.constant 0 : i32
    %dma_wait3A_76 = tpu.memref_slice %arg4[%mul3A_68, %dma_wait3A_75] : memref<64000x128xf32, #tpu.memory_space<hbm>> -> memref<80x128xf32, #tpu.memory_space<hbm>>
    %dma_wait3A_77 = arith.constant 0 : i32
    %dma_wait3A_78 = arith.constant 0 : i32
    %dma_wait3A_79 = tpu.memref_slice %arg6[%dma_wait3A, %dma_wait3A_77, %dma_wait3A_78] : memref<5x80x128xf32, #tpu.memory_space<vmem>> -> memref<1x80x128xf32, #tpu.memory_space<vmem>>
    %dma_wait3A_80 = tpu.memref_squeeze %dma_wait3A_79 : memref<1x80x128xf32, #tpu.memory_space<vmem>> -> memref<80x128xf32, #tpu.memory_space<vmem>>
    tpu.wait_dma2 semaphore(%arg12 : memref<!tpu.dma_semaphore, #tpu.memory_space<semaphore_mem>>) src(%dma_wait3A_80 : memref<80x128xf32, #tpu.memory_space<vmem>>) dst(%dma_wait3A_76 : memref<80x128xf32, #tpu.memory_space<hbm>>)
    %add3A_81 = arith.constant 672 : i32
    %add3A_82 = arith.addi %add3A_81, %add3A : i32
    %mul3A_83 = arith.constant 80 : i32
    %mul3A_84 = arith.muli %add3A_82, %mul3A_83 : i32
    %dma_wait3A_85 = arith.constant 1 : i32
    %dma_wait3A_86 = arith.constant 0 : i32
    %dma_wait3A_87 = arith.constant 0 : i32
    %dma_wait3A_88 = tpu.memref_slice %arg6[%dma_wait3A_85, %dma_wait3A_86, %dma_wait3A_87] : memref<5x80x128xf32, #tpu.memory_space<vmem>> -> memref<1x80x128xf32, #tpu.memory_space<vmem>>
    %dma_wait3A_89 = tpu.memref_squeeze %dma_wait3A_88 : memref<1x80x128xf32, #tpu.memory_space<vmem>> -> memref<80x128xf32, #tpu.memory_space<vmem>>
    %dma_wait3A_90 = arith.constant 0 : i32
    %dma_wait3A_91 = tpu.memref_slice %arg4[%mul3A_84, %dma_wait3A_90] : memref<64000x128xf32, #tpu.memory_space<hbm>> -> memref<80x128xf32, #tpu.memory_space<hbm>>
    %dma_wait3A_92 = arith.constant 0 : i32
    %dma_wait3A_93 = tpu.memref_slice %arg4[%mul3A_84, %dma_wait3A_92] : memref<64000x128xf32, #tpu.memory_space<hbm>> -> memref<80x128xf32, #tpu.memory_space<hbm>>
    %dma_wait3A_94 = arith.constant 0 : i32
    %dma_wait3A_95 = arith.constant 0 : i32
    %dma_wait3A_96 = tpu.memref_slice %arg6[%dma_wait3A_85, %dma_wait3A_94, %dma_wait3A_95] : memref<5x80x128xf32, #tpu.memory_space<vmem>> -> memref<1x80x128xf32, #tpu.memory_space<vmem>>
    %dma_wait3A_97 = tpu.memref_squeeze %dma_wait3A_96 : memref<1x80x128xf32, #tpu.memory_space<vmem>> -> memref<80x128xf32, #tpu.memory_space<vmem>>
    tpu.wait_dma2 semaphore(%arg13 : memref<!tpu.dma_semaphore, #tpu.memory_space<semaphore_mem>>) src(%dma_wait3A_97 : memref<80x128xf32, #tpu.memory_space<vmem>>) dst(%dma_wait3A_93 : memref<80x128xf32, #tpu.memory_space<hbm>>)
    %add3A_98 = arith.constant 704 : i32
    %add3A_99 = arith.addi %add3A_98, %add3A : i32
    %mul3A_100 = arith.constant 80 : i32
    %mul3A_101 = arith.muli %add3A_99, %mul3A_100 : i32
    %dma_wait3A_102 = arith.constant 2 : i32
    %dma_wait3A_103 = arith.constant 0 : i32
    %dma_wait3A_104 = arith.constant 0 : i32
    %dma_wait3A_105 = tpu.memref_slice %arg6[%dma_wait3A_102, %dma_wait3A_103, %dma_wait3A_104] : memref<5x80x128xf32, #tpu.memory_space<vmem>> -> memref<1x80x128xf32, #tpu.memory_space<vmem>>
    %dma_wait3A_106 = tpu.memref_squeeze %dma_wait3A_105 : memref<1x80x128xf32, #tpu.memory_space<vmem>> -> memref<80x128xf32, #tpu.memory_space<vmem>>
    %dma_wait3A_107 = arith.constant 0 : i32
    %dma_wait3A_108 = tpu.memref_slice %arg4[%mul3A_101, %dma_wait3A_107] : memref<64000x128xf32, #tpu.memory_space<hbm>> -> memref<80x128xf32, #tpu.memory_space<hbm>>
    %dma_wait3A_109 = arith.constant 0 : i32
    %dma_wait3A_110 = tpu.memref_slice %arg4[%mul3A_101, %dma_wait3A_109] : memref<64000x128xf32, #tpu.memory_space<hbm>> -> memref<80x128xf32, #tpu.memory_space<hbm>>
    %dma_wait3A_111 = arith.constant 0 : i32
    %dma_wait3A_112 = arith.constant 0 : i32
    %dma_wait3A_113 = tpu.memref_slice %arg6[%dma_wait3A_102, %dma_wait3A_111, %dma_wait3A_112] : memref<5x80x128xf32, #tpu.memory_space<vmem>> -> memref<1x80x128xf32, #tpu.memory_space<vmem>>
    %dma_wait3A_114 = tpu.memref_squeeze %dma_wait3A_113 : memref<1x80x128xf32, #tpu.memory_space<vmem>> -> memref<80x128xf32, #tpu.memory_space<vmem>>
    tpu.wait_dma2 semaphore(%arg14 : memref<!tpu.dma_semaphore, #tpu.memory_space<semaphore_mem>>) src(%dma_wait3A_114 : memref<80x128xf32, #tpu.memory_space<vmem>>) dst(%dma_wait3A_110 : memref<80x128xf32, #tpu.memory_space<hbm>>)
    %add3A_115 = arith.constant 736 : i32
    %add3A_116 = arith.addi %add3A_115, %add3A : i32
    %mul3A_117 = arith.constant 80 : i32
    %mul3A_118 = arith.muli %add3A_116, %mul3A_117 : i32
    %dma_wait3A_119 = arith.constant 3 : i32
    %dma_wait3A_120 = arith.constant 0 : i32
    %dma_wait3A_121 = arith.constant 0 : i32
    %dma_wait3A_122 = tpu.memref_slice %arg6[%dma_wait3A_119, %dma_wait3A_120, %dma_wait3A_121] : memref<5x80x128xf32, #tpu.memory_space<vmem>> -> memref<1x80x128xf32, #tpu.memory_space<vmem>>
    %dma_wait3A_123 = tpu.memref_squeeze %dma_wait3A_122 : memref<1x80x128xf32, #tpu.memory_space<vmem>> -> memref<80x128xf32, #tpu.memory_space<vmem>>
    %dma_wait3A_124 = arith.constant 0 : i32
    %dma_wait3A_125 = tpu.memref_slice %arg4[%mul3A_118, %dma_wait3A_124] : memref<64000x128xf32, #tpu.memory_space<hbm>> -> memref<80x128xf32, #tpu.memory_space<hbm>>
    %dma_wait3A_126 = arith.constant 0 : i32
    %dma_wait3A_127 = tpu.memref_slice %arg4[%mul3A_118, %dma_wait3A_126] : memref<64000x128xf32, #tpu.memory_space<hbm>> -> memref<80x128xf32, #tpu.memory_space<hbm>>
    %dma_wait3A_128 = arith.constant 0 : i32
    %dma_wait3A_129 = arith.constant 0 : i32
    %dma_wait3A_130 = tpu.memref_slice %arg6[%dma_wait3A_119, %dma_wait3A_128, %dma_wait3A_129] : memref<5x80x128xf32, #tpu.memory_space<vmem>> -> memref<1x80x128xf32, #tpu.memory_space<vmem>>
    %dma_wait3A_131 = tpu.memref_squeeze %dma_wait3A_130 : memref<1x80x128xf32, #tpu.memory_space<vmem>> -> memref<80x128xf32, #tpu.memory_space<vmem>>
    tpu.wait_dma2 semaphore(%arg15 : memref<!tpu.dma_semaphore, #tpu.memory_space<semaphore_mem>>) src(%dma_wait3A_131 : memref<80x128xf32, #tpu.memory_space<vmem>>) dst(%dma_wait3A_127 : memref<80x128xf32, #tpu.memory_space<hbm>>)
    %add3A_132 = arith.constant 768 : i32
    %add3A_133 = arith.addi %add3A_132, %add3A : i32
    %mul3A_134 = arith.constant 80 : i32
    %mul3A_135 = arith.muli %add3A_133, %mul3A_134 : i32
    %dma_wait3A_136 = arith.constant 4 : i32
    %dma_wait3A_137 = arith.constant 0 : i32
    %dma_wait3A_138 = arith.constant 0 : i32
    %dma_wait3A_139 = tpu.memref_slice %arg6[%dma_wait3A_136, %dma_wait3A_137, %dma_wait3A_138] : memref<5x80x128xf32, #tpu.memory_space<vmem>> -> memref<1x80x128xf32, #tpu.memory_space<vmem>>
    %dma_wait3A_140 = tpu.memref_squeeze %dma_wait3A_139 : memref<1x80x128xf32, #tpu.memory_space<vmem>> -> memref<80x128xf32, #tpu.memory_space<vmem>>
    %dma_wait3A_141 = arith.constant 0 : i32
    %dma_wait3A_142 = tpu.memref_slice %arg4[%mul3A_135, %dma_wait3A_141] : memref<64000x128xf32, #tpu.memory_space<hbm>> -> memref<80x128xf32, #tpu.memory_space<hbm>>
    %dma_wait3A_143 = arith.constant 0 : i32
    %dma_wait3A_144 = tpu.memref_slice %arg4[%mul3A_135, %dma_wait3A_143] : memref<64000x128xf32, #tpu.memory_space<hbm>> -> memref<80x128xf32, #tpu.memory_space<hbm>>
    %dma_wait3A_145 = arith.constant 0 : i32
    %dma_wait3A_146 = arith.constant 0 : i32
    %dma_wait3A_147 = tpu.memref_slice %arg6[%dma_wait3A_136, %dma_wait3A_145, %dma_wait3A_146] : memref<5x80x128xf32, #tpu.memory_space<vmem>> -> memref<1x80x128xf32, #tpu.memory_space<vmem>>
    %dma_wait3A_148 = tpu.memref_squeeze %dma_wait3A_147 : memref<1x80x128xf32, #tpu.memory_space<vmem>> -> memref<80x128xf32, #tpu.memory_space<vmem>>
    tpu.wait_dma2 semaphore(%arg16 : memref<!tpu.dma_semaphore, #tpu.memory_space<semaphore_mem>>) src(%dma_wait3A_148 : memref<80x128xf32, #tpu.memory_space<vmem>>) dst(%dma_wait3A_144 : memref<80x128xf32, #tpu.memory_space<hbm>>)
    return
  }
}

#map = affine_map<(d0, d1) -> (0, 0)>
#map1 = affine_map<(d0, d1) -> (0, 0, 0)>
module attributes {stable_mosaic.version = 14 : i64} {
  func.func @body(%arg0: i32, %arg1: i32, %arg2: memref<10000x128xf32, #tpu.memory_space<hbm>>, %arg3: memref<32x25x80xi32, #tpu.memory_space<hbm>>, %arg4: memref<64000x128xf32, #tpu.memory_space<hbm>>, %arg5: memref<25x80xi32, #tpu.memory_space<vmem>>, %arg6: memref<5x80x128xf32, #tpu.memory_space<vmem>>, %arg7: memref<!tpu.dma_semaphore, #tpu.memory_space<semaphore_mem>>, %arg8: memref<!tpu.dma_semaphore, #tpu.memory_space<semaphore_mem>>, %arg9: memref<!tpu.dma_semaphore, #tpu.memory_space<semaphore_mem>>, %arg10: memref<!tpu.dma_semaphore, #tpu.memory_space<semaphore_mem>>, %arg11: memref<!tpu.dma_semaphore, #tpu.memory_space<semaphore_mem>>, %arg12: memref<!tpu.dma_semaphore, #tpu.memory_space<semaphore_mem>>, %arg13: memref<!tpu.dma_semaphore, #tpu.memory_space<semaphore_mem>>, %arg14: memref<!tpu.dma_semaphore, #tpu.memory_space<semaphore_mem>>, %arg15: memref<!tpu.dma_semaphore, #tpu.memory_space<semaphore_mem>>, %arg16: memref<!tpu.dma_semaphore, #tpu.memory_space<semaphore_mem>>) attributes {dimension_semantics = [#tpu.dimension_semantics<core_parallel>, #tpu.dimension_semantics<subcore_parallel>], iteration_bounds = array<i64: 2, 16>, scalar_prefetch = 0 : i64, scratch_operands = 12 : i64, tpu.core_type = #tpu.core_type<sc_vector_subcore>, window_params = [{transform_indices = #map}, {transform_indices = #map1}, {transform_indices = #map}]} {
    %mul3A = arith.constant 2 : i32
    %mul3A_0 = arith.muli %arg1, %mul3A : i32
    %add3A = arith.addi %mul3A_0, %arg0 : i32
    "tpu.region"() ({
      %run_scoped3A = tpu.sem_alloc : memref<!tpu.dma_semaphore, #tpu.memory_space<semaphore_mem>>
      %dma_start3A_149 = arith.constant 0 : i32
      %dma_start3A_150 = arith.constant 0 : i32
      %dma_start3A_151 = tpu.memref_slice %arg3[%add3A, %dma_start3A_149, %dma_start3A_150] : memref<32x25x80xi32, #tpu.memory_space<hbm>> -> memref<1x25x80xi32, #tpu.memory_space<hbm>>
      %dma_start3A_152 = tpu.memref_squeeze %dma_start3A_151 : memref<1x25x80xi32, #tpu.memory_space<hbm>> -> memref<25x80xi32, #tpu.memory_space<hbm>>
      %dma_start3A_153 = arith.constant 0 : i32
      %dma_start3A_154 = arith.constant 0 : i32
      %dma_start3A_155 = tpu.memref_slice %arg3[%add3A, %dma_start3A_153, %dma_start3A_154] : memref<32x25x80xi32, #tpu.memory_space<hbm>> -> memref<1x25x80xi32, #tpu.memory_space<hbm>>
      %dma_start3A_156 = tpu.memref_squeeze %dma_start3A_155 : memref<1x25x80xi32, #tpu.memory_space<hbm>> -> memref<25x80xi32, #tpu.memory_space<hbm>>
      tpu.enqueue_dma source(%dma_start3A_156 : memref<25x80xi32, #tpu.memory_space<hbm>>) target(%arg5 : memref<25x80xi32, #tpu.memory_space<vmem>>) target_semaphore(%run_scoped3A : memref<!tpu.dma_semaphore, #tpu.memory_space<semaphore_mem>>)
      %dma_wait3A_157 = arith.constant 0 : i32
      %dma_wait3A_158 = arith.constant 0 : i32
      %dma_wait3A_159 = tpu.memref_slice %arg3[%add3A, %dma_wait3A_157, %dma_wait3A_158] : memref<32x25x80xi32, #tpu.memory_space<hbm>> -> memref<1x25x80xi32, #tpu.memory_space<hbm>>
      %dma_wait3A_160 = tpu.memref_squeeze %dma_wait3A_159 : memref<1x25x80xi32, #tpu.memory_space<hbm>> -> memref<25x80xi32, #tpu.memory_space<hbm>>
      %dma_wait3A_161 = arith.constant 0 : i32
      %dma_wait3A_162 = arith.constant 0 : i32
      %dma_wait3A_163 = tpu.memref_slice %arg3[%add3A, %dma_wait3A_161, %dma_wait3A_162] : memref<32x25x80xi32, #tpu.memory_space<hbm>> -> memref<1x25x80xi32, #tpu.memory_space<hbm>>
      %dma_wait3A_164 = tpu.memref_squeeze %dma_wait3A_163 : memref<1x25x80xi32, #tpu.memory_space<hbm>> -> memref<25x80xi32, #tpu.memory_space<hbm>>
      tpu.wait_dma2 semaphore(%run_scoped3A : memref<!tpu.dma_semaphore, #tpu.memory_space<semaphore_mem>>) src(%dma_wait3A_164 : memref<25x80xi32, #tpu.memory_space<hbm>>) dst(%arg5 : memref<25x80xi32, #tpu.memory_space<vmem>>)
      tpu.yield
    }) : () -> ()
    %dma_start3A = arith.constant 0 : i32
    %dma_start3A_1 = arith.constant 0 : i32
    %dma_start3A_2 = arith.constant 0 : i32
    %dma_start3A_3 = arith.constant 0 : i32
    %dma_start3A_4 = tpu.memref_slice %arg6[%dma_start3A_1, %dma_start3A_2, %dma_start3A_3] : memref<5x80x128xf32, #tpu.memory_space<vmem>> -> memref<1x80x128xf32, #tpu.memory_space<vmem>>
    %dma_start3A_5 = tpu.memref_squeeze %dma_start3A_4 : memref<1x80x128xf32, #tpu.memory_space<vmem>> -> memref<80x128xf32, #tpu.memory_space<vmem>>
    %dma_start3A_6 = arith.constant 0 : i32
    %dma_start3A_7 = tpu.memref_slice %arg5[%dma_start3A, %dma_start3A_6] : memref<25x80xi32, #tpu.memory_space<vmem>> -> memref<1x80xi32, #tpu.memory_space<vmem>>
    %dma_start3A_8 = tpu.memref_squeeze %dma_start3A_7 : memref<1x80xi32, #tpu.memory_space<vmem>> -> memref<80xi32, #tpu.memory_space<vmem>>
    %dma_start3A_9 = arith.constant 0 : i32
    %dma_start3A_10 = arith.constant 0 : i32
    %dma_start3A_11 = tpu.memref_slice %arg2[%dma_start3A_9, %dma_start3A_10] : memref<10000x128xf32, #tpu.memory_space<hbm>> -> memref<10000x128xf32, #tpu.memory_space<hbm>>
    tpu.enqueue_indirect_dma source(%dma_start3A_11 : memref<10000x128xf32, #tpu.memory_space<hbm>>) target(%dma_start3A_5 : memref<80x128xf32, #tpu.memory_space<vmem>>) offsets(%dma_start3A_8 : memref<80xi32, #tpu.memory_space<vmem>>) semaphore(%arg7 : memref<!tpu.dma_semaphore, #tpu.memory_space<semaphore_mem>>)
    %dma_start3A_12 = arith.constant 1 : i32
    %dma_start3A_13 = arith.constant 1 : i32
    %dma_start3A_14 = arith.constant 0 : i32
    %dma_start3A_15 = arith.constant 0 : i32
    %dma_start3A_16 = tpu.memref_slice %arg6[%dma_start3A_13, %dma_start3A_14, %dma_start3A_15] : memref<5x80x128xf32, #tpu.memory_space<vmem>> -> memref<1x80x128xf32, #tpu.memory_space<vmem>>
    %dma_start3A_17 = tpu.memref_squeeze %dma_start3A_16 : memref<1x80x128xf32, #tpu.memory_space<vmem>> -> memref<80x128xf32, #tpu.memory_space<vmem>>
    %dma_start3A_18 = arith.constant 0 : i32
    %dma_start3A_19 = tpu.memref_slice %arg5[%dma_start3A_12, %dma_start3A_18] : memref<25x80xi32, #tpu.memory_space<vmem>> -> memref<1x80xi32, #tpu.memory_space<vmem>>
    %dma_start3A_20 = tpu.memref_squeeze %dma_start3A_19 : memref<1x80xi32, #tpu.memory_space<vmem>> -> memref<80xi32, #tpu.memory_space<vmem>>
    %dma_start3A_21 = arith.constant 0 : i32
    %dma_start3A_22 = arith.constant 0 : i32
    %dma_start3A_23 = tpu.memref_slice %arg2[%dma_start3A_21, %dma_start3A_22] : memref<10000x128xf32, #tpu.memory_space<hbm>> -> memref<10000x128xf32, #tpu.memory_space<hbm>>
    tpu.enqueue_indirect_dma source(%dma_start3A_23 : memref<10000x128xf32, #tpu.memory_space<hbm>>) target(%dma_start3A_17 : memref<80x128xf32, #tpu.memory_space<vmem>>) offsets(%dma_start3A_20 : memref<80xi32, #tpu.memory_space<vmem>>) semaphore(%arg8 : memref<!tpu.dma_semaphore, #tpu.memory_space<semaphore_mem>>)
    %dma_start3A_24 = arith.constant 2 : i32
    %dma_start3A_25 = arith.constant 2 : i32
    %dma_start3A_26 = arith.constant 0 : i32
    %dma_start3A_27 = arith.constant 0 : i32
    %dma_start3A_28 = tpu.memref_slice %arg6[%dma_start3A_25, %dma_start3A_26, %dma_start3A_27] : memref<5x80x128xf32, #tpu.memory_space<vmem>> -> memref<1x80x128xf32, #tpu.memory_space<vmem>>
    %dma_start3A_29 = tpu.memref_squeeze %dma_start3A_28 : memref<1x80x128xf32, #tpu.memory_space<vmem>> -> memref<80x128xf32, #tpu.memory_space<vmem>>
    %dma_start3A_30 = arith.constant 0 : i32
    %dma_start3A_31 = tpu.memref_slice %arg5[%dma_start3A_24, %dma_start3A_30] : memref<25x80xi32, #tpu.memory_space<vmem>> -> memref<1x80xi32, #tpu.memory_space<vmem>>
    %dma_start3A_32 = tpu.memref_squeeze %dma_start3A_31 : memref<1x80xi32, #tpu.memory_space<vmem>> -> memref<80xi32, #tpu.memory_space<vmem>>
    %dma_start3A_33 = arith.constant 0 : i32
    %dma_start3A_34 = arith.constant 0 : i32
    %dma_start3A_35 = tpu.memref_slice %arg2[%dma_start3A_33, %dma_start3A_34] : memref<10000x128xf32, #tpu.memory_space<hbm>> -> memref<10000x128xf32, #tpu.memory_space<hbm>>
    tpu.enqueue_indirect_dma source(%dma_start3A_35 : memref<10000x128xf32, #tpu.memory_space<hbm>>) target(%dma_start3A_29 : memref<80x128xf32, #tpu.memory_space<vmem>>) offsets(%dma_start3A_32 : memref<80xi32, #tpu.memory_space<vmem>>) semaphore(%arg9 : memref<!tpu.dma_semaphore, #tpu.memory_space<semaphore_mem>>)
    %dma_start3A_36 = arith.constant 3 : i32
    %dma_start3A_37 = arith.constant 3 : i32
    %dma_start3A_38 = arith.constant 0 : i32
    %dma_start3A_39 = arith.constant 0 : i32
    %dma_start3A_40 = tpu.memref_slice %arg6[%dma_start3A_37, %dma_start3A_38, %dma_start3A_39] : memref<5x80x128xf32, #tpu.memory_space<vmem>> -> memref<1x80x128xf32, #tpu.memory_space<vmem>>
    %dma_start3A_41 = tpu.memref_squeeze %dma_start3A_40 : memref<1x80x128xf32, #tpu.memory_space<vmem>> -> memref<80x128xf32, #tpu.memory_space<vmem>>
    %dma_start3A_42 = arith.constant 0 : i32
    %dma_start3A_43 = tpu.memref_slice %arg5[%dma_start3A_36, %dma_start3A_42] : memref<25x80xi32, #tpu.memory_space<vmem>> -> memref<1x80xi32, #tpu.memory_space<vmem>>
    %dma_start3A_44 = tpu.memref_squeeze %dma_start3A_43 : memref<1x80xi32, #tpu.memory_space<vmem>> -> memref<80xi32, #tpu.memory_space<vmem>>
    %dma_start3A_45 = arith.constant 0 : i32
    %dma_start3A_46 = arith.constant 0 : i32
    %dma_start3A_47 = tpu.memref_slice %arg2[%dma_start3A_45, %dma_start3A_46] : memref<10000x128xf32, #tpu.memory_space<hbm>> -> memref<10000x128xf32, #tpu.memory_space<hbm>>
    tpu.enqueue_indirect_dma source(%dma_start3A_47 : memref<10000x128xf32, #tpu.memory_space<hbm>>) target(%dma_start3A_41 : memref<80x128xf32, #tpu.memory_space<vmem>>) offsets(%dma_start3A_44 : memref<80xi32, #tpu.memory_space<vmem>>) semaphore(%arg10 : memref<!tpu.dma_semaphore, #tpu.memory_space<semaphore_mem>>)
    %dma_start3A_48 = arith.constant 4 : i32
    %dma_start3A_49 = arith.constant 4 : i32
    %dma_start3A_50 = arith.constant 0 : i32
    %dma_start3A_51 = arith.constant 0 : i32
    %dma_start3A_52 = tpu.memref_slice %arg6[%dma_start3A_49, %dma_start3A_50, %dma_start3A_51] : memref<5x80x128xf32, #tpu.memory_space<vmem>> -> memref<1x80x128xf32, #tpu.memory_space<vmem>>
    %dma_start3A_53 = tpu.memref_squeeze %dma_start3A_52 : memref<1x80x128xf32, #tpu.memory_space<vmem>> -> memref<80x128xf32, #tpu.memory_space<vmem>>
    %dma_start3A_54 = arith.constant 0 : i32
    %dma_start3A_55 = tpu.memref_slice %arg5[%dma_start3A_48, %dma_start3A_54] : memref<25x80xi32, #tpu.memory_space<vmem>> -> memref<1x80xi32, #tpu.memory_space<vmem>>
    %dma_start3A_56 = tpu.memref_squeeze %dma_start3A_55 : memref<1x80xi32, #tpu.memory_space<vmem>> -> memref<80xi32, #tpu.memory_space<vmem>>
    %dma_start3A_57 = arith.constant 0 : i32
    %dma_start3A_58 = arith.constant 0 : i32
    %dma_start3A_59 = tpu.memref_slice %arg2[%dma_start3A_57, %dma_start3A_58] : memref<10000x128xf32, #tpu.memory_space<hbm>> -> memref<10000x128xf32, #tpu.memory_space<hbm>>
    tpu.enqueue_indirect_dma source(%dma_start3A_59 : memref<10000x128xf32, #tpu.memory_space<hbm>>) target(%dma_start3A_53 : memref<80x128xf32, #tpu.memory_space<vmem>>) offsets(%dma_start3A_56 : memref<80xi32, #tpu.memory_space<vmem>>) semaphore(%arg11 : memref<!tpu.dma_semaphore, #tpu.memory_space<semaphore_mem>>)
    %scan3A = arith.constant 0 : i32
    %scan3A_60 = arith.constant 0 : i32
    %scan3A_61 = arith.constant 5 : i32
    %scan3A_62 = arith.addi %scan3A_60, %scan3A_61 : i32
    %scan3A_63 = arith.constant 1 : i32
    scf.for %scan3A_149 = %scan3A_60 to %scan3A_62 step %scan3A_63  : i32 {
      %mul3A_150 = arith.constant 5 : i32
      %mul3A_151 = arith.muli %scan3A_149, %mul3A_150 : i32
      %add3A_152 = arith.constant 0 : i32
      %add3A_153 = arith.addi %mul3A_151, %add3A_152 : i32
      %dma_wait3A_154 = arith.constant 0 : i32
      %dma_wait3A_155 = arith.constant 0 : i32
      %dma_wait3A_156 = arith.constant 0 : i32
      %dma_wait3A_157 = tpu.memref_slice %arg6[%dma_wait3A_154, %dma_wait3A_155, %dma_wait3A_156] : memref<5x80x128xf32, #tpu.memory_space<vmem>> -> memref<1x80x128xf32, #tpu.memory_space<vmem>>
      %dma_wait3A_158 = tpu.memref_squeeze %dma_wait3A_157 : memref<1x80x128xf32, #tpu.memory_space<vmem>> -> memref<80x128xf32, #tpu.memory_space<vmem>>
      %dma_wait3A_159 = arith.constant 0 : i32
      %dma_wait3A_160 = tpu.memref_slice %arg5[%add3A_153, %dma_wait3A_159] : memref<25x80xi32, #tpu.memory_space<vmem>> -> memref<1x80xi32, #tpu.memory_space<vmem>>
      %dma_wait3A_161 = tpu.memref_squeeze %dma_wait3A_160 : memref<1x80xi32, #tpu.memory_space<vmem>> -> memref<80xi32, #tpu.memory_space<vmem>>
      %dma_wait3A_162 = arith.constant 0 : i32
      %dma_wait3A_163 = arith.constant 0 : i32
      %dma_wait3A_164 = tpu.memref_slice %arg2[%dma_wait3A_162, %dma_wait3A_163] : memref<10000x128xf32, #tpu.memory_space<hbm>> -> memref<10000x128xf32, #tpu.memory_space<hbm>>
      tpu.wait_indirect_dma semaphore(%arg7 : memref<!tpu.dma_semaphore, #tpu.memory_space<semaphore_mem>>) src(%dma_wait3A_164 : memref<10000x128xf32, #tpu.memory_space<hbm>>) dst(%dma_wait3A_158 : memref<80x128xf32, #tpu.memory_space<vmem>>)
      %mul3A_165 = arith.constant 32 : i32
      %mul3A_166 = arith.muli %add3A_153, %mul3A_165 : i32
      %add3A_167 = arith.addi %mul3A_166, %add3A : i32
      %mul3A_168 = arith.constant 80 : i32
      %mul3A_169 = arith.muli %add3A_167, %mul3A_168 : i32
      %dma_start3A_170 = arith.constant 0 : i32
      %dma_start3A_171 = arith.constant 0 : i32
      %dma_start3A_172 = arith.constant 0 : i32
      %dma_start3A_173 = tpu.memref_slice %arg6[%dma_start3A_170, %dma_start3A_171, %dma_start3A_172] : memref<5x80x128xf32, #tpu.memory_space<vmem>> -> memref<1x80x128xf32, #tpu.memory_space<vmem>>
      %dma_start3A_174 = tpu.memref_squeeze %dma_start3A_173 : memref<1x80x128xf32, #tpu.memory_space<vmem>> -> memref<80x128xf32, #tpu.memory_space<vmem>>
      %dma_start3A_175 = arith.constant 0 : i32
      %dma_start3A_176 = tpu.memref_slice %arg4[%mul3A_169, %dma_start3A_175] : memref<64000x128xf32, #tpu.memory_space<hbm>> -> memref<80x128xf32, #tpu.memory_space<hbm>>
      %dma_start3A_177 = arith.constant 0 : i32
      %dma_start3A_178 = tpu.memref_slice %arg4[%mul3A_169, %dma_start3A_177] : memref<64000x128xf32, #tpu.memory_space<hbm>> -> memref<80x128xf32, #tpu.memory_space<hbm>>
      %dma_start3A_179 = arith.constant 0 : i32
      %dma_start3A_180 = arith.constant 0 : i32
      %dma_start3A_181 = tpu.memref_slice %arg6[%dma_start3A_170, %dma_start3A_179, %dma_start3A_180] : memref<5x80x128xf32, #tpu.memory_space<vmem>> -> memref<1x80x128xf32, #tpu.memory_space<vmem>>
      %dma_start3A_182 = tpu.memref_squeeze %dma_start3A_181 : memref<1x80x128xf32, #tpu.memory_space<vmem>> -> memref<80x128xf32, #tpu.memory_space<vmem>>
      tpu.enqueue_dma source(%dma_start3A_182 : memref<80x128xf32, #tpu.memory_space<vmem>>) target(%dma_start3A_178 : memref<80x128xf32, #tpu.memory_space<hbm>>) target_semaphore(%arg12 : memref<!tpu.dma_semaphore, #tpu.memory_space<semaphore_mem>>)
      %add3A_183 = arith.constant 5 : i32
      %add3A_184 = arith.addi %add3A_153, %add3A_183 : i32
      %lt3A = arith.constant 25 : i32
      %lt3A_185 = arith.cmpi slt, %add3A_184, %lt3A : i32
      %convert_element_type3A = arith.extui %lt3A_185 : i1 to i32
      %cond3A = arith.constant 0 : i32
      %cond3A_186 = arith.cmpi ne, %convert_element_type3A, %cond3A : i32
      scf.if %cond3A_186 {
        %mul3A_347 = arith.constant 32 : i32
        %mul3A_348 = arith.muli %add3A_153, %mul3A_347 : i32
        %add3A_349 = arith.addi %mul3A_348, %add3A : i32
        %mul3A_350 = arith.constant 80 : i32
        %mul3A_351 = arith.muli %add3A_349, %mul3A_350 : i32
        %dma_wait3A_352 = arith.constant 0 : i32
        %dma_wait3A_353 = arith.constant 0 : i32
        %dma_wait3A_354 = arith.constant 0 : i32
        %dma_wait3A_355 = tpu.memref_slice %arg6[%dma_wait3A_352, %dma_wait3A_353, %dma_wait3A_354] : memref<5x80x128xf32, #tpu.memory_space<vmem>> -> memref<1x80x128xf32, #tpu.memory_space<vmem>>
        %dma_wait3A_356 = tpu.memref_squeeze %dma_wait3A_355 : memref<1x80x128xf32, #tpu.memory_space<vmem>> -> memref<80x128xf32, #tpu.memory_space<vmem>>
        %dma_wait3A_357 = arith.constant 0 : i32
        %dma_wait3A_358 = tpu.memref_slice %arg4[%mul3A_351, %dma_wait3A_357] : memref<64000x128xf32, #tpu.memory_space<hbm>> -> memref<80x128xf32, #tpu.memory_space<hbm>>
        %dma_wait3A_359 = arith.constant 0 : i32
        %dma_wait3A_360 = tpu.memref_slice %arg4[%mul3A_351, %dma_wait3A_359] : memref<64000x128xf32, #tpu.memory_space<hbm>> -> memref<80x128xf32, #tpu.memory_space<hbm>>
        %dma_wait3A_361 = arith.constant 0 : i32
        %dma_wait3A_362 = arith.constant 0 : i32
        %dma_wait3A_363 = tpu.memref_slice %arg6[%dma_wait3A_352, %dma_wait3A_361, %dma_wait3A_362] : memref<5x80x128xf32, #tpu.memory_space<vmem>> -> memref<1x80x128xf32, #tpu.memory_space<vmem>>
        %dma_wait3A_364 = tpu.memref_squeeze %dma_wait3A_363 : memref<1x80x128xf32, #tpu.memory_space<vmem>> -> memref<80x128xf32, #tpu.memory_space<vmem>>
        tpu.wait_dma2 semaphore(%arg12 : memref<!tpu.dma_semaphore, #tpu.memory_space<semaphore_mem>>) src(%dma_wait3A_364 : memref<80x128xf32, #tpu.memory_space<vmem>>) dst(%dma_wait3A_360 : memref<80x128xf32, #tpu.memory_space<hbm>>)
        %add3A_365 = arith.constant 5 : i32
        %add3A_366 = arith.addi %add3A_153, %add3A_365 : i32
        %dma_start3A_367 = arith.constant 0 : i32
        %dma_start3A_368 = arith.constant 0 : i32
        %dma_start3A_369 = arith.constant 0 : i32
        %dma_start3A_370 = tpu.memref_slice %arg6[%dma_start3A_367, %dma_start3A_368, %dma_start3A_369] : memref<5x80x128xf32, #tpu.memory_space<vmem>> -> memref<1x80x128xf32, #tpu.memory_space<vmem>>
        %dma_start3A_371 = tpu.memref_squeeze %dma_start3A_370 : memref<1x80x128xf32, #tpu.memory_space<vmem>> -> memref<80x128xf32, #tpu.memory_space<vmem>>
        %dma_start3A_372 = arith.constant 0 : i32
        %dma_start3A_373 = tpu.memref_slice %arg5[%add3A_366, %dma_start3A_372] : memref<25x80xi32, #tpu.memory_space<vmem>> -> memref<1x80xi32, #tpu.memory_space<vmem>>
        %dma_start3A_374 = tpu.memref_squeeze %dma_start3A_373 : memref<1x80xi32, #tpu.memory_space<vmem>> -> memref<80xi32, #tpu.memory_space<vmem>>
        %dma_start3A_375 = arith.constant 0 : i32
        %dma_start3A_376 = arith.constant 0 : i32
        %dma_start3A_377 = tpu.memref_slice %arg2[%dma_start3A_375, %dma_start3A_376] : memref<10000x128xf32, #tpu.memory_space<hbm>> -> memref<10000x128xf32, #tpu.memory_space<hbm>>
        tpu.enqueue_indirect_dma source(%dma_start3A_377 : memref<10000x128xf32, #tpu.memory_space<hbm>>) target(%dma_start3A_371 : memref<80x128xf32, #tpu.memory_space<vmem>>) offsets(%dma_start3A_374 : memref<80xi32, #tpu.memory_space<vmem>>) semaphore(%arg7 : memref<!tpu.dma_semaphore, #tpu.memory_space<semaphore_mem>>)
      } else {
      }
      %mul3A_187 = arith.constant 5 : i32
      %mul3A_188 = arith.muli %scan3A_149, %mul3A_187 : i32
      %add3A_189 = arith.constant 1 : i32
      %add3A_190 = arith.addi %mul3A_188, %add3A_189 : i32
      %dma_wait3A_191 = arith.constant 1 : i32
      %dma_wait3A_192 = arith.constant 0 : i32
      %dma_wait3A_193 = arith.constant 0 : i32
      %dma_wait3A_194 = tpu.memref_slice %arg6[%dma_wait3A_191, %dma_wait3A_192, %dma_wait3A_193] : memref<5x80x128xf32, #tpu.memory_space<vmem>> -> memref<1x80x128xf32, #tpu.memory_space<vmem>>
      %dma_wait3A_195 = tpu.memref_squeeze %dma_wait3A_194 : memref<1x80x128xf32, #tpu.memory_space<vmem>> -> memref<80x128xf32, #tpu.memory_space<vmem>>
      %dma_wait3A_196 = arith.constant 0 : i32
      %dma_wait3A_197 = tpu.memref_slice %arg5[%add3A_190, %dma_wait3A_196] : memref<25x80xi32, #tpu.memory_space<vmem>> -> memref<1x80xi32, #tpu.memory_space<vmem>>
      %dma_wait3A_198 = tpu.memref_squeeze %dma_wait3A_197 : memref<1x80xi32, #tpu.memory_space<vmem>> -> memref<80xi32, #tpu.memory_space<vmem>>
      %dma_wait3A_199 = arith.constant 0 : i32
      %dma_wait3A_200 = arith.constant 0 : i32
      %dma_wait3A_201 = tpu.memref_slice %arg2[%dma_wait3A_199, %dma_wait3A_200] : memref<10000x128xf32, #tpu.memory_space<hbm>> -> memref<10000x128xf32, #tpu.memory_space<hbm>>
      tpu.wait_indirect_dma semaphore(%arg8 : memref<!tpu.dma_semaphore, #tpu.memory_space<semaphore_mem>>) src(%dma_wait3A_201 : memref<10000x128xf32, #tpu.memory_space<hbm>>) dst(%dma_wait3A_195 : memref<80x128xf32, #tpu.memory_space<vmem>>)
      %mul3A_202 = arith.constant 32 : i32
      %mul3A_203 = arith.muli %add3A_190, %mul3A_202 : i32
      %add3A_204 = arith.addi %mul3A_203, %add3A : i32
      %mul3A_205 = arith.constant 80 : i32
      %mul3A_206 = arith.muli %add3A_204, %mul3A_205 : i32
      %dma_start3A_207 = arith.constant 1 : i32
      %dma_start3A_208 = arith.constant 0 : i32
      %dma_start3A_209 = arith.constant 0 : i32
      %dma_start3A_210 = tpu.memref_slice %arg6[%dma_start3A_207, %dma_start3A_208, %dma_start3A_209] : memref<5x80x128xf32, #tpu.memory_space<vmem>> -> memref<1x80x128xf32, #tpu.memory_space<vmem>>
      %dma_start3A_211 = tpu.memref_squeeze %dma_start3A_210 : memref<1x80x128xf32, #tpu.memory_space<vmem>> -> memref<80x128xf32, #tpu.memory_space<vmem>>
      %dma_start3A_212 = arith.constant 0 : i32
      %dma_start3A_213 = tpu.memref_slice %arg4[%mul3A_206, %dma_start3A_212] : memref<64000x128xf32, #tpu.memory_space<hbm>> -> memref<80x128xf32, #tpu.memory_space<hbm>>
      %dma_start3A_214 = arith.constant 0 : i32
      %dma_start3A_215 = tpu.memref_slice %arg4[%mul3A_206, %dma_start3A_214] : memref<64000x128xf32, #tpu.memory_space<hbm>> -> memref<80x128xf32, #tpu.memory_space<hbm>>
      %dma_start3A_216 = arith.constant 0 : i32
      %dma_start3A_217 = arith.constant 0 : i32
      %dma_start3A_218 = tpu.memref_slice %arg6[%dma_start3A_207, %dma_start3A_216, %dma_start3A_217] : memref<5x80x128xf32, #tpu.memory_space<vmem>> -> memref<1x80x128xf32, #tpu.memory_space<vmem>>
      %dma_start3A_219 = tpu.memref_squeeze %dma_start3A_218 : memref<1x80x128xf32, #tpu.memory_space<vmem>> -> memref<80x128xf32, #tpu.memory_space<vmem>>
      tpu.enqueue_dma source(%dma_start3A_219 : memref<80x128xf32, #tpu.memory_space<vmem>>) target(%dma_start3A_215 : memref<80x128xf32, #tpu.memory_space<hbm>>) target_semaphore(%arg13 : memref<!tpu.dma_semaphore, #tpu.memory_space<semaphore_mem>>)
      %add3A_220 = arith.constant 5 : i32
      %add3A_221 = arith.addi %add3A_190, %add3A_220 : i32
      %lt3A_222 = arith.constant 25 : i32
      %lt3A_223 = arith.cmpi slt, %add3A_221, %lt3A_222 : i32
      %convert_element_type3A_224 = arith.extui %lt3A_223 : i1 to i32
      %cond3A_225 = arith.constant 0 : i32
      %cond3A_226 = arith.cmpi ne, %convert_element_type3A_224, %cond3A_225 : i32
      scf.if %cond3A_226 {
        %mul3A_347 = arith.constant 32 : i32
        %mul3A_348 = arith.muli %add3A_190, %mul3A_347 : i32
        %add3A_349 = arith.addi %mul3A_348, %add3A : i32
        %mul3A_350 = arith.constant 80 : i32
        %mul3A_351 = arith.muli %add3A_349, %mul3A_350 : i32
        %dma_wait3A_352 = arith.constant 1 : i32
        %dma_wait3A_353 = arith.constant 0 : i32
        %dma_wait3A_354 = arith.constant 0 : i32
        %dma_wait3A_355 = tpu.memref_slice %arg6[%dma_wait3A_352, %dma_wait3A_353, %dma_wait3A_354] : memref<5x80x128xf32, #tpu.memory_space<vmem>> -> memref<1x80x128xf32, #tpu.memory_space<vmem>>
        %dma_wait3A_356 = tpu.memref_squeeze %dma_wait3A_355 : memref<1x80x128xf32, #tpu.memory_space<vmem>> -> memref<80x128xf32, #tpu.memory_space<vmem>>
        %dma_wait3A_357 = arith.constant 0 : i32
        %dma_wait3A_358 = tpu.memref_slice %arg4[%mul3A_351, %dma_wait3A_357] : memref<64000x128xf32, #tpu.memory_space<hbm>> -> memref<80x128xf32, #tpu.memory_space<hbm>>
        %dma_wait3A_359 = arith.constant 0 : i32
        %dma_wait3A_360 = tpu.memref_slice %arg4[%mul3A_351, %dma_wait3A_359] : memref<64000x128xf32, #tpu.memory_space<hbm>> -> memref<80x128xf32, #tpu.memory_space<hbm>>
        %dma_wait3A_361 = arith.constant 0 : i32
        %dma_wait3A_362 = arith.constant 0 : i32
        %dma_wait3A_363 = tpu.memref_slice %arg6[%dma_wait3A_352, %dma_wait3A_361, %dma_wait3A_362] : memref<5x80x128xf32, #tpu.memory_space<vmem>> -> memref<1x80x128xf32, #tpu.memory_space<vmem>>
        %dma_wait3A_364 = tpu.memref_squeeze %dma_wait3A_363 : memref<1x80x128xf32, #tpu.memory_space<vmem>> -> memref<80x128xf32, #tpu.memory_space<vmem>>
        tpu.wait_dma2 semaphore(%arg13 : memref<!tpu.dma_semaphore, #tpu.memory_space<semaphore_mem>>) src(%dma_wait3A_364 : memref<80x128xf32, #tpu.memory_space<vmem>>) dst(%dma_wait3A_360 : memref<80x128xf32, #tpu.memory_space<hbm>>)
        %add3A_365 = arith.constant 5 : i32
        %add3A_366 = arith.addi %add3A_190, %add3A_365 : i32
        %dma_start3A_367 = arith.constant 1 : i32
        %dma_start3A_368 = arith.constant 0 : i32
        %dma_start3A_369 = arith.constant 0 : i32
        %dma_start3A_370 = tpu.memref_slice %arg6[%dma_start3A_367, %dma_start3A_368, %dma_start3A_369] : memref<5x80x128xf32, #tpu.memory_space<vmem>> -> memref<1x80x128xf32, #tpu.memory_space<vmem>>
        %dma_start3A_371 = tpu.memref_squeeze %dma_start3A_370 : memref<1x80x128xf32, #tpu.memory_space<vmem>> -> memref<80x128xf32, #tpu.memory_space<vmem>>
        %dma_start3A_372 = arith.constant 0 : i32
        %dma_start3A_373 = tpu.memref_slice %arg5[%add3A_366, %dma_start3A_372] : memref<25x80xi32, #tpu.memory_space<vmem>> -> memref<1x80xi32, #tpu.memory_space<vmem>>
        %dma_start3A_374 = tpu.memref_squeeze %dma_start3A_373 : memref<1x80xi32, #tpu.memory_space<vmem>> -> memref<80xi32, #tpu.memory_space<vmem>>
        %dma_start3A_375 = arith.constant 0 : i32
        %dma_start3A_376 = arith.constant 0 : i32
        %dma_start3A_377 = tpu.memref_slice %arg2[%dma_start3A_375, %dma_start3A_376] : memref<10000x128xf32, #tpu.memory_space<hbm>> -> memref<10000x128xf32, #tpu.memory_space<hbm>>
        tpu.enqueue_indirect_dma source(%dma_start3A_377 : memref<10000x128xf32, #tpu.memory_space<hbm>>) target(%dma_start3A_371 : memref<80x128xf32, #tpu.memory_space<vmem>>) offsets(%dma_start3A_374 : memref<80xi32, #tpu.memory_space<vmem>>) semaphore(%arg8 : memref<!tpu.dma_semaphore, #tpu.memory_space<semaphore_mem>>)
      } else {
      }
      %mul3A_227 = arith.constant 5 : i32
      %mul3A_228 = arith.muli %scan3A_149, %mul3A_227 : i32
      %add3A_229 = arith.constant 2 : i32
      %add3A_230 = arith.addi %mul3A_228, %add3A_229 : i32
      %dma_wait3A_231 = arith.constant 2 : i32
      %dma_wait3A_232 = arith.constant 0 : i32
      %dma_wait3A_233 = arith.constant 0 : i32
      %dma_wait3A_234 = tpu.memref_slice %arg6[%dma_wait3A_231, %dma_wait3A_232, %dma_wait3A_233] : memref<5x80x128xf32, #tpu.memory_space<vmem>> -> memref<1x80x128xf32, #tpu.memory_space<vmem>>
      %dma_wait3A_235 = tpu.memref_squeeze %dma_wait3A_234 : memref<1x80x128xf32, #tpu.memory_space<vmem>> -> memref<80x128xf32, #tpu.memory_space<vmem>>
      %dma_wait3A_236 = arith.constant 0 : i32
      %dma_wait3A_237 = tpu.memref_slice %arg5[%add3A_230, %dma_wait3A_236] : memref<25x80xi32, #tpu.memory_space<vmem>> -> memref<1x80xi32, #tpu.memory_space<vmem>>
      %dma_wait3A_238 = tpu.memref_squeeze %dma_wait3A_237 : memref<1x80xi32, #tpu.memory_space<vmem>> -> memref<80xi32, #tpu.memory_space<vmem>>
      %dma_wait3A_239 = arith.constant 0 : i32
      %dma_wait3A_240 = arith.constant 0 : i32
      %dma_wait3A_241 = tpu.memref_slice %arg2[%dma_wait3A_239, %dma_wait3A_240] : memref<10000x128xf32, #tpu.memory_space<hbm>> -> memref<10000x128xf32, #tpu.memory_space<hbm>>
      tpu.wait_indirect_dma semaphore(%arg9 : memref<!tpu.dma_semaphore, #tpu.memory_space<semaphore_mem>>) src(%dma_wait3A_241 : memref<10000x128xf32, #tpu.memory_space<hbm>>) dst(%dma_wait3A_235 : memref<80x128xf32, #tpu.memory_space<vmem>>)
      %mul3A_242 = arith.constant 32 : i32
      %mul3A_243 = arith.muli %add3A_230, %mul3A_242 : i32
      %add3A_244 = arith.addi %mul3A_243, %add3A : i32
      %mul3A_245 = arith.constant 80 : i32
      %mul3A_246 = arith.muli %add3A_244, %mul3A_245 : i32
      %dma_start3A_247 = arith.constant 2 : i32
      %dma_start3A_248 = arith.constant 0 : i32
      %dma_start3A_249 = arith.constant 0 : i32
      %dma_start3A_250 = tpu.memref_slice %arg6[%dma_start3A_247, %dma_start3A_248, %dma_start3A_249] : memref<5x80x128xf32, #tpu.memory_space<vmem>> -> memref<1x80x128xf32, #tpu.memory_space<vmem>>
      %dma_start3A_251 = tpu.memref_squeeze %dma_start3A_250 : memref<1x80x128xf32, #tpu.memory_space<vmem>> -> memref<80x128xf32, #tpu.memory_space<vmem>>
      %dma_start3A_252 = arith.constant 0 : i32
      %dma_start3A_253 = tpu.memref_slice %arg4[%mul3A_246, %dma_start3A_252] : memref<64000x128xf32, #tpu.memory_space<hbm>> -> memref<80x128xf32, #tpu.memory_space<hbm>>
      %dma_start3A_254 = arith.constant 0 : i32
      %dma_start3A_255 = tpu.memref_slice %arg4[%mul3A_246, %dma_start3A_254] : memref<64000x128xf32, #tpu.memory_space<hbm>> -> memref<80x128xf32, #tpu.memory_space<hbm>>
      %dma_start3A_256 = arith.constant 0 : i32
      %dma_start3A_257 = arith.constant 0 : i32
      %dma_start3A_258 = tpu.memref_slice %arg6[%dma_start3A_247, %dma_start3A_256, %dma_start3A_257] : memref<5x80x128xf32, #tpu.memory_space<vmem>> -> memref<1x80x128xf32, #tpu.memory_space<vmem>>
      %dma_start3A_259 = tpu.memref_squeeze %dma_start3A_258 : memref<1x80x128xf32, #tpu.memory_space<vmem>> -> memref<80x128xf32, #tpu.memory_space<vmem>>
      tpu.enqueue_dma source(%dma_start3A_259 : memref<80x128xf32, #tpu.memory_space<vmem>>) target(%dma_start3A_255 : memref<80x128xf32, #tpu.memory_space<hbm>>) target_semaphore(%arg14 : memref<!tpu.dma_semaphore, #tpu.memory_space<semaphore_mem>>)
      %add3A_260 = arith.constant 5 : i32
      %add3A_261 = arith.addi %add3A_230, %add3A_260 : i32
      %lt3A_262 = arith.constant 25 : i32
      %lt3A_263 = arith.cmpi slt, %add3A_261, %lt3A_262 : i32
      %convert_element_type3A_264 = arith.extui %lt3A_263 : i1 to i32
      %cond3A_265 = arith.constant 0 : i32
      %cond3A_266 = arith.cmpi ne, %convert_element_type3A_264, %cond3A_265 : i32
      scf.if %cond3A_266 {
        %mul3A_347 = arith.constant 32 : i32
        %mul3A_348 = arith.muli %add3A_230, %mul3A_347 : i32
        %add3A_349 = arith.addi %mul3A_348, %add3A : i32
        %mul3A_350 = arith.constant 80 : i32
        %mul3A_351 = arith.muli %add3A_349, %mul3A_350 : i32
        %dma_wait3A_352 = arith.constant 2 : i32
        %dma_wait3A_353 = arith.constant 0 : i32
        %dma_wait3A_354 = arith.constant 0 : i32
        %dma_wait3A_355 = tpu.memref_slice %arg6[%dma_wait3A_352, %dma_wait3A_353, %dma_wait3A_354] : memref<5x80x128xf32, #tpu.memory_space<vmem>> -> memref<1x80x128xf32, #tpu.memory_space<vmem>>
        %dma_wait3A_356 = tpu.memref_squeeze %dma_wait3A_355 : memref<1x80x128xf32, #tpu.memory_space<vmem>> -> memref<80x128xf32, #tpu.memory_space<vmem>>
        %dma_wait3A_357 = arith.constant 0 : i32
        %dma_wait3A_358 = tpu.memref_slice %arg4[%mul3A_351, %dma_wait3A_357] : memref<64000x128xf32, #tpu.memory_space<hbm>> -> memref<80x128xf32, #tpu.memory_space<hbm>>
        %dma_wait3A_359 = arith.constant 0 : i32
        %dma_wait3A_360 = tpu.memref_slice %arg4[%mul3A_351, %dma_wait3A_359] : memref<64000x128xf32, #tpu.memory_space<hbm>> -> memref<80x128xf32, #tpu.memory_space<hbm>>
        %dma_wait3A_361 = arith.constant 0 : i32
        %dma_wait3A_362 = arith.constant 0 : i32
        %dma_wait3A_363 = tpu.memref_slice %arg6[%dma_wait3A_352, %dma_wait3A_361, %dma_wait3A_362] : memref<5x80x128xf32, #tpu.memory_space<vmem>> -> memref<1x80x128xf32, #tpu.memory_space<vmem>>
        %dma_wait3A_364 = tpu.memref_squeeze %dma_wait3A_363 : memref<1x80x128xf32, #tpu.memory_space<vmem>> -> memref<80x128xf32, #tpu.memory_space<vmem>>
        tpu.wait_dma2 semaphore(%arg14 : memref<!tpu.dma_semaphore, #tpu.memory_space<semaphore_mem>>) src(%dma_wait3A_364 : memref<80x128xf32, #tpu.memory_space<vmem>>) dst(%dma_wait3A_360 : memref<80x128xf32, #tpu.memory_space<hbm>>)
        %add3A_365 = arith.constant 5 : i32
        %add3A_366 = arith.addi %add3A_230, %add3A_365 : i32
        %dma_start3A_367 = arith.constant 2 : i32
        %dma_start3A_368 = arith.constant 0 : i32
        %dma_start3A_369 = arith.constant 0 : i32
        %dma_start3A_370 = tpu.memref_slice %arg6[%dma_start3A_367, %dma_start3A_368, %dma_start3A_369] : memref<5x80x128xf32, #tpu.memory_space<vmem>> -> memref<1x80x128xf32, #tpu.memory_space<vmem>>
        %dma_start3A_371 = tpu.memref_squeeze %dma_start3A_370 : memref<1x80x128xf32, #tpu.memory_space<vmem>> -> memref<80x128xf32, #tpu.memory_space<vmem>>
        %dma_start3A_372 = arith.constant 0 : i32
        %dma_start3A_373 = tpu.memref_slice %arg5[%add3A_366, %dma_start3A_372] : memref<25x80xi32, #tpu.memory_space<vmem>> -> memref<1x80xi32, #tpu.memory_space<vmem>>
        %dma_start3A_374 = tpu.memref_squeeze %dma_start3A_373 : memref<1x80xi32, #tpu.memory_space<vmem>> -> memref<80xi32, #tpu.memory_space<vmem>>
        %dma_start3A_375 = arith.constant 0 : i32
        %dma_start3A_376 = arith.constant 0 : i32
        %dma_start3A_377 = tpu.memref_slice %arg2[%dma_start3A_375, %dma_start3A_376] : memref<10000x128xf32, #tpu.memory_space<hbm>> -> memref<10000x128xf32, #tpu.memory_space<hbm>>
        tpu.enqueue_indirect_dma source(%dma_start3A_377 : memref<10000x128xf32, #tpu.memory_space<hbm>>) target(%dma_start3A_371 : memref<80x128xf32, #tpu.memory_space<vmem>>) offsets(%dma_start3A_374 : memref<80xi32, #tpu.memory_space<vmem>>) semaphore(%arg9 : memref<!tpu.dma_semaphore, #tpu.memory_space<semaphore_mem>>)
      } else {
      }
      %mul3A_267 = arith.constant 5 : i32
      %mul3A_268 = arith.muli %scan3A_149, %mul3A_267 : i32
      %add3A_269 = arith.constant 3 : i32
      %add3A_270 = arith.addi %mul3A_268, %add3A_269 : i32
      %dma_wait3A_271 = arith.constant 3 : i32
      %dma_wait3A_272 = arith.constant 0 : i32
      %dma_wait3A_273 = arith.constant 0 : i32
      %dma_wait3A_274 = tpu.memref_slice %arg6[%dma_wait3A_271, %dma_wait3A_272, %dma_wait3A_273] : memref<5x80x128xf32, #tpu.memory_space<vmem>> -> memref<1x80x128xf32, #tpu.memory_space<vmem>>
      %dma_wait3A_275 = tpu.memref_squeeze %dma_wait3A_274 : memref<1x80x128xf32, #tpu.memory_space<vmem>> -> memref<80x128xf32, #tpu.memory_space<vmem>>
      %dma_wait3A_276 = arith.constant 0 : i32
      %dma_wait3A_277 = tpu.memref_slice %arg5[%add3A_270, %dma_wait3A_276] : memref<25x80xi32, #tpu.memory_space<vmem>> -> memref<1x80xi32, #tpu.memory_space<vmem>>
      %dma_wait3A_278 = tpu.memref_squeeze %dma_wait3A_277 : memref<1x80xi32, #tpu.memory_space<vmem>> -> memref<80xi32, #tpu.memory_space<vmem>>
      %dma_wait3A_279 = arith.constant 0 : i32
      %dma_wait3A_280 = arith.constant 0 : i32
      %dma_wait3A_281 = tpu.memref_slice %arg2[%dma_wait3A_279, %dma_wait3A_280] : memref<10000x128xf32, #tpu.memory_space<hbm>> -> memref<10000x128xf32, #tpu.memory_space<hbm>>
      tpu.wait_indirect_dma semaphore(%arg10 : memref<!tpu.dma_semaphore, #tpu.memory_space<semaphore_mem>>) src(%dma_wait3A_281 : memref<10000x128xf32, #tpu.memory_space<hbm>>) dst(%dma_wait3A_275 : memref<80x128xf32, #tpu.memory_space<vmem>>)
      %mul3A_282 = arith.constant 32 : i32
      %mul3A_283 = arith.muli %add3A_270, %mul3A_282 : i32
      %add3A_284 = arith.addi %mul3A_283, %add3A : i32
      %mul3A_285 = arith.constant 80 : i32
      %mul3A_286 = arith.muli %add3A_284, %mul3A_285 : i32
      %dma_start3A_287 = arith.constant 3 : i32
      %dma_start3A_288 = arith.constant 0 : i32
      %dma_start3A_289 = arith.constant 0 : i32
      %dma_start3A_290 = tpu.memref_slice %arg6[%dma_start3A_287, %dma_start3A_288, %dma_start3A_289] : memref<5x80x128xf32, #tpu.memory_space<vmem>> -> memref<1x80x128xf32, #tpu.memory_space<vmem>>
      %dma_start3A_291 = tpu.memref_squeeze %dma_start3A_290 : memref<1x80x128xf32, #tpu.memory_space<vmem>> -> memref<80x128xf32, #tpu.memory_space<vmem>>
      %dma_start3A_292 = arith.constant 0 : i32
      %dma_start3A_293 = tpu.memref_slice %arg4[%mul3A_286, %dma_start3A_292] : memref<64000x128xf32, #tpu.memory_space<hbm>> -> memref<80x128xf32, #tpu.memory_space<hbm>>
      %dma_start3A_294 = arith.constant 0 : i32
      %dma_start3A_295 = tpu.memref_slice %arg4[%mul3A_286, %dma_start3A_294] : memref<64000x128xf32, #tpu.memory_space<hbm>> -> memref<80x128xf32, #tpu.memory_space<hbm>>
      %dma_start3A_296 = arith.constant 0 : i32
      %dma_start3A_297 = arith.constant 0 : i32
      %dma_start3A_298 = tpu.memref_slice %arg6[%dma_start3A_287, %dma_start3A_296, %dma_start3A_297] : memref<5x80x128xf32, #tpu.memory_space<vmem>> -> memref<1x80x128xf32, #tpu.memory_space<vmem>>
      %dma_start3A_299 = tpu.memref_squeeze %dma_start3A_298 : memref<1x80x128xf32, #tpu.memory_space<vmem>> -> memref<80x128xf32, #tpu.memory_space<vmem>>
      tpu.enqueue_dma source(%dma_start3A_299 : memref<80x128xf32, #tpu.memory_space<vmem>>) target(%dma_start3A_295 : memref<80x128xf32, #tpu.memory_space<hbm>>) target_semaphore(%arg15 : memref<!tpu.dma_semaphore, #tpu.memory_space<semaphore_mem>>)
      %add3A_300 = arith.constant 5 : i32
      %add3A_301 = arith.addi %add3A_270, %add3A_300 : i32
      %lt3A_302 = arith.constant 25 : i32
      %lt3A_303 = arith.cmpi slt, %add3A_301, %lt3A_302 : i32
      %convert_element_type3A_304 = arith.extui %lt3A_303 : i1 to i32
      %cond3A_305 = arith.constant 0 : i32
      %cond3A_306 = arith.cmpi ne, %convert_element_type3A_304, %cond3A_305 : i32
      scf.if %cond3A_306 {
        %mul3A_347 = arith.constant 32 : i32
        %mul3A_348 = arith.muli %add3A_270, %mul3A_347 : i32
        %add3A_349 = arith.addi %mul3A_348, %add3A : i32
        %mul3A_350 = arith.constant 80 : i32
        %mul3A_351 = arith.muli %add3A_349, %mul3A_350 : i32
        %dma_wait3A_352 = arith.constant 3 : i32
        %dma_wait3A_353 = arith.constant 0 : i32
        %dma_wait3A_354 = arith.constant 0 : i32
        %dma_wait3A_355 = tpu.memref_slice %arg6[%dma_wait3A_352, %dma_wait3A_353, %dma_wait3A_354] : memref<5x80x128xf32, #tpu.memory_space<vmem>> -> memref<1x80x128xf32, #tpu.memory_space<vmem>>
        %dma_wait3A_356 = tpu.memref_squeeze %dma_wait3A_355 : memref<1x80x128xf32, #tpu.memory_space<vmem>> -> memref<80x128xf32, #tpu.memory_space<vmem>>
        %dma_wait3A_357 = arith.constant 0 : i32
        %dma_wait3A_358 = tpu.memref_slice %arg4[%mul3A_351, %dma_wait3A_357] : memref<64000x128xf32, #tpu.memory_space<hbm>> -> memref<80x128xf32, #tpu.memory_space<hbm>>
        %dma_wait3A_359 = arith.constant 0 : i32
        %dma_wait3A_360 = tpu.memref_slice %arg4[%mul3A_351, %dma_wait3A_359] : memref<64000x128xf32, #tpu.memory_space<hbm>> -> memref<80x128xf32, #tpu.memory_space<hbm>>
        %dma_wait3A_361 = arith.constant 0 : i32
        %dma_wait3A_362 = arith.constant 0 : i32
        %dma_wait3A_363 = tpu.memref_slice %arg6[%dma_wait3A_352, %dma_wait3A_361, %dma_wait3A_362] : memref<5x80x128xf32, #tpu.memory_space<vmem>> -> memref<1x80x128xf32, #tpu.memory_space<vmem>>
        %dma_wait3A_364 = tpu.memref_squeeze %dma_wait3A_363 : memref<1x80x128xf32, #tpu.memory_space<vmem>> -> memref<80x128xf32, #tpu.memory_space<vmem>>
        tpu.wait_dma2 semaphore(%arg15 : memref<!tpu.dma_semaphore, #tpu.memory_space<semaphore_mem>>) src(%dma_wait3A_364 : memref<80x128xf32, #tpu.memory_space<vmem>>) dst(%dma_wait3A_360 : memref<80x128xf32, #tpu.memory_space<hbm>>)
        %add3A_365 = arith.constant 5 : i32
        %add3A_366 = arith.addi %add3A_270, %add3A_365 : i32
        %dma_start3A_367 = arith.constant 3 : i32
        %dma_start3A_368 = arith.constant 0 : i32
        %dma_start3A_369 = arith.constant 0 : i32
        %dma_start3A_370 = tpu.memref_slice %arg6[%dma_start3A_367, %dma_start3A_368, %dma_start3A_369] : memref<5x80x128xf32, #tpu.memory_space<vmem>> -> memref<1x80x128xf32, #tpu.memory_space<vmem>>
        %dma_start3A_371 = tpu.memref_squeeze %dma_start3A_370 : memref<1x80x128xf32, #tpu.memory_space<vmem>> -> memref<80x128xf32, #tpu.memory_space<vmem>>
        %dma_start3A_372 = arith.constant 0 : i32
        %dma_start3A_373 = tpu.memref_slice %arg5[%add3A_366, %dma_start3A_372] : memref<25x80xi32, #tpu.memory_space<vmem>> -> memref<1x80xi32, #tpu.memory_space<vmem>>
        %dma_start3A_374 = tpu.memref_squeeze %dma_start3A_373 : memref<1x80xi32, #tpu.memory_space<vmem>> -> memref<80xi32, #tpu.memory_space<vmem>>
        %dma_start3A_375 = arith.constant 0 : i32
        %dma_start3A_376 = arith.constant 0 : i32
        %dma_start3A_377 = tpu.memref_slice %arg2[%dma_start3A_375, %dma_start3A_376] : memref<10000x128xf32, #tpu.memory_space<hbm>> -> memref<10000x128xf32, #tpu.memory_space<hbm>>
        tpu.enqueue_indirect_dma source(%dma_start3A_377 : memref<10000x128xf32, #tpu.memory_space<hbm>>) target(%dma_start3A_371 : memref<80x128xf32, #tpu.memory_space<vmem>>) offsets(%dma_start3A_374 : memref<80xi32, #tpu.memory_space<vmem>>) semaphore(%arg10 : memref<!tpu.dma_semaphore, #tpu.memory_space<semaphore_mem>>)
      } else {
      }
      %mul3A_307 = arith.constant 5 : i32
      %mul3A_308 = arith.muli %scan3A_149, %mul3A_307 : i32
      %add3A_309 = arith.constant 4 : i32
      %add3A_310 = arith.addi %mul3A_308, %add3A_309 : i32
      %dma_wait3A_311 = arith.constant 4 : i32
      %dma_wait3A_312 = arith.constant 0 : i32
      %dma_wait3A_313 = arith.constant 0 : i32
      %dma_wait3A_314 = tpu.memref_slice %arg6[%dma_wait3A_311, %dma_wait3A_312, %dma_wait3A_313] : memref<5x80x128xf32, #tpu.memory_space<vmem>> -> memref<1x80x128xf32, #tpu.memory_space<vmem>>
      %dma_wait3A_315 = tpu.memref_squeeze %dma_wait3A_314 : memref<1x80x128xf32, #tpu.memory_space<vmem>> -> memref<80x128xf32, #tpu.memory_space<vmem>>
      %dma_wait3A_316 = arith.constant 0 : i32
      %dma_wait3A_317 = tpu.memref_slice %arg5[%add3A_310, %dma_wait3A_316] : memref<25x80xi32, #tpu.memory_space<vmem>> -> memref<1x80xi32, #tpu.memory_space<vmem>>
      %dma_wait3A_318 = tpu.memref_squeeze %dma_wait3A_317 : memref<1x80xi32, #tpu.memory_space<vmem>> -> memref<80xi32, #tpu.memory_space<vmem>>
      %dma_wait3A_319 = arith.constant 0 : i32
      %dma_wait3A_320 = arith.constant 0 : i32
      %dma_wait3A_321 = tpu.memref_slice %arg2[%dma_wait3A_319, %dma_wait3A_320] : memref<10000x128xf32, #tpu.memory_space<hbm>> -> memref<10000x128xf32, #tpu.memory_space<hbm>>
      tpu.wait_indirect_dma semaphore(%arg11 : memref<!tpu.dma_semaphore, #tpu.memory_space<semaphore_mem>>) src(%dma_wait3A_321 : memref<10000x128xf32, #tpu.memory_space<hbm>>) dst(%dma_wait3A_315 : memref<80x128xf32, #tpu.memory_space<vmem>>)
      %mul3A_322 = arith.constant 32 : i32
      %mul3A_323 = arith.muli %add3A_310, %mul3A_322 : i32
      %add3A_324 = arith.addi %mul3A_323, %add3A : i32
      %mul3A_325 = arith.constant 80 : i32
      %mul3A_326 = arith.muli %add3A_324, %mul3A_325 : i32
      %dma_start3A_327 = arith.constant 4 : i32
      %dma_start3A_328 = arith.constant 0 : i32
      %dma_start3A_329 = arith.constant 0 : i32
      %dma_start3A_330 = tpu.memref_slice %arg6[%dma_start3A_327, %dma_start3A_328, %dma_start3A_329] : memref<5x80x128xf32, #tpu.memory_space<vmem>> -> memref<1x80x128xf32, #tpu.memory_space<vmem>>
      %dma_start3A_331 = tpu.memref_squeeze %dma_start3A_330 : memref<1x80x128xf32, #tpu.memory_space<vmem>> -> memref<80x128xf32, #tpu.memory_space<vmem>>
      %dma_start3A_332 = arith.constant 0 : i32
      %dma_start3A_333 = tpu.memref_slice %arg4[%mul3A_326, %dma_start3A_332] : memref<64000x128xf32, #tpu.memory_space<hbm>> -> memref<80x128xf32, #tpu.memory_space<hbm>>
      %dma_start3A_334 = arith.constant 0 : i32
      %dma_start3A_335 = tpu.memref_slice %arg4[%mul3A_326, %dma_start3A_334] : memref<64000x128xf32, #tpu.memory_space<hbm>> -> memref<80x128xf32, #tpu.memory_space<hbm>>
      %dma_start3A_336 = arith.constant 0 : i32
      %dma_start3A_337 = arith.constant 0 : i32
      %dma_start3A_338 = tpu.memref_slice %arg6[%dma_start3A_327, %dma_start3A_336, %dma_start3A_337] : memref<5x80x128xf32, #tpu.memory_space<vmem>> -> memref<1x80x128xf32, #tpu.memory_space<vmem>>
      %dma_start3A_339 = tpu.memref_squeeze %dma_start3A_338 : memref<1x80x128xf32, #tpu.memory_space<vmem>> -> memref<80x128xf32, #tpu.memory_space<vmem>>
      tpu.enqueue_dma source(%dma_start3A_339 : memref<80x128xf32, #tpu.memory_space<vmem>>) target(%dma_start3A_335 : memref<80x128xf32, #tpu.memory_space<hbm>>) target_semaphore(%arg16 : memref<!tpu.dma_semaphore, #tpu.memory_space<semaphore_mem>>)
      %add3A_340 = arith.constant 5 : i32
      %add3A_341 = arith.addi %add3A_310, %add3A_340 : i32
      %lt3A_342 = arith.constant 25 : i32
      %lt3A_343 = arith.cmpi slt, %add3A_341, %lt3A_342 : i32
      %convert_element_type3A_344 = arith.extui %lt3A_343 : i1 to i32
      %cond3A_345 = arith.constant 0 : i32
      %cond3A_346 = arith.cmpi ne, %convert_element_type3A_344, %cond3A_345 : i32
      scf.if %cond3A_346 {
        %mul3A_347 = arith.constant 32 : i32
        %mul3A_348 = arith.muli %add3A_310, %mul3A_347 : i32
        %add3A_349 = arith.addi %mul3A_348, %add3A : i32
        %mul3A_350 = arith.constant 80 : i32
        %mul3A_351 = arith.muli %add3A_349, %mul3A_350 : i32
        %dma_wait3A_352 = arith.constant 4 : i32
        %dma_wait3A_353 = arith.constant 0 : i32
        %dma_wait3A_354 = arith.constant 0 : i32
        %dma_wait3A_355 = tpu.memref_slice %arg6[%dma_wait3A_352, %dma_wait3A_353, %dma_wait3A_354] : memref<5x80x128xf32, #tpu.memory_space<vmem>> -> memref<1x80x128xf32, #tpu.memory_space<vmem>>
        %dma_wait3A_356 = tpu.memref_squeeze %dma_wait3A_355 : memref<1x80x128xf32, #tpu.memory_space<vmem>> -> memref<80x128xf32, #tpu.memory_space<vmem>>
        %dma_wait3A_357 = arith.constant 0 : i32
        %dma_wait3A_358 = tpu.memref_slice %arg4[%mul3A_351, %dma_wait3A_357] : memref<64000x128xf32, #tpu.memory_space<hbm>> -> memref<80x128xf32, #tpu.memory_space<hbm>>
        %dma_wait3A_359 = arith.constant 0 : i32
        %dma_wait3A_360 = tpu.memref_slice %arg4[%mul3A_351, %dma_wait3A_359] : memref<64000x128xf32, #tpu.memory_space<hbm>> -> memref<80x128xf32, #tpu.memory_space<hbm>>
        %dma_wait3A_361 = arith.constant 0 : i32
        %dma_wait3A_362 = arith.constant 0 : i32
        %dma_wait3A_363 = tpu.memref_slice %arg6[%dma_wait3A_352, %dma_wait3A_361, %dma_wait3A_362] : memref<5x80x128xf32, #tpu.memory_space<vmem>> -> memref<1x80x128xf32, #tpu.memory_space<vmem>>
        %dma_wait3A_364 = tpu.memref_squeeze %dma_wait3A_363 : memref<1x80x128xf32, #tpu.memory_space<vmem>> -> memref<80x128xf32, #tpu.memory_space<vmem>>
        tpu.wait_dma2 semaphore(%arg16 : memref<!tpu.dma_semaphore, #tpu.memory_space<semaphore_mem>>) src(%dma_wait3A_364 : memref<80x128xf32, #tpu.memory_space<vmem>>) dst(%dma_wait3A_360 : memref<80x128xf32, #tpu.memory_space<hbm>>)
        %add3A_365 = arith.constant 5 : i32
        %add3A_366 = arith.addi %add3A_310, %add3A_365 : i32
        %dma_start3A_367 = arith.constant 4 : i32
        %dma_start3A_368 = arith.constant 0 : i32
        %dma_start3A_369 = arith.constant 0 : i32
        %dma_start3A_370 = tpu.memref_slice %arg6[%dma_start3A_367, %dma_start3A_368, %dma_start3A_369] : memref<5x80x128xf32, #tpu.memory_space<vmem>> -> memref<1x80x128xf32, #tpu.memory_space<vmem>>
        %dma_start3A_371 = tpu.memref_squeeze %dma_start3A_370 : memref<1x80x128xf32, #tpu.memory_space<vmem>> -> memref<80x128xf32, #tpu.memory_space<vmem>>
        %dma_start3A_372 = arith.constant 0 : i32
        %dma_start3A_373 = tpu.memref_slice %arg5[%add3A_366, %dma_start3A_372] : memref<25x80xi32, #tpu.memory_space<vmem>> -> memref<1x80xi32, #tpu.memory_space<vmem>>
        %dma_start3A_374 = tpu.memref_squeeze %dma_start3A_373 : memref<1x80xi32, #tpu.memory_space<vmem>> -> memref<80xi32, #tpu.memory_space<vmem>>
        %dma_start3A_375 = arith.constant 0 : i32
        %dma_start3A_376 = arith.constant 0 : i32
        %dma_start3A_377 = tpu.memref_slice %arg2[%dma_start3A_375, %dma_start3A_376] : memref<10000x128xf32, #tpu.memory_space<hbm>> -> memref<10000x128xf32, #tpu.memory_space<hbm>>
        tpu.enqueue_indirect_dma source(%dma_start3A_377 : memref<10000x128xf32, #tpu.memory_space<hbm>>) target(%dma_start3A_371 : memref<80x128xf32, #tpu.memory_space<vmem>>) offsets(%dma_start3A_374 : memref<80xi32, #tpu.memory_space<vmem>>) semaphore(%arg11 : memref<!tpu.dma_semaphore, #tpu.memory_space<semaphore_mem>>)
      } else {
      }
    }
    %scan3A_64 = arith.constant 5 : i32
    %add3A_65 = arith.constant 640 : i32
    %add3A_66 = arith.addi %add3A_65, %add3A : i32
    %mul3A_67 = arith.constant 80 : i32
    %mul3A_68 = arith.muli %add3A_66, %mul3A_67 : i32
    %dma_wait3A = arith.constant 0 : i32
    %dma_wait3A_69 = arith.constant 0 : i32
    %dma_wait3A_70 = arith.constant 0 : i32
    %dma_wait3A_71 = tpu.memref_slice %arg6[%dma_wait3A, %dma_wait3A_69, %dma_wait3A_70] : memref<5x80x128xf32, #tpu.memory_space<vmem>> -> memref<1x80x128xf32, #tpu.memory_space<vmem>>
    %dma_wait3A_72 = tpu.memref_squeeze %dma_wait3A_71 : memref<1x80x128xf32, #tpu.memory_space<vmem>> -> memref<80x128xf32, #tpu.memory_space<vmem>>
    %dma_wait3A_73 = arith.constant 0 : i32
    %dma_wait3A_74 = tpu.memref_slice %arg4[%mul3A_68, %dma_wait3A_73] : memref<64000x128xf32, #tpu.memory_space<hbm>> -> memref<80x128xf32, #tpu.memory_space<hbm>>
    %dma_wait3A_75 = arith.constant 0 : i32
    %dma_wait3A_76 = tpu.memref_slice %arg4[%mul3A_68, %dma_wait3A_75] : memref<64000x128xf32, #tpu.memory_space<hbm>> -> memref<80x128xf32, #tpu.memory_space<hbm>>
    %dma_wait3A_77 = arith.constant 0 : i32
    %dma_wait3A_78 = arith.constant 0 : i32
    %dma_wait3A_79 = tpu.memref_slice %arg6[%dma_wait3A, %dma_wait3A_77, %dma_wait3A_78] : memref<5x80x128xf32, #tpu.memory_space<vmem>> -> memref<1x80x128xf32, #tpu.memory_space<vmem>>
    %dma_wait3A_80 = tpu.memref_squeeze %dma_wait3A_79 : memref<1x80x128xf32, #tpu.memory_space<vmem>> -> memref<80x128xf32, #tpu.memory_space<vmem>>
    tpu.wait_dma2 semaphore(%arg12 : memref<!tpu.dma_semaphore, #tpu.memory_space<semaphore_mem>>) src(%dma_wait3A_80 : memref<80x128xf32, #tpu.memory_space<vmem>>) dst(%dma_wait3A_76 : memref<80x128xf32, #tpu.memory_space<hbm>>)
    %add3A_81 = arith.constant 672 : i32
    %add3A_82 = arith.addi %add3A_81, %add3A : i32
    %mul3A_83 = arith.constant 80 : i32
    %mul3A_84 = arith.muli %add3A_82, %mul3A_83 : i32
    %dma_wait3A_85 = arith.constant 1 : i32
    %dma_wait3A_86 = arith.constant 0 : i32
    %dma_wait3A_87 = arith.constant 0 : i32
    %dma_wait3A_88 = tpu.memref_slice %arg6[%dma_wait3A_85, %dma_wait3A_86, %dma_wait3A_87] : memref<5x80x128xf32, #tpu.memory_space<vmem>> -> memref<1x80x128xf32, #tpu.memory_space<vmem>>
    %dma_wait3A_89 = tpu.memref_squeeze %dma_wait3A_88 : memref<1x80x128xf32, #tpu.memory_space<vmem>> -> memref<80x128xf32, #tpu.memory_space<vmem>>
    %dma_wait3A_90 = arith.constant 0 : i32
    %dma_wait3A_91 = tpu.memref_slice %arg4[%mul3A_84, %dma_wait3A_90] : memref<64000x128xf32, #tpu.memory_space<hbm>> -> memref<80x128xf32, #tpu.memory_space<hbm>>
    %dma_wait3A_92 = arith.constant 0 : i32
    %dma_wait3A_93 = tpu.memref_slice %arg4[%mul3A_84, %dma_wait3A_92] : memref<64000x128xf32, #tpu.memory_space<hbm>> -> memref<80x128xf32, #tpu.memory_space<hbm>>
    %dma_wait3A_94 = arith.constant 0 : i32
    %dma_wait3A_95 = arith.constant 0 : i32
    %dma_wait3A_96 = tpu.memref_slice %arg6[%dma_wait3A_85, %dma_wait3A_94, %dma_wait3A_95] : memref<5x80x128xf32, #tpu.memory_space<vmem>> -> memref<1x80x128xf32, #tpu.memory_space<vmem>>
    %dma_wait3A_97 = tpu.memref_squeeze %dma_wait3A_96 : memref<1x80x128xf32, #tpu.memory_space<vmem>> -> memref<80x128xf32, #tpu.memory_space<vmem>>
    tpu.wait_dma2 semaphore(%arg13 : memref<!tpu.dma_semaphore, #tpu.memory_space<semaphore_mem>>) src(%dma_wait3A_97 : memref<80x128xf32, #tpu.memory_space<vmem>>) dst(%dma_wait3A_93 : memref<80x128xf32, #tpu.memory_space<hbm>>)
    %add3A_98 = arith.constant 704 : i32
    %add3A_99 = arith.addi %add3A_98, %add3A : i32
    %mul3A_100 = arith.constant 80 : i32
    %mul3A_101 = arith.muli %add3A_99, %mul3A_100 : i32
    %dma_wait3A_102 = arith.constant 2 : i32
    %dma_wait3A_103 = arith.constant 0 : i32
    %dma_wait3A_104 = arith.constant 0 : i32
    %dma_wait3A_105 = tpu.memref_slice %arg6[%dma_wait3A_102, %dma_wait3A_103, %dma_wait3A_104] : memref<5x80x128xf32, #tpu.memory_space<vmem>> -> memref<1x80x128xf32, #tpu.memory_space<vmem>>
    %dma_wait3A_106 = tpu.memref_squeeze %dma_wait3A_105 : memref<1x80x128xf32, #tpu.memory_space<vmem>> -> memref<80x128xf32, #tpu.memory_space<vmem>>
    %dma_wait3A_107 = arith.constant 0 : i32
    %dma_wait3A_108 = tpu.memref_slice %arg4[%mul3A_101, %dma_wait3A_107] : memref<64000x128xf32, #tpu.memory_space<hbm>> -> memref<80x128xf32, #tpu.memory_space<hbm>>
    %dma_wait3A_109 = arith.constant 0 : i32
    %dma_wait3A_110 = tpu.memref_slice %arg4[%mul3A_101, %dma_wait3A_109] : memref<64000x128xf32, #tpu.memory_space<hbm>> -> memref<80x128xf32, #tpu.memory_space<hbm>>
    %dma_wait3A_111 = arith.constant 0 : i32
    %dma_wait3A_112 = arith.constant 0 : i32
    %dma_wait3A_113 = tpu.memref_slice %arg6[%dma_wait3A_102, %dma_wait3A_111, %dma_wait3A_112] : memref<5x80x128xf32, #tpu.memory_space<vmem>> -> memref<1x80x128xf32, #tpu.memory_space<vmem>>
    %dma_wait3A_114 = tpu.memref_squeeze %dma_wait3A_113 : memref<1x80x128xf32, #tpu.memory_space<vmem>> -> memref<80x128xf32, #tpu.memory_space<vmem>>
    tpu.wait_dma2 semaphore(%arg14 : memref<!tpu.dma_semaphore, #tpu.memory_space<semaphore_mem>>) src(%dma_wait3A_114 : memref<80x128xf32, #tpu.memory_space<vmem>>) dst(%dma_wait3A_110 : memref<80x128xf32, #tpu.memory_space<hbm>>)
    %add3A_115 = arith.constant 736 : i32
    %add3A_116 = arith.addi %add3A_115, %add3A : i32
    %mul3A_117 = arith.constant 80 : i32
    %mul3A_118 = arith.muli %add3A_116, %mul3A_117 : i32
    %dma_wait3A_119 = arith.constant 3 : i32
    %dma_wait3A_120 = arith.constant 0 : i32
    %dma_wait3A_121 = arith.constant 0 : i32
    %dma_wait3A_122 = tpu.memref_slice %arg6[%dma_wait3A_119, %dma_wait3A_120, %dma_wait3A_121] : memref<5x80x128xf32, #tpu.memory_space<vmem>> -> memref<1x80x128xf32, #tpu.memory_space<vmem>>
    %dma_wait3A_123 = tpu.memref_squeeze %dma_wait3A_122 : memref<1x80x128xf32, #tpu.memory_space<vmem>> -> memref<80x128xf32, #tpu.memory_space<vmem>>
    %dma_wait3A_124 = arith.constant 0 : i32
    %dma_wait3A_125 = tpu.memref_slice %arg4[%mul3A_118, %dma_wait3A_124] : memref<64000x128xf32, #tpu.memory_space<hbm>> -> memref<80x128xf32, #tpu.memory_space<hbm>>
    %dma_wait3A_126 = arith.constant 0 : i32
    %dma_wait3A_127 = tpu.memref_slice %arg4[%mul3A_118, %dma_wait3A_126] : memref<64000x128xf32, #tpu.memory_space<hbm>> -> memref<80x128xf32, #tpu.memory_space<hbm>>
    %dma_wait3A_128 = arith.constant 0 : i32
    %dma_wait3A_129 = arith.constant 0 : i32
    %dma_wait3A_130 = tpu.memref_slice %arg6[%dma_wait3A_119, %dma_wait3A_128, %dma_wait3A_129] : memref<5x80x128xf32, #tpu.memory_space<vmem>> -> memref<1x80x128xf32, #tpu.memory_space<vmem>>
    %dma_wait3A_131 = tpu.memref_squeeze %dma_wait3A_130 : memref<1x80x128xf32, #tpu.memory_space<vmem>> -> memref<80x128xf32, #tpu.memory_space<vmem>>
    tpu.wait_dma2 semaphore(%arg15 : memref<!tpu.dma_semaphore, #tpu.memory_space<semaphore_mem>>) src(%dma_wait3A_131 : memref<80x128xf32, #tpu.memory_space<vmem>>) dst(%dma_wait3A_127 : memref<80x128xf32, #tpu.memory_space<hbm>>)
    %add3A_132 = arith.constant 768 : i32
    %add3A_133 = arith.addi %add3A_132, %add3A : i32
    %mul3A_134 = arith.constant 80 : i32
    %mul3A_135 = arith.muli %add3A_133, %mul3A_134 : i32
    %dma_wait3A_136 = arith.constant 4 : i32
    %dma_wait3A_137 = arith.constant 0 : i32
    %dma_wait3A_138 = arith.constant 0 : i32
    %dma_wait3A_139 = tpu.memref_slice %arg6[%dma_wait3A_136, %dma_wait3A_137, %dma_wait3A_138] : memref<5x80x128xf32, #tpu.memory_space<vmem>> -> memref<1x80x128xf32, #tpu.memory_space<vmem>>
    %dma_wait3A_140 = tpu.memref_squeeze %dma_wait3A_139 : memref<1x80x128xf32, #tpu.memory_space<vmem>> -> memref<80x128xf32, #tpu.memory_space<vmem>>
    %dma_wait3A_141 = arith.constant 0 : i32
    %dma_wait3A_142 = tpu.memref_slice %arg4[%mul3A_135, %dma_wait3A_141] : memref<64000x128xf32, #tpu.memory_space<hbm>> -> memref<80x128xf32, #tpu.memory_space<hbm>>
    %dma_wait3A_143 = arith.constant 0 : i32
    %dma_wait3A_144 = tpu.memref_slice %arg4[%mul3A_135, %dma_wait3A_143] : memref<64000x128xf32, #tpu.memory_space<hbm>> -> memref<80x128xf32, #tpu.memory_space<hbm>>
    %dma_wait3A_145 = arith.constant 0 : i32
    %dma_wait3A_146 = arith.constant 0 : i32
    %dma_wait3A_147 = tpu.memref_slice %arg6[%dma_wait3A_136, %dma_wait3A_145, %dma_wait3A_146] : memref<5x80x128xf32, #tpu.memory_space<vmem>> -> memref<1x80x128xf32, #tpu.memory_space<vmem>>
    %dma_wait3A_148 = tpu.memref_squeeze %dma_wait3A_147 : memref<1x80x128xf32, #tpu.memory_space<vmem>> -> memref<80x128xf32, #tpu.memory_space<vmem>>
    tpu.wait_dma2 semaphore(%arg16 : memref<!tpu.dma_semaphore, #tpu.memory_space<semaphore_mem>>) src(%dma_wait3A_148 : memref<80x128xf32, #tpu.memory_space<vmem>>) dst(%dma_wait3A_144 : memref<80x128xf32, #tpu.memory_space<hbm>>)
    return
  }
}

module attributes {stable_mosaic.version = 14 : i64} {
  func.func @_tc_body(%arg0: i32, %arg1: memref<400x128xf32, #tpu.memory_space<vmem>>, %arg2: memref<32x400x128xf32, #tpu.memory_space<vmem>>, %arg3: memref<128x128xf32, #tpu.memory_space<vmem>>, %arg4: memref<1x128xf32, #tpu.memory_space<vmem>>, %arg5: memref<128x128xf32, #tpu.memory_space<vmem>>, %arg6: memref<1x128xf32, #tpu.memory_space<vmem>>, %arg7: memref<128x128xf32, #tpu.memory_space<vmem>>, %arg8: memref<1x128xf32, #tpu.memory_space<vmem>>, %arg9: memref<128x128xf32, #tpu.memory_space<vmem>>, %arg10: memref<1x128xf32, #tpu.memory_space<vmem>>, %arg11: memref<128x128xf32, #tpu.memory_space<vmem>>, %arg12: memref<1x128xf32, #tpu.memory_space<vmem>>, %arg13: memref<128x128xf32, #tpu.memory_space<vmem>>, %arg14: memref<1x128xf32, #tpu.memory_space<vmem>>, %arg15: memref<128x128xf32, #tpu.memory_space<vmem>>, %arg16: memref<1x128xf32, #tpu.memory_space<vmem>>, %arg17: memref<128x64xf32, #tpu.memory_space<vmem>>, %arg18: memref<1x64xf32, #tpu.memory_space<vmem>>, %arg19: memref<400x64xf32, #tpu.memory_space<vmem>>, %arg20: memref<32x400xf32, #tpu.memory_space<vmem>>) attributes {dimension_semantics = [#tpu.dimension_semantics<arbitrary>], iteration_bounds = array<i64: 5>, scalar_prefetch = 0 : i64, scratch_operands = 1 : i64, tpu.core_type = #tpu.core_type<tc>, window_params = [{transform_indices = @transform_0, window_bounds = array<i64: 400, 128>}, {transform_indices = @transform_1, window_bounds = array<i64: 32, 400, 128>}, {pipeline_mode = #tpu.pipeline_mode<synchronous>, transform_indices = @transform_2, window_bounds = array<i64: 128, 128>}, {pipeline_mode = #tpu.pipeline_mode<synchronous>, transform_indices = @transform_3, window_bounds = array<i64: 1, 128>}, {pipeline_mode = #tpu.pipeline_mode<synchronous>, transform_indices = @transform_4, window_bounds = array<i64: 128, 128>}, {pipeline_mode = #tpu.pipeline_mode<synchronous>, transform_indices = @transform_5, window_bounds = array<i64: 1, 128>}, {pipeline_mode = #tpu.pipeline_mode<synchronous>, transform_indices = @transform_6, window_bounds = array<i64: 128, 128>}, {pipeline_mode = #tpu.pipeline_mode<synchronous>, transform_indices = @transform_7, window_bounds = array<i64: 1, 128>}, {pipeline_mode = #tpu.pipeline_mode<synchronous>, transform_indices = @transform_8, window_bounds = array<i64: 128, 128>}, {pipeline_mode = #tpu.pipeline_mode<synchronous>, transform_indices = @transform_9, window_bounds = array<i64: 1, 128>}, {pipeline_mode = #tpu.pipeline_mode<synchronous>, transform_indices = @transform_10, window_bounds = array<i64: 128, 128>}, {pipeline_mode = #tpu.pipeline_mode<synchronous>, transform_indices = @transform_11, window_bounds = array<i64: 1, 128>}, {pipeline_mode = #tpu.pipeline_mode<synchronous>, transform_indices = @transform_12, window_bounds = array<i64: 128, 128>}, {pipeline_mode = #tpu.pipeline_mode<synchronous>, transform_indices = @transform_13, window_bounds = array<i64: 1, 128>}, {pipeline_mode = #tpu.pipeline_mode<synchronous>, transform_indices = @transform_14, window_bounds = array<i64: 128, 128>}, {pipeline_mode = #tpu.pipeline_mode<synchronous>, transform_indices = @transform_15, window_bounds = array<i64: 1, 128>}, {pipeline_mode = #tpu.pipeline_mode<synchronous>, transform_indices = @transform_16, window_bounds = array<i64: 128, 64>}, {pipeline_mode = #tpu.pipeline_mode<synchronous>, transform_indices = @transform_17, window_bounds = array<i64: 1, 64>}, {transform_indices = @transform_18, window_bounds = array<i64: 400, 64>}]} {
    %get3A = arith.constant 0 : index
    %get3A_0 = arith.constant 0 : index
    %get3A_1 = vector.load %arg1[%get3A, %get3A_0] : memref<400x128xf32, #tpu.memory_space<vmem>>, vector<400x128xf32>
    %get3A_2 = arith.constant 0 : index
    %get3A_3 = arith.constant 0 : index
    %get3A_4 = arith.constant 0 : index
    %get3A_5 = vector.load %arg2[%get3A_2, %get3A_3, %get3A_4] : memref<32x400x128xf32, #tpu.memory_space<vmem>>, vector<32x400x128xf32>
    %reshape3A = vector.shape_cast %get3A_5 : vector<32x400x128xf32> to vector<12800x128xf32>
    %broadcast_in_dim3A = vector.shape_cast %get3A_1 : vector<400x128xf32> to vector<1x400x128xf32>
    %sub3A = vector.broadcast %broadcast_in_dim3A : vector<1x400x128xf32> to vector<32x400x128xf32>
    %sub3A_6 = arith.subf %sub3A, %get3A_5 : vector<32x400x128xf32>
    %mul3A = arith.mulf %sub3A_6, %sub3A_6 : vector<32x400x128xf32>
    %reduce_sum3A = arith.constant dense<0.000000e+00> : vector<32x400xf32>
    %reduce_sum3A_7 = vector.multi_reduction <add>, %mul3A, %reduce_sum3A [2] : vector<32x400x128xf32> to vector<32x400xf32>
    %swap3A = arith.constant 0 : index
    %swap3A_8 = arith.constant 0 : index
    %swap3A_9 = vector.load %arg20[%swap3A, %swap3A_8] : memref<32x400xf32, #tpu.memory_space<vmem>>, vector<32x400xf32>
    tpu.vector_store %arg20[%swap3A, %swap3A_8], %reduce_sum3A_7 {strides = array<i32>} : memref<32x400xf32, #tpu.memory_space<vmem>>, vector<32x400xf32>,
    %get3A_10 = arith.constant 0 : index
    %get3A_11 = arith.constant 0 : index
    %get3A_12 = vector.load %arg20[%get3A_10, %get3A_11] : memref<32x400xf32, #tpu.memory_space<vmem>>, vector<32x400xf32>
    %sqrt3A = math.sqrt %get3A_12 : vector<32x400xf32>
    %mul3A_13 = arith.constant 4.000000e-03 : f32
    %mul3A_14 = vector.broadcast %mul3A_13 : f32 to vector<32x400xf32>
    %mul3A_15 = arith.mulf %sqrt3A, %mul3A_14 : vector<32x400xf32>
    %mul3A_16 = arith.constant -3.000000e-01 : f32
    %mul3A_17 = vector.broadcast %mul3A_16 : f32 to vector<32x400xf32>
    %mul3A_18 = arith.mulf %mul3A_17, %mul3A_15 : vector<32x400xf32>
    %exp3A = math.exp %mul3A_18 : vector<32x400xf32>
    %mul3A_19 = arith.constant 1.44269502 : f32
    %mul3A_20 = vector.broadcast %mul3A_19 : f32 to vector<32x400xf32>
    %mul3A_21 = arith.mulf %exp3A, %mul3A_20 : vector<32x400xf32>
    %broadcast_in_dim3A_22 = vector.shape_cast %mul3A_21 : vector<32x400xf32> to vector<32x400x1xf32>
    %get3A_23 = arith.constant 0 : index
    %get3A_24 = arith.constant 0 : index
    %get3A_25 = vector.load %arg3[%get3A_23, %get3A_24] : memref<128x128xf32, #tpu.memory_space<vmem>>, vector<128x128xf32>
    %dot_general3A = arith.constant dense<0.000000e+00> : vector<12800x128xf32>
    %dot_general3A_26 = tpu.matmul %reshape3A, %get3A_25, %dot_general3A {dimension_numbers = #tpu.dot_dimension_numbers<[1], [0], [0], [1], [0, 0, 1, 1], [], []>, transpose_lhs_hint = false} : vector<12800x128xf32>, vector<128x128xf32>, vector<12800x128xf32> -> vector<12800x128xf32>
    %get3A_27 = arith.constant 0 : index
    %get3A_28 = arith.constant 0 : index
    %get3A_29 = vector.load %arg4[%get3A_27, %get3A_28] : memref<1x128xf32, #tpu.memory_space<vmem>>, vector<1x128xf32>
    %add3A = vector.broadcast %get3A_29 : vector<1x128xf32> to vector<12800x128xf32>
    %add3A_30 = arith.addf %dot_general3A_26, %add3A : vector<12800x128xf32>
    %reshape3A_31 = vector.shape_cast %add3A_30 : vector<12800x128xf32> to vector<32x400x128xf32>
    %mul3A_32 = vector.broadcast %broadcast_in_dim3A_22 : vector<32x400x1xf32> to vector<32x400x128xf32>
    %mul3A_33 = arith.mulf %reshape3A_31, %mul3A_32 : vector<32x400x128xf32>
    %exp23A = math.exp2 %mul3A_33 : vector<32x400x128xf32>
    %reduce_sum3A_34 = arith.constant dense<0.000000e+00> : vector<400x128xf32>
    %reduce_sum3A_35 = vector.multi_reduction <add>, %exp23A, %reduce_sum3A_34 [0] : vector<32x400x128xf32> to vector<400x128xf32>
    %mul3A_36 = arith.mulf %exp23A, %get3A_5 : vector<32x400x128xf32>
    %reduce_sum3A_37 = arith.constant dense<0.000000e+00> : vector<400x128xf32>
    %reduce_sum3A_38 = vector.multi_reduction <add>, %mul3A_36, %reduce_sum3A_37 [0] : vector<32x400x128xf32> to vector<400x128xf32>
    %div3A = arith.divf %reduce_sum3A_38, %reduce_sum3A_35 : vector<400x128xf32>
    %get3A_39 = arith.constant 0 : index
    %get3A_40 = arith.constant 0 : index
    %get3A_41 = vector.load %arg5[%get3A_39, %get3A_40] : memref<128x128xf32, #tpu.memory_space<vmem>>, vector<128x128xf32>
    %dot_general3A_42 = arith.constant dense<0.000000e+00> : vector<400x128xf32>
    %dot_general3A_43 = tpu.matmul %get3A_1, %get3A_41, %dot_general3A_42 {dimension_numbers = #tpu.dot_dimension_numbers<[1], [0], [0], [1], [0, 0, 1, 1], [], []>, transpose_lhs_hint = false} : vector<400x128xf32>, vector<128x128xf32>, vector<400x128xf32> -> vector<400x128xf32>
    %get3A_44 = arith.constant 0 : index
    %get3A_45 = arith.constant 0 : index
    %get3A_46 = vector.load %arg6[%get3A_44, %get3A_45] : memref<1x128xf32, #tpu.memory_space<vmem>>, vector<1x128xf32>
    %add3A_47 = vector.broadcast %get3A_46 : vector<1x128xf32> to vector<400x128xf32>
    %add3A_48 = arith.addf %dot_general3A_43, %add3A_47 : vector<400x128xf32>
    %mul3A_49 = arith.mulf %add3A_48, %get3A_1 : vector<400x128xf32>
    %mul3A_50 = arith.constant 2.000000e-01 : f32
    %mul3A_51 = vector.broadcast %mul3A_50 : f32 to vector<400x128xf32>
    %mul3A_52 = arith.mulf %mul3A_51, %mul3A_49 : vector<400x128xf32>
    %mul3A_53 = arith.constant 8.000000e-01 : f32
    %mul3A_54 = vector.broadcast %mul3A_53 : f32 to vector<400x128xf32>
    %mul3A_55 = arith.mulf %mul3A_54, %div3A : vector<400x128xf32>
    %add3A_56 = arith.addf %mul3A_52, %mul3A_55 : vector<400x128xf32>
    %get3A_57 = arith.constant 0 : index
    %get3A_58 = arith.constant 0 : index
    %get3A_59 = vector.load %arg7[%get3A_57, %get3A_58] : memref<128x128xf32, #tpu.memory_space<vmem>>, vector<128x128xf32>
    %dot_general3A_60 = arith.constant dense<0.000000e+00> : vector<400x128xf32>
    %dot_general3A_61 = tpu.matmul %add3A_56, %get3A_59, %dot_general3A_60 {dimension_numbers = #tpu.dot_dimension_numbers<[1], [0], [0], [1], [0, 0, 1, 1], [], []>, transpose_lhs_hint = false} : vector<400x128xf32>, vector<128x128xf32>, vector<400x128xf32> -> vector<400x128xf32>
    %get3A_62 = arith.constant 0 : index
    %get3A_63 = arith.constant 0 : index
    %get3A_64 = vector.load %arg8[%get3A_62, %get3A_63] : memref<1x128xf32, #tpu.memory_space<vmem>>, vector<1x128xf32>
    %add3A_65 = vector.broadcast %get3A_64 : vector<1x128xf32> to vector<400x128xf32>
    %add3A_66 = arith.addf %dot_general3A_61, %add3A_65 : vector<400x128xf32>
    %mul3A_67 = arith.constant 0.00999999977 : f32
    %mul3A_68 = vector.broadcast %mul3A_67 : f32 to vector<400x128xf32>
    %mul3A_69 = arith.mulf %mul3A_68, %add3A_66 : vector<400x128xf32>
    %max3A = arith.maximumf %add3A_66, %mul3A_69 : vector<400x128xf32>
    %get3A_70 = arith.constant 0 : index
    %get3A_71 = arith.constant 0 : index
    %get3A_72 = vector.load %arg9[%get3A_70, %get3A_71] : memref<128x128xf32, #tpu.memory_space<vmem>>, vector<128x128xf32>
    %dot_general3A_73 = arith.constant dense<0.000000e+00> : vector<400x128xf32>
    %dot_general3A_74 = tpu.matmul %max3A, %get3A_72, %dot_general3A_73 {dimension_numbers = #tpu.dot_dimension_numbers<[1], [0], [0], [1], [0, 0, 1, 1], [], []>, transpose_lhs_hint = false} : vector<400x128xf32>, vector<128x128xf32>, vector<400x128xf32> -> vector<400x128xf32>
    %get3A_75 = arith.constant 0 : index
    %get3A_76 = arith.constant 0 : index
    %get3A_77 = vector.load %arg10[%get3A_75, %get3A_76] : memref<1x128xf32, #tpu.memory_space<vmem>>, vector<1x128xf32>
    %add3A_78 = vector.broadcast %get3A_77 : vector<1x128xf32> to vector<400x128xf32>
    %add3A_79 = arith.addf %dot_general3A_74, %add3A_78 : vector<400x128xf32>
    %max3A_80 = arith.constant 0.000000e+00 : f32
    %max3A_81 = vector.broadcast %max3A_80 : f32 to vector<400x128xf32>
    %max3A_82 = arith.maximumf %add3A_79, %max3A_81 : vector<400x128xf32>
    %get3A_83 = arith.constant 0 : index
    %get3A_84 = arith.constant 0 : index
    %get3A_85 = vector.load %arg11[%get3A_83, %get3A_84] : memref<128x128xf32, #tpu.memory_space<vmem>>, vector<128x128xf32>
    %dot_general3A_86 = arith.constant dense<0.000000e+00> : vector<12800x128xf32>
    %dot_general3A_87 = tpu.matmul %reshape3A, %get3A_85, %dot_general3A_86 {dimension_numbers = #tpu.dot_dimension_numbers<[1], [0], [0], [1], [0, 0, 1, 1], [], []>, transpose_lhs_hint = false} : vector<12800x128xf32>, vector<128x128xf32>, vector<12800x128xf32> -> vector<12800x128xf32>
    %get3A_88 = arith.constant 0 : index
    %get3A_89 = arith.constant 0 : index
    %get3A_90 = vector.load %arg12[%get3A_88, %get3A_89] : memref<1x128xf32, #tpu.memory_space<vmem>>, vector<1x128xf32>
    %add3A_91 = vector.broadcast %get3A_90 : vector<1x128xf32> to vector<12800x128xf32>
    %add3A_92 = arith.addf %dot_general3A_87, %add3A_91 : vector<12800x128xf32>
    %reshape3A_93 = vector.shape_cast %add3A_92 : vector<12800x128xf32> to vector<32x400x128xf32>
    %mul3A_94 = vector.broadcast %broadcast_in_dim3A_22 : vector<32x400x1xf32> to vector<32x400x128xf32>
    %mul3A_95 = arith.mulf %reshape3A_93, %mul3A_94 : vector<32x400x128xf32>
    %exp23A_96 = math.exp2 %mul3A_95 : vector<32x400x128xf32>
    %reduce_sum3A_97 = arith.constant dense<0.000000e+00> : vector<400x128xf32>
    %reduce_sum3A_98 = vector.multi_reduction <add>, %exp23A_96, %reduce_sum3A_97 [0] : vector<32x400x128xf32> to vector<400x128xf32>
    %mul3A_99 = arith.mulf %exp23A_96, %get3A_5 : vector<32x400x128xf32>
    %reduce_sum3A_100 = arith.constant dense<0.000000e+00> : vector<400x128xf32>
    %reduce_sum3A_101 = vector.multi_reduction <add>, %mul3A_99, %reduce_sum3A_100 [0] : vector<32x400x128xf32> to vector<400x128xf32>
    %div3A_102 = arith.divf %reduce_sum3A_101, %reduce_sum3A_98 : vector<400x128xf32>
    %get3A_103 = arith.constant 0 : index
    %get3A_104 = arith.constant 0 : index
    %get3A_105 = vector.load %arg13[%get3A_103, %get3A_104] : memref<128x128xf32, #tpu.memory_space<vmem>>, vector<128x128xf32>
    %dot_general3A_106 = arith.constant dense<0.000000e+00> : vector<400x128xf32>
    %dot_general3A_107 = tpu.matmul %max3A_82, %get3A_105, %dot_general3A_106 {dimension_numbers = #tpu.dot_dimension_numbers<[1], [0], [0], [1], [0, 0, 1, 1], [], []>, transpose_lhs_hint = false} : vector<400x128xf32>, vector<128x128xf32>, vector<400x128xf32> -> vector<400x128xf32>
    %get3A_108 = arith.constant 0 : index
    %get3A_109 = arith.constant 0 : index
    %get3A_110 = vector.load %arg14[%get3A_108, %get3A_109] : memref<1x128xf32, #tpu.memory_space<vmem>>, vector<1x128xf32>
    %add3A_111 = vector.broadcast %get3A_110 : vector<1x128xf32> to vector<400x128xf32>
    %add3A_112 = arith.addf %dot_general3A_107, %add3A_111 : vector<400x128xf32>
    %mul3A_113 = arith.mulf %add3A_112, %max3A_82 : vector<400x128xf32>
    %mul3A_114 = arith.constant 2.000000e-01 : f32
    %mul3A_115 = vector.broadcast %mul3A_114 : f32 to vector<400x128xf32>
    %mul3A_116 = arith.mulf %mul3A_115, %mul3A_113 : vector<400x128xf32>
    %mul3A_117 = arith.constant 8.000000e-01 : f32
    %mul3A_118 = vector.broadcast %mul3A_117 : f32 to vector<400x128xf32>
    %mul3A_119 = arith.mulf %mul3A_118, %div3A_102 : vector<400x128xf32>
    %add3A_120 = arith.addf %mul3A_116, %mul3A_119 : vector<400x128xf32>
    %get3A_121 = arith.constant 0 : index
    %get3A_122 = arith.constant 0 : index
    %get3A_123 = vector.load %arg15[%get3A_121, %get3A_122] : memref<128x128xf32, #tpu.memory_space<vmem>>, vector<128x128xf32>
    %dot_general3A_124 = arith.constant dense<0.000000e+00> : vector<400x128xf32>
    %dot_general3A_125 = tpu.matmul %add3A_120, %get3A_123, %dot_general3A_124 {dimension_numbers = #tpu.dot_dimension_numbers<[1], [0], [0], [1], [0, 0, 1, 1], [], []>, transpose_lhs_hint = false} : vector<400x128xf32>, vector<128x128xf32>, vector<400x128xf32> -> vector<400x128xf32>
    %get3A_126 = arith.constant 0 : index
    %get3A_127 = arith.constant 0 : index
    %get3A_128 = vector.load %arg16[%get3A_126, %get3A_127] : memref<1x128xf32, #tpu.memory_space<vmem>>, vector<1x128xf32>
    %add3A_129 = vector.broadcast %get3A_128 : vector<1x128xf32> to vector<400x128xf32>
    %add3A_130 = arith.addf %dot_general3A_125, %add3A_129 : vector<400x128xf32>
    %mul3A_131 = arith.constant 0.00999999977 : f32
    %mul3A_132 = vector.broadcast %mul3A_131 : f32 to vector<400x128xf32>
    %mul3A_133 = arith.mulf %mul3A_132, %add3A_130 : vector<400x128xf32>
    %max3A_134 = arith.maximumf %add3A_130, %mul3A_133 : vector<400x128xf32>
    %get3A_135 = arith.constant 0 : index
    %get3A_136 = arith.constant 0 : index
    %get3A_137 = vector.load %arg17[%get3A_135, %get3A_136] : memref<128x64xf32, #tpu.memory_space<vmem>>, vector<128x64xf32>
    %dot_general3A_138 = arith.constant dense<0.000000e+00> : vector<400x64xf32>
    %dot_general3A_139 = tpu.matmul %max3A_134, %get3A_137, %dot_general3A_138 {dimension_numbers = #tpu.dot_dimension_numbers<[1], [0], [0], [1], [0, 0, 1, 1], [], []>, transpose_lhs_hint = false} : vector<400x128xf32>, vector<128x64xf32>, vector<400x64xf32> -> vector<400x64xf32>
    %get3A_140 = arith.constant 0 : index
    %get3A_141 = arith.constant 0 : index
    %get3A_142 = vector.load %arg18[%get3A_140, %get3A_141] : memref<1x64xf32, #tpu.memory_space<vmem>>, vector<1x64xf32>
    %add3A_143 = vector.broadcast %get3A_142 : vector<1x64xf32> to vector<400x64xf32>
    %add3A_144 = arith.addf %dot_general3A_139, %add3A_143 : vector<400x64xf32>
    %max3A_145 = arith.constant 0.000000e+00 : f32
    %max3A_146 = vector.broadcast %max3A_145 : f32 to vector<400x64xf32>
    %max3A_147 = arith.maximumf %add3A_144, %max3A_146 : vector<400x64xf32>
    %swap3A_148 = arith.constant 0 : index
    %swap3A_149 = arith.constant 0 : index
    %swap3A_150 = vector.load %arg19[%swap3A_148, %swap3A_149] : memref<400x64xf32, #tpu.memory_space<vmem>>, vector<400x64xf32>
    tpu.vector_store %arg19[%swap3A_148, %swap3A_149], %max3A_147 {strides = array<i32>} : memref<400x64xf32, #tpu.memory_space<vmem>>, vector<400x64xf32>,
    return
  }
  func.func @transform_0(%arg0: i32) -> (i32, i32) {
    %add3A = arith.constant 20 : i32
    %add3A_0 = arith.addi %arg0, %add3A : i32
    %c0_i32 = arith.constant 0 : i32
    %c0_i32_1 = arith.constant 0 : i32
    return %add3A_0, %c0_i32 : i32, i32
  }
  func.func @transform_1(%arg0: i32) -> (i32, i32, i32) {
    %c0_i32 = arith.constant 0 : i32
    %c0_i32_0 = arith.constant 0 : i32
    %c0_i32_1 = arith.constant 0 : i32
    return %c0_i32, %arg0, %c0_i32_0 : i32, i32, i32
  }
  func.func @transform_2(%arg0: i32) -> (i32, i32) {
    %c0_i32 = arith.constant 0 : i32
    %c0_i32_0 = arith.constant 0 : i32
    %c0_i32_1 = arith.constant 0 : i32
    return %c0_i32, %c0_i32_0 : i32, i32
  }
  func.func @transform_3(%arg0: i32) -> (i32, i32) {
    %c0_i32 = arith.constant 0 : i32
    %c0_i32_0 = arith.constant 0 : i32
    %c0_i32_1 = arith.constant 0 : i32
    return %c0_i32, %c0_i32_0 : i32, i32
  }
  func.func @transform_4(%arg0: i32) -> (i32, i32) {
    %c0_i32 = arith.constant 0 : i32
    %c0_i32_0 = arith.constant 0 : i32
    %c0_i32_1 = arith.constant 0 : i32
    return %c0_i32, %c0_i32_0 : i32, i32
  }
  func.func @transform_5(%arg0: i32) -> (i32, i32) {
    %c0_i32 = arith.constant 0 : i32
    %c0_i32_0 = arith.constant 0 : i32
    %c0_i32_1 = arith.constant 0 : i32
    return %c0_i32, %c0_i32_0 : i32, i32
  }
  func.func @transform_6(%arg0: i32) -> (i32, i32) {
    %c0_i32 = arith.constant 0 : i32
    %c0_i32_0 = arith.constant 0 : i32
    %c0_i32_1 = arith.constant 0 : i32
    return %c0_i32, %c0_i32_0 : i32, i32
  }
  func.func @transform_7(%arg0: i32) -> (i32, i32) {
    %c0_i32 = arith.constant 0 : i32
    %c0_i32_0 = arith.constant 0 : i32
    %c0_i32_1 = arith.constant 0 : i32
    return %c0_i32, %c0_i32_0 : i32, i32
  }
  func.func @transform_8(%arg0: i32) -> (i32, i32) {
    %c0_i32 = arith.constant 0 : i32
    %c0_i32_0 = arith.constant 0 : i32
    %c0_i32_1 = arith.constant 0 : i32
    return %c0_i32, %c0_i32_0 : i32, i32
  }
  func.func @transform_9(%arg0: i32) -> (i32, i32) {
    %c0_i32 = arith.constant 0 : i32
    %c0_i32_0 = arith.constant 0 : i32
    %c0_i32_1 = arith.constant 0 : i32
    return %c0_i32, %c0_i32_0 : i32, i32
  }
  func.func @transform_10(%arg0: i32) -> (i32, i32) {
    %c0_i32 = arith.constant 0 : i32
    %c0_i32_0 = arith.constant 0 : i32
    %c0_i32_1 = arith.constant 0 : i32
    return %c0_i32, %c0_i32_0 : i32, i32
  }
  func.func @transform_11(%arg0: i32) -> (i32, i32) {
    %c0_i32 = arith.constant 0 : i32
    %c0_i32_0 = arith.constant 0 : i32
    %c0_i32_1 = arith.constant 0 : i32
    return %c0_i32, %c0_i32_0 : i32, i32
  }
  func.func @transform_12(%arg0: i32) -> (i32, i32) {
    %c0_i32 = arith.constant 0 : i32
    %c0_i32_0 = arith.constant 0 : i32
    %c0_i32_1 = arith.constant 0 : i32
    return %c0_i32, %c0_i32_0 : i32, i32
  }
  func.func @transform_13(%arg0: i32) -> (i32, i32) {
    %c0_i32 = arith.constant 0 : i32
    %c0_i32_0 = arith.constant 0 : i32
    %c0_i32_1 = arith.constant 0 : i32
    return %c0_i32, %c0_i32_0 : i32, i32
  }
  func.func @transform_14(%arg0: i32) -> (i32, i32) {
    %c0_i32 = arith.constant 0 : i32
    %c0_i32_0 = arith.constant 0 : i32
    %c0_i32_1 = arith.constant 0 : i32
    return %c0_i32, %c0_i32_0 : i32, i32
  }
  func.func @transform_15(%arg0: i32) -> (i32, i32) {
    %c0_i32 = arith.constant 0 : i32
    %c0_i32_0 = arith.constant 0 : i32
    %c0_i32_1 = arith.constant 0 : i32
    return %c0_i32, %c0_i32_0 : i32, i32
  }
  func.func @transform_16(%arg0: i32) -> (i32, i32) {
    %c0_i32 = arith.constant 0 : i32
    %c0_i32_0 = arith.constant 0 : i32
    %c0_i32_1 = arith.constant 0 : i32
    return %c0_i32, %c0_i32_0 : i32, i32
  }
  func.func @transform_17(%arg0: i32) -> (i32, i32) {
    %c0_i32 = arith.constant 0 : i32
    %c0_i32_0 = arith.constant 0 : i32
    %c0_i32_1 = arith.constant 0 : i32
    return %c0_i32, %c0_i32_0 : i32, i32
  }
  func.func @transform_18(%arg0: i32) -> (i32, i32) {
    %c0_i32 = arith.constant 0 : i32
    %c0_i32_0 = arith.constant 0 : i32
    return %arg0, %c0_i32 : i32, i32
  }
}

module attributes {stable_mosaic.version = 14 : i64} {
  func.func @_tc_body(%arg0: i32, %arg1: memref<400x128xf32, #tpu.memory_space<vmem>>, %arg2: memref<32x400x128xf32, #tpu.memory_space<vmem>>, %arg3: memref<128x128xf32, #tpu.memory_space<vmem>>, %arg4: memref<1x128xf32, #tpu.memory_space<vmem>>, %arg5: memref<128x128xf32, #tpu.memory_space<vmem>>, %arg6: memref<1x128xf32, #tpu.memory_space<vmem>>, %arg7: memref<128x128xf32, #tpu.memory_space<vmem>>, %arg8: memref<1x128xf32, #tpu.memory_space<vmem>>, %arg9: memref<128x128xf32, #tpu.memory_space<vmem>>, %arg10: memref<1x128xf32, #tpu.memory_space<vmem>>, %arg11: memref<128x128xf32, #tpu.memory_space<vmem>>, %arg12: memref<1x128xf32, #tpu.memory_space<vmem>>, %arg13: memref<128x128xf32, #tpu.memory_space<vmem>>, %arg14: memref<1x128xf32, #tpu.memory_space<vmem>>, %arg15: memref<128x128xf32, #tpu.memory_space<vmem>>, %arg16: memref<1x128xf32, #tpu.memory_space<vmem>>, %arg17: memref<128x64xf32, #tpu.memory_space<vmem>>, %arg18: memref<1x64xf32, #tpu.memory_space<vmem>>, %arg19: memref<400x64xf32, #tpu.memory_space<vmem>>, %arg20: memref<32x400xf32, #tpu.memory_space<vmem>>) attributes {dimension_semantics = [#tpu.dimension_semantics<arbitrary>], iteration_bounds = array<i64: 5>, scalar_prefetch = 0 : i64, scratch_operands = 1 : i64, tpu.core_type = #tpu.core_type<tc>, window_params = [{transform_indices = @transform_0, window_bounds = array<i64: 400, 128>}, {transform_indices = @transform_1, window_bounds = array<i64: 32, 400, 128>}, {pipeline_mode = #tpu.pipeline_mode<synchronous>, transform_indices = @transform_2, window_bounds = array<i64: 128, 128>}, {pipeline_mode = #tpu.pipeline_mode<synchronous>, transform_indices = @transform_3, window_bounds = array<i64: 1, 128>}, {pipeline_mode = #tpu.pipeline_mode<synchronous>, transform_indices = @transform_4, window_bounds = array<i64: 128, 128>}, {pipeline_mode = #tpu.pipeline_mode<synchronous>, transform_indices = @transform_5, window_bounds = array<i64: 1, 128>}, {pipeline_mode = #tpu.pipeline_mode<synchronous>, transform_indices = @transform_6, window_bounds = array<i64: 128, 128>}, {pipeline_mode = #tpu.pipeline_mode<synchronous>, transform_indices = @transform_7, window_bounds = array<i64: 1, 128>}, {pipeline_mode = #tpu.pipeline_mode<synchronous>, transform_indices = @transform_8, window_bounds = array<i64: 128, 128>}, {pipeline_mode = #tpu.pipeline_mode<synchronous>, transform_indices = @transform_9, window_bounds = array<i64: 1, 128>}, {pipeline_mode = #tpu.pipeline_mode<synchronous>, transform_indices = @transform_10, window_bounds = array<i64: 128, 128>}, {pipeline_mode = #tpu.pipeline_mode<synchronous>, transform_indices = @transform_11, window_bounds = array<i64: 1, 128>}, {pipeline_mode = #tpu.pipeline_mode<synchronous>, transform_indices = @transform_12, window_bounds = array<i64: 128, 128>}, {pipeline_mode = #tpu.pipeline_mode<synchronous>, transform_indices = @transform_13, window_bounds = array<i64: 1, 128>}, {pipeline_mode = #tpu.pipeline_mode<synchronous>, transform_indices = @transform_14, window_bounds = array<i64: 128, 128>}, {pipeline_mode = #tpu.pipeline_mode<synchronous>, transform_indices = @transform_15, window_bounds = array<i64: 1, 128>}, {pipeline_mode = #tpu.pipeline_mode<synchronous>, transform_indices = @transform_16, window_bounds = array<i64: 128, 64>}, {pipeline_mode = #tpu.pipeline_mode<synchronous>, transform_indices = @transform_17, window_bounds = array<i64: 1, 64>}, {transform_indices = @transform_18, window_bounds = array<i64: 400, 64>}]} {
    %get3A = arith.constant 0 : index
    %get3A_0 = arith.constant 0 : index
    %get3A_1 = vector.load %arg1[%get3A, %get3A_0] : memref<400x128xf32, #tpu.memory_space<vmem>>, vector<400x128xf32>
    %get3A_2 = arith.constant 0 : index
    %get3A_3 = arith.constant 0 : index
    %get3A_4 = arith.constant 0 : index
    %get3A_5 = vector.load %arg2[%get3A_2, %get3A_3, %get3A_4] : memref<32x400x128xf32, #tpu.memory_space<vmem>>, vector<32x400x128xf32>
    %reshape3A = vector.shape_cast %get3A_5 : vector<32x400x128xf32> to vector<12800x128xf32>
    %broadcast_in_dim3A = vector.shape_cast %get3A_1 : vector<400x128xf32> to vector<1x400x128xf32>
    %sub3A = vector.broadcast %broadcast_in_dim3A : vector<1x400x128xf32> to vector<32x400x128xf32>
    %sub3A_6 = arith.subf %sub3A, %get3A_5 : vector<32x400x128xf32>
    %mul3A = arith.mulf %sub3A_6, %sub3A_6 : vector<32x400x128xf32>
    %reduce_sum3A = arith.constant dense<0.000000e+00> : vector<32x400xf32>
    %reduce_sum3A_7 = vector.multi_reduction <add>, %mul3A, %reduce_sum3A [2] : vector<32x400x128xf32> to vector<32x400xf32>
    %swap3A = arith.constant 0 : index
    %swap3A_8 = arith.constant 0 : index
    %swap3A_9 = vector.load %arg20[%swap3A, %swap3A_8] : memref<32x400xf32, #tpu.memory_space<vmem>>, vector<32x400xf32>
    tpu.vector_store %arg20[%swap3A, %swap3A_8], %reduce_sum3A_7 {strides = array<i32>} : memref<32x400xf32, #tpu.memory_space<vmem>>, vector<32x400xf32>,
    %get3A_10 = arith.constant 0 : index
    %get3A_11 = arith.constant 0 : index
    %get3A_12 = vector.load %arg20[%get3A_10, %get3A_11] : memref<32x400xf32, #tpu.memory_space<vmem>>, vector<32x400xf32>
    %sqrt3A = math.sqrt %get3A_12 : vector<32x400xf32>
    %mul3A_13 = arith.constant 4.000000e-03 : f32
    %mul3A_14 = vector.broadcast %mul3A_13 : f32 to vector<32x400xf32>
    %mul3A_15 = arith.mulf %sqrt3A, %mul3A_14 : vector<32x400xf32>
    %mul3A_16 = arith.constant -3.000000e-01 : f32
    %mul3A_17 = vector.broadcast %mul3A_16 : f32 to vector<32x400xf32>
    %mul3A_18 = arith.mulf %mul3A_17, %mul3A_15 : vector<32x400xf32>
    %exp3A = math.exp %mul3A_18 : vector<32x400xf32>
    %mul3A_19 = arith.constant 1.44269502 : f32
    %mul3A_20 = vector.broadcast %mul3A_19 : f32 to vector<32x400xf32>
    %mul3A_21 = arith.mulf %exp3A, %mul3A_20 : vector<32x400xf32>
    %broadcast_in_dim3A_22 = vector.shape_cast %mul3A_21 : vector<32x400xf32> to vector<32x400x1xf32>
    %get3A_23 = arith.constant 0 : index
    %get3A_24 = arith.constant 0 : index
    %get3A_25 = vector.load %arg3[%get3A_23, %get3A_24] : memref<128x128xf32, #tpu.memory_space<vmem>>, vector<128x128xf32>
    %dot_general3A = arith.constant dense<0.000000e+00> : vector<12800x128xf32>
    %dot_general3A_26 = tpu.matmul %reshape3A, %get3A_25, %dot_general3A {dimension_numbers = #tpu.dot_dimension_numbers<[1], [0], [0], [1], [0, 0, 1, 1], [], []>, transpose_lhs_hint = false} : vector<12800x128xf32>, vector<128x128xf32>, vector<12800x128xf32> -> vector<12800x128xf32>
    %get3A_27 = arith.constant 0 : index
    %get3A_28 = arith.constant 0 : index
    %get3A_29 = vector.load %arg4[%get3A_27, %get3A_28] : memref<1x128xf32, #tpu.memory_space<vmem>>, vector<1x128xf32>
    %add3A = vector.broadcast %get3A_29 : vector<1x128xf32> to vector<12800x128xf32>
    %add3A_30 = arith.addf %dot_general3A_26, %add3A : vector<12800x128xf32>
    %reshape3A_31 = vector.shape_cast %add3A_30 : vector<12800x128xf32> to vector<32x400x128xf32>
    %mul3A_32 = vector.broadcast %broadcast_in_dim3A_22 : vector<32x400x1xf32> to vector<32x400x128xf32>
    %mul3A_33 = arith.mulf %reshape3A_31, %mul3A_32 : vector<32x400x128xf32>
    %exp23A = math.exp2 %mul3A_33 : vector<32x400x128xf32>
    %reduce_sum3A_34 = arith.constant dense<0.000000e+00> : vector<400x128xf32>
    %reduce_sum3A_35 = vector.multi_reduction <add>, %exp23A, %reduce_sum3A_34 [0] : vector<32x400x128xf32> to vector<400x128xf32>
    %mul3A_36 = arith.mulf %exp23A, %get3A_5 : vector<32x400x128xf32>
    %reduce_sum3A_37 = arith.constant dense<0.000000e+00> : vector<400x128xf32>
    %reduce_sum3A_38 = vector.multi_reduction <add>, %mul3A_36, %reduce_sum3A_37 [0] : vector<32x400x128xf32> to vector<400x128xf32>
    %div3A = arith.divf %reduce_sum3A_38, %reduce_sum3A_35 : vector<400x128xf32>
    %get3A_39 = arith.constant 0 : index
    %get3A_40 = arith.constant 0 : index
    %get3A_41 = vector.load %arg5[%get3A_39, %get3A_40] : memref<128x128xf32, #tpu.memory_space<vmem>>, vector<128x128xf32>
    %dot_general3A_42 = arith.constant dense<0.000000e+00> : vector<400x128xf32>
    %dot_general3A_43 = tpu.matmul %get3A_1, %get3A_41, %dot_general3A_42 {dimension_numbers = #tpu.dot_dimension_numbers<[1], [0], [0], [1], [0, 0, 1, 1], [], []>, transpose_lhs_hint = false} : vector<400x128xf32>, vector<128x128xf32>, vector<400x128xf32> -> vector<400x128xf32>
    %get3A_44 = arith.constant 0 : index
    %get3A_45 = arith.constant 0 : index
    %get3A_46 = vector.load %arg6[%get3A_44, %get3A_45] : memref<1x128xf32, #tpu.memory_space<vmem>>, vector<1x128xf32>
    %add3A_47 = vector.broadcast %get3A_46 : vector<1x128xf32> to vector<400x128xf32>
    %add3A_48 = arith.addf %dot_general3A_43, %add3A_47 : vector<400x128xf32>
    %mul3A_49 = arith.mulf %add3A_48, %get3A_1 : vector<400x128xf32>
    %mul3A_50 = arith.constant 2.000000e-01 : f32
    %mul3A_51 = vector.broadcast %mul3A_50 : f32 to vector<400x128xf32>
    %mul3A_52 = arith.mulf %mul3A_51, %mul3A_49 : vector<400x128xf32>
    %mul3A_53 = arith.constant 8.000000e-01 : f32
    %mul3A_54 = vector.broadcast %mul3A_53 : f32 to vector<400x128xf32>
    %mul3A_55 = arith.mulf %mul3A_54, %div3A : vector<400x128xf32>
    %add3A_56 = arith.addf %mul3A_52, %mul3A_55 : vector<400x128xf32>
    %get3A_57 = arith.constant 0 : index
    %get3A_58 = arith.constant 0 : index
    %get3A_59 = vector.load %arg7[%get3A_57, %get3A_58] : memref<128x128xf32, #tpu.memory_space<vmem>>, vector<128x128xf32>
    %dot_general3A_60 = arith.constant dense<0.000000e+00> : vector<400x128xf32>
    %dot_general3A_61 = tpu.matmul %add3A_56, %get3A_59, %dot_general3A_60 {dimension_numbers = #tpu.dot_dimension_numbers<[1], [0], [0], [1], [0, 0, 1, 1], [], []>, transpose_lhs_hint = false} : vector<400x128xf32>, vector<128x128xf32>, vector<400x128xf32> -> vector<400x128xf32>
    %get3A_62 = arith.constant 0 : index
    %get3A_63 = arith.constant 0 : index
    %get3A_64 = vector.load %arg8[%get3A_62, %get3A_63] : memref<1x128xf32, #tpu.memory_space<vmem>>, vector<1x128xf32>
    %add3A_65 = vector.broadcast %get3A_64 : vector<1x128xf32> to vector<400x128xf32>
    %add3A_66 = arith.addf %dot_general3A_61, %add3A_65 : vector<400x128xf32>
    %mul3A_67 = arith.constant 0.00999999977 : f32
    %mul3A_68 = vector.broadcast %mul3A_67 : f32 to vector<400x128xf32>
    %mul3A_69 = arith.mulf %mul3A_68, %add3A_66 : vector<400x128xf32>
    %max3A = arith.maximumf %add3A_66, %mul3A_69 : vector<400x128xf32>
    %get3A_70 = arith.constant 0 : index
    %get3A_71 = arith.constant 0 : index
    %get3A_72 = vector.load %arg9[%get3A_70, %get3A_71] : memref<128x128xf32, #tpu.memory_space<vmem>>, vector<128x128xf32>
    %dot_general3A_73 = arith.constant dense<0.000000e+00> : vector<400x128xf32>
    %dot_general3A_74 = tpu.matmul %max3A, %get3A_72, %dot_general3A_73 {dimension_numbers = #tpu.dot_dimension_numbers<[1], [0], [0], [1], [0, 0, 1, 1], [], []>, transpose_lhs_hint = false} : vector<400x128xf32>, vector<128x128xf32>, vector<400x128xf32> -> vector<400x128xf32>
    %get3A_75 = arith.constant 0 : index
    %get3A_76 = arith.constant 0 : index
    %get3A_77 = vector.load %arg10[%get3A_75, %get3A_76] : memref<1x128xf32, #tpu.memory_space<vmem>>, vector<1x128xf32>
    %add3A_78 = vector.broadcast %get3A_77 : vector<1x128xf32> to vector<400x128xf32>
    %add3A_79 = arith.addf %dot_general3A_74, %add3A_78 : vector<400x128xf32>
    %max3A_80 = arith.constant 0.000000e+00 : f32
    %max3A_81 = vector.broadcast %max3A_80 : f32 to vector<400x128xf32>
    %max3A_82 = arith.maximumf %add3A_79, %max3A_81 : vector<400x128xf32>
    %get3A_83 = arith.constant 0 : index
    %get3A_84 = arith.constant 0 : index
    %get3A_85 = vector.load %arg11[%get3A_83, %get3A_84] : memref<128x128xf32, #tpu.memory_space<vmem>>, vector<128x128xf32>
    %dot_general3A_86 = arith.constant dense<0.000000e+00> : vector<12800x128xf32>
    %dot_general3A_87 = tpu.matmul %reshape3A, %get3A_85, %dot_general3A_86 {dimension_numbers = #tpu.dot_dimension_numbers<[1], [0], [0], [1], [0, 0, 1, 1], [], []>, transpose_lhs_hint = false} : vector<12800x128xf32>, vector<128x128xf32>, vector<12800x128xf32> -> vector<12800x128xf32>
    %get3A_88 = arith.constant 0 : index
    %get3A_89 = arith.constant 0 : index
    %get3A_90 = vector.load %arg12[%get3A_88, %get3A_89] : memref<1x128xf32, #tpu.memory_space<vmem>>, vector<1x128xf32>
    %add3A_91 = vector.broadcast %get3A_90 : vector<1x128xf32> to vector<12800x128xf32>
    %add3A_92 = arith.addf %dot_general3A_87, %add3A_91 : vector<12800x128xf32>
    %reshape3A_93 = vector.shape_cast %add3A_92 : vector<12800x128xf32> to vector<32x400x128xf32>
    %mul3A_94 = vector.broadcast %broadcast_in_dim3A_22 : vector<32x400x1xf32> to vector<32x400x128xf32>
    %mul3A_95 = arith.mulf %reshape3A_93, %mul3A_94 : vector<32x400x128xf32>
    %exp23A_96 = math.exp2 %mul3A_95 : vector<32x400x128xf32>
    %reduce_sum3A_97 = arith.constant dense<0.000000e+00> : vector<400x128xf32>
    %reduce_sum3A_98 = vector.multi_reduction <add>, %exp23A_96, %reduce_sum3A_97 [0] : vector<32x400x128xf32> to vector<400x128xf32>
    %mul3A_99 = arith.mulf %exp23A_96, %get3A_5 : vector<32x400x128xf32>
    %reduce_sum3A_100 = arith.constant dense<0.000000e+00> : vector<400x128xf32>
    %reduce_sum3A_101 = vector.multi_reduction <add>, %mul3A_99, %reduce_sum3A_100 [0] : vector<32x400x128xf32> to vector<400x128xf32>
    %div3A_102 = arith.divf %reduce_sum3A_101, %reduce_sum3A_98 : vector<400x128xf32>
    %get3A_103 = arith.constant 0 : index
    %get3A_104 = arith.constant 0 : index
    %get3A_105 = vector.load %arg13[%get3A_103, %get3A_104] : memref<128x128xf32, #tpu.memory_space<vmem>>, vector<128x128xf32>
    %dot_general3A_106 = arith.constant dense<0.000000e+00> : vector<400x128xf32>
    %dot_general3A_107 = tpu.matmul %max3A_82, %get3A_105, %dot_general3A_106 {dimension_numbers = #tpu.dot_dimension_numbers<[1], [0], [0], [1], [0, 0, 1, 1], [], []>, transpose_lhs_hint = false} : vector<400x128xf32>, vector<128x128xf32>, vector<400x128xf32> -> vector<400x128xf32>
    %get3A_108 = arith.constant 0 : index
    %get3A_109 = arith.constant 0 : index
    %get3A_110 = vector.load %arg14[%get3A_108, %get3A_109] : memref<1x128xf32, #tpu.memory_space<vmem>>, vector<1x128xf32>
    %add3A_111 = vector.broadcast %get3A_110 : vector<1x128xf32> to vector<400x128xf32>
    %add3A_112 = arith.addf %dot_general3A_107, %add3A_111 : vector<400x128xf32>
    %mul3A_113 = arith.mulf %add3A_112, %max3A_82 : vector<400x128xf32>
    %mul3A_114 = arith.constant 2.000000e-01 : f32
    %mul3A_115 = vector.broadcast %mul3A_114 : f32 to vector<400x128xf32>
    %mul3A_116 = arith.mulf %mul3A_115, %mul3A_113 : vector<400x128xf32>
    %mul3A_117 = arith.constant 8.000000e-01 : f32
    %mul3A_118 = vector.broadcast %mul3A_117 : f32 to vector<400x128xf32>
    %mul3A_119 = arith.mulf %mul3A_118, %div3A_102 : vector<400x128xf32>
    %add3A_120 = arith.addf %mul3A_116, %mul3A_119 : vector<400x128xf32>
    %get3A_121 = arith.constant 0 : index
    %get3A_122 = arith.constant 0 : index
    %get3A_123 = vector.load %arg15[%get3A_121, %get3A_122] : memref<128x128xf32, #tpu.memory_space<vmem>>, vector<128x128xf32>
    %dot_general3A_124 = arith.constant dense<0.000000e+00> : vector<400x128xf32>
    %dot_general3A_125 = tpu.matmul %add3A_120, %get3A_123, %dot_general3A_124 {dimension_numbers = #tpu.dot_dimension_numbers<[1], [0], [0], [1], [0, 0, 1, 1], [], []>, transpose_lhs_hint = false} : vector<400x128xf32>, vector<128x128xf32>, vector<400x128xf32> -> vector<400x128xf32>
    %get3A_126 = arith.constant 0 : index
    %get3A_127 = arith.constant 0 : index
    %get3A_128 = vector.load %arg16[%get3A_126, %get3A_127] : memref<1x128xf32, #tpu.memory_space<vmem>>, vector<1x128xf32>
    %add3A_129 = vector.broadcast %get3A_128 : vector<1x128xf32> to vector<400x128xf32>
    %add3A_130 = arith.addf %dot_general3A_125, %add3A_129 : vector<400x128xf32>
    %mul3A_131 = arith.constant 0.00999999977 : f32
    %mul3A_132 = vector.broadcast %mul3A_131 : f32 to vector<400x128xf32>
    %mul3A_133 = arith.mulf %mul3A_132, %add3A_130 : vector<400x128xf32>
    %max3A_134 = arith.maximumf %add3A_130, %mul3A_133 : vector<400x128xf32>
    %get3A_135 = arith.constant 0 : index
    %get3A_136 = arith.constant 0 : index
    %get3A_137 = vector.load %arg17[%get3A_135, %get3A_136] : memref<128x64xf32, #tpu.memory_space<vmem>>, vector<128x64xf32>
    %dot_general3A_138 = arith.constant dense<0.000000e+00> : vector<400x64xf32>
    %dot_general3A_139 = tpu.matmul %max3A_134, %get3A_137, %dot_general3A_138 {dimension_numbers = #tpu.dot_dimension_numbers<[1], [0], [0], [1], [0, 0, 1, 1], [], []>, transpose_lhs_hint = false} : vector<400x128xf32>, vector<128x64xf32>, vector<400x64xf32> -> vector<400x64xf32>
    %get3A_140 = arith.constant 0 : index
    %get3A_141 = arith.constant 0 : index
    %get3A_142 = vector.load %arg18[%get3A_140, %get3A_141] : memref<1x64xf32, #tpu.memory_space<vmem>>, vector<1x64xf32>
    %add3A_143 = vector.broadcast %get3A_142 : vector<1x64xf32> to vector<400x64xf32>
    %add3A_144 = arith.addf %dot_general3A_139, %add3A_143 : vector<400x64xf32>
    %max3A_145 = arith.constant 0.000000e+00 : f32
    %max3A_146 = vector.broadcast %max3A_145 : f32 to vector<400x64xf32>
    %max3A_147 = arith.maximumf %add3A_144, %max3A_146 : vector<400x64xf32>
    %swap3A_148 = arith.constant 0 : index
    %swap3A_149 = arith.constant 0 : index
    %swap3A_150 = vector.load %arg19[%swap3A_148, %swap3A_149] : memref<400x64xf32, #tpu.memory_space<vmem>>, vector<400x64xf32>
    tpu.vector_store %arg19[%swap3A_148, %swap3A_149], %max3A_147 {strides = array<i32>} : memref<400x64xf32, #tpu.memory_space<vmem>>, vector<400x64xf32>,
    return
  }
  func.func @transform_0(%arg0: i32) -> (i32, i32) {
    %add3A = arith.constant 15 : i32
    %add3A_0 = arith.addi %arg0, %add3A : i32
    %c0_i32 = arith.constant 0 : i32
    %c0_i32_1 = arith.constant 0 : i32
    return %add3A_0, %c0_i32 : i32, i32
  }
  func.func @transform_1(%arg0: i32) -> (i32, i32, i32) {
    %c0_i32 = arith.constant 0 : i32
    %c0_i32_0 = arith.constant 0 : i32
    %c0_i32_1 = arith.constant 0 : i32
    return %c0_i32, %arg0, %c0_i32_0 : i32, i32, i32
  }
  func.func @transform_2(%arg0: i32) -> (i32, i32) {
    %c0_i32 = arith.constant 0 : i32
    %c0_i32_0 = arith.constant 0 : i32
    %c0_i32_1 = arith.constant 0 : i32
    return %c0_i32, %c0_i32_0 : i32, i32
  }
  func.func @transform_3(%arg0: i32) -> (i32, i32) {
    %c0_i32 = arith.constant 0 : i32
    %c0_i32_0 = arith.constant 0 : i32
    %c0_i32_1 = arith.constant 0 : i32
    return %c0_i32, %c0_i32_0 : i32, i32
  }
  func.func @transform_4(%arg0: i32) -> (i32, i32) {
    %c0_i32 = arith.constant 0 : i32
    %c0_i32_0 = arith.constant 0 : i32
    %c0_i32_1 = arith.constant 0 : i32
    return %c0_i32, %c0_i32_0 : i32, i32
  }
  func.func @transform_5(%arg0: i32) -> (i32, i32) {
    %c0_i32 = arith.constant 0 : i32
    %c0_i32_0 = arith.constant 0 : i32
    %c0_i32_1 = arith.constant 0 : i32
    return %c0_i32, %c0_i32_0 : i32, i32
  }
  func.func @transform_6(%arg0: i32) -> (i32, i32) {
    %c0_i32 = arith.constant 0 : i32
    %c0_i32_0 = arith.constant 0 : i32
    %c0_i32_1 = arith.constant 0 : i32
    return %c0_i32, %c0_i32_0 : i32, i32
  }
  func.func @transform_7(%arg0: i32) -> (i32, i32) {
    %c0_i32 = arith.constant 0 : i32
    %c0_i32_0 = arith.constant 0 : i32
    %c0_i32_1 = arith.constant 0 : i32
    return %c0_i32, %c0_i32_0 : i32, i32
  }
  func.func @transform_8(%arg0: i32) -> (i32, i32) {
    %c0_i32 = arith.constant 0 : i32
    %c0_i32_0 = arith.constant 0 : i32
    %c0_i32_1 = arith.constant 0 : i32
    return %c0_i32, %c0_i32_0 : i32, i32
  }
  func.func @transform_9(%arg0: i32) -> (i32, i32) {
    %c0_i32 = arith.constant 0 : i32
    %c0_i32_0 = arith.constant 0 : i32
    %c0_i32_1 = arith.constant 0 : i32
    return %c0_i32, %c0_i32_0 : i32, i32
  }
  func.func @transform_10(%arg0: i32) -> (i32, i32) {
    %c0_i32 = arith.constant 0 : i32
    %c0_i32_0 = arith.constant 0 : i32
    %c0_i32_1 = arith.constant 0 : i32
    return %c0_i32, %c0_i32_0 : i32, i32
  }
  func.func @transform_11(%arg0: i32) -> (i32, i32) {
    %c0_i32 = arith.constant 0 : i32
    %c0_i32_0 = arith.constant 0 : i32
    %c0_i32_1 = arith.constant 0 : i32
    return %c0_i32, %c0_i32_0 : i32, i32
  }
  func.func @transform_12(%arg0: i32) -> (i32, i32) {
    %c0_i32 = arith.constant 0 : i32
    %c0_i32_0 = arith.constant 0 : i32
    %c0_i32_1 = arith.constant 0 : i32
    return %c0_i32, %c0_i32_0 : i32, i32
  }
  func.func @transform_13(%arg0: i32) -> (i32, i32) {
    %c0_i32 = arith.constant 0 : i32
    %c0_i32_0 = arith.constant 0 : i32
    %c0_i32_1 = arith.constant 0 : i32
    return %c0_i32, %c0_i32_0 : i32, i32
  }
  func.func @transform_14(%arg0: i32) -> (i32, i32) {
    %c0_i32 = arith.constant 0 : i32
    %c0_i32_0 = arith.constant 0 : i32
    %c0_i32_1 = arith.constant 0 : i32
    return %c0_i32, %c0_i32_0 : i32, i32
  }
  func.func @transform_15(%arg0: i32) -> (i32, i32) {
    %c0_i32 = arith.constant 0 : i32
    %c0_i32_0 = arith.constant 0 : i32
    %c0_i32_1 = arith.constant 0 : i32
    return %c0_i32, %c0_i32_0 : i32, i32
  }
  func.func @transform_16(%arg0: i32) -> (i32, i32) {
    %c0_i32 = arith.constant 0 : i32
    %c0_i32_0 = arith.constant 0 : i32
    %c0_i32_1 = arith.constant 0 : i32
    return %c0_i32, %c0_i32_0 : i32, i32
  }
  func.func @transform_17(%arg0: i32) -> (i32, i32) {
    %c0_i32 = arith.constant 0 : i32
    %c0_i32_0 = arith.constant 0 : i32
    %c0_i32_1 = arith.constant 0 : i32
    return %c0_i32, %c0_i32_0 : i32, i32
  }
  func.func @transform_18(%arg0: i32) -> (i32, i32) {
    %c0_i32 = arith.constant 0 : i32
    %c0_i32_0 = arith.constant 0 : i32
    return %arg0, %c0_i32 : i32, i32
  }
}

module attributes {stable_mosaic.version = 14 : i64} {
  func.func @_tc_body(%arg0: i32, %arg1: memref<400x128xf32, #tpu.memory_space<vmem>>, %arg2: memref<32x400x128xf32, #tpu.memory_space<vmem>>, %arg3: memref<128x128xf32, #tpu.memory_space<vmem>>, %arg4: memref<1x128xf32, #tpu.memory_space<vmem>>, %arg5: memref<128x128xf32, #tpu.memory_space<vmem>>, %arg6: memref<1x128xf32, #tpu.memory_space<vmem>>, %arg7: memref<128x128xf32, #tpu.memory_space<vmem>>, %arg8: memref<1x128xf32, #tpu.memory_space<vmem>>, %arg9: memref<128x128xf32, #tpu.memory_space<vmem>>, %arg10: memref<1x128xf32, #tpu.memory_space<vmem>>, %arg11: memref<128x128xf32, #tpu.memory_space<vmem>>, %arg12: memref<1x128xf32, #tpu.memory_space<vmem>>, %arg13: memref<128x128xf32, #tpu.memory_space<vmem>>, %arg14: memref<1x128xf32, #tpu.memory_space<vmem>>, %arg15: memref<128x128xf32, #tpu.memory_space<vmem>>, %arg16: memref<1x128xf32, #tpu.memory_space<vmem>>, %arg17: memref<128x64xf32, #tpu.memory_space<vmem>>, %arg18: memref<1x64xf32, #tpu.memory_space<vmem>>, %arg19: memref<400x64xf32, #tpu.memory_space<vmem>>, %arg20: memref<32x400xf32, #tpu.memory_space<vmem>>) attributes {dimension_semantics = [#tpu.dimension_semantics<arbitrary>], iteration_bounds = array<i64: 5>, scalar_prefetch = 0 : i64, scratch_operands = 1 : i64, tpu.core_type = #tpu.core_type<tc>, window_params = [{transform_indices = @transform_0, window_bounds = array<i64: 400, 128>}, {transform_indices = @transform_1, window_bounds = array<i64: 32, 400, 128>}, {pipeline_mode = #tpu.pipeline_mode<synchronous>, transform_indices = @transform_2, window_bounds = array<i64: 128, 128>}, {pipeline_mode = #tpu.pipeline_mode<synchronous>, transform_indices = @transform_3, window_bounds = array<i64: 1, 128>}, {pipeline_mode = #tpu.pipeline_mode<synchronous>, transform_indices = @transform_4, window_bounds = array<i64: 128, 128>}, {pipeline_mode = #tpu.pipeline_mode<synchronous>, transform_indices = @transform_5, window_bounds = array<i64: 1, 128>}, {pipeline_mode = #tpu.pipeline_mode<synchronous>, transform_indices = @transform_6, window_bounds = array<i64: 128, 128>}, {pipeline_mode = #tpu.pipeline_mode<synchronous>, transform_indices = @transform_7, window_bounds = array<i64: 1, 128>}, {pipeline_mode = #tpu.pipeline_mode<synchronous>, transform_indices = @transform_8, window_bounds = array<i64: 128, 128>}, {pipeline_mode = #tpu.pipeline_mode<synchronous>, transform_indices = @transform_9, window_bounds = array<i64: 1, 128>}, {pipeline_mode = #tpu.pipeline_mode<synchronous>, transform_indices = @transform_10, window_bounds = array<i64: 128, 128>}, {pipeline_mode = #tpu.pipeline_mode<synchronous>, transform_indices = @transform_11, window_bounds = array<i64: 1, 128>}, {pipeline_mode = #tpu.pipeline_mode<synchronous>, transform_indices = @transform_12, window_bounds = array<i64: 128, 128>}, {pipeline_mode = #tpu.pipeline_mode<synchronous>, transform_indices = @transform_13, window_bounds = array<i64: 1, 128>}, {pipeline_mode = #tpu.pipeline_mode<synchronous>, transform_indices = @transform_14, window_bounds = array<i64: 128, 128>}, {pipeline_mode = #tpu.pipeline_mode<synchronous>, transform_indices = @transform_15, window_bounds = array<i64: 1, 128>}, {pipeline_mode = #tpu.pipeline_mode<synchronous>, transform_indices = @transform_16, window_bounds = array<i64: 128, 64>}, {pipeline_mode = #tpu.pipeline_mode<synchronous>, transform_indices = @transform_17, window_bounds = array<i64: 1, 64>}, {transform_indices = @transform_18, window_bounds = array<i64: 400, 64>}]} {
    %get3A = arith.constant 0 : index
    %get3A_0 = arith.constant 0 : index
    %get3A_1 = vector.load %arg1[%get3A, %get3A_0] : memref<400x128xf32, #tpu.memory_space<vmem>>, vector<400x128xf32>
    %get3A_2 = arith.constant 0 : index
    %get3A_3 = arith.constant 0 : index
    %get3A_4 = arith.constant 0 : index
    %get3A_5 = vector.load %arg2[%get3A_2, %get3A_3, %get3A_4] : memref<32x400x128xf32, #tpu.memory_space<vmem>>, vector<32x400x128xf32>
    %reshape3A = vector.shape_cast %get3A_5 : vector<32x400x128xf32> to vector<12800x128xf32>
    %broadcast_in_dim3A = vector.shape_cast %get3A_1 : vector<400x128xf32> to vector<1x400x128xf32>
    %sub3A = vector.broadcast %broadcast_in_dim3A : vector<1x400x128xf32> to vector<32x400x128xf32>
    %sub3A_6 = arith.subf %sub3A, %get3A_5 : vector<32x400x128xf32>
    %mul3A = arith.mulf %sub3A_6, %sub3A_6 : vector<32x400x128xf32>
    %reduce_sum3A = arith.constant dense<0.000000e+00> : vector<32x400xf32>
    %reduce_sum3A_7 = vector.multi_reduction <add>, %mul3A, %reduce_sum3A [2] : vector<32x400x128xf32> to vector<32x400xf32>
    %swap3A = arith.constant 0 : index
    %swap3A_8 = arith.constant 0 : index
    %swap3A_9 = vector.load %arg20[%swap3A, %swap3A_8] : memref<32x400xf32, #tpu.memory_space<vmem>>, vector<32x400xf32>
    tpu.vector_store %arg20[%swap3A, %swap3A_8], %reduce_sum3A_7 {strides = array<i32>} : memref<32x400xf32, #tpu.memory_space<vmem>>, vector<32x400xf32>,
    %get3A_10 = arith.constant 0 : index
    %get3A_11 = arith.constant 0 : index
    %get3A_12 = vector.load %arg20[%get3A_10, %get3A_11] : memref<32x400xf32, #tpu.memory_space<vmem>>, vector<32x400xf32>
    %sqrt3A = math.sqrt %get3A_12 : vector<32x400xf32>
    %mul3A_13 = arith.constant 4.000000e-03 : f32
    %mul3A_14 = vector.broadcast %mul3A_13 : f32 to vector<32x400xf32>
    %mul3A_15 = arith.mulf %sqrt3A, %mul3A_14 : vector<32x400xf32>
    %mul3A_16 = arith.constant -3.000000e-01 : f32
    %mul3A_17 = vector.broadcast %mul3A_16 : f32 to vector<32x400xf32>
    %mul3A_18 = arith.mulf %mul3A_17, %mul3A_15 : vector<32x400xf32>
    %exp3A = math.exp %mul3A_18 : vector<32x400xf32>
    %mul3A_19 = arith.constant 1.44269502 : f32
    %mul3A_20 = vector.broadcast %mul3A_19 : f32 to vector<32x400xf32>
    %mul3A_21 = arith.mulf %exp3A, %mul3A_20 : vector<32x400xf32>
    %broadcast_in_dim3A_22 = vector.shape_cast %mul3A_21 : vector<32x400xf32> to vector<32x400x1xf32>
    %get3A_23 = arith.constant 0 : index
    %get3A_24 = arith.constant 0 : index
    %get3A_25 = vector.load %arg3[%get3A_23, %get3A_24] : memref<128x128xf32, #tpu.memory_space<vmem>>, vector<128x128xf32>
    %dot_general3A = arith.constant dense<0.000000e+00> : vector<12800x128xf32>
    %dot_general3A_26 = tpu.matmul %reshape3A, %get3A_25, %dot_general3A {dimension_numbers = #tpu.dot_dimension_numbers<[1], [0], [0], [1], [0, 0, 1, 1], [], []>, transpose_lhs_hint = false} : vector<12800x128xf32>, vector<128x128xf32>, vector<12800x128xf32> -> vector<12800x128xf32>
    %get3A_27 = arith.constant 0 : index
    %get3A_28 = arith.constant 0 : index
    %get3A_29 = vector.load %arg4[%get3A_27, %get3A_28] : memref<1x128xf32, #tpu.memory_space<vmem>>, vector<1x128xf32>
    %add3A = vector.broadcast %get3A_29 : vector<1x128xf32> to vector<12800x128xf32>
    %add3A_30 = arith.addf %dot_general3A_26, %add3A : vector<12800x128xf32>
    %reshape3A_31 = vector.shape_cast %add3A_30 : vector<12800x128xf32> to vector<32x400x128xf32>
    %mul3A_32 = vector.broadcast %broadcast_in_dim3A_22 : vector<32x400x1xf32> to vector<32x400x128xf32>
    %mul3A_33 = arith.mulf %reshape3A_31, %mul3A_32 : vector<32x400x128xf32>
    %exp23A = math.exp2 %mul3A_33 : vector<32x400x128xf32>
    %reduce_sum3A_34 = arith.constant dense<0.000000e+00> : vector<400x128xf32>
    %reduce_sum3A_35 = vector.multi_reduction <add>, %exp23A, %reduce_sum3A_34 [0] : vector<32x400x128xf32> to vector<400x128xf32>
    %mul3A_36 = arith.mulf %exp23A, %get3A_5 : vector<32x400x128xf32>
    %reduce_sum3A_37 = arith.constant dense<0.000000e+00> : vector<400x128xf32>
    %reduce_sum3A_38 = vector.multi_reduction <add>, %mul3A_36, %reduce_sum3A_37 [0] : vector<32x400x128xf32> to vector<400x128xf32>
    %div3A = arith.divf %reduce_sum3A_38, %reduce_sum3A_35 : vector<400x128xf32>
    %get3A_39 = arith.constant 0 : index
    %get3A_40 = arith.constant 0 : index
    %get3A_41 = vector.load %arg5[%get3A_39, %get3A_40] : memref<128x128xf32, #tpu.memory_space<vmem>>, vector<128x128xf32>
    %dot_general3A_42 = arith.constant dense<0.000000e+00> : vector<400x128xf32>
    %dot_general3A_43 = tpu.matmul %get3A_1, %get3A_41, %dot_general3A_42 {dimension_numbers = #tpu.dot_dimension_numbers<[1], [0], [0], [1], [0, 0, 1, 1], [], []>, transpose_lhs_hint = false} : vector<400x128xf32>, vector<128x128xf32>, vector<400x128xf32> -> vector<400x128xf32>
    %get3A_44 = arith.constant 0 : index
    %get3A_45 = arith.constant 0 : index
    %get3A_46 = vector.load %arg6[%get3A_44, %get3A_45] : memref<1x128xf32, #tpu.memory_space<vmem>>, vector<1x128xf32>
    %add3A_47 = vector.broadcast %get3A_46 : vector<1x128xf32> to vector<400x128xf32>
    %add3A_48 = arith.addf %dot_general3A_43, %add3A_47 : vector<400x128xf32>
    %mul3A_49 = arith.mulf %add3A_48, %get3A_1 : vector<400x128xf32>
    %mul3A_50 = arith.constant 2.000000e-01 : f32
    %mul3A_51 = vector.broadcast %mul3A_50 : f32 to vector<400x128xf32>
    %mul3A_52 = arith.mulf %mul3A_51, %mul3A_49 : vector<400x128xf32>
    %mul3A_53 = arith.constant 8.000000e-01 : f32
    %mul3A_54 = vector.broadcast %mul3A_53 : f32 to vector<400x128xf32>
    %mul3A_55 = arith.mulf %mul3A_54, %div3A : vector<400x128xf32>
    %add3A_56 = arith.addf %mul3A_52, %mul3A_55 : vector<400x128xf32>
    %get3A_57 = arith.constant 0 : index
    %get3A_58 = arith.constant 0 : index
    %get3A_59 = vector.load %arg7[%get3A_57, %get3A_58] : memref<128x128xf32, #tpu.memory_space<vmem>>, vector<128x128xf32>
    %dot_general3A_60 = arith.constant dense<0.000000e+00> : vector<400x128xf32>
    %dot_general3A_61 = tpu.matmul %add3A_56, %get3A_59, %dot_general3A_60 {dimension_numbers = #tpu.dot_dimension_numbers<[1], [0], [0], [1], [0, 0, 1, 1], [], []>, transpose_lhs_hint = false} : vector<400x128xf32>, vector<128x128xf32>, vector<400x128xf32> -> vector<400x128xf32>
    %get3A_62 = arith.constant 0 : index
    %get3A_63 = arith.constant 0 : index
    %get3A_64 = vector.load %arg8[%get3A_62, %get3A_63] : memref<1x128xf32, #tpu.memory_space<vmem>>, vector<1x128xf32>
    %add3A_65 = vector.broadcast %get3A_64 : vector<1x128xf32> to vector<400x128xf32>
    %add3A_66 = arith.addf %dot_general3A_61, %add3A_65 : vector<400x128xf32>
    %mul3A_67 = arith.constant 0.00999999977 : f32
    %mul3A_68 = vector.broadcast %mul3A_67 : f32 to vector<400x128xf32>
    %mul3A_69 = arith.mulf %mul3A_68, %add3A_66 : vector<400x128xf32>
    %max3A = arith.maximumf %add3A_66, %mul3A_69 : vector<400x128xf32>
    %get3A_70 = arith.constant 0 : index
    %get3A_71 = arith.constant 0 : index
    %get3A_72 = vector.load %arg9[%get3A_70, %get3A_71] : memref<128x128xf32, #tpu.memory_space<vmem>>, vector<128x128xf32>
    %dot_general3A_73 = arith.constant dense<0.000000e+00> : vector<400x128xf32>
    %dot_general3A_74 = tpu.matmul %max3A, %get3A_72, %dot_general3A_73 {dimension_numbers = #tpu.dot_dimension_numbers<[1], [0], [0], [1], [0, 0, 1, 1], [], []>, transpose_lhs_hint = false} : vector<400x128xf32>, vector<128x128xf32>, vector<400x128xf32> -> vector<400x128xf32>
    %get3A_75 = arith.constant 0 : index
    %get3A_76 = arith.constant 0 : index
    %get3A_77 = vector.load %arg10[%get3A_75, %get3A_76] : memref<1x128xf32, #tpu.memory_space<vmem>>, vector<1x128xf32>
    %add3A_78 = vector.broadcast %get3A_77 : vector<1x128xf32> to vector<400x128xf32>
    %add3A_79 = arith.addf %dot_general3A_74, %add3A_78 : vector<400x128xf32>
    %max3A_80 = arith.constant 0.000000e+00 : f32
    %max3A_81 = vector.broadcast %max3A_80 : f32 to vector<400x128xf32>
    %max3A_82 = arith.maximumf %add3A_79, %max3A_81 : vector<400x128xf32>
    %get3A_83 = arith.constant 0 : index
    %get3A_84 = arith.constant 0 : index
    %get3A_85 = vector.load %arg11[%get3A_83, %get3A_84] : memref<128x128xf32, #tpu.memory_space<vmem>>, vector<128x128xf32>
    %dot_general3A_86 = arith.constant dense<0.000000e+00> : vector<12800x128xf32>
    %dot_general3A_87 = tpu.matmul %reshape3A, %get3A_85, %dot_general3A_86 {dimension_numbers = #tpu.dot_dimension_numbers<[1], [0], [0], [1], [0, 0, 1, 1], [], []>, transpose_lhs_hint = false} : vector<12800x128xf32>, vector<128x128xf32>, vector<12800x128xf32> -> vector<12800x128xf32>
    %get3A_88 = arith.constant 0 : index
    %get3A_89 = arith.constant 0 : index
    %get3A_90 = vector.load %arg12[%get3A_88, %get3A_89] : memref<1x128xf32, #tpu.memory_space<vmem>>, vector<1x128xf32>
    %add3A_91 = vector.broadcast %get3A_90 : vector<1x128xf32> to vector<12800x128xf32>
    %add3A_92 = arith.addf %dot_general3A_87, %add3A_91 : vector<12800x128xf32>
    %reshape3A_93 = vector.shape_cast %add3A_92 : vector<12800x128xf32> to vector<32x400x128xf32>
    %mul3A_94 = vector.broadcast %broadcast_in_dim3A_22 : vector<32x400x1xf32> to vector<32x400x128xf32>
    %mul3A_95 = arith.mulf %reshape3A_93, %mul3A_94 : vector<32x400x128xf32>
    %exp23A_96 = math.exp2 %mul3A_95 : vector<32x400x128xf32>
    %reduce_sum3A_97 = arith.constant dense<0.000000e+00> : vector<400x128xf32>
    %reduce_sum3A_98 = vector.multi_reduction <add>, %exp23A_96, %reduce_sum3A_97 [0] : vector<32x400x128xf32> to vector<400x128xf32>
    %mul3A_99 = arith.mulf %exp23A_96, %get3A_5 : vector<32x400x128xf32>
    %reduce_sum3A_100 = arith.constant dense<0.000000e+00> : vector<400x128xf32>
    %reduce_sum3A_101 = vector.multi_reduction <add>, %mul3A_99, %reduce_sum3A_100 [0] : vector<32x400x128xf32> to vector<400x128xf32>
    %div3A_102 = arith.divf %reduce_sum3A_101, %reduce_sum3A_98 : vector<400x128xf32>
    %get3A_103 = arith.constant 0 : index
    %get3A_104 = arith.constant 0 : index
    %get3A_105 = vector.load %arg13[%get3A_103, %get3A_104] : memref<128x128xf32, #tpu.memory_space<vmem>>, vector<128x128xf32>
    %dot_general3A_106 = arith.constant dense<0.000000e+00> : vector<400x128xf32>
    %dot_general3A_107 = tpu.matmul %max3A_82, %get3A_105, %dot_general3A_106 {dimension_numbers = #tpu.dot_dimension_numbers<[1], [0], [0], [1], [0, 0, 1, 1], [], []>, transpose_lhs_hint = false} : vector<400x128xf32>, vector<128x128xf32>, vector<400x128xf32> -> vector<400x128xf32>
    %get3A_108 = arith.constant 0 : index
    %get3A_109 = arith.constant 0 : index
    %get3A_110 = vector.load %arg14[%get3A_108, %get3A_109] : memref<1x128xf32, #tpu.memory_space<vmem>>, vector<1x128xf32>
    %add3A_111 = vector.broadcast %get3A_110 : vector<1x128xf32> to vector<400x128xf32>
    %add3A_112 = arith.addf %dot_general3A_107, %add3A_111 : vector<400x128xf32>
    %mul3A_113 = arith.mulf %add3A_112, %max3A_82 : vector<400x128xf32>
    %mul3A_114 = arith.constant 2.000000e-01 : f32
    %mul3A_115 = vector.broadcast %mul3A_114 : f32 to vector<400x128xf32>
    %mul3A_116 = arith.mulf %mul3A_115, %mul3A_113 : vector<400x128xf32>
    %mul3A_117 = arith.constant 8.000000e-01 : f32
    %mul3A_118 = vector.broadcast %mul3A_117 : f32 to vector<400x128xf32>
    %mul3A_119 = arith.mulf %mul3A_118, %div3A_102 : vector<400x128xf32>
    %add3A_120 = arith.addf %mul3A_116, %mul3A_119 : vector<400x128xf32>
    %get3A_121 = arith.constant 0 : index
    %get3A_122 = arith.constant 0 : index
    %get3A_123 = vector.load %arg15[%get3A_121, %get3A_122] : memref<128x128xf32, #tpu.memory_space<vmem>>, vector<128x128xf32>
    %dot_general3A_124 = arith.constant dense<0.000000e+00> : vector<400x128xf32>
    %dot_general3A_125 = tpu.matmul %add3A_120, %get3A_123, %dot_general3A_124 {dimension_numbers = #tpu.dot_dimension_numbers<[1], [0], [0], [1], [0, 0, 1, 1], [], []>, transpose_lhs_hint = false} : vector<400x128xf32>, vector<128x128xf32>, vector<400x128xf32> -> vector<400x128xf32>
    %get3A_126 = arith.constant 0 : index
    %get3A_127 = arith.constant 0 : index
    %get3A_128 = vector.load %arg16[%get3A_126, %get3A_127] : memref<1x128xf32, #tpu.memory_space<vmem>>, vector<1x128xf32>
    %add3A_129 = vector.broadcast %get3A_128 : vector<1x128xf32> to vector<400x128xf32>
    %add3A_130 = arith.addf %dot_general3A_125, %add3A_129 : vector<400x128xf32>
    %mul3A_131 = arith.constant 0.00999999977 : f32
    %mul3A_132 = vector.broadcast %mul3A_131 : f32 to vector<400x128xf32>
    %mul3A_133 = arith.mulf %mul3A_132, %add3A_130 : vector<400x128xf32>
    %max3A_134 = arith.maximumf %add3A_130, %mul3A_133 : vector<400x128xf32>
    %get3A_135 = arith.constant 0 : index
    %get3A_136 = arith.constant 0 : index
    %get3A_137 = vector.load %arg17[%get3A_135, %get3A_136] : memref<128x64xf32, #tpu.memory_space<vmem>>, vector<128x64xf32>
    %dot_general3A_138 = arith.constant dense<0.000000e+00> : vector<400x64xf32>
    %dot_general3A_139 = tpu.matmul %max3A_134, %get3A_137, %dot_general3A_138 {dimension_numbers = #tpu.dot_dimension_numbers<[1], [0], [0], [1], [0, 0, 1, 1], [], []>, transpose_lhs_hint = false} : vector<400x128xf32>, vector<128x64xf32>, vector<400x64xf32> -> vector<400x64xf32>
    %get3A_140 = arith.constant 0 : index
    %get3A_141 = arith.constant 0 : index
    %get3A_142 = vector.load %arg18[%get3A_140, %get3A_141] : memref<1x64xf32, #tpu.memory_space<vmem>>, vector<1x64xf32>
    %add3A_143 = vector.broadcast %get3A_142 : vector<1x64xf32> to vector<400x64xf32>
    %add3A_144 = arith.addf %dot_general3A_139, %add3A_143 : vector<400x64xf32>
    %max3A_145 = arith.constant 0.000000e+00 : f32
    %max3A_146 = vector.broadcast %max3A_145 : f32 to vector<400x64xf32>
    %max3A_147 = arith.maximumf %add3A_144, %max3A_146 : vector<400x64xf32>
    %swap3A_148 = arith.constant 0 : index
    %swap3A_149 = arith.constant 0 : index
    %swap3A_150 = vector.load %arg19[%swap3A_148, %swap3A_149] : memref<400x64xf32, #tpu.memory_space<vmem>>, vector<400x64xf32>
    tpu.vector_store %arg19[%swap3A_148, %swap3A_149], %max3A_147 {strides = array<i32>} : memref<400x64xf32, #tpu.memory_space<vmem>>, vector<400x64xf32>,
    return
  }
  func.func @transform_0(%arg0: i32) -> (i32, i32) {
    %add3A = arith.constant 10 : i32
    %add3A_0 = arith.addi %arg0, %add3A : i32
    %c0_i32 = arith.constant 0 : i32
    %c0_i32_1 = arith.constant 0 : i32
    return %add3A_0, %c0_i32 : i32, i32
  }
  func.func @transform_1(%arg0: i32) -> (i32, i32, i32) {
    %c0_i32 = arith.constant 0 : i32
    %c0_i32_0 = arith.constant 0 : i32
    %c0_i32_1 = arith.constant 0 : i32
    return %c0_i32, %arg0, %c0_i32_0 : i32, i32, i32
  }
  func.func @transform_2(%arg0: i32) -> (i32, i32) {
    %c0_i32 = arith.constant 0 : i32
    %c0_i32_0 = arith.constant 0 : i32
    %c0_i32_1 = arith.constant 0 : i32
    return %c0_i32, %c0_i32_0 : i32, i32
  }
  func.func @transform_3(%arg0: i32) -> (i32, i32) {
    %c0_i32 = arith.constant 0 : i32
    %c0_i32_0 = arith.constant 0 : i32
    %c0_i32_1 = arith.constant 0 : i32
    return %c0_i32, %c0_i32_0 : i32, i32
  }
  func.func @transform_4(%arg0: i32) -> (i32, i32) {
    %c0_i32 = arith.constant 0 : i32
    %c0_i32_0 = arith.constant 0 : i32
    %c0_i32_1 = arith.constant 0 : i32
    return %c0_i32, %c0_i32_0 : i32, i32
  }
  func.func @transform_5(%arg0: i32) -> (i32, i32) {
    %c0_i32 = arith.constant 0 : i32
    %c0_i32_0 = arith.constant 0 : i32
    %c0_i32_1 = arith.constant 0 : i32
    return %c0_i32, %c0_i32_0 : i32, i32
  }
  func.func @transform_6(%arg0: i32) -> (i32, i32) {
    %c0_i32 = arith.constant 0 : i32
    %c0_i32_0 = arith.constant 0 : i32
    %c0_i32_1 = arith.constant 0 : i32
    return %c0_i32, %c0_i32_0 : i32, i32
  }
  func.func @transform_7(%arg0: i32) -> (i32, i32) {
    %c0_i32 = arith.constant 0 : i32
    %c0_i32_0 = arith.constant 0 : i32
    %c0_i32_1 = arith.constant 0 : i32
    return %c0_i32, %c0_i32_0 : i32, i32
  }
  func.func @transform_8(%arg0: i32) -> (i32, i32) {
    %c0_i32 = arith.constant 0 : i32
    %c0_i32_0 = arith.constant 0 : i32
    %c0_i32_1 = arith.constant 0 : i32
    return %c0_i32, %c0_i32_0 : i32, i32
  }
  func.func @transform_9(%arg0: i32) -> (i32, i32) {
    %c0_i32 = arith.constant 0 : i32
    %c0_i32_0 = arith.constant 0 : i32
    %c0_i32_1 = arith.constant 0 : i32
    return %c0_i32, %c0_i32_0 : i32, i32
  }
  func.func @transform_10(%arg0: i32) -> (i32, i32) {
    %c0_i32 = arith.constant 0 : i32
    %c0_i32_0 = arith.constant 0 : i32
    %c0_i32_1 = arith.constant 0 : i32
    return %c0_i32, %c0_i32_0 : i32, i32
  }
  func.func @transform_11(%arg0: i32) -> (i32, i32) {
    %c0_i32 = arith.constant 0 : i32
    %c0_i32_0 = arith.constant 0 : i32
    %c0_i32_1 = arith.constant 0 : i32
    return %c0_i32, %c0_i32_0 : i32, i32
  }
  func.func @transform_12(%arg0: i32) -> (i32, i32) {
    %c0_i32 = arith.constant 0 : i32
    %c0_i32_0 = arith.constant 0 : i32
    %c0_i32_1 = arith.constant 0 : i32
    return %c0_i32, %c0_i32_0 : i32, i32
  }
  func.func @transform_13(%arg0: i32) -> (i32, i32) {
    %c0_i32 = arith.constant 0 : i32
    %c0_i32_0 = arith.constant 0 : i32
    %c0_i32_1 = arith.constant 0 : i32
    return %c0_i32, %c0_i32_0 : i32, i32
  }
  func.func @transform_14(%arg0: i32) -> (i32, i32) {
    %c0_i32 = arith.constant 0 : i32
    %c0_i32_0 = arith.constant 0 : i32
    %c0_i32_1 = arith.constant 0 : i32
    return %c0_i32, %c0_i32_0 : i32, i32
  }
  func.func @transform_15(%arg0: i32) -> (i32, i32) {
    %c0_i32 = arith.constant 0 : i32
    %c0_i32_0 = arith.constant 0 : i32
    %c0_i32_1 = arith.constant 0 : i32
    return %c0_i32, %c0_i32_0 : i32, i32
  }
  func.func @transform_16(%arg0: i32) -> (i32, i32) {
    %c0_i32 = arith.constant 0 : i32
    %c0_i32_0 = arith.constant 0 : i32
    %c0_i32_1 = arith.constant 0 : i32
    return %c0_i32, %c0_i32_0 : i32, i32
  }
  func.func @transform_17(%arg0: i32) -> (i32, i32) {
    %c0_i32 = arith.constant 0 : i32
    %c0_i32_0 = arith.constant 0 : i32
    %c0_i32_1 = arith.constant 0 : i32
    return %c0_i32, %c0_i32_0 : i32, i32
  }
  func.func @transform_18(%arg0: i32) -> (i32, i32) {
    %c0_i32 = arith.constant 0 : i32
    %c0_i32_0 = arith.constant 0 : i32
    return %arg0, %c0_i32 : i32, i32
  }
}

module attributes {stable_mosaic.version = 14 : i64} {
  func.func @_tc_body(%arg0: i32, %arg1: memref<400x128xf32, #tpu.memory_space<vmem>>, %arg2: memref<32x400x128xf32, #tpu.memory_space<vmem>>, %arg3: memref<128x128xf32, #tpu.memory_space<vmem>>, %arg4: memref<1x128xf32, #tpu.memory_space<vmem>>, %arg5: memref<128x128xf32, #tpu.memory_space<vmem>>, %arg6: memref<1x128xf32, #tpu.memory_space<vmem>>, %arg7: memref<128x128xf32, #tpu.memory_space<vmem>>, %arg8: memref<1x128xf32, #tpu.memory_space<vmem>>, %arg9: memref<128x128xf32, #tpu.memory_space<vmem>>, %arg10: memref<1x128xf32, #tpu.memory_space<vmem>>, %arg11: memref<128x128xf32, #tpu.memory_space<vmem>>, %arg12: memref<1x128xf32, #tpu.memory_space<vmem>>, %arg13: memref<128x128xf32, #tpu.memory_space<vmem>>, %arg14: memref<1x128xf32, #tpu.memory_space<vmem>>, %arg15: memref<128x128xf32, #tpu.memory_space<vmem>>, %arg16: memref<1x128xf32, #tpu.memory_space<vmem>>, %arg17: memref<128x64xf32, #tpu.memory_space<vmem>>, %arg18: memref<1x64xf32, #tpu.memory_space<vmem>>, %arg19: memref<400x64xf32, #tpu.memory_space<vmem>>, %arg20: memref<32x400xf32, #tpu.memory_space<vmem>>) attributes {dimension_semantics = [#tpu.dimension_semantics<arbitrary>], iteration_bounds = array<i64: 5>, scalar_prefetch = 0 : i64, scratch_operands = 1 : i64, tpu.core_type = #tpu.core_type<tc>, window_params = [{transform_indices = @transform_0, window_bounds = array<i64: 400, 128>}, {transform_indices = @transform_1, window_bounds = array<i64: 32, 400, 128>}, {pipeline_mode = #tpu.pipeline_mode<synchronous>, transform_indices = @transform_2, window_bounds = array<i64: 128, 128>}, {pipeline_mode = #tpu.pipeline_mode<synchronous>, transform_indices = @transform_3, window_bounds = array<i64: 1, 128>}, {pipeline_mode = #tpu.pipeline_mode<synchronous>, transform_indices = @transform_4, window_bounds = array<i64: 128, 128>}, {pipeline_mode = #tpu.pipeline_mode<synchronous>, transform_indices = @transform_5, window_bounds = array<i64: 1, 128>}, {pipeline_mode = #tpu.pipeline_mode<synchronous>, transform_indices = @transform_6, window_bounds = array<i64: 128, 128>}, {pipeline_mode = #tpu.pipeline_mode<synchronous>, transform_indices = @transform_7, window_bounds = array<i64: 1, 128>}, {pipeline_mode = #tpu.pipeline_mode<synchronous>, transform_indices = @transform_8, window_bounds = array<i64: 128, 128>}, {pipeline_mode = #tpu.pipeline_mode<synchronous>, transform_indices = @transform_9, window_bounds = array<i64: 1, 128>}, {pipeline_mode = #tpu.pipeline_mode<synchronous>, transform_indices = @transform_10, window_bounds = array<i64: 128, 128>}, {pipeline_mode = #tpu.pipeline_mode<synchronous>, transform_indices = @transform_11, window_bounds = array<i64: 1, 128>}, {pipeline_mode = #tpu.pipeline_mode<synchronous>, transform_indices = @transform_12, window_bounds = array<i64: 128, 128>}, {pipeline_mode = #tpu.pipeline_mode<synchronous>, transform_indices = @transform_13, window_bounds = array<i64: 1, 128>}, {pipeline_mode = #tpu.pipeline_mode<synchronous>, transform_indices = @transform_14, window_bounds = array<i64: 128, 128>}, {pipeline_mode = #tpu.pipeline_mode<synchronous>, transform_indices = @transform_15, window_bounds = array<i64: 1, 128>}, {pipeline_mode = #tpu.pipeline_mode<synchronous>, transform_indices = @transform_16, window_bounds = array<i64: 128, 64>}, {pipeline_mode = #tpu.pipeline_mode<synchronous>, transform_indices = @transform_17, window_bounds = array<i64: 1, 64>}, {transform_indices = @transform_18, window_bounds = array<i64: 400, 64>}]} {
    %get3A = arith.constant 0 : index
    %get3A_0 = arith.constant 0 : index
    %get3A_1 = vector.load %arg1[%get3A, %get3A_0] : memref<400x128xf32, #tpu.memory_space<vmem>>, vector<400x128xf32>
    %get3A_2 = arith.constant 0 : index
    %get3A_3 = arith.constant 0 : index
    %get3A_4 = arith.constant 0 : index
    %get3A_5 = vector.load %arg2[%get3A_2, %get3A_3, %get3A_4] : memref<32x400x128xf32, #tpu.memory_space<vmem>>, vector<32x400x128xf32>
    %reshape3A = vector.shape_cast %get3A_5 : vector<32x400x128xf32> to vector<12800x128xf32>
    %broadcast_in_dim3A = vector.shape_cast %get3A_1 : vector<400x128xf32> to vector<1x400x128xf32>
    %sub3A = vector.broadcast %broadcast_in_dim3A : vector<1x400x128xf32> to vector<32x400x128xf32>
    %sub3A_6 = arith.subf %sub3A, %get3A_5 : vector<32x400x128xf32>
    %mul3A = arith.mulf %sub3A_6, %sub3A_6 : vector<32x400x128xf32>
    %reduce_sum3A = arith.constant dense<0.000000e+00> : vector<32x400xf32>
    %reduce_sum3A_7 = vector.multi_reduction <add>, %mul3A, %reduce_sum3A [2] : vector<32x400x128xf32> to vector<32x400xf32>
    %swap3A = arith.constant 0 : index
    %swap3A_8 = arith.constant 0 : index
    %swap3A_9 = vector.load %arg20[%swap3A, %swap3A_8] : memref<32x400xf32, #tpu.memory_space<vmem>>, vector<32x400xf32>
    tpu.vector_store %arg20[%swap3A, %swap3A_8], %reduce_sum3A_7 {strides = array<i32>} : memref<32x400xf32, #tpu.memory_space<vmem>>, vector<32x400xf32>,
    %get3A_10 = arith.constant 0 : index
    %get3A_11 = arith.constant 0 : index
    %get3A_12 = vector.load %arg20[%get3A_10, %get3A_11] : memref<32x400xf32, #tpu.memory_space<vmem>>, vector<32x400xf32>
    %sqrt3A = math.sqrt %get3A_12 : vector<32x400xf32>
    %mul3A_13 = arith.constant 4.000000e-03 : f32
    %mul3A_14 = vector.broadcast %mul3A_13 : f32 to vector<32x400xf32>
    %mul3A_15 = arith.mulf %sqrt3A, %mul3A_14 : vector<32x400xf32>
    %mul3A_16 = arith.constant -3.000000e-01 : f32
    %mul3A_17 = vector.broadcast %mul3A_16 : f32 to vector<32x400xf32>
    %mul3A_18 = arith.mulf %mul3A_17, %mul3A_15 : vector<32x400xf32>
    %exp3A = math.exp %mul3A_18 : vector<32x400xf32>
    %mul3A_19 = arith.constant 1.44269502 : f32
    %mul3A_20 = vector.broadcast %mul3A_19 : f32 to vector<32x400xf32>
    %mul3A_21 = arith.mulf %exp3A, %mul3A_20 : vector<32x400xf32>
    %broadcast_in_dim3A_22 = vector.shape_cast %mul3A_21 : vector<32x400xf32> to vector<32x400x1xf32>
    %get3A_23 = arith.constant 0 : index
    %get3A_24 = arith.constant 0 : index
    %get3A_25 = vector.load %arg3[%get3A_23, %get3A_24] : memref<128x128xf32, #tpu.memory_space<vmem>>, vector<128x128xf32>
    %dot_general3A = arith.constant dense<0.000000e+00> : vector<12800x128xf32>
    %dot_general3A_26 = tpu.matmul %reshape3A, %get3A_25, %dot_general3A {dimension_numbers = #tpu.dot_dimension_numbers<[1], [0], [0], [1], [0, 0, 1, 1], [], []>, transpose_lhs_hint = false} : vector<12800x128xf32>, vector<128x128xf32>, vector<12800x128xf32> -> vector<12800x128xf32>
    %get3A_27 = arith.constant 0 : index
    %get3A_28 = arith.constant 0 : index
    %get3A_29 = vector.load %arg4[%get3A_27, %get3A_28] : memref<1x128xf32, #tpu.memory_space<vmem>>, vector<1x128xf32>
    %add3A = vector.broadcast %get3A_29 : vector<1x128xf32> to vector<12800x128xf32>
    %add3A_30 = arith.addf %dot_general3A_26, %add3A : vector<12800x128xf32>
    %reshape3A_31 = vector.shape_cast %add3A_30 : vector<12800x128xf32> to vector<32x400x128xf32>
    %mul3A_32 = vector.broadcast %broadcast_in_dim3A_22 : vector<32x400x1xf32> to vector<32x400x128xf32>
    %mul3A_33 = arith.mulf %reshape3A_31, %mul3A_32 : vector<32x400x128xf32>
    %exp23A = math.exp2 %mul3A_33 : vector<32x400x128xf32>
    %reduce_sum3A_34 = arith.constant dense<0.000000e+00> : vector<400x128xf32>
    %reduce_sum3A_35 = vector.multi_reduction <add>, %exp23A, %reduce_sum3A_34 [0] : vector<32x400x128xf32> to vector<400x128xf32>
    %mul3A_36 = arith.mulf %exp23A, %get3A_5 : vector<32x400x128xf32>
    %reduce_sum3A_37 = arith.constant dense<0.000000e+00> : vector<400x128xf32>
    %reduce_sum3A_38 = vector.multi_reduction <add>, %mul3A_36, %reduce_sum3A_37 [0] : vector<32x400x128xf32> to vector<400x128xf32>
    %div3A = arith.divf %reduce_sum3A_38, %reduce_sum3A_35 : vector<400x128xf32>
    %get3A_39 = arith.constant 0 : index
    %get3A_40 = arith.constant 0 : index
    %get3A_41 = vector.load %arg5[%get3A_39, %get3A_40] : memref<128x128xf32, #tpu.memory_space<vmem>>, vector<128x128xf32>
    %dot_general3A_42 = arith.constant dense<0.000000e+00> : vector<400x128xf32>
    %dot_general3A_43 = tpu.matmul %get3A_1, %get3A_41, %dot_general3A_42 {dimension_numbers = #tpu.dot_dimension_numbers<[1], [0], [0], [1], [0, 0, 1, 1], [], []>, transpose_lhs_hint = false} : vector<400x128xf32>, vector<128x128xf32>, vector<400x128xf32> -> vector<400x128xf32>
    %get3A_44 = arith.constant 0 : index
    %get3A_45 = arith.constant 0 : index
    %get3A_46 = vector.load %arg6[%get3A_44, %get3A_45] : memref<1x128xf32, #tpu.memory_space<vmem>>, vector<1x128xf32>
    %add3A_47 = vector.broadcast %get3A_46 : vector<1x128xf32> to vector<400x128xf32>
    %add3A_48 = arith.addf %dot_general3A_43, %add3A_47 : vector<400x128xf32>
    %mul3A_49 = arith.mulf %add3A_48, %get3A_1 : vector<400x128xf32>
    %mul3A_50 = arith.constant 2.000000e-01 : f32
    %mul3A_51 = vector.broadcast %mul3A_50 : f32 to vector<400x128xf32>
    %mul3A_52 = arith.mulf %mul3A_51, %mul3A_49 : vector<400x128xf32>
    %mul3A_53 = arith.constant 8.000000e-01 : f32
    %mul3A_54 = vector.broadcast %mul3A_53 : f32 to vector<400x128xf32>
    %mul3A_55 = arith.mulf %mul3A_54, %div3A : vector<400x128xf32>
    %add3A_56 = arith.addf %mul3A_52, %mul3A_55 : vector<400x128xf32>
    %get3A_57 = arith.constant 0 : index
    %get3A_58 = arith.constant 0 : index
    %get3A_59 = vector.load %arg7[%get3A_57, %get3A_58] : memref<128x128xf32, #tpu.memory_space<vmem>>, vector<128x128xf32>
    %dot_general3A_60 = arith.constant dense<0.000000e+00> : vector<400x128xf32>
    %dot_general3A_61 = tpu.matmul %add3A_56, %get3A_59, %dot_general3A_60 {dimension_numbers = #tpu.dot_dimension_numbers<[1], [0], [0], [1], [0, 0, 1, 1], [], []>, transpose_lhs_hint = false} : vector<400x128xf32>, vector<128x128xf32>, vector<400x128xf32> -> vector<400x128xf32>
    %get3A_62 = arith.constant 0 : index
    %get3A_63 = arith.constant 0 : index
    %get3A_64 = vector.load %arg8[%get3A_62, %get3A_63] : memref<1x128xf32, #tpu.memory_space<vmem>>, vector<1x128xf32>
    %add3A_65 = vector.broadcast %get3A_64 : vector<1x128xf32> to vector<400x128xf32>
    %add3A_66 = arith.addf %dot_general3A_61, %add3A_65 : vector<400x128xf32>
    %mul3A_67 = arith.constant 0.00999999977 : f32
    %mul3A_68 = vector.broadcast %mul3A_67 : f32 to vector<400x128xf32>
    %mul3A_69 = arith.mulf %mul3A_68, %add3A_66 : vector<400x128xf32>
    %max3A = arith.maximumf %add3A_66, %mul3A_69 : vector<400x128xf32>
    %get3A_70 = arith.constant 0 : index
    %get3A_71 = arith.constant 0 : index
    %get3A_72 = vector.load %arg9[%get3A_70, %get3A_71] : memref<128x128xf32, #tpu.memory_space<vmem>>, vector<128x128xf32>
    %dot_general3A_73 = arith.constant dense<0.000000e+00> : vector<400x128xf32>
    %dot_general3A_74 = tpu.matmul %max3A, %get3A_72, %dot_general3A_73 {dimension_numbers = #tpu.dot_dimension_numbers<[1], [0], [0], [1], [0, 0, 1, 1], [], []>, transpose_lhs_hint = false} : vector<400x128xf32>, vector<128x128xf32>, vector<400x128xf32> -> vector<400x128xf32>
    %get3A_75 = arith.constant 0 : index
    %get3A_76 = arith.constant 0 : index
    %get3A_77 = vector.load %arg10[%get3A_75, %get3A_76] : memref<1x128xf32, #tpu.memory_space<vmem>>, vector<1x128xf32>
    %add3A_78 = vector.broadcast %get3A_77 : vector<1x128xf32> to vector<400x128xf32>
    %add3A_79 = arith.addf %dot_general3A_74, %add3A_78 : vector<400x128xf32>
    %max3A_80 = arith.constant 0.000000e+00 : f32
    %max3A_81 = vector.broadcast %max3A_80 : f32 to vector<400x128xf32>
    %max3A_82 = arith.maximumf %add3A_79, %max3A_81 : vector<400x128xf32>
    %get3A_83 = arith.constant 0 : index
    %get3A_84 = arith.constant 0 : index
    %get3A_85 = vector.load %arg11[%get3A_83, %get3A_84] : memref<128x128xf32, #tpu.memory_space<vmem>>, vector<128x128xf32>
    %dot_general3A_86 = arith.constant dense<0.000000e+00> : vector<12800x128xf32>
    %dot_general3A_87 = tpu.matmul %reshape3A, %get3A_85, %dot_general3A_86 {dimension_numbers = #tpu.dot_dimension_numbers<[1], [0], [0], [1], [0, 0, 1, 1], [], []>, transpose_lhs_hint = false} : vector<12800x128xf32>, vector<128x128xf32>, vector<12800x128xf32> -> vector<12800x128xf32>
    %get3A_88 = arith.constant 0 : index
    %get3A_89 = arith.constant 0 : index
    %get3A_90 = vector.load %arg12[%get3A_88, %get3A_89] : memref<1x128xf32, #tpu.memory_space<vmem>>, vector<1x128xf32>
    %add3A_91 = vector.broadcast %get3A_90 : vector<1x128xf32> to vector<12800x128xf32>
    %add3A_92 = arith.addf %dot_general3A_87, %add3A_91 : vector<12800x128xf32>
    %reshape3A_93 = vector.shape_cast %add3A_92 : vector<12800x128xf32> to vector<32x400x128xf32>
    %mul3A_94 = vector.broadcast %broadcast_in_dim3A_22 : vector<32x400x1xf32> to vector<32x400x128xf32>
    %mul3A_95 = arith.mulf %reshape3A_93, %mul3A_94 : vector<32x400x128xf32>
    %exp23A_96 = math.exp2 %mul3A_95 : vector<32x400x128xf32>
    %reduce_sum3A_97 = arith.constant dense<0.000000e+00> : vector<400x128xf32>
    %reduce_sum3A_98 = vector.multi_reduction <add>, %exp23A_96, %reduce_sum3A_97 [0] : vector<32x400x128xf32> to vector<400x128xf32>
    %mul3A_99 = arith.mulf %exp23A_96, %get3A_5 : vector<32x400x128xf32>
    %reduce_sum3A_100 = arith.constant dense<0.000000e+00> : vector<400x128xf32>
    %reduce_sum3A_101 = vector.multi_reduction <add>, %mul3A_99, %reduce_sum3A_100 [0] : vector<32x400x128xf32> to vector<400x128xf32>
    %div3A_102 = arith.divf %reduce_sum3A_101, %reduce_sum3A_98 : vector<400x128xf32>
    %get3A_103 = arith.constant 0 : index
    %get3A_104 = arith.constant 0 : index
    %get3A_105 = vector.load %arg13[%get3A_103, %get3A_104] : memref<128x128xf32, #tpu.memory_space<vmem>>, vector<128x128xf32>
    %dot_general3A_106 = arith.constant dense<0.000000e+00> : vector<400x128xf32>
    %dot_general3A_107 = tpu.matmul %max3A_82, %get3A_105, %dot_general3A_106 {dimension_numbers = #tpu.dot_dimension_numbers<[1], [0], [0], [1], [0, 0, 1, 1], [], []>, transpose_lhs_hint = false} : vector<400x128xf32>, vector<128x128xf32>, vector<400x128xf32> -> vector<400x128xf32>
    %get3A_108 = arith.constant 0 : index
    %get3A_109 = arith.constant 0 : index
    %get3A_110 = vector.load %arg14[%get3A_108, %get3A_109] : memref<1x128xf32, #tpu.memory_space<vmem>>, vector<1x128xf32>
    %add3A_111 = vector.broadcast %get3A_110 : vector<1x128xf32> to vector<400x128xf32>
    %add3A_112 = arith.addf %dot_general3A_107, %add3A_111 : vector<400x128xf32>
    %mul3A_113 = arith.mulf %add3A_112, %max3A_82 : vector<400x128xf32>
    %mul3A_114 = arith.constant 2.000000e-01 : f32
    %mul3A_115 = vector.broadcast %mul3A_114 : f32 to vector<400x128xf32>
    %mul3A_116 = arith.mulf %mul3A_115, %mul3A_113 : vector<400x128xf32>
    %mul3A_117 = arith.constant 8.000000e-01 : f32
    %mul3A_118 = vector.broadcast %mul3A_117 : f32 to vector<400x128xf32>
    %mul3A_119 = arith.mulf %mul3A_118, %div3A_102 : vector<400x128xf32>
    %add3A_120 = arith.addf %mul3A_116, %mul3A_119 : vector<400x128xf32>
    %get3A_121 = arith.constant 0 : index
    %get3A_122 = arith.constant 0 : index
    %get3A_123 = vector.load %arg15[%get3A_121, %get3A_122] : memref<128x128xf32, #tpu.memory_space<vmem>>, vector<128x128xf32>
    %dot_general3A_124 = arith.constant dense<0.000000e+00> : vector<400x128xf32>
    %dot_general3A_125 = tpu.matmul %add3A_120, %get3A_123, %dot_general3A_124 {dimension_numbers = #tpu.dot_dimension_numbers<[1], [0], [0], [1], [0, 0, 1, 1], [], []>, transpose_lhs_hint = false} : vector<400x128xf32>, vector<128x128xf32>, vector<400x128xf32> -> vector<400x128xf32>
    %get3A_126 = arith.constant 0 : index
    %get3A_127 = arith.constant 0 : index
    %get3A_128 = vector.load %arg16[%get3A_126, %get3A_127] : memref<1x128xf32, #tpu.memory_space<vmem>>, vector<1x128xf32>
    %add3A_129 = vector.broadcast %get3A_128 : vector<1x128xf32> to vector<400x128xf32>
    %add3A_130 = arith.addf %dot_general3A_125, %add3A_129 : vector<400x128xf32>
    %mul3A_131 = arith.constant 0.00999999977 : f32
    %mul3A_132 = vector.broadcast %mul3A_131 : f32 to vector<400x128xf32>
    %mul3A_133 = arith.mulf %mul3A_132, %add3A_130 : vector<400x128xf32>
    %max3A_134 = arith.maximumf %add3A_130, %mul3A_133 : vector<400x128xf32>
    %get3A_135 = arith.constant 0 : index
    %get3A_136 = arith.constant 0 : index
    %get3A_137 = vector.load %arg17[%get3A_135, %get3A_136] : memref<128x64xf32, #tpu.memory_space<vmem>>, vector<128x64xf32>
    %dot_general3A_138 = arith.constant dense<0.000000e+00> : vector<400x64xf32>
    %dot_general3A_139 = tpu.matmul %max3A_134, %get3A_137, %dot_general3A_138 {dimension_numbers = #tpu.dot_dimension_numbers<[1], [0], [0], [1], [0, 0, 1, 1], [], []>, transpose_lhs_hint = false} : vector<400x128xf32>, vector<128x64xf32>, vector<400x64xf32> -> vector<400x64xf32>
    %get3A_140 = arith.constant 0 : index
    %get3A_141 = arith.constant 0 : index
    %get3A_142 = vector.load %arg18[%get3A_140, %get3A_141] : memref<1x64xf32, #tpu.memory_space<vmem>>, vector<1x64xf32>
    %add3A_143 = vector.broadcast %get3A_142 : vector<1x64xf32> to vector<400x64xf32>
    %add3A_144 = arith.addf %dot_general3A_139, %add3A_143 : vector<400x64xf32>
    %max3A_145 = arith.constant 0.000000e+00 : f32
    %max3A_146 = vector.broadcast %max3A_145 : f32 to vector<400x64xf32>
    %max3A_147 = arith.maximumf %add3A_144, %max3A_146 : vector<400x64xf32>
    %swap3A_148 = arith.constant 0 : index
    %swap3A_149 = arith.constant 0 : index
    %swap3A_150 = vector.load %arg19[%swap3A_148, %swap3A_149] : memref<400x64xf32, #tpu.memory_space<vmem>>, vector<400x64xf32>
    tpu.vector_store %arg19[%swap3A_148, %swap3A_149], %max3A_147 {strides = array<i32>} : memref<400x64xf32, #tpu.memory_space<vmem>>, vector<400x64xf32>,
    return
  }
  func.func @transform_0(%arg0: i32) -> (i32, i32) {
    %add3A = arith.constant 5 : i32
    %add3A_0 = arith.addi %arg0, %add3A : i32
    %c0_i32 = arith.constant 0 : i32
    %c0_i32_1 = arith.constant 0 : i32
    return %add3A_0, %c0_i32 : i32, i32
  }
  func.func @transform_1(%arg0: i32) -> (i32, i32, i32) {
    %c0_i32 = arith.constant 0 : i32
    %c0_i32_0 = arith.constant 0 : i32
    %c0_i32_1 = arith.constant 0 : i32
    return %c0_i32, %arg0, %c0_i32_0 : i32, i32, i32
  }
  func.func @transform_2(%arg0: i32) -> (i32, i32) {
    %c0_i32 = arith.constant 0 : i32
    %c0_i32_0 = arith.constant 0 : i32
    %c0_i32_1 = arith.constant 0 : i32
    return %c0_i32, %c0_i32_0 : i32, i32
  }
  func.func @transform_3(%arg0: i32) -> (i32, i32) {
    %c0_i32 = arith.constant 0 : i32
    %c0_i32_0 = arith.constant 0 : i32
    %c0_i32_1 = arith.constant 0 : i32
    return %c0_i32, %c0_i32_0 : i32, i32
  }
  func.func @transform_4(%arg0: i32) -> (i32, i32) {
    %c0_i32 = arith.constant 0 : i32
    %c0_i32_0 = arith.constant 0 : i32
    %c0_i32_1 = arith.constant 0 : i32
    return %c0_i32, %c0_i32_0 : i32, i32
  }
  func.func @transform_5(%arg0: i32) -> (i32, i32) {
    %c0_i32 = arith.constant 0 : i32
    %c0_i32_0 = arith.constant 0 : i32
    %c0_i32_1 = arith.constant 0 : i32
    return %c0_i32, %c0_i32_0 : i32, i32
  }
  func.func @transform_6(%arg0: i32) -> (i32, i32) {
    %c0_i32 = arith.constant 0 : i32
    %c0_i32_0 = arith.constant 0 : i32
    %c0_i32_1 = arith.constant 0 : i32
    return %c0_i32, %c0_i32_0 : i32, i32
  }
  func.func @transform_7(%arg0: i32) -> (i32, i32) {
    %c0_i32 = arith.constant 0 : i32
    %c0_i32_0 = arith.constant 0 : i32
    %c0_i32_1 = arith.constant 0 : i32
    return %c0_i32, %c0_i32_0 : i32, i32
  }
  func.func @transform_8(%arg0: i32) -> (i32, i32) {
    %c0_i32 = arith.constant 0 : i32
    %c0_i32_0 = arith.constant 0 : i32
    %c0_i32_1 = arith.constant 0 : i32
    return %c0_i32, %c0_i32_0 : i32, i32
  }
  func.func @transform_9(%arg0: i32) -> (i32, i32) {
    %c0_i32 = arith.constant 0 : i32
    %c0_i32_0 = arith.constant 0 : i32
    %c0_i32_1 = arith.constant 0 : i32
    return %c0_i32, %c0_i32_0 : i32, i32
  }
  func.func @transform_10(%arg0: i32) -> (i32, i32) {
    %c0_i32 = arith.constant 0 : i32
    %c0_i32_0 = arith.constant 0 : i32
    %c0_i32_1 = arith.constant 0 : i32
    return %c0_i32, %c0_i32_0 : i32, i32
  }
  func.func @transform_11(%arg0: i32) -> (i32, i32) {
    %c0_i32 = arith.constant 0 : i32
    %c0_i32_0 = arith.constant 0 : i32
    %c0_i32_1 = arith.constant 0 : i32
    return %c0_i32, %c0_i32_0 : i32, i32
  }
  func.func @transform_12(%arg0: i32) -> (i32, i32) {
    %c0_i32 = arith.constant 0 : i32
    %c0_i32_0 = arith.constant 0 : i32
    %c0_i32_1 = arith.constant 0 : i32
    return %c0_i32, %c0_i32_0 : i32, i32
  }
  func.func @transform_13(%arg0: i32) -> (i32, i32) {
    %c0_i32 = arith.constant 0 : i32
    %c0_i32_0 = arith.constant 0 : i32
    %c0_i32_1 = arith.constant 0 : i32
    return %c0_i32, %c0_i32_0 : i32, i32
  }
  func.func @transform_14(%arg0: i32) -> (i32, i32) {
    %c0_i32 = arith.constant 0 : i32
    %c0_i32_0 = arith.constant 0 : i32
    %c0_i32_1 = arith.constant 0 : i32
    return %c0_i32, %c0_i32_0 : i32, i32
  }
  func.func @transform_15(%arg0: i32) -> (i32, i32) {
    %c0_i32 = arith.constant 0 : i32
    %c0_i32_0 = arith.constant 0 : i32
    %c0_i32_1 = arith.constant 0 : i32
    return %c0_i32, %c0_i32_0 : i32, i32
  }
  func.func @transform_16(%arg0: i32) -> (i32, i32) {
    %c0_i32 = arith.constant 0 : i32
    %c0_i32_0 = arith.constant 0 : i32
    %c0_i32_1 = arith.constant 0 : i32
    return %c0_i32, %c0_i32_0 : i32, i32
  }
  func.func @transform_17(%arg0: i32) -> (i32, i32) {
    %c0_i32 = arith.constant 0 : i32
    %c0_i32_0 = arith.constant 0 : i32
    %c0_i32_1 = arith.constant 0 : i32
    return %c0_i32, %c0_i32_0 : i32, i32
  }
  func.func @transform_18(%arg0: i32) -> (i32, i32) {
    %c0_i32 = arith.constant 0 : i32
    %c0_i32_0 = arith.constant 0 : i32
    return %arg0, %c0_i32 : i32, i32
  }
}

module attributes {stable_mosaic.version = 14 : i64} {
  func.func @_tc_body(%arg0: i32, %arg1: memref<400x128xf32, #tpu.memory_space<vmem>>, %arg2: memref<32x400x128xf32, #tpu.memory_space<vmem>>, %arg3: memref<128x128xf32, #tpu.memory_space<vmem>>, %arg4: memref<1x128xf32, #tpu.memory_space<vmem>>, %arg5: memref<128x128xf32, #tpu.memory_space<vmem>>, %arg6: memref<1x128xf32, #tpu.memory_space<vmem>>, %arg7: memref<128x128xf32, #tpu.memory_space<vmem>>, %arg8: memref<1x128xf32, #tpu.memory_space<vmem>>, %arg9: memref<128x128xf32, #tpu.memory_space<vmem>>, %arg10: memref<1x128xf32, #tpu.memory_space<vmem>>, %arg11: memref<128x128xf32, #tpu.memory_space<vmem>>, %arg12: memref<1x128xf32, #tpu.memory_space<vmem>>, %arg13: memref<128x128xf32, #tpu.memory_space<vmem>>, %arg14: memref<1x128xf32, #tpu.memory_space<vmem>>, %arg15: memref<128x128xf32, #tpu.memory_space<vmem>>, %arg16: memref<1x128xf32, #tpu.memory_space<vmem>>, %arg17: memref<128x64xf32, #tpu.memory_space<vmem>>, %arg18: memref<1x64xf32, #tpu.memory_space<vmem>>, %arg19: memref<400x64xf32, #tpu.memory_space<vmem>>, %arg20: memref<32x400xf32, #tpu.memory_space<vmem>>) attributes {dimension_semantics = [#tpu.dimension_semantics<arbitrary>], iteration_bounds = array<i64: 5>, scalar_prefetch = 0 : i64, scratch_operands = 1 : i64, tpu.core_type = #tpu.core_type<tc>, window_params = [{transform_indices = @transform_0, window_bounds = array<i64: 400, 128>}, {transform_indices = @transform_1, window_bounds = array<i64: 32, 400, 128>}, {pipeline_mode = #tpu.pipeline_mode<synchronous>, transform_indices = @transform_2, window_bounds = array<i64: 128, 128>}, {pipeline_mode = #tpu.pipeline_mode<synchronous>, transform_indices = @transform_3, window_bounds = array<i64: 1, 128>}, {pipeline_mode = #tpu.pipeline_mode<synchronous>, transform_indices = @transform_4, window_bounds = array<i64: 128, 128>}, {pipeline_mode = #tpu.pipeline_mode<synchronous>, transform_indices = @transform_5, window_bounds = array<i64: 1, 128>}, {pipeline_mode = #tpu.pipeline_mode<synchronous>, transform_indices = @transform_6, window_bounds = array<i64: 128, 128>}, {pipeline_mode = #tpu.pipeline_mode<synchronous>, transform_indices = @transform_7, window_bounds = array<i64: 1, 128>}, {pipeline_mode = #tpu.pipeline_mode<synchronous>, transform_indices = @transform_8, window_bounds = array<i64: 128, 128>}, {pipeline_mode = #tpu.pipeline_mode<synchronous>, transform_indices = @transform_9, window_bounds = array<i64: 1, 128>}, {pipeline_mode = #tpu.pipeline_mode<synchronous>, transform_indices = @transform_10, window_bounds = array<i64: 128, 128>}, {pipeline_mode = #tpu.pipeline_mode<synchronous>, transform_indices = @transform_11, window_bounds = array<i64: 1, 128>}, {pipeline_mode = #tpu.pipeline_mode<synchronous>, transform_indices = @transform_12, window_bounds = array<i64: 128, 128>}, {pipeline_mode = #tpu.pipeline_mode<synchronous>, transform_indices = @transform_13, window_bounds = array<i64: 1, 128>}, {pipeline_mode = #tpu.pipeline_mode<synchronous>, transform_indices = @transform_14, window_bounds = array<i64: 128, 128>}, {pipeline_mode = #tpu.pipeline_mode<synchronous>, transform_indices = @transform_15, window_bounds = array<i64: 1, 128>}, {pipeline_mode = #tpu.pipeline_mode<synchronous>, transform_indices = @transform_16, window_bounds = array<i64: 128, 64>}, {pipeline_mode = #tpu.pipeline_mode<synchronous>, transform_indices = @transform_17, window_bounds = array<i64: 1, 64>}, {transform_indices = @transform_18, window_bounds = array<i64: 400, 64>}]} {
    %get3A = arith.constant 0 : index
    %get3A_0 = arith.constant 0 : index
    %get3A_1 = vector.load %arg1[%get3A, %get3A_0] : memref<400x128xf32, #tpu.memory_space<vmem>>, vector<400x128xf32>
    %get3A_2 = arith.constant 0 : index
    %get3A_3 = arith.constant 0 : index
    %get3A_4 = arith.constant 0 : index
    %get3A_5 = vector.load %arg2[%get3A_2, %get3A_3, %get3A_4] : memref<32x400x128xf32, #tpu.memory_space<vmem>>, vector<32x400x128xf32>
    %reshape3A = vector.shape_cast %get3A_5 : vector<32x400x128xf32> to vector<12800x128xf32>
    %broadcast_in_dim3A = vector.shape_cast %get3A_1 : vector<400x128xf32> to vector<1x400x128xf32>
    %sub3A = vector.broadcast %broadcast_in_dim3A : vector<1x400x128xf32> to vector<32x400x128xf32>
    %sub3A_6 = arith.subf %sub3A, %get3A_5 : vector<32x400x128xf32>
    %mul3A = arith.mulf %sub3A_6, %sub3A_6 : vector<32x400x128xf32>
    %reduce_sum3A = arith.constant dense<0.000000e+00> : vector<32x400xf32>
    %reduce_sum3A_7 = vector.multi_reduction <add>, %mul3A, %reduce_sum3A [2] : vector<32x400x128xf32> to vector<32x400xf32>
    %swap3A = arith.constant 0 : index
    %swap3A_8 = arith.constant 0 : index
    %swap3A_9 = vector.load %arg20[%swap3A, %swap3A_8] : memref<32x400xf32, #tpu.memory_space<vmem>>, vector<32x400xf32>
    tpu.vector_store %arg20[%swap3A, %swap3A_8], %reduce_sum3A_7 {strides = array<i32>} : memref<32x400xf32, #tpu.memory_space<vmem>>, vector<32x400xf32>,
    %get3A_10 = arith.constant 0 : index
    %get3A_11 = arith.constant 0 : index
    %get3A_12 = vector.load %arg20[%get3A_10, %get3A_11] : memref<32x400xf32, #tpu.memory_space<vmem>>, vector<32x400xf32>
    %sqrt3A = math.sqrt %get3A_12 : vector<32x400xf32>
    %mul3A_13 = arith.constant 4.000000e-03 : f32
    %mul3A_14 = vector.broadcast %mul3A_13 : f32 to vector<32x400xf32>
    %mul3A_15 = arith.mulf %sqrt3A, %mul3A_14 : vector<32x400xf32>
    %mul3A_16 = arith.constant -3.000000e-01 : f32
    %mul3A_17 = vector.broadcast %mul3A_16 : f32 to vector<32x400xf32>
    %mul3A_18 = arith.mulf %mul3A_17, %mul3A_15 : vector<32x400xf32>
    %exp3A = math.exp %mul3A_18 : vector<32x400xf32>
    %mul3A_19 = arith.constant 1.44269502 : f32
    %mul3A_20 = vector.broadcast %mul3A_19 : f32 to vector<32x400xf32>
    %mul3A_21 = arith.mulf %exp3A, %mul3A_20 : vector<32x400xf32>
    %broadcast_in_dim3A_22 = vector.shape_cast %mul3A_21 : vector<32x400xf32> to vector<32x400x1xf32>
    %get3A_23 = arith.constant 0 : index
    %get3A_24 = arith.constant 0 : index
    %get3A_25 = vector.load %arg3[%get3A_23, %get3A_24] : memref<128x128xf32, #tpu.memory_space<vmem>>, vector<128x128xf32>
    %dot_general3A = arith.constant dense<0.000000e+00> : vector<12800x128xf32>
    %dot_general3A_26 = tpu.matmul %reshape3A, %get3A_25, %dot_general3A {dimension_numbers = #tpu.dot_dimension_numbers<[1], [0], [0], [1], [0, 0, 1, 1], [], []>, transpose_lhs_hint = false} : vector<12800x128xf32>, vector<128x128xf32>, vector<12800x128xf32> -> vector<12800x128xf32>
    %get3A_27 = arith.constant 0 : index
    %get3A_28 = arith.constant 0 : index
    %get3A_29 = vector.load %arg4[%get3A_27, %get3A_28] : memref<1x128xf32, #tpu.memory_space<vmem>>, vector<1x128xf32>
    %add3A = vector.broadcast %get3A_29 : vector<1x128xf32> to vector<12800x128xf32>
    %add3A_30 = arith.addf %dot_general3A_26, %add3A : vector<12800x128xf32>
    %reshape3A_31 = vector.shape_cast %add3A_30 : vector<12800x128xf32> to vector<32x400x128xf32>
    %mul3A_32 = vector.broadcast %broadcast_in_dim3A_22 : vector<32x400x1xf32> to vector<32x400x128xf32>
    %mul3A_33 = arith.mulf %reshape3A_31, %mul3A_32 : vector<32x400x128xf32>
    %exp23A = math.exp2 %mul3A_33 : vector<32x400x128xf32>
    %reduce_sum3A_34 = arith.constant dense<0.000000e+00> : vector<400x128xf32>
    %reduce_sum3A_35 = vector.multi_reduction <add>, %exp23A, %reduce_sum3A_34 [0] : vector<32x400x128xf32> to vector<400x128xf32>
    %mul3A_36 = arith.mulf %exp23A, %get3A_5 : vector<32x400x128xf32>
    %reduce_sum3A_37 = arith.constant dense<0.000000e+00> : vector<400x128xf32>
    %reduce_sum3A_38 = vector.multi_reduction <add>, %mul3A_36, %reduce_sum3A_37 [0] : vector<32x400x128xf32> to vector<400x128xf32>
    %div3A = arith.divf %reduce_sum3A_38, %reduce_sum3A_35 : vector<400x128xf32>
    %get3A_39 = arith.constant 0 : index
    %get3A_40 = arith.constant 0 : index
    %get3A_41 = vector.load %arg5[%get3A_39, %get3A_40] : memref<128x128xf32, #tpu.memory_space<vmem>>, vector<128x128xf32>
    %dot_general3A_42 = arith.constant dense<0.000000e+00> : vector<400x128xf32>
    %dot_general3A_43 = tpu.matmul %get3A_1, %get3A_41, %dot_general3A_42 {dimension_numbers = #tpu.dot_dimension_numbers<[1], [0], [0], [1], [0, 0, 1, 1], [], []>, transpose_lhs_hint = false} : vector<400x128xf32>, vector<128x128xf32>, vector<400x128xf32> -> vector<400x128xf32>
    %get3A_44 = arith.constant 0 : index
    %get3A_45 = arith.constant 0 : index
    %get3A_46 = vector.load %arg6[%get3A_44, %get3A_45] : memref<1x128xf32, #tpu.memory_space<vmem>>, vector<1x128xf32>
    %add3A_47 = vector.broadcast %get3A_46 : vector<1x128xf32> to vector<400x128xf32>
    %add3A_48 = arith.addf %dot_general3A_43, %add3A_47 : vector<400x128xf32>
    %mul3A_49 = arith.mulf %add3A_48, %get3A_1 : vector<400x128xf32>
    %mul3A_50 = arith.constant 2.000000e-01 : f32
    %mul3A_51 = vector.broadcast %mul3A_50 : f32 to vector<400x128xf32>
    %mul3A_52 = arith.mulf %mul3A_51, %mul3A_49 : vector<400x128xf32>
    %mul3A_53 = arith.constant 8.000000e-01 : f32
    %mul3A_54 = vector.broadcast %mul3A_53 : f32 to vector<400x128xf32>
    %mul3A_55 = arith.mulf %mul3A_54, %div3A : vector<400x128xf32>
    %add3A_56 = arith.addf %mul3A_52, %mul3A_55 : vector<400x128xf32>
    %get3A_57 = arith.constant 0 : index
    %get3A_58 = arith.constant 0 : index
    %get3A_59 = vector.load %arg7[%get3A_57, %get3A_58] : memref<128x128xf32, #tpu.memory_space<vmem>>, vector<128x128xf32>
    %dot_general3A_60 = arith.constant dense<0.000000e+00> : vector<400x128xf32>
    %dot_general3A_61 = tpu.matmul %add3A_56, %get3A_59, %dot_general3A_60 {dimension_numbers = #tpu.dot_dimension_numbers<[1], [0], [0], [1], [0, 0, 1, 1], [], []>, transpose_lhs_hint = false} : vector<400x128xf32>, vector<128x128xf32>, vector<400x128xf32> -> vector<400x128xf32>
    %get3A_62 = arith.constant 0 : index
    %get3A_63 = arith.constant 0 : index
    %get3A_64 = vector.load %arg8[%get3A_62, %get3A_63] : memref<1x128xf32, #tpu.memory_space<vmem>>, vector<1x128xf32>
    %add3A_65 = vector.broadcast %get3A_64 : vector<1x128xf32> to vector<400x128xf32>
    %add3A_66 = arith.addf %dot_general3A_61, %add3A_65 : vector<400x128xf32>
    %mul3A_67 = arith.constant 0.00999999977 : f32
    %mul3A_68 = vector.broadcast %mul3A_67 : f32 to vector<400x128xf32>
    %mul3A_69 = arith.mulf %mul3A_68, %add3A_66 : vector<400x128xf32>
    %max3A = arith.maximumf %add3A_66, %mul3A_69 : vector<400x128xf32>
    %get3A_70 = arith.constant 0 : index
    %get3A_71 = arith.constant 0 : index
    %get3A_72 = vector.load %arg9[%get3A_70, %get3A_71] : memref<128x128xf32, #tpu.memory_space<vmem>>, vector<128x128xf32>
    %dot_general3A_73 = arith.constant dense<0.000000e+00> : vector<400x128xf32>
    %dot_general3A_74 = tpu.matmul %max3A, %get3A_72, %dot_general3A_73 {dimension_numbers = #tpu.dot_dimension_numbers<[1], [0], [0], [1], [0, 0, 1, 1], [], []>, transpose_lhs_hint = false} : vector<400x128xf32>, vector<128x128xf32>, vector<400x128xf32> -> vector<400x128xf32>
    %get3A_75 = arith.constant 0 : index
    %get3A_76 = arith.constant 0 : index
    %get3A_77 = vector.load %arg10[%get3A_75, %get3A_76] : memref<1x128xf32, #tpu.memory_space<vmem>>, vector<1x128xf32>
    %add3A_78 = vector.broadcast %get3A_77 : vector<1x128xf32> to vector<400x128xf32>
    %add3A_79 = arith.addf %dot_general3A_74, %add3A_78 : vector<400x128xf32>
    %max3A_80 = arith.constant 0.000000e+00 : f32
    %max3A_81 = vector.broadcast %max3A_80 : f32 to vector<400x128xf32>
    %max3A_82 = arith.maximumf %add3A_79, %max3A_81 : vector<400x128xf32>
    %get3A_83 = arith.constant 0 : index
    %get3A_84 = arith.constant 0 : index
    %get3A_85 = vector.load %arg11[%get3A_83, %get3A_84] : memref<128x128xf32, #tpu.memory_space<vmem>>, vector<128x128xf32>
    %dot_general3A_86 = arith.constant dense<0.000000e+00> : vector<12800x128xf32>
    %dot_general3A_87 = tpu.matmul %reshape3A, %get3A_85, %dot_general3A_86 {dimension_numbers = #tpu.dot_dimension_numbers<[1], [0], [0], [1], [0, 0, 1, 1], [], []>, transpose_lhs_hint = false} : vector<12800x128xf32>, vector<128x128xf32>, vector<12800x128xf32> -> vector<12800x128xf32>
    %get3A_88 = arith.constant 0 : index
    %get3A_89 = arith.constant 0 : index
    %get3A_90 = vector.load %arg12[%get3A_88, %get3A_89] : memref<1x128xf32, #tpu.memory_space<vmem>>, vector<1x128xf32>
    %add3A_91 = vector.broadcast %get3A_90 : vector<1x128xf32> to vector<12800x128xf32>
    %add3A_92 = arith.addf %dot_general3A_87, %add3A_91 : vector<12800x128xf32>
    %reshape3A_93 = vector.shape_cast %add3A_92 : vector<12800x128xf32> to vector<32x400x128xf32>
    %mul3A_94 = vector.broadcast %broadcast_in_dim3A_22 : vector<32x400x1xf32> to vector<32x400x128xf32>
    %mul3A_95 = arith.mulf %reshape3A_93, %mul3A_94 : vector<32x400x128xf32>
    %exp23A_96 = math.exp2 %mul3A_95 : vector<32x400x128xf32>
    %reduce_sum3A_97 = arith.constant dense<0.000000e+00> : vector<400x128xf32>
    %reduce_sum3A_98 = vector.multi_reduction <add>, %exp23A_96, %reduce_sum3A_97 [0] : vector<32x400x128xf32> to vector<400x128xf32>
    %mul3A_99 = arith.mulf %exp23A_96, %get3A_5 : vector<32x400x128xf32>
    %reduce_sum3A_100 = arith.constant dense<0.000000e+00> : vector<400x128xf32>
    %reduce_sum3A_101 = vector.multi_reduction <add>, %mul3A_99, %reduce_sum3A_100 [0] : vector<32x400x128xf32> to vector<400x128xf32>
    %div3A_102 = arith.divf %reduce_sum3A_101, %reduce_sum3A_98 : vector<400x128xf32>
    %get3A_103 = arith.constant 0 : index
    %get3A_104 = arith.constant 0 : index
    %get3A_105 = vector.load %arg13[%get3A_103, %get3A_104] : memref<128x128xf32, #tpu.memory_space<vmem>>, vector<128x128xf32>
    %dot_general3A_106 = arith.constant dense<0.000000e+00> : vector<400x128xf32>
    %dot_general3A_107 = tpu.matmul %max3A_82, %get3A_105, %dot_general3A_106 {dimension_numbers = #tpu.dot_dimension_numbers<[1], [0], [0], [1], [0, 0, 1, 1], [], []>, transpose_lhs_hint = false} : vector<400x128xf32>, vector<128x128xf32>, vector<400x128xf32> -> vector<400x128xf32>
    %get3A_108 = arith.constant 0 : index
    %get3A_109 = arith.constant 0 : index
    %get3A_110 = vector.load %arg14[%get3A_108, %get3A_109] : memref<1x128xf32, #tpu.memory_space<vmem>>, vector<1x128xf32>
    %add3A_111 = vector.broadcast %get3A_110 : vector<1x128xf32> to vector<400x128xf32>
    %add3A_112 = arith.addf %dot_general3A_107, %add3A_111 : vector<400x128xf32>
    %mul3A_113 = arith.mulf %add3A_112, %max3A_82 : vector<400x128xf32>
    %mul3A_114 = arith.constant 2.000000e-01 : f32
    %mul3A_115 = vector.broadcast %mul3A_114 : f32 to vector<400x128xf32>
    %mul3A_116 = arith.mulf %mul3A_115, %mul3A_113 : vector<400x128xf32>
    %mul3A_117 = arith.constant 8.000000e-01 : f32
    %mul3A_118 = vector.broadcast %mul3A_117 : f32 to vector<400x128xf32>
    %mul3A_119 = arith.mulf %mul3A_118, %div3A_102 : vector<400x128xf32>
    %add3A_120 = arith.addf %mul3A_116, %mul3A_119 : vector<400x128xf32>
    %get3A_121 = arith.constant 0 : index
    %get3A_122 = arith.constant 0 : index
    %get3A_123 = vector.load %arg15[%get3A_121, %get3A_122] : memref<128x128xf32, #tpu.memory_space<vmem>>, vector<128x128xf32>
    %dot_general3A_124 = arith.constant dense<0.000000e+00> : vector<400x128xf32>
    %dot_general3A_125 = tpu.matmul %add3A_120, %get3A_123, %dot_general3A_124 {dimension_numbers = #tpu.dot_dimension_numbers<[1], [0], [0], [1], [0, 0, 1, 1], [], []>, transpose_lhs_hint = false} : vector<400x128xf32>, vector<128x128xf32>, vector<400x128xf32> -> vector<400x128xf32>
    %get3A_126 = arith.constant 0 : index
    %get3A_127 = arith.constant 0 : index
    %get3A_128 = vector.load %arg16[%get3A_126, %get3A_127] : memref<1x128xf32, #tpu.memory_space<vmem>>, vector<1x128xf32>
    %add3A_129 = vector.broadcast %get3A_128 : vector<1x128xf32> to vector<400x128xf32>
    %add3A_130 = arith.addf %dot_general3A_125, %add3A_129 : vector<400x128xf32>
    %mul3A_131 = arith.constant 0.00999999977 : f32
    %mul3A_132 = vector.broadcast %mul3A_131 : f32 to vector<400x128xf32>
    %mul3A_133 = arith.mulf %mul3A_132, %add3A_130 : vector<400x128xf32>
    %max3A_134 = arith.maximumf %add3A_130, %mul3A_133 : vector<400x128xf32>
    %get3A_135 = arith.constant 0 : index
    %get3A_136 = arith.constant 0 : index
    %get3A_137 = vector.load %arg17[%get3A_135, %get3A_136] : memref<128x64xf32, #tpu.memory_space<vmem>>, vector<128x64xf32>
    %dot_general3A_138 = arith.constant dense<0.000000e+00> : vector<400x64xf32>
    %dot_general3A_139 = tpu.matmul %max3A_134, %get3A_137, %dot_general3A_138 {dimension_numbers = #tpu.dot_dimension_numbers<[1], [0], [0], [1], [0, 0, 1, 1], [], []>, transpose_lhs_hint = false} : vector<400x128xf32>, vector<128x64xf32>, vector<400x64xf32> -> vector<400x64xf32>
    %get3A_140 = arith.constant 0 : index
    %get3A_141 = arith.constant 0 : index
    %get3A_142 = vector.load %arg18[%get3A_140, %get3A_141] : memref<1x64xf32, #tpu.memory_space<vmem>>, vector<1x64xf32>
    %add3A_143 = vector.broadcast %get3A_142 : vector<1x64xf32> to vector<400x64xf32>
    %add3A_144 = arith.addf %dot_general3A_139, %add3A_143 : vector<400x64xf32>
    %max3A_145 = arith.constant 0.000000e+00 : f32
    %max3A_146 = vector.broadcast %max3A_145 : f32 to vector<400x64xf32>
    %max3A_147 = arith.maximumf %add3A_144, %max3A_146 : vector<400x64xf32>
    %swap3A_148 = arith.constant 0 : index
    %swap3A_149 = arith.constant 0 : index
    %swap3A_150 = vector.load %arg19[%swap3A_148, %swap3A_149] : memref<400x64xf32, #tpu.memory_space<vmem>>, vector<400x64xf32>
    tpu.vector_store %arg19[%swap3A_148, %swap3A_149], %max3A_147 {strides = array<i32>} : memref<400x64xf32, #tpu.memory_space<vmem>>, vector<400x64xf32>,
    return
  }
  func.func @transform_0(%arg0: i32) -> (i32, i32) {
    %add3A = arith.constant 0 : i32
    %add3A_0 = arith.addi %arg0, %add3A : i32
    %c0_i32 = arith.constant 0 : i32
    %c0_i32_1 = arith.constant 0 : i32
    return %add3A_0, %c0_i32 : i32, i32
  }
  func.func @transform_1(%arg0: i32) -> (i32, i32, i32) {
    %c0_i32 = arith.constant 0 : i32
    %c0_i32_0 = arith.constant 0 : i32
    %c0_i32_1 = arith.constant 0 : i32
    return %c0_i32, %arg0, %c0_i32_0 : i32, i32, i32
  }
  func.func @transform_2(%arg0: i32) -> (i32, i32) {
    %c0_i32 = arith.constant 0 : i32
    %c0_i32_0 = arith.constant 0 : i32
    %c0_i32_1 = arith.constant 0 : i32
    return %c0_i32, %c0_i32_0 : i32, i32
  }
  func.func @transform_3(%arg0: i32) -> (i32, i32) {
    %c0_i32 = arith.constant 0 : i32
    %c0_i32_0 = arith.constant 0 : i32
    %c0_i32_1 = arith.constant 0 : i32
    return %c0_i32, %c0_i32_0 : i32, i32
  }
  func.func @transform_4(%arg0: i32) -> (i32, i32) {
    %c0_i32 = arith.constant 0 : i32
    %c0_i32_0 = arith.constant 0 : i32
    %c0_i32_1 = arith.constant 0 : i32
    return %c0_i32, %c0_i32_0 : i32, i32
  }
  func.func @transform_5(%arg0: i32) -> (i32, i32) {
    %c0_i32 = arith.constant 0 : i32
    %c0_i32_0 = arith.constant 0 : i32
    %c0_i32_1 = arith.constant 0 : i32
    return %c0_i32, %c0_i32_0 : i32, i32
  }
  func.func @transform_6(%arg0: i32) -> (i32, i32) {
    %c0_i32 = arith.constant 0 : i32
    %c0_i32_0 = arith.constant 0 : i32
    %c0_i32_1 = arith.constant 0 : i32
    return %c0_i32, %c0_i32_0 : i32, i32
  }
  func.func @transform_7(%arg0: i32) -> (i32, i32) {
    %c0_i32 = arith.constant 0 : i32
    %c0_i32_0 = arith.constant 0 : i32
    %c0_i32_1 = arith.constant 0 : i32
    return %c0_i32, %c0_i32_0 : i32, i32
  }
  func.func @transform_8(%arg0: i32) -> (i32, i32) {
    %c0_i32 = arith.constant 0 : i32
    %c0_i32_0 = arith.constant 0 : i32
    %c0_i32_1 = arith.constant 0 : i32
    return %c0_i32, %c0_i32_0 : i32, i32
  }
  func.func @transform_9(%arg0: i32) -> (i32, i32) {
    %c0_i32 = arith.constant 0 : i32
    %c0_i32_0 = arith.constant 0 : i32
    %c0_i32_1 = arith.constant 0 : i32
    return %c0_i32, %c0_i32_0 : i32, i32
  }
  func.func @transform_10(%arg0: i32) -> (i32, i32) {
    %c0_i32 = arith.constant 0 : i32
    %c0_i32_0 = arith.constant 0 : i32
    %c0_i32_1 = arith.constant 0 : i32
    return %c0_i32, %c0_i32_0 : i32, i32
  }
  func.func @transform_11(%arg0: i32) -> (i32, i32) {
    %c0_i32 = arith.constant 0 : i32
    %c0_i32_0 = arith.constant 0 : i32
    %c0_i32_1 = arith.constant 0 : i32
    return %c0_i32, %c0_i32_0 : i32, i32
  }
  func.func @transform_12(%arg0: i32) -> (i32, i32) {
    %c0_i32 = arith.constant 0 : i32
    %c0_i32_0 = arith.constant 0 : i32
    %c0_i32_1 = arith.constant 0 : i32
    return %c0_i32, %c0_i32_0 : i32, i32
  }
  func.func @transform_13(%arg0: i32) -> (i32, i32) {
    %c0_i32 = arith.constant 0 : i32
    %c0_i32_0 = arith.constant 0 : i32
    %c0_i32_1 = arith.constant 0 : i32
    return %c0_i32, %c0_i32_0 : i32, i32
  }
  func.func @transform_14(%arg0: i32) -> (i32, i32) {
    %c0_i32 = arith.constant 0 : i32
    %c0_i32_0 = arith.constant 0 : i32
    %c0_i32_1 = arith.constant 0 : i32
    return %c0_i32, %c0_i32_0 : i32, i32
  }
  func.func @transform_15(%arg0: i32) -> (i32, i32) {
    %c0_i32 = arith.constant 0 : i32
    %c0_i32_0 = arith.constant 0 : i32
    %c0_i32_1 = arith.constant 0 : i32
    return %c0_i32, %c0_i32_0 : i32, i32
  }
  func.func @transform_16(%arg0: i32) -> (i32, i32) {
    %c0_i32 = arith.constant 0 : i32
    %c0_i32_0 = arith.constant 0 : i32
    %c0_i32_1 = arith.constant 0 : i32
    return %c0_i32, %c0_i32_0 : i32, i32
  }
  func.func @transform_17(%arg0: i32) -> (i32, i32) {
    %c0_i32 = arith.constant 0 : i32
    %c0_i32_0 = arith.constant 0 : i32
    %c0_i32_1 = arith.constant 0 : i32
    return %c0_i32, %c0_i32_0 : i32, i32
  }
  func.func @transform_18(%arg0: i32) -> (i32, i32) {
    %c0_i32 = arith.constant 0 : i32
    %c0_i32_0 = arith.constant 0 : i32
    return %arg0, %c0_i32 : i32, i32
  }
}

</mosaic_0001>

<sc_bundles>
// kernel: kernel.12.cloned.1.call-start
scs
__scs_entry_jumppad:
0x0: {  	(pc) =	sbr.rel $0x88, $3  }
0x1: {  	(tag) =	ssettag $0x0;
	lr =	simm.s32 $0x1  }
0x2: {  	[smem:$0x3F8F] =	sst lr;
	_ =	strace $0xD0000000  }
0x3: {  	_ = 	snop  }
0x4: {  	_ = 	snop  }
0x5: {  	_ = 	snop  }
0x6: {  	_ = 	snop  }
0x7: {  	_ = 	snop  }
__scs_overlays_trampoline_lowered:
0x8: {  	[smem:$0x3F9E] =	sst s0  }
0x9: {  	[smem:$0x3F9F] =	sst s1  }
0xa: {  	[smem:$0x3FA0] =	sst s2  }
0xb: {  	[smem:$0x3FA1] =	sst s3  }
0xc: {  	[smem:$0x3FA2] =	sst s4  }
0xd: {  	[smem:$0x3FA3] =	sst s5  }
0xe: {  	[smem:$0x3FA4] =	sst s6  }
0xf: {  	[smem:$0x3FA5] =	sst s7  }
0x10: {  	[smem:$0x3FA6] =	sst s8  }
0x11: {  	[smem:$0x3FA7] =	sst s9;
	s0 =	simm.s32 @!p0 $0x0  }
0x12: {  	s1 =	sld [smem:$0x3F8D];
	s0 =	simm.s32 @p0 $0x1  }
0x13: {  	[smem:$0x3FA8] =	sst s0;
	s0 =	simm.s32 @!p1 $0x0  }
0x14: {  	s2 =	sld [smem:$0x3F8C];
	s0 =	simm.s32 @p1 $0x1  }
0x15: {  	[smem:$0x3FA9] =	sst s0;
	s0 =	simm.s32 @!p2 $0x0  }
0x16: {  	s3 =	sld [smem:$0x3FDB];
	s0 =	simm.s32 @p2 $0x1  }
0x17: {  	s4 =	simm.s32 $0x1BF5;
	[smem:$0x3FAB] =	sst s0  }
0x18: {  	s0 =	sld [smem:$0x3F8E];
	_ =	swait.ge [sflag:s4], $0x0  }
0x19: {  	s7 =	sld [smem:$0x3F8F]  }
0x1a: {  	s8 =	sadd.s32 $0xFFFFE003, lr  }
0x1b: {  	s9 =	sadd.s32 $0xFFFFFEF7, lr;
	s5 =	simm.s32 $0xFFFFFFFF;
	p2 =	slt.u32 s8, $0xFFFFF086  }
0x1c: {  	p1 =	slt.u32 s9, $0xF7A;
	s5 =	simm.s32 @!p2 $0x0  }
0x1d: {  	s5 =	simm.s32 @p1 $0x1;
	p0 =	seq.s32 s7, s2  }
0x1e: {  	s7 =	smul.u32 @!p0 $0xF7A, s2;
	p2 =	seq.s32 @!p0 s5, $0x0  }
0x1f: {  	s9 =	smul.u32 $0xF7A, s1;
	s8 =	simm.s32 @!p0 $0x1BF5;
	p2 =	por !p2, p0  }
0x20: {  	[sflag:s8] =	ssyncset.s32 @!p0 $0xFFFFF086;
	s6 =	sadd.s32 @!p0 s3, s7;
	s7 =	simm.s32 @!p0 $0x108  }
0x21: {  	s3 =	sadd.s32 s3, s9;
	s6 =	sadd.s32 @!p0 $0x88, s6;
	s7 =	simm.s32 @p2 $0x1082  }
0x22: {  	[simem:s7], [sflag:s8] =	dma.local @!p0 [hbm:s6], $0xF7A  }
0x23: {  	s9 =	sor.u32 $0xD0000000, s2;
	s6 =	simm.s32 $0x108;
	_ =	swait.ge @!p0 [sflag:s8], $0x0  }
0x24: {  	s3 =	sadd.s32 $0x88, s3;
	s6 =	simm.s32 @!p1 $0x1082;
	[sflag:s4] =	ssyncset.s32 $0xFFFFF086  }
0x25: {  	[simem:s6], [sflag:s4] =	dma.local [hbm:s3], $0xF7A  }
0x26: {  	[smem:$0x3F8F] =	sst s1;
	(tag) =	ssettag s2;
	_ =	strace s9  }
0x27: {  	s1 =	sld [smem:$0x3F9F]  }
0x28: {  	s2 =	sld [smem:$0x3FA0]  }
0x29: {  	s4 =	sld [smem:$0x3FA2]  }
0x2a: {  	p0 =	seq.s32 s5, $0x0;
	s5 =	sld [smem:$0x3FA3]  }
0x2b: {  	s6 =	sld [smem:$0x3FA4]  }
0x2c: {  	s7 =	sld [smem:$0x3FA5]  }
0x2d: {  	s3 =	simm.s32 $0x108;
	s8 =	sld [smem:$0x3FA6]  }
0x2e: {  	s3 =	simm.s32 @!p0 $0x1082;
	s9 =	sld [smem:$0x3FA7]  }
0x2f: {  	lr =	sadd.s32 s0, s3;
	s0 =	sld [smem:$0x3F9E]  }
0x30: {  	s3 =	sld [smem:$0x3FA1]  }
0x31: {  	[smem:$0x3FAA] =	sst s10  }
0x32: {  	s10 =	sld [smem:$0x3FA8];
	_ =	sdelay $0x3  }
0x33: {  	p0 =	seq.s32 s10, $0x1;
	s10 =	sld [smem:$0x3FAA];
	_ =	sdelay $0x3  }
0x34: {  	[smem:$0x3FAA] =	sst s10  }
0x35: {  	s10 =	sld [smem:$0x3FA9];
	_ =	sdelay $0x3  }
0x36: {  	p1 =	seq.s32 s10, $0x1;
	s10 =	sld [smem:$0x3FAA];
	_ =	sdelay $0x3  }
0x37: {  	[smem:$0x3FAA] =	sst s10  }
0x38: {  	s10 =	sld [smem:$0x3FAB]  }
0x39: {  	_ = 	snop;
	(pc) =	sbr.ind lr, $3  }
0x3a: {  	_ = 	snop  }
0x3b: {  	_ = 	snop  }
0x3c: {  	p2 =	seq.s32 s10, $0x1;
	s10 =	sld [smem:$0x3FAA]  }
0x3d: {  	_ =	shalt  }
0x3e: {  	_ =	shalt  }
0x3f: {  	_ =	shalt  }
0x40: {  	_ =	shalt  }
0x41: {  	_ =	shalt  }
0x42: {  	_ =	shalt  }
0x43: {  	_ =	shalt  }
0x44: {  	_ =	shalt  }
0x45: {  	_ =	shalt  }
0x46: {  	_ =	shalt  }
0x47: {  	_ =	shalt  }
0x48: {  	_ =	shalt  }
0x49: {  	_ =	shalt  }
0x4a: {  	_ =	shalt  }
0x4b: {  	_ =	shalt  }
0x4c: {  	_ =	shalt  }
0x4d: {  	_ =	shalt  }
0x4e: {  	_ =	shalt  }
0x4f: {  	_ =	shalt  }
0x50: {  	_ =	shalt  }
0x51: {  	_ =	shalt  }
0x52: {  	_ =	shalt  }
0x53: {  	_ =	shalt  }
0x54: {  	_ =	shalt  }
0x55: {  	_ =	shalt  }
0x56: {  	_ =	shalt  }
0x57: {  	_ =	shalt  }
0x58: {  	_ =	shalt  }
0x59: {  	_ =	shalt  }
0x5a: {  	_ =	shalt  }
0x5b: {  	_ =	shalt  }
0x5c: {  	_ =	shalt  }
0x5d: {  	_ =	shalt  }
0x5e: {  	_ =	shalt  }
0x5f: {  	_ =	shalt  }
0x60: {  	_ =	shalt  }
0x61: {  	_ =	shalt  }
0x62: {  	_ =	shalt  }
0x63: {  	_ =	shalt  }
0x64: {  	_ =	shalt  }
0x65: {  	_ =	shalt  }
0x66: {  	_ =	shalt  }
0x67: {  	_ =	shalt  }
0x68: {  	_ =	shalt  }
0x69: {  	_ =	shalt  }
0x6a: {  	_ =	shalt  }
0x6b: {  	_ =	shalt  }
0x6c: {  	_ =	shalt  }
0x6d: {  	_ =	shalt  }
0x6e: {  	_ =	shalt  }
0x6f: {  	_ =	shalt  }
0x70: {  	_ =	shalt  }
0x71: {  	_ =	shalt  }
0x72: {  	_ =	shalt  }
0x73: {  	_ =	shalt  }
0x74: {  	_ =	shalt  }
0x75: {  	_ =	shalt  }
0x76: {  	_ =	shalt  }
0x77: {  	_ =	shalt  }
0x78: {  	_ =	shalt  }
0x79: {  	_ =	shalt  }
0x7a: {  	_ =	shalt  }
0x7b: {  	_ =	shalt  }
0x7c: {  	_ =	shalt  }
0x7d: {  	_ =	shalt  }
0x7e: {  	_ =	shalt  }
0x7f: {  	_ =	shalt  }
0x80: {  	_ =	shalt  }
0x81: {  	_ =	shalt  }
0x82: {  	_ =	shalt  }
0x83: {  	_ =	shalt  }
0x84: {  	_ =	shalt  }
0x85: {  	_ =	shalt  }
0x86: {  	_ =	shalt  }
0x87: {  	_ =	shalt  }
.Lfunc_end0:
.L_simem_size_0:
called_computation_lowered:
.L_overlay_start_0:
0x88: {  	s2 =	sld [smem:$0x3FD9]  }
0x89: {  	s3 =	sld [smem:$0x3FFE];
	_ =	sdelay $0x1  }
0x8a: {  	s1 =	srdreg.scid  }
0x8b: {  	s0 =	sand.u32 $0x1, s1  }
0x8c: {  	s17 =	sshll.u32 s0, $0xA;
	s2 =	sadd.s32 s3, s2  }
0x8d: {  	s2 =	sadd.s32 s2, s17  }
0x8e: {  	[smem:$0x3FB6] =	sst s2  }
0x8f: {  	_ = 	snop  }
0x90: {  	s18 =	sld [smem:$0x3FC9];
	(tm) =	ssettm $0x1  }
0x91: {  	s19 =	sld [smem:$0x3FFB];
	_ =	sdelay $0x3  }
0x92: {  	_ =	strace s19  }
0x93: {  	s2 =	sld [smem:$0x3FFC];
	_ =	sdelay $0x3  }
0x94: {  	_ =	strace s2  }
0x95: {  	s2 =	sld [smem:$0x3FFD];
	_ =	sdelay $0x3  }
0x96: {  	_ =	strace s2  }
0x97: {  	_ =	strace $0x8FFFFFFF  }
0x98: {  	s20 =	sld [smem:$0x3FDB];
	_ =	sdelay $0x1  }
0x99: {  	s4 =	simm.s32 $_scs_section_size  }
0x9a: {  	s5 =	simm.s32 $_size__tile_overlayer_lowered;
	s6 =	simm.s32 $_tile_overlayer_lowered  }
0x9b: {  	s7 =	simm.s32 $0x1BFF;
	s21 =	sshll.u32 s6, $0x1;
	s4 =	sadd.s32 s4, s20  }
0x9c: {  	s22 =	simm.s32 $0x0;
	s5 =	sshll.u32 s5, $0x1;
	s6 =	sadd.s32 s21, s4  }
0x9d: {  	[timem:s22], [sflag:s7] =	dma.local [hbm:s6], s5  }
0x9e: {  	_ =	swait.ge [sflag:s7], s5  }
0x9f: {  	s5 =	ssub.s32 $0x0, s5;
	[sflag:s7] =	ssyncset.done $0x0  }
0xa0: {  	[sflag:s7] =	ssyncadd.s32 s5;
	_ =	sdelay $0x1  }
0xa1: {  	s23 =	simm.s32 $0x1B8B  }
0xa2: {  	_ =	swait.ge [sflag:s23], $0x1  }
0xa3: {  	[sflag:s23] =	ssyncset.done $0x0  }
0xa4: {  	[sflag:s23] =	ssyncadd.s32 $0xFFFFFFFF  }
0xa5: {  	s5 =	sld [smem:$0x0]  }
0xa6: {  	s6 =	sand.u32 $0xFFFFFFFE, s1  }
0xa7: {  	p0 =	sne.s32 s1, s6  }
0xa8: {  	s6 =	sshll.u32 @p0 s6, $0xE  }
0xa9: {  	s6 =	sadd.s32 @p0 $0x11B8D, s6;
	s7 =	sshll.u32 @p0 s5, $0x11  }
0xaa: {  	s6 =	sor.u32 @p0 s7, s6  }
0xab: {  	[sflag:s6] =	ssyncadd.remote.s32 @p0 $0x1;
	_ =	sdelay $0x1  }
0xac: {  	s6 =	simm.s32 @p0 $0x1B8D  }
0xad: {  	_ =	swait.eq @p0 [sflag:s6], $0x1  }
0xae: {  	[sflag:s6] =	ssyncadd.s32 @p0 $0xFFFFFFFF  }
0xaf: {  	s7 =	sshll.u32 @!p0 s1, $0xE  }
0xb0: {  	s7 =	sor.u32 @!p0 $0x4000, s7;
	s6 =	simm.s32 @!p0 $0x1B8D  }
0xb1: {  	s5 =	sshll.u32 @!p0 s5, $0x11;
	s7 =	sadd.s32 @!p0 $0x11B8D, s7;
	_ =	swait.eq @!p0 [sflag:s6], $0x1  }
0xb2: {  	s5 =	sor.u32 @!p0 s5, s7;
	[sflag:s6] =	ssyncadd.s32 @!p0 $0xFFFFFFFF  }
0xb3: {  	s25 =	simm.s32 $0x1B8E;
	s24 =	sld [smem:$0x3FFE];
	[sflag:s5] =	ssyncadd.remote.s32 @!p0 $0x1  }
0xb4: {  	s26 =	simm.s32 $execute0_lowered;
	[smem:$0x3FD2] =	sst s25  }
0xb5: {  	s6 =	sshll.u32 s26, $0x1;
	_ =	strace $0x80000052;
	[dreg:$0x1] =	wrdreg $0xFFFFFFFF  }
0xb6: {  	s28 =	simm.s32 $_size_execute0_lowered;
	s4 =	sadd.s32 s4, s6;
	[dreg:$0x0] =	wrdreg $0x0  }
0xb7: {  	s6 =	sshll.u32 s28, $0x1;
	[dreg:$0x2] =	wrdreg s4  }
0xb8: {  	[dreg:$0x3] =	wrdreg s6  }
0xb9: {  	[dreg:$0x4] =	wrdreg $0xC0  }
0xba: {  	_ =	task [dreg:s22], $0x5FFFF  }
0xbb: {  	[dreg:$0x1] =	wrdreg $0xFFFFFFFF  }
0xbc: {  	[dreg:$0x0] =	wrdreg $0x60  }
0xbd: {  	[dreg:$0x2] =	wrdreg s18  }
0xbe: {  	[dreg:$0x3] =	wrdreg s24  }
0xbf: {  	[dreg:$0x4] =	wrdreg $0x9  }
0xc0: {  	_ =	task.clear_ibuf [dreg:s22], $0x5FFFF;
	_ =	strace $0x90000052  }
0xc1: {  	s29 =	simm.s32 $0x9;
	_ =	strace $0x80000054  }
0xc2: {  	_ =	swait.ge [sflag:s29], $0x1  }
0xc3: {  	[sflag:s29] =	ssyncadd.s32 $0xFFFFFFFF  }
0xc4: {  	_ =	strace $0x90000054  }
0xc5: {  	_ =	sfence  }
0xc6: {  	s30 =	sld [smem:$0x0];
	_ =	sdelay $0x2  }
0xc7: {  	s31 =	sshll.u32 s1, $0xD;
	s1 =	sshrl.u32 s1, $0x2  }
0xc8: {  	s4 =	sand.u32 $0x4000, s31;
	s1 =	sadd.s32 s1, s30  }
0xc9: {  	s0 =	sor.u32 s4, s0;
	s1 =	sshll.u32 s1, $0x11  }
0xca: {  	s0 =	sor.u32 s1, s0  }
0xcb: {  	s0 =	sadd.s32 $0x8F2B, s0  }
0xcc: {  	[sflag:s0] =	ssyncadd.remote.s32 $0x1  }
0xcd: {  	_ =	sfence.sel $0xFFFF  }
0xce: {  	[dreg:$0x0] =	wrdreg $0xFFFFFFFF;
	(pc) =	sbr.abs _section_cstart, $3  }
0xcf: {  	[dreg:$0x1] =	wrdreg $0xFFFFFFFF  }
0xd0: {  	_ =	task.clear_ibuf [dreg:s22], $0x2FFFF;
	_ =	strace $0x9FFFFFFF  }
0xd1: {  	(tm) =	ssettm $0x7FFFFFFF  }
tec
execute0_lowered:
.L_overlay_start_1:
0x0: {  	(tag) =	ssettag $0x1  }
0x1: {  	s2 =	rddreg [dreg:$0x0];
	s1 =	srdreg.scid  }
0x2: {  	s0 =	stileid.u32;
	s4 =	rddreg [dreg:$0x1]  }
0x3: {  	s3 =	simm.s32 $0x0;
	s11 =	simm.s32 $0x1000;
	s15 =	simm.s32 $0x6000  }
0x4: {  	s17 =	simm.s32 $0x8800;
	s18 =	simm.s32 $0x200;
	s19 =	simm.s32 $0xB000  }
0x5: {  	s20 =	simm.s32 $0x1;
	s21 =	simm.s32 $0x3;
	s22 =	simm.s32 $0x5  }
0x6: {  	s23 =	simm.s32 $0x6;
	s28 =	simm.s32 $0xA;
	s29 =	simm.s32 $0x0  }
0x7: {  	s6 =	sand.u32 $0x1, s1;
	s5 =	sshll.u32 s0, $0x1;
	[smem:$0x7FF] =	sst s3  }
0x8: {  	s9 =	sadd.s32 $0x3FBA00, s4;
	s26 =	smul.u32 $0xA00, s0;
	s5 =	sor.u32 s6, s5  }
0x9: {  	_ =	strace $0x80000053;
	s8 =	ssub.s32 $0x2, s6;
	s31 =	smul.u32 $0x500, s6  }
0xa: {  	s7 =	sshll.u32 s5, $0x9;
	s24 =	sshrl.u32 s8, $0x1;
	s10 =	smul.u32 $0x500, s5  }
.Ltmp0:
0xb: {  	s7 =	sadd.s32 s7, s4;
	s25 =	ssub.s32 s8, s24;
	(pc) =	sbr.rel .LBB2_1-.Ltmp0, $4  }
0xc: {  	s8 =	sadd.s32 s26, s9;
	s24 =	simm.s32 $0x7;
	s26 =	simm.s32 $0x9  }
0xd: {  	s4 =	sadd.s32 $0xFA00, s7;
	s5 =	smax.u32 s25, $0x1;
	s30 =	sadd.s32 s9, s10  }
0xe: {  	s8 =	sadd.s32 s31, s8;
	s9 =	simm.s32 $0xB;
	s10 =	simm.s32 $0x50  }
0xf: {  	s25 =	simm.s32 $0x8;
	s6 =	sadd.s32 $0xD2000, s30;
	s7 =	sadd.s32 $0xE6000, s30  }
.LBB2_4:
0x10: {  	_ =	swait.ge [sflag:s23], $0x2800  }
0x11: {  	[sflag:s23] =	ssyncset.done $0x0  }
0x12: {  	[sflag:s23] =	ssyncadd.s32 $0xFFFFD800  }
0x13: {  	_ =	swait.ge [sflag:s24], $0x2800  }
0x14: {  	[sflag:s24] =	ssyncset.done $0x0  }
0x15: {  	[sflag:s24] =	ssyncadd.s32 $0xFFFFD800  }
0x16: {  	_ =	swait.ge [sflag:s25], $0x2800  }
0x17: {  	[sflag:s25] =	ssyncset.done $0x0  }
0x18: {  	s29 =	sadd.s32 $0x1, s29;
	[sflag:s25] =	ssyncadd.s32 $0xFFFFD800  }
0x19: {  	p0 =	sne.s32 s29, s5;
	_ =	swait.ge [sflag:s26], $0x2800  }
.Ltmp1:
0x1a: {  	[sflag:s26] =	ssyncset.done $0x0;
	(pc) =	sbr.rel @!p0 .LBB2_5-.Ltmp1, $4  }
0x1b: {  	[sflag:s26] =	ssyncadd.s32 $0xFFFFD800  }
0x1c: {  	_ =	swait.ge [sflag:s28], $0x2800  }
0x1d: {  	[sflag:s28] =	ssyncset.done $0x0  }
0x1e: {  	[sflag:s28] =	ssyncadd.s32 $0xFFFFD800  }
.LBB2_1:
0x1f: {  	[tilespmem:s3], [sflag:$0xB] =	stream.linear.gather [hbm4b:s4+s3], $0xC80, $0x38;
	[tilespmem:$0xD800] =	vst v63  }
0x20: {  	_ =	swait.ge [sflag:s9], $0xC80  }
0x21: {  	[sflag:s9] =	ssyncset.done $0x0  }
0x22: {  	[sflag:s9] =	ssyncadd.s32 $0xFFFFF380  }
0x23: {  	[tilespmem:s11], [sflag:$0x1] =	stream.indirect.gather [hbm4b:s2+s10], $0x80, s3, s10, $0xb8;
	[tilespmem:$0xD800] =	vst v63  }
0x24: {  	s0 =	simm.s32 $0x80;
	s1 =	simm.s32 $0x3800  }
0x25: {  	[tilespmem:s1], [sflag:$0x2] =	stream.indirect.gather [hbm4b:s2+s10], $0x80, s0, s10, $0xb8;
	[tilespmem:$0xD800] =	vst v63  }
0x26: {  	s14 =	simm.s32 $0x100  }
0x27: {  	[tilespmem:s15], [sflag:$0x3] =	stream.indirect.gather [hbm4b:s2+s10], $0x80, s14, s10, $0xb8;
	[tilespmem:$0xD800] =	vst v63  }
0x28: {  	s16 =	simm.s32 $0x180  }
0x29: {  	[tilespmem:s17], [sflag:$0x4] =	stream.indirect.gather [hbm4b:s2+s10], $0x80, s16, s10, $0xb8;
	[tilespmem:$0xD800] =	vst v63  }
0x2a: {  	s30 =	smov.u32 s8;
	s31 =	simm.s32 $0x0  }
0x2b: {  	[tilespmem:s19], [sflag:$0x5] =	stream.indirect.gather [hbm4b:s2+s10], $0x80, s18, s10, $0xb8;
	[tilespmem:$0xD800] =	vst v63  }
.LBB2_2:
0x2c: {  	_ =	swait.ge [sflag:s20], $0x2800  }
0x2d: {  	p0 =	seq.s32 s31, $0x2800;
	[sflag:s20] =	ssyncset.done $0x0  }
0x2e: {  	s1 =	simm.s32 @p0 $0x2;
	[sflag:s20] =	ssyncadd.s32 $0xFFFFD800  }
0x2f: {  	[hbm4b:s30+s3] =	stream.linear.scatter [tilespmem:s11], [sflag:$0x6], $0x2800, $0x38;
	[tilespmem:$0xD800] =	vst v63  }
0x30: {  	_ =	swait.ge @p0 [sflag:s1], $0x2800  }
0x31: {  	[sflag:s1] =	ssyncset.done @p0 $0x0  }
0x32: {  	s0 =	simm.s32 @p0 $0x3800;
	[sflag:s1] =	ssyncadd.s32 @p0 $0xFFFFD800;
	s1 =	simm.s32 @p0 $0x0  }
0x33: {  	[hbm4b:s6+s1] =	stream.linear.scatter @p0 [tilespmem:s0], [sflag:$0x7], $0x2800, $0x38;
	[tilespmem:$0xD800] =	vst v63  }
0x34: {  	s0 =	simm.s32 @!p0 $0x6  }
0x35: {  	_ =	swait.ge @!p0 [sflag:s0], $0x2800  }
0x36: {  	[sflag:s0] =	ssyncset.done @!p0 $0x0  }
0x37: {  	[sflag:s0] =	ssyncadd.s32 @!p0 $0xFFFFD800;
	s0 =	sshra.s32 @!p0 s31, $0x2  }
0x38: {  	s13 =	simm.s32 @!p0 $0x50;
	s14 =	simm.s32 @!p0 $0x1000;
	s12 =	sadd.s32 @!p0 $0x280, s0  }
0x39: {  	[tilespmem:s14], [sflag:$0x1] =	stream.indirect.gather @!p0 [hbm4b:s2+s13], $0x80, s12, s13, $0xb8;
	[tilespmem:$0xD800] =	vst v63  }
0x3a: {  	s12 =	simm.s32 @!p0 $0x2  }
0x3b: {  	_ =	swait.ge @!p0 [sflag:s12], $0x2800  }
0x3c: {  	s16 =	simm.s32 @!p0 $0x3800;
	[sflag:s12] =	ssyncset.done @!p0 $0x0  }
0x3d: {  	s14 =	simm.s32 @!p0 $0x0;
	[sflag:s12] =	ssyncadd.s32 @!p0 $0xFFFFD800;
	s12 =	sadd.s32 @!p0 $0xA000, s30  }
0x3e: {  	[hbm4b:s12+s14] =	stream.linear.scatter @!p0 [tilespmem:s16], [sflag:$0x7], $0x2800, $0x38;
	[tilespmem:$0xD800] =	vst v63  }
0x3f: {  	s12 =	simm.s32 @!p0 $0x7  }
0x40: {  	_ =	swait.ge @!p0 [sflag:s12], $0x2800  }
0x41: {  	[sflag:s12] =	ssyncset.done @!p0 $0x0  }
0x42: {  	[sflag:s12] =	ssyncadd.s32 @!p0 $0xFFFFD800;
	s12 =	sadd.s32 @!p0 $0x300, s0  }
0x43: {  	[tilespmem:s16], [sflag:$0x2] =	stream.indirect.gather @!p0 [hbm4b:s2+s13], $0x80, s12, s13, $0xb8;
	[tilespmem:$0xD800] =	vst v63  }
0x44: {  	_ =	swait.ge [sflag:s21], $0x2800  }
0x45: {  	[sflag:s21] =	ssyncset.done $0x0  }
0x46: {  	s16 =	sadd.s32 $0x14000, s30;
	s12 =	simm.s32 @p0 $0x4;
	[sflag:s21] =	ssyncadd.s32 $0xFFFFD800  }
0x47: {  	[hbm4b:s16+s3] =	stream.linear.scatter [tilespmem:s15], [sflag:$0x8], $0x2800, $0x38;
	[tilespmem:$0xD800] =	vst v63  }
0x48: {  	_ =	swait.ge @p0 [sflag:s12], $0x2800  }
0x49: {  	[sflag:s12] =	ssyncset.done @p0 $0x0  }
0x4a: {  	[sflag:s12] =	ssyncadd.s32 @p0 $0xFFFFD800;
	s12 =	simm.s32 @p0 $0x8800  }
0x4b: {  	[hbm4b:s7+s1] =	stream.linear.scatter @p0 [tilespmem:s12], [sflag:$0x9], $0x2800, $0x38;
	[tilespmem:$0xD800] =	vst v63  }
0x4c: {  	s1 =	simm.s32 @!p0 $0x8  }
0x4d: {  	_ =	swait.ge @!p0 [sflag:s1], $0x2800  }
0x4e: {  	[sflag:s1] =	ssyncset.done @!p0 $0x0  }
0x4f: {  	s12 =	simm.s32 @!p0 $0x6000;
	[sflag:s1] =	ssyncadd.s32 @!p0 $0xFFFFD800;
	s1 =	sadd.s32 @!p0 $0x380, s0  }
0x50: {  	[tilespmem:s12], [sflag:$0x3] =	stream.indirect.gather @!p0 [hbm4b:s2+s13], $0x80, s1, s13, $0xb8;
	[tilespmem:$0xD800] =	vst v63  }
0x51: {  	s1 =	simm.s32 @!p0 $0x4  }
0x52: {  	_ =	swait.ge @!p0 [sflag:s1], $0x2800  }
0x53: {  	[sflag:s1] =	ssyncset.done @!p0 $0x0  }
0x54: {  	s12 =	simm.s32 @!p0 $0x8800;
	[sflag:s1] =	ssyncadd.s32 @!p0 $0xFFFFD800;
	s1 =	sadd.s32 @!p0 $0x1E000, s30  }
0x55: {  	[hbm4b:s1+s14] =	stream.linear.scatter @!p0 [tilespmem:s12], [sflag:$0x9], $0x2800, $0x38;
	[tilespmem:$0xD800] =	vst v63  }
0x56: {  	s1 =	simm.s32 @!p0 $0x9  }
0x57: {  	_ =	swait.ge @!p0 [sflag:s1], $0x2800  }
0x58: {  	[sflag:s1] =	ssyncset.done @!p0 $0x0  }
0x59: {  	s0 =	sadd.s32 @!p0 $0x400, s0;
	[sflag:s1] =	ssyncadd.s32 @!p0 $0xFFFFD800  }
0x5a: {  	[tilespmem:s12], [sflag:$0x4] =	stream.indirect.gather @!p0 [hbm4b:s2+s13], $0x80, s0, s13, $0xb8;
	[tilespmem:$0xD800] =	vst v63  }
.Ltmp2:
0x5b: {  	_ = 	snop;
	(pc) =	sbr.rel @p0 .LBB2_4-.Ltmp2, $4  }
0x5c: {  	_ =	swait.ge [sflag:s22], $0x2800  }
0x5d: {  	[sflag:s22] =	ssyncset.done $0x0  }
0x5e: {  	s16 =	sadd.s32 $0x28000, s30;
	[sflag:s22] =	ssyncadd.s32 $0xFFFFD800  }
0x5f: {  	[hbm4b:s16+s3] =	stream.linear.scatter [tilespmem:s19], [sflag:$0xA], $0x2800, $0x38;
	[tilespmem:$0xD800] =	vst v63  }
.Ltmp3:
0x60: {  	(pc) =	sbr.rel .LBB2_2-.Ltmp3, $4  }
0x61: {  	_ =	swait.ge [sflag:s28], $0x2800  }
0x62: {  	s0 =	sshra.s32 s31, $0x2;
	s31 =	sadd.s32 $0xA00, s31;
	[sflag:s28] =	ssyncset.done $0x0  }
0x63: {  	s30 =	sadd.s32 $0x32000, s30;
	s0 =	sadd.s32 $0x480, s0;
	[sflag:s28] =	ssyncadd.s32 $0xFFFFD800  }
0x64: {  	[tilespmem:s19], [sflag:$0x5] =	stream.indirect.gather [hbm4b:s2+s10], $0x80, s0, s10, $0xb8;
	[tilespmem:$0xD800] =	vst v63  }
.LBB2_5:
0x65: {  	_ =	sfence.sel $0x180000  }
0x66: {  	[bflag:$0x0] =	sbarrier.arrive $0xFFFF  }
0x67: {  	_ =	strace $0x90000053  }
0x68: {  	s0 =	stileid.u32;
	[bflag:$0x2] =	sbarrier.arrive $0xFFFF  }
0x69: {  	p0 =	sne.s32 s0, $0x0;
	s0 =	rddreg [dreg:$0x2]  }
0x6a: {  	s0 =	sadd.s32 @!p0 $0x100000, s0  }
0x6b: {  	[sflag:s0] =	ssyncadd.tile.s32 @!p0 $0x1;
	_ =	shalt  }
.Lfunc_end2:
_tile_overlayer_lowered:
.L_overlay_start_2:
0x6c: {  	(tag) =	ssettag $0x2  }
0x6d: {  	s0 =	rddreg [dreg:$0x0];
	s2 =	stileid.u32  }
0x6e: {  	s1 =	rddreg [dreg:$0x1];
	p0 =	sne.s32 s2, $0x0  }
0x6f: {  	s3 =	rddreg [dreg:$0x2];
	[bflag:$0x3] =	sbarrier.arrive $0xFFFF;
	s2 =	simm.s32 @!p0 $0x1C0B  }
0x70: {  	[timem:s3], [sflag:s2] =	dma.local @!p0 [hbm:s0], s1  }
0x71: {  	s0 =	simm.s32 @!p0 $0xB  }
0x72: {  	_ =	swait.ge @!p0 [sflag:s0], s1  }
0x73: {  	s1 =	ssub.s32 @!p0 $0x0, s1;
	[sflag:s0] =	ssyncset.done @!p0 $0x0  }
0x74: {  	[sflag:s0] =	ssyncadd.s32 @!p0 s1  }
0x75: {  	[bflag:$0x3] =	sbarrier.arrive $0xFFFF  }
0x76: {  	_ =	shalt  }

// kernel: kernel.15.cloned.1.call-start
scs
__scs_entry_jumppad:
0x0: {  	(pc) =	sbr.rel $0x88, $3  }
0x1: {  	(tag) =	ssettag $0x0;
	lr =	simm.s32 $0x1  }
0x2: {  	[smem:$0x3F8F] =	sst lr;
	_ =	strace $0xD0000000  }
0x3: {  	_ = 	snop  }
0x4: {  	_ = 	snop  }
0x5: {  	_ = 	snop  }
0x6: {  	_ = 	snop  }
0x7: {  	_ = 	snop  }
__scs_overlays_trampoline_lowered:
0x8: {  	[smem:$0x3F9E] =	sst s0  }
0x9: {  	[smem:$0x3F9F] =	sst s1  }
0xa: {  	[smem:$0x3FA0] =	sst s2  }
0xb: {  	[smem:$0x3FA1] =	sst s3  }
0xc: {  	[smem:$0x3FA2] =	sst s4  }
0xd: {  	[smem:$0x3FA3] =	sst s5  }
0xe: {  	[smem:$0x3FA4] =	sst s6  }
0xf: {  	[smem:$0x3FA5] =	sst s7  }
0x10: {  	[smem:$0x3FA6] =	sst s8  }
0x11: {  	[smem:$0x3FA7] =	sst s9;
	s0 =	simm.s32 @!p0 $0x0  }
0x12: {  	s1 =	sld [smem:$0x3F8D];
	s0 =	simm.s32 @p0 $0x1  }
0x13: {  	[smem:$0x3FA8] =	sst s0;
	s0 =	simm.s32 @!p1 $0x0  }
0x14: {  	s2 =	sld [smem:$0x3F8C];
	s0 =	simm.s32 @p1 $0x1  }
0x15: {  	[smem:$0x3FA9] =	sst s0;
	s0 =	simm.s32 @!p2 $0x0  }
0x16: {  	s3 =	sld [smem:$0x3FDB];
	s0 =	simm.s32 @p2 $0x1  }
0x17: {  	s4 =	simm.s32 $0x1BF5;
	[smem:$0x3FAB] =	sst s0  }
0x18: {  	s0 =	sld [smem:$0x3F8E];
	_ =	swait.ge [sflag:s4], $0x0  }
0x19: {  	s7 =	sld [smem:$0x3F8F]  }
0x1a: {  	s8 =	sadd.s32 $0xFFFFE003, lr  }
0x1b: {  	s9 =	sadd.s32 $0xFFFFFEF7, lr;
	s5 =	simm.s32 $0xFFFFFFFF;
	p2 =	slt.u32 s8, $0xFFFFF086  }
0x1c: {  	p1 =	slt.u32 s9, $0xF7A;
	s5 =	simm.s32 @!p2 $0x0  }
0x1d: {  	s5 =	simm.s32 @p1 $0x1;
	p0 =	seq.s32 s7, s2  }
0x1e: {  	s7 =	smul.u32 @!p0 $0xF7A, s2;
	p2 =	seq.s32 @!p0 s5, $0x0  }
0x1f: {  	s9 =	smul.u32 $0xF7A, s1;
	s8 =	simm.s32 @!p0 $0x1BF5;
	p2 =	por !p2, p0  }
0x20: {  	[sflag:s8] =	ssyncset.s32 @!p0 $0xFFFFF086;
	s6 =	sadd.s32 @!p0 s3, s7;
	s7 =	simm.s32 @!p0 $0x108  }
0x21: {  	s3 =	sadd.s32 s3, s9;
	s6 =	sadd.s32 @!p0 $0x88, s6;
	s7 =	simm.s32 @p2 $0x1082  }
0x22: {  	[simem:s7], [sflag:s8] =	dma.local @!p0 [hbm:s6], $0xF7A  }
0x23: {  	s9 =	sor.u32 $0xD0000000, s2;
	s6 =	simm.s32 $0x108;
	_ =	swait.ge @!p0 [sflag:s8], $0x0  }
0x24: {  	s3 =	sadd.s32 $0x88, s3;
	s6 =	simm.s32 @!p1 $0x1082;
	[sflag:s4] =	ssyncset.s32 $0xFFFFF086  }
0x25: {  	[simem:s6], [sflag:s4] =	dma.local [hbm:s3], $0xF7A  }
0x26: {  	[smem:$0x3F8F] =	sst s1;
	(tag) =	ssettag s2;
	_ =	strace s9  }
0x27: {  	s1 =	sld [smem:$0x3F9F]  }
0x28: {  	s2 =	sld [smem:$0x3FA0]  }
0x29: {  	s4 =	sld [smem:$0x3FA2]  }
0x2a: {  	p0 =	seq.s32 s5, $0x0;
	s5 =	sld [smem:$0x3FA3]  }
0x2b: {  	s6 =	sld [smem:$0x3FA4]  }
0x2c: {  	s7 =	sld [smem:$0x3FA5]  }
0x2d: {  	s3 =	simm.s32 $0x108;
	s8 =	sld [smem:$0x3FA6]  }
0x2e: {  	s3 =	simm.s32 @!p0 $0x1082;
	s9 =	sld [smem:$0x3FA7]  }
0x2f: {  	lr =	sadd.s32 s0, s3;
	s0 =	sld [smem:$0x3F9E]  }
0x30: {  	s3 =	sld [smem:$0x3FA1]  }
0x31: {  	[smem:$0x3FAA] =	sst s10  }
0x32: {  	s10 =	sld [smem:$0x3FA8];
	_ =	sdelay $0x3  }
0x33: {  	p0 =	seq.s32 s10, $0x1;
	s10 =	sld [smem:$0x3FAA];
	_ =	sdelay $0x3  }
0x34: {  	[smem:$0x3FAA] =	sst s10  }
0x35: {  	s10 =	sld [smem:$0x3FA9];
	_ =	sdelay $0x3  }
0x36: {  	p1 =	seq.s32 s10, $0x1;
	s10 =	sld [smem:$0x3FAA];
	_ =	sdelay $0x3  }
0x37: {  	[smem:$0x3FAA] =	sst s10  }
0x38: {  	s10 =	sld [smem:$0x3FAB]  }
0x39: {  	_ = 	snop;
	(pc) =	sbr.ind lr, $3  }
0x3a: {  	_ = 	snop  }
0x3b: {  	_ = 	snop  }
0x3c: {  	p2 =	seq.s32 s10, $0x1;
	s10 =	sld [smem:$0x3FAA]  }
0x3d: {  	_ =	shalt  }
0x3e: {  	_ =	shalt  }
0x3f: {  	_ =	shalt  }
0x40: {  	_ =	shalt  }
0x41: {  	_ =	shalt  }
0x42: {  	_ =	shalt  }
0x43: {  	_ =	shalt  }
0x44: {  	_ =	shalt  }
0x45: {  	_ =	shalt  }
0x46: {  	_ =	shalt  }
0x47: {  	_ =	shalt  }
0x48: {  	_ =	shalt  }
0x49: {  	_ =	shalt  }
0x4a: {  	_ =	shalt  }
0x4b: {  	_ =	shalt  }
0x4c: {  	_ =	shalt  }
0x4d: {  	_ =	shalt  }
0x4e: {  	_ =	shalt  }
0x4f: {  	_ =	shalt  }
0x50: {  	_ =	shalt  }
0x51: {  	_ =	shalt  }
0x52: {  	_ =	shalt  }
0x53: {  	_ =	shalt  }
0x54: {  	_ =	shalt  }
0x55: {  	_ =	shalt  }
0x56: {  	_ =	shalt  }
0x57: {  	_ =	shalt  }
0x58: {  	_ =	shalt  }
0x59: {  	_ =	shalt  }
0x5a: {  	_ =	shalt  }
0x5b: {  	_ =	shalt  }
0x5c: {  	_ =	shalt  }
0x5d: {  	_ =	shalt  }
0x5e: {  	_ =	shalt  }
0x5f: {  	_ =	shalt  }
0x60: {  	_ =	shalt  }
0x61: {  	_ =	shalt  }
0x62: {  	_ =	shalt  }
0x63: {  	_ =	shalt  }
0x64: {  	_ =	shalt  }
0x65: {  	_ =	shalt  }
0x66: {  	_ =	shalt  }
0x67: {  	_ =	shalt  }
0x68: {  	_ =	shalt  }
0x69: {  	_ =	shalt  }
0x6a: {  	_ =	shalt  }
0x6b: {  	_ =	shalt  }
0x6c: {  	_ =	shalt  }
0x6d: {  	_ =	shalt  }
0x6e: {  	_ =	shalt  }
0x6f: {  	_ =	shalt  }
0x70: {  	_ =	shalt  }
0x71: {  	_ =	shalt  }
0x72: {  	_ =	shalt  }
0x73: {  	_ =	shalt  }
0x74: {  	_ =	shalt  }
0x75: {  	_ =	shalt  }
0x76: {  	_ =	shalt  }
0x77: {  	_ =	shalt  }
0x78: {  	_ =	shalt  }
0x79: {  	_ =	shalt  }
0x7a: {  	_ =	shalt  }
0x7b: {  	_ =	shalt  }
0x7c: {  	_ =	shalt  }
0x7d: {  	_ =	shalt  }
0x7e: {  	_ =	shalt  }
0x7f: {  	_ =	shalt  }
0x80: {  	_ =	shalt  }
0x81: {  	_ =	shalt  }
0x82: {  	_ =	shalt  }
0x83: {  	_ =	shalt  }
0x84: {  	_ =	shalt  }
0x85: {  	_ =	shalt  }
0x86: {  	_ =	shalt  }
0x87: {  	_ =	shalt  }
.Lfunc_end0:
.L_simem_size_0:
called_computation.1_lowered:
.L_overlay_start_0:
0x88: {  	s2 =	sld [smem:$0x3FD9]  }
0x89: {  	s3 =	sld [smem:$0x3FFE];
	_ =	sdelay $0x1  }
0x8a: {  	s1 =	srdreg.scid  }
0x8b: {  	s0 =	sand.u32 $0x1, s1  }
0x8c: {  	s17 =	sshll.u32 s0, $0xA;
	s2 =	sadd.s32 s3, s2  }
0x8d: {  	s2 =	sadd.s32 s2, s17  }
0x8e: {  	[smem:$0x3FB6] =	sst s2  }
0x8f: {  	_ = 	snop  }
0x90: {  	s18 =	sld [smem:$0x3FC9];
	(tm) =	ssettm $0x1  }
0x91: {  	s19 =	sld [smem:$0x3FFB];
	_ =	sdelay $0x3  }
0x92: {  	_ =	strace s19  }
0x93: {  	s2 =	sld [smem:$0x3FFC];
	_ =	sdelay $0x3  }
0x94: {  	_ =	strace s2  }
0x95: {  	s2 =	sld [smem:$0x3FFD];
	_ =	sdelay $0x3  }
0x96: {  	_ =	strace s2  }
0x97: {  	_ =	strace $0x8FFFFFFF  }
0x98: {  	s20 =	sld [smem:$0x3FDB];
	_ =	sdelay $0x1  }
0x99: {  	s4 =	simm.s32 $_scs_section_size  }
0x9a: {  	s5 =	simm.s32 $_size__tile_overlayer_lowered;
	s6 =	simm.s32 $_tile_overlayer_lowered  }
0x9b: {  	s7 =	simm.s32 $0x1BFF;
	s21 =	sshll.u32 s6, $0x1;
	s4 =	sadd.s32 s4, s20  }
0x9c: {  	s22 =	simm.s32 $0x0;
	s5 =	sshll.u32 s5, $0x1;
	s6 =	sadd.s32 s21, s4  }
0x9d: {  	[timem:s22], [sflag:s7] =	dma.local [hbm:s6], s5  }
0x9e: {  	_ =	swait.ge [sflag:s7], s5  }
0x9f: {  	s5 =	ssub.s32 $0x0, s5;
	[sflag:s7] =	ssyncset.done $0x0  }
0xa0: {  	[sflag:s7] =	ssyncadd.s32 s5;
	_ =	sdelay $0x1  }
0xa1: {  	s23 =	simm.s32 $0x1B8B  }
0xa2: {  	_ =	swait.ge [sflag:s23], $0x1  }
0xa3: {  	[sflag:s23] =	ssyncset.done $0x0  }
0xa4: {  	[sflag:s23] =	ssyncadd.s32 $0xFFFFFFFF  }
0xa5: {  	s5 =	sld [smem:$0x0]  }
0xa6: {  	s6 =	sand.u32 $0xFFFFFFFE, s1  }
0xa7: {  	p0 =	sne.s32 s1, s6  }
0xa8: {  	s6 =	sshll.u32 @p0 s6, $0xE  }
0xa9: {  	s6 =	sadd.s32 @p0 $0x11B8D, s6;
	s7 =	sshll.u32 @p0 s5, $0x11  }
0xaa: {  	s6 =	sor.u32 @p0 s7, s6  }
0xab: {  	[sflag:s6] =	ssyncadd.remote.s32 @p0 $0x1;
	_ =	sdelay $0x1  }
0xac: {  	s6 =	simm.s32 @p0 $0x1B8D  }
0xad: {  	_ =	swait.eq @p0 [sflag:s6], $0x1  }
0xae: {  	[sflag:s6] =	ssyncadd.s32 @p0 $0xFFFFFFFF  }
0xaf: {  	s7 =	sshll.u32 @!p0 s1, $0xE  }
0xb0: {  	s7 =	sor.u32 @!p0 $0x4000, s7;
	s6 =	simm.s32 @!p0 $0x1B8D  }
0xb1: {  	s5 =	sshll.u32 @!p0 s5, $0x11;
	s7 =	sadd.s32 @!p0 $0x11B8D, s7;
	_ =	swait.eq @!p0 [sflag:s6], $0x1  }
0xb2: {  	s5 =	sor.u32 @!p0 s5, s7;
	[sflag:s6] =	ssyncadd.s32 @!p0 $0xFFFFFFFF  }
0xb3: {  	s25 =	simm.s32 $0x1B8E;
	s24 =	sld [smem:$0x3FFE];
	[sflag:s5] =	ssyncadd.remote.s32 @!p0 $0x1  }
0xb4: {  	s26 =	simm.s32 $execute0_lowered;
	[smem:$0x3FD2] =	sst s25  }
0xb5: {  	s6 =	sshll.u32 s26, $0x1;
	_ =	strace $0x8000004F;
	[dreg:$0x1] =	wrdreg $0xFFFFFFFF  }
0xb6: {  	s28 =	simm.s32 $_size_execute0_lowered;
	s4 =	sadd.s32 s4, s6;
	[dreg:$0x0] =	wrdreg $0x0  }
0xb7: {  	s6 =	sshll.u32 s28, $0x1;
	[dreg:$0x2] =	wrdreg s4  }
0xb8: {  	[dreg:$0x3] =	wrdreg s6  }
0xb9: {  	[dreg:$0x4] =	wrdreg $0xC0  }
0xba: {  	_ =	task [dreg:s22], $0x5FFFF  }
0xbb: {  	[dreg:$0x1] =	wrdreg $0xFFFFFFFF  }
0xbc: {  	[dreg:$0x0] =	wrdreg $0x60  }
0xbd: {  	[dreg:$0x2] =	wrdreg s18  }
0xbe: {  	[dreg:$0x3] =	wrdreg s24  }
0xbf: {  	[dreg:$0x4] =	wrdreg $0xA  }
0xc0: {  	_ =	task.clear_ibuf [dreg:s22], $0x5FFFF;
	_ =	strace $0x9000004F  }
0xc1: {  	s29 =	simm.s32 $0xA;
	_ =	strace $0x80000051  }
0xc2: {  	_ =	swait.ge [sflag:s29], $0x1  }
0xc3: {  	[sflag:s29] =	ssyncadd.s32 $0xFFFFFFFF  }
0xc4: {  	_ =	strace $0x90000051  }
0xc5: {  	_ =	sfence  }
0xc6: {  	s30 =	sld [smem:$0x0];
	_ =	sdelay $0x2  }
0xc7: {  	s31 =	sshll.u32 s1, $0xD;
	s1 =	sshrl.u32 s1, $0x2  }
0xc8: {  	s4 =	sand.u32 $0x4000, s31;
	s1 =	sadd.s32 s1, s30  }
0xc9: {  	s0 =	sor.u32 s4, s0;
	s1 =	sshll.u32 s1, $0x11  }
0xca: {  	s0 =	sor.u32 s1, s0  }
0xcb: {  	s0 =	sadd.s32 $0x8F2B, s0  }
0xcc: {  	[sflag:s0] =	ssyncadd.remote.s32 $0x1  }
0xcd: {  	_ =	sfence.sel $0xFFFF  }
0xce: {  	[dreg:$0x0] =	wrdreg $0xFFFFFFFF;
	(pc) =	sbr.abs _section_cstart, $3  }
0xcf: {  	[dreg:$0x1] =	wrdreg $0xFFFFFFFF  }
0xd0: {  	_ =	task.clear_ibuf [dreg:s22], $0x2FFFF;
	_ =	strace $0x9FFFFFFF  }
0xd1: {  	(tm) =	ssettm $0x7FFFFFFF  }
tec
execute0_lowered:
.L_overlay_start_1:
0x0: {  	(tag) =	ssettag $0x1  }
0x1: {  	s2 =	rddreg [dreg:$0x0];
	s1 =	srdreg.scid  }
0x2: {  	s0 =	stileid.u32;
	s4 =	rddreg [dreg:$0x1]  }
0x3: {  	s3 =	simm.s32 $0x0;
	s11 =	simm.s32 $0x1000;
	s15 =	simm.s32 $0x6000  }
0x4: {  	s17 =	simm.s32 $0x8800;
	s18 =	simm.s32 $0x200;
	s19 =	simm.s32 $0xB000  }
0x5: {  	s20 =	simm.s32 $0x1;
	s21 =	simm.s32 $0x3;
	s22 =	simm.s32 $0x5  }
0x6: {  	s23 =	simm.s32 $0x6;
	s28 =	simm.s32 $0xA;
	s29 =	simm.s32 $0x0  }
0x7: {  	s6 =	sand.u32 $0x1, s1;
	s5 =	sshll.u32 s0, $0x1;
	[smem:$0x7FF] =	sst s3  }
0x8: {  	s9 =	sadd.s32 $0x301A00, s4;
	s26 =	smul.u32 $0xA00, s0;
	s5 =	sor.u32 s6, s5  }
0x9: {  	_ =	strace $0x80000050;
	s8 =	ssub.s32 $0x2, s6;
	s31 =	smul.u32 $0x500, s6  }
0xa: {  	s7 =	sshll.u32 s5, $0x9;
	s24 =	sshrl.u32 s8, $0x1;
	s10 =	smul.u32 $0x500, s5  }
.Ltmp0:
0xb: {  	s7 =	sadd.s32 s7, s4;
	s25 =	ssub.s32 s8, s24;
	(pc) =	sbr.rel .LBB2_1-.Ltmp0, $4  }
0xc: {  	s8 =	sadd.s32 s26, s9;
	s24 =	simm.s32 $0x7;
	s26 =	simm.s32 $0x9  }
0xd: {  	s4 =	sadd.s32 $0xBA00, s7;
	s5 =	smax.u32 s25, $0x1;
	s30 =	sadd.s32 s9, s10  }
0xe: {  	s8 =	sadd.s32 s31, s8;
	s9 =	simm.s32 $0xB;
	s10 =	simm.s32 $0x50  }
0xf: {  	s25 =	simm.s32 $0x8;
	s6 =	sadd.s32 $0xD2000, s30;
	s7 =	sadd.s32 $0xE6000, s30  }
.LBB2_4:
0x10: {  	_ =	swait.ge [sflag:s23], $0x2800  }
0x11: {  	[sflag:s23] =	ssyncset.done $0x0  }
0x12: {  	[sflag:s23] =	ssyncadd.s32 $0xFFFFD800  }
0x13: {  	_ =	swait.ge [sflag:s24], $0x2800  }
0x14: {  	[sflag:s24] =	ssyncset.done $0x0  }
0x15: {  	[sflag:s24] =	ssyncadd.s32 $0xFFFFD800  }
0x16: {  	_ =	swait.ge [sflag:s25], $0x2800  }
0x17: {  	[sflag:s25] =	ssyncset.done $0x0  }
0x18: {  	s29 =	sadd.s32 $0x1, s29;
	[sflag:s25] =	ssyncadd.s32 $0xFFFFD800  }
0x19: {  	p0 =	sne.s32 s29, s5;
	_ =	swait.ge [sflag:s26], $0x2800  }
.Ltmp1:
0x1a: {  	[sflag:s26] =	ssyncset.done $0x0;
	(pc) =	sbr.rel @!p0 .LBB2_5-.Ltmp1, $4  }
0x1b: {  	[sflag:s26] =	ssyncadd.s32 $0xFFFFD800  }
0x1c: {  	_ =	swait.ge [sflag:s28], $0x2800  }
0x1d: {  	[sflag:s28] =	ssyncset.done $0x0  }
0x1e: {  	[sflag:s28] =	ssyncadd.s32 $0xFFFFD800  }
.LBB2_1:
0x1f: {  	[tilespmem:s3], [sflag:$0xB] =	stream.linear.gather [hbm4b:s4+s3], $0xC80, $0x38;
	[tilespmem:$0xD800] =	vst v63  }
0x20: {  	_ =	swait.ge [sflag:s9], $0xC80  }
0x21: {  	[sflag:s9] =	ssyncset.done $0x0  }
0x22: {  	[sflag:s9] =	ssyncadd.s32 $0xFFFFF380  }
0x23: {  	[tilespmem:s11], [sflag:$0x1] =	stream.indirect.gather [hbm4b:s2+s10], $0x80, s3, s10, $0xb8;
	[tilespmem:$0xD800] =	vst v63  }
0x24: {  	s0 =	simm.s32 $0x80;
	s1 =	simm.s32 $0x3800  }
0x25: {  	[tilespmem:s1], [sflag:$0x2] =	stream.indirect.gather [hbm4b:s2+s10], $0x80, s0, s10, $0xb8;
	[tilespmem:$0xD800] =	vst v63  }
0x26: {  	s14 =	simm.s32 $0x100  }
0x27: {  	[tilespmem:s15], [sflag:$0x3] =	stream.indirect.gather [hbm4b:s2+s10], $0x80, s14, s10, $0xb8;
	[tilespmem:$0xD800] =	vst v63  }
0x28: {  	s16 =	simm.s32 $0x180  }
0x29: {  	[tilespmem:s17], [sflag:$0x4] =	stream.indirect.gather [hbm4b:s2+s10], $0x80, s16, s10, $0xb8;
	[tilespmem:$0xD800] =	vst v63  }
0x2a: {  	s30 =	smov.u32 s8;
	s31 =	simm.s32 $0x0  }
0x2b: {  	[tilespmem:s19], [sflag:$0x5] =	stream.indirect.gather [hbm4b:s2+s10], $0x80, s18, s10, $0xb8;
	[tilespmem:$0xD800] =	vst v63  }
.LBB2_2:
0x2c: {  	_ =	swait.ge [sflag:s20], $0x2800  }
0x2d: {  	p0 =	seq.s32 s31, $0x2800;
	[sflag:s20] =	ssyncset.done $0x0  }
0x2e: {  	s1 =	simm.s32 @p0 $0x2;
	[sflag:s20] =	ssyncadd.s32 $0xFFFFD800  }
0x2f: {  	[hbm4b:s30+s3] =	stream.linear.scatter [tilespmem:s11], [sflag:$0x6], $0x2800, $0x38;
	[tilespmem:$0xD800] =	vst v63  }
0x30: {  	_ =	swait.ge @p0 [sflag:s1], $0x2800  }
0x31: {  	[sflag:s1] =	ssyncset.done @p0 $0x0  }
0x32: {  	s0 =	simm.s32 @p0 $0x3800;
	[sflag:s1] =	ssyncadd.s32 @p0 $0xFFFFD800;
	s1 =	simm.s32 @p0 $0x0  }
0x33: {  	[hbm4b:s6+s1] =	stream.linear.scatter @p0 [tilespmem:s0], [sflag:$0x7], $0x2800, $0x38;
	[tilespmem:$0xD800] =	vst v63  }
0x34: {  	s0 =	simm.s32 @!p0 $0x6  }
0x35: {  	_ =	swait.ge @!p0 [sflag:s0], $0x2800  }
0x36: {  	[sflag:s0] =	ssyncset.done @!p0 $0x0  }
0x37: {  	[sflag:s0] =	ssyncadd.s32 @!p0 $0xFFFFD800;
	s0 =	sshra.s32 @!p0 s31, $0x2  }
0x38: {  	s13 =	simm.s32 @!p0 $0x50;
	s14 =	simm.s32 @!p0 $0x1000;
	s12 =	sadd.s32 @!p0 $0x280, s0  }
0x39: {  	[tilespmem:s14], [sflag:$0x1] =	stream.indirect.gather @!p0 [hbm4b:s2+s13], $0x80, s12, s13, $0xb8;
	[tilespmem:$0xD800] =	vst v63  }
0x3a: {  	s12 =	simm.s32 @!p0 $0x2  }
0x3b: {  	_ =	swait.ge @!p0 [sflag:s12], $0x2800  }
0x3c: {  	s16 =	simm.s32 @!p0 $0x3800;
	[sflag:s12] =	ssyncset.done @!p0 $0x0  }
0x3d: {  	s14 =	simm.s32 @!p0 $0x0;
	[sflag:s12] =	ssyncadd.s32 @!p0 $0xFFFFD800;
	s12 =	sadd.s32 @!p0 $0xA000, s30  }
0x3e: {  	[hbm4b:s12+s14] =	stream.linear.scatter @!p0 [tilespmem:s16], [sflag:$0x7], $0x2800, $0x38;
	[tilespmem:$0xD800] =	vst v63  }
0x3f: {  	s12 =	simm.s32 @!p0 $0x7  }
0x40: {  	_ =	swait.ge @!p0 [sflag:s12], $0x2800  }
0x41: {  	[sflag:s12] =	ssyncset.done @!p0 $0x0  }
0x42: {  	[sflag:s12] =	ssyncadd.s32 @!p0 $0xFFFFD800;
	s12 =	sadd.s32 @!p0 $0x300, s0  }
0x43: {  	[tilespmem:s16], [sflag:$0x2] =	stream.indirect.gather @!p0 [hbm4b:s2+s13], $0x80, s12, s13, $0xb8;
	[tilespmem:$0xD800] =	vst v63  }
0x44: {  	_ =	swait.ge [sflag:s21], $0x2800  }
0x45: {  	[sflag:s21] =	ssyncset.done $0x0  }
0x46: {  	s16 =	sadd.s32 $0x14000, s30;
	s12 =	simm.s32 @p0 $0x4;
	[sflag:s21] =	ssyncadd.s32 $0xFFFFD800  }
0x47: {  	[hbm4b:s16+s3] =	stream.linear.scatter [tilespmem:s15], [sflag:$0x8], $0x2800, $0x38;
	[tilespmem:$0xD800] =	vst v63  }
0x48: {  	_ =	swait.ge @p0 [sflag:s12], $0x2800  }
0x49: {  	[sflag:s12] =	ssyncset.done @p0 $0x0  }
0x4a: {  	[sflag:s12] =	ssyncadd.s32 @p0 $0xFFFFD800;
	s12 =	simm.s32 @p0 $0x8800  }
0x4b: {  	[hbm4b:s7+s1] =	stream.linear.scatter @p0 [tilespmem:s12], [sflag:$0x9], $0x2800, $0x38;
	[tilespmem:$0xD800] =	vst v63  }
0x4c: {  	s1 =	simm.s32 @!p0 $0x8  }
0x4d: {  	_ =	swait.ge @!p0 [sflag:s1], $0x2800  }
0x4e: {  	[sflag:s1] =	ssyncset.done @!p0 $0x0  }
0x4f: {  	s12 =	simm.s32 @!p0 $0x6000;
	[sflag:s1] =	ssyncadd.s32 @!p0 $0xFFFFD800;
	s1 =	sadd.s32 @!p0 $0x380, s0  }
0x50: {  	[tilespmem:s12], [sflag:$0x3] =	stream.indirect.gather @!p0 [hbm4b:s2+s13], $0x80, s1, s13, $0xb8;
	[tilespmem:$0xD800] =	vst v63  }
0x51: {  	s1 =	simm.s32 @!p0 $0x4  }
0x52: {  	_ =	swait.ge @!p0 [sflag:s1], $0x2800  }
0x53: {  	[sflag:s1] =	ssyncset.done @!p0 $0x0  }
0x54: {  	s12 =	simm.s32 @!p0 $0x8800;
	[sflag:s1] =	ssyncadd.s32 @!p0 $0xFFFFD800;
	s1 =	sadd.s32 @!p0 $0x1E000, s30  }
0x55: {  	[hbm4b:s1+s14] =	stream.linear.scatter @!p0 [tilespmem:s12], [sflag:$0x9], $0x2800, $0x38;
	[tilespmem:$0xD800] =	vst v63  }
0x56: {  	s1 =	simm.s32 @!p0 $0x9  }
0x57: {  	_ =	swait.ge @!p0 [sflag:s1], $0x2800  }
0x58: {  	[sflag:s1] =	ssyncset.done @!p0 $0x0  }
0x59: {  	s0 =	sadd.s32 @!p0 $0x400, s0;
	[sflag:s1] =	ssyncadd.s32 @!p0 $0xFFFFD800  }
0x5a: {  	[tilespmem:s12], [sflag:$0x4] =	stream.indirect.gather @!p0 [hbm4b:s2+s13], $0x80, s0, s13, $0xb8;
	[tilespmem:$0xD800] =	vst v63  }
.Ltmp2:
0x5b: {  	_ = 	snop;
	(pc) =	sbr.rel @p0 .LBB2_4-.Ltmp2, $4  }
0x5c: {  	_ =	swait.ge [sflag:s22], $0x2800  }
0x5d: {  	[sflag:s22] =	ssyncset.done $0x0  }
0x5e: {  	s16 =	sadd.s32 $0x28000, s30;
	[sflag:s22] =	ssyncadd.s32 $0xFFFFD800  }
0x5f: {  	[hbm4b:s16+s3] =	stream.linear.scatter [tilespmem:s19], [sflag:$0xA], $0x2800, $0x38;
	[tilespmem:$0xD800] =	vst v63  }
.Ltmp3:
0x60: {  	(pc) =	sbr.rel .LBB2_2-.Ltmp3, $4  }
0x61: {  	_ =	swait.ge [sflag:s28], $0x2800  }
0x62: {  	s0 =	sshra.s32 s31, $0x2;
	s31 =	sadd.s32 $0xA00, s31;
	[sflag:s28] =	ssyncset.done $0x0  }
0x63: {  	s30 =	sadd.s32 $0x32000, s30;
	s0 =	sadd.s32 $0x480, s0;
	[sflag:s28] =	ssyncadd.s32 $0xFFFFD800  }
0x64: {  	[tilespmem:s19], [sflag:$0x5] =	stream.indirect.gather [hbm4b:s2+s10], $0x80, s0, s10, $0xb8;
	[tilespmem:$0xD800] =	vst v63  }
.LBB2_5:
0x65: {  	_ =	sfence.sel $0x180000  }
0x66: {  	[bflag:$0x0] =	sbarrier.arrive $0xFFFF  }
0x67: {  	_ =	strace $0x90000050  }
0x68: {  	s0 =	stileid.u32;
	[bflag:$0x2] =	sbarrier.arrive $0xFFFF  }
0x69: {  	p0 =	sne.s32 s0, $0x0;
	s0 =	rddreg [dreg:$0x2]  }
0x6a: {  	s0 =	sadd.s32 @!p0 $0x100000, s0  }
0x6b: {  	[sflag:s0] =	ssyncadd.tile.s32 @!p0 $0x1;
	_ =	shalt  }
.Lfunc_end2:
_tile_overlayer_lowered:
.L_overlay_start_2:
0x6c: {  	(tag) =	ssettag $0x2  }
0x6d: {  	s0 =	rddreg [dreg:$0x0];
	s2 =	stileid.u32  }
0x6e: {  	s1 =	rddreg [dreg:$0x1];
	p0 =	sne.s32 s2, $0x0  }
0x6f: {  	s3 =	rddreg [dreg:$0x2];
	[bflag:$0x3] =	sbarrier.arrive $0xFFFF;
	s2 =	simm.s32 @!p0 $0x1C0B  }
0x70: {  	[timem:s3], [sflag:s2] =	dma.local @!p0 [hbm:s0], s1  }
0x71: {  	s0 =	simm.s32 @!p0 $0xB  }
0x72: {  	_ =	swait.ge @!p0 [sflag:s0], s1  }
0x73: {  	s1 =	ssub.s32 @!p0 $0x0, s1;
	[sflag:s0] =	ssyncset.done @!p0 $0x0  }
0x74: {  	[sflag:s0] =	ssyncadd.s32 @!p0 s1  }
0x75: {  	[bflag:$0x3] =	sbarrier.arrive $0xFFFF  }
0x76: {  	_ =	shalt  }

// kernel: kernel.18.cloned.1.call-start
scs
__scs_entry_jumppad:
0x0: {  	(pc) =	sbr.rel $0x88, $3  }
0x1: {  	(tag) =	ssettag $0x0;
	lr =	simm.s32 $0x1  }
0x2: {  	[smem:$0x3F8F] =	sst lr;
	_ =	strace $0xD0000000  }
0x3: {  	_ = 	snop  }
0x4: {  	_ = 	snop  }
0x5: {  	_ = 	snop  }
0x6: {  	_ = 	snop  }
0x7: {  	_ = 	snop  }
__scs_overlays_trampoline_lowered:
0x8: {  	[smem:$0x3F9E] =	sst s0  }
0x9: {  	[smem:$0x3F9F] =	sst s1  }
0xa: {  	[smem:$0x3FA0] =	sst s2  }
0xb: {  	[smem:$0x3FA1] =	sst s3  }
0xc: {  	[smem:$0x3FA2] =	sst s4  }
0xd: {  	[smem:$0x3FA3] =	sst s5  }
0xe: {  	[smem:$0x3FA4] =	sst s6  }
0xf: {  	[smem:$0x3FA5] =	sst s7  }
0x10: {  	[smem:$0x3FA6] =	sst s8  }
0x11: {  	[smem:$0x3FA7] =	sst s9;
	s0 =	simm.s32 @!p0 $0x0  }
0x12: {  	s1 =	sld [smem:$0x3F8D];
	s0 =	simm.s32 @p0 $0x1  }
0x13: {  	[smem:$0x3FA8] =	sst s0;
	s0 =	simm.s32 @!p1 $0x0  }
0x14: {  	s2 =	sld [smem:$0x3F8C];
	s0 =	simm.s32 @p1 $0x1  }
0x15: {  	[smem:$0x3FA9] =	sst s0;
	s0 =	simm.s32 @!p2 $0x0  }
0x16: {  	s3 =	sld [smem:$0x3FDB];
	s0 =	simm.s32 @p2 $0x1  }
0x17: {  	s4 =	simm.s32 $0x1BF5;
	[smem:$0x3FAB] =	sst s0  }
0x18: {  	s0 =	sld [smem:$0x3F8E];
	_ =	swait.ge [sflag:s4], $0x0  }
0x19: {  	s7 =	sld [smem:$0x3F8F]  }
0x1a: {  	s8 =	sadd.s32 $0xFFFFE003, lr  }
0x1b: {  	s9 =	sadd.s32 $0xFFFFFEF7, lr;
	s5 =	simm.s32 $0xFFFFFFFF;
	p2 =	slt.u32 s8, $0xFFFFF086  }
0x1c: {  	p1 =	slt.u32 s9, $0xF7A;
	s5 =	simm.s32 @!p2 $0x0  }
0x1d: {  	s5 =	simm.s32 @p1 $0x1;
	p0 =	seq.s32 s7, s2  }
0x1e: {  	s7 =	smul.u32 @!p0 $0xF7A, s2;
	p2 =	seq.s32 @!p0 s5, $0x0  }
0x1f: {  	s9 =	smul.u32 $0xF7A, s1;
	s8 =	simm.s32 @!p0 $0x1BF5;
	p2 =	por !p2, p0  }
0x20: {  	[sflag:s8] =	ssyncset.s32 @!p0 $0xFFFFF086;
	s6 =	sadd.s32 @!p0 s3, s7;
	s7 =	simm.s32 @!p0 $0x108  }
0x21: {  	s3 =	sadd.s32 s3, s9;
	s6 =	sadd.s32 @!p0 $0x88, s6;
	s7 =	simm.s32 @p2 $0x1082  }
0x22: {  	[simem:s7], [sflag:s8] =	dma.local @!p0 [hbm:s6], $0xF7A  }
0x23: {  	s9 =	sor.u32 $0xD0000000, s2;
	s6 =	simm.s32 $0x108;
	_ =	swait.ge @!p0 [sflag:s8], $0x0  }
0x24: {  	s3 =	sadd.s32 $0x88, s3;
	s6 =	simm.s32 @!p1 $0x1082;
	[sflag:s4] =	ssyncset.s32 $0xFFFFF086  }
0x25: {  	[simem:s6], [sflag:s4] =	dma.local [hbm:s3], $0xF7A  }
0x26: {  	[smem:$0x3F8F] =	sst s1;
	(tag) =	ssettag s2;
	_ =	strace s9  }
0x27: {  	s1 =	sld [smem:$0x3F9F]  }
0x28: {  	s2 =	sld [smem:$0x3FA0]  }
0x29: {  	s4 =	sld [smem:$0x3FA2]  }
0x2a: {  	p0 =	seq.s32 s5, $0x0;
	s5 =	sld [smem:$0x3FA3]  }
0x2b: {  	s6 =	sld [smem:$0x3FA4]  }
0x2c: {  	s7 =	sld [smem:$0x3FA5]  }
0x2d: {  	s3 =	simm.s32 $0x108;
	s8 =	sld [smem:$0x3FA6]  }
0x2e: {  	s3 =	simm.s32 @!p0 $0x1082;
	s9 =	sld [smem:$0x3FA7]  }
0x2f: {  	lr =	sadd.s32 s0, s3;
	s0 =	sld [smem:$0x3F9E]  }
0x30: {  	s3 =	sld [smem:$0x3FA1]  }
0x31: {  	[smem:$0x3FAA] =	sst s10  }
0x32: {  	s10 =	sld [smem:$0x3FA8];
	_ =	sdelay $0x3  }
0x33: {  	p0 =	seq.s32 s10, $0x1;
	s10 =	sld [smem:$0x3FAA];
	_ =	sdelay $0x3  }
0x34: {  	[smem:$0x3FAA] =	sst s10  }
0x35: {  	s10 =	sld [smem:$0x3FA9];
	_ =	sdelay $0x3  }
0x36: {  	p1 =	seq.s32 s10, $0x1;
	s10 =	sld [smem:$0x3FAA];
	_ =	sdelay $0x3  }
0x37: {  	[smem:$0x3FAA] =	sst s10  }
0x38: {  	s10 =	sld [smem:$0x3FAB]  }
0x39: {  	_ = 	snop;
	(pc) =	sbr.ind lr, $3  }
0x3a: {  	_ = 	snop  }
0x3b: {  	_ = 	snop  }
0x3c: {  	p2 =	seq.s32 s10, $0x1;
	s10 =	sld [smem:$0x3FAA]  }
0x3d: {  	_ =	shalt  }
0x3e: {  	_ =	shalt  }
0x3f: {  	_ =	shalt  }
0x40: {  	_ =	shalt  }
0x41: {  	_ =	shalt  }
0x42: {  	_ =	shalt  }
0x43: {  	_ =	shalt  }
0x44: {  	_ =	shalt  }
0x45: {  	_ =	shalt  }
0x46: {  	_ =	shalt  }
0x47: {  	_ =	shalt  }
0x48: {  	_ =	shalt  }
0x49: {  	_ =	shalt  }
0x4a: {  	_ =	shalt  }
0x4b: {  	_ =	shalt  }
0x4c: {  	_ =	shalt  }
0x4d: {  	_ =	shalt  }
0x4e: {  	_ =	shalt  }
0x4f: {  	_ =	shalt  }
0x50: {  	_ =	shalt  }
0x51: {  	_ =	shalt  }
0x52: {  	_ =	shalt  }
0x53: {  	_ =	shalt  }
0x54: {  	_ =	shalt  }
0x55: {  	_ =	shalt  }
0x56: {  	_ =	shalt  }
0x57: {  	_ =	shalt  }
0x58: {  	_ =	shalt  }
0x59: {  	_ =	shalt  }
0x5a: {  	_ =	shalt  }
0x5b: {  	_ =	shalt  }
0x5c: {  	_ =	shalt  }
0x5d: {  	_ =	shalt  }
0x5e: {  	_ =	shalt  }
0x5f: {  	_ =	shalt  }
0x60: {  	_ =	shalt  }
0x61: {  	_ =	shalt  }
0x62: {  	_ =	shalt  }
0x63: {  	_ =	shalt  }
0x64: {  	_ =	shalt  }
0x65: {  	_ =	shalt  }
0x66: {  	_ =	shalt  }
0x67: {  	_ =	shalt  }
0x68: {  	_ =	shalt  }
0x69: {  	_ =	shalt  }
0x6a: {  	_ =	shalt  }
0x6b: {  	_ =	shalt  }
0x6c: {  	_ =	shalt  }
0x6d: {  	_ =	shalt  }
0x6e: {  	_ =	shalt  }
0x6f: {  	_ =	shalt  }
0x70: {  	_ =	shalt  }
0x71: {  	_ =	shalt  }
0x72: {  	_ =	shalt  }
0x73: {  	_ =	shalt  }
0x74: {  	_ =	shalt  }
0x75: {  	_ =	shalt  }
0x76: {  	_ =	shalt  }
0x77: {  	_ =	shalt  }
0x78: {  	_ =	shalt  }
0x79: {  	_ =	shalt  }
0x7a: {  	_ =	shalt  }
0x7b: {  	_ =	shalt  }
0x7c: {  	_ =	shalt  }
0x7d: {  	_ =	shalt  }
0x7e: {  	_ =	shalt  }
0x7f: {  	_ =	shalt  }
0x80: {  	_ =	shalt  }
0x81: {  	_ =	shalt  }
0x82: {  	_ =	shalt  }
0x83: {  	_ =	shalt  }
0x84: {  	_ =	shalt  }
0x85: {  	_ =	shalt  }
0x86: {  	_ =	shalt  }
0x87: {  	_ =	shalt  }
.Lfunc_end0:
.L_simem_size_0:
called_computation.2_lowered:
.L_overlay_start_0:
0x88: {  	s2 =	sld [smem:$0x3FD9]  }
0x89: {  	s3 =	sld [smem:$0x3FFE];
	_ =	sdelay $0x1  }
0x8a: {  	s1 =	srdreg.scid  }
0x8b: {  	s0 =	sand.u32 $0x1, s1  }
0x8c: {  	s17 =	sshll.u32 s0, $0xA;
	s2 =	sadd.s32 s3, s2  }
0x8d: {  	s2 =	sadd.s32 s2, s17  }
0x8e: {  	[smem:$0x3FB6] =	sst s2  }
0x8f: {  	_ = 	snop  }
0x90: {  	s18 =	sld [smem:$0x3FC9];
	(tm) =	ssettm $0x1  }
0x91: {  	s19 =	sld [smem:$0x3FFB];
	_ =	sdelay $0x3  }
0x92: {  	_ =	strace s19  }
0x93: {  	s2 =	sld [smem:$0x3FFC];
	_ =	sdelay $0x3  }
0x94: {  	_ =	strace s2  }
0x95: {  	s2 =	sld [smem:$0x3FFD];
	_ =	sdelay $0x3  }
0x96: {  	_ =	strace s2  }
0x97: {  	_ =	strace $0x8FFFFFFF  }
0x98: {  	s20 =	sld [smem:$0x3FDB];
	_ =	sdelay $0x1  }
0x99: {  	s4 =	simm.s32 $_scs_section_size  }
0x9a: {  	s5 =	simm.s32 $_size__tile_overlayer_lowered;
	s6 =	simm.s32 $_tile_overlayer_lowered  }
0x9b: {  	s7 =	simm.s32 $0x1BFF;
	s21 =	sshll.u32 s6, $0x1;
	s4 =	sadd.s32 s4, s20  }
0x9c: {  	s22 =	simm.s32 $0x0;
	s5 =	sshll.u32 s5, $0x1;
	s6 =	sadd.s32 s21, s4  }
0x9d: {  	[timem:s22], [sflag:s7] =	dma.local [hbm:s6], s5  }
0x9e: {  	_ =	swait.ge [sflag:s7], s5  }
0x9f: {  	s5 =	ssub.s32 $0x0, s5;
	[sflag:s7] =	ssyncset.done $0x0  }
0xa0: {  	[sflag:s7] =	ssyncadd.s32 s5;
	_ =	sdelay $0x1  }
0xa1: {  	s23 =	simm.s32 $0x1B8B  }
0xa2: {  	_ =	swait.ge [sflag:s23], $0x1  }
0xa3: {  	[sflag:s23] =	ssyncset.done $0x0  }
0xa4: {  	[sflag:s23] =	ssyncadd.s32 $0xFFFFFFFF  }
0xa5: {  	s5 =	sld [smem:$0x0]  }
0xa6: {  	s6 =	sand.u32 $0xFFFFFFFE, s1  }
0xa7: {  	p0 =	sne.s32 s1, s6  }
0xa8: {  	s6 =	sshll.u32 @p0 s6, $0xE  }
0xa9: {  	s6 =	sadd.s32 @p0 $0x11B8D, s6;
	s7 =	sshll.u32 @p0 s5, $0x11  }
0xaa: {  	s6 =	sor.u32 @p0 s7, s6  }
0xab: {  	[sflag:s6] =	ssyncadd.remote.s32 @p0 $0x1;
	_ =	sdelay $0x1  }
0xac: {  	s6 =	simm.s32 @p0 $0x1B8D  }
0xad: {  	_ =	swait.eq @p0 [sflag:s6], $0x1  }
0xae: {  	[sflag:s6] =	ssyncadd.s32 @p0 $0xFFFFFFFF  }
0xaf: {  	s7 =	sshll.u32 @!p0 s1, $0xE  }
0xb0: {  	s7 =	sor.u32 @!p0 $0x4000, s7;
	s6 =	simm.s32 @!p0 $0x1B8D  }
0xb1: {  	s5 =	sshll.u32 @!p0 s5, $0x11;
	s7 =	sadd.s32 @!p0 $0x11B8D, s7;
	_ =	swait.eq @!p0 [sflag:s6], $0x1  }
0xb2: {  	s5 =	sor.u32 @!p0 s5, s7;
	[sflag:s6] =	ssyncadd.s32 @!p0 $0xFFFFFFFF  }
0xb3: {  	s25 =	simm.s32 $0x1B8E;
	s24 =	sld [smem:$0x3FFE];
	[sflag:s5] =	ssyncadd.remote.s32 @!p0 $0x1  }
0xb4: {  	s26 =	simm.s32 $execute0_lowered;
	[smem:$0x3FD2] =	sst s25  }
0xb5: {  	s6 =	sshll.u32 s26, $0x1;
	_ =	strace $0x8000004C;
	[dreg:$0x1] =	wrdreg $0xFFFFFFFF  }
0xb6: {  	s28 =	simm.s32 $_size_execute0_lowered;
	s4 =	sadd.s32 s4, s6;
	[dreg:$0x0] =	wrdreg $0x0  }
0xb7: {  	s6 =	sshll.u32 s28, $0x1;
	[dreg:$0x2] =	wrdreg s4  }
0xb8: {  	[dreg:$0x3] =	wrdreg s6  }
0xb9: {  	[dreg:$0x4] =	wrdreg $0xC0  }
0xba: {  	_ =	task [dreg:s22], $0x5FFFF  }
0xbb: {  	[dreg:$0x1] =	wrdreg $0xFFFFFFFF  }
0xbc: {  	[dreg:$0x0] =	wrdreg $0x60  }
0xbd: {  	[dreg:$0x2] =	wrdreg s18  }
0xbe: {  	[dreg:$0x3] =	wrdreg s24  }
0xbf: {  	[dreg:$0x4] =	wrdreg $0xB  }
0xc0: {  	_ =	task.clear_ibuf [dreg:s22], $0x5FFFF;
	_ =	strace $0x9000004C  }
0xc1: {  	s29 =	simm.s32 $0xB;
	_ =	strace $0x8000004E  }
0xc2: {  	_ =	swait.ge [sflag:s29], $0x1  }
0xc3: {  	[sflag:s29] =	ssyncadd.s32 $0xFFFFFFFF  }
0xc4: {  	_ =	strace $0x9000004E  }
0xc5: {  	_ =	sfence  }
0xc6: {  	s30 =	sld [smem:$0x0];
	_ =	sdelay $0x2  }
0xc7: {  	s31 =	sshll.u32 s1, $0xD;
	s1 =	sshrl.u32 s1, $0x2  }
0xc8: {  	s4 =	sand.u32 $0x4000, s31;
	s1 =	sadd.s32 s1, s30  }
0xc9: {  	s0 =	sor.u32 s4, s0;
	s1 =	sshll.u32 s1, $0x11  }
0xca: {  	s0 =	sor.u32 s1, s0  }
0xcb: {  	s0 =	sadd.s32 $0x8F2B, s0  }
0xcc: {  	[sflag:s0] =	ssyncadd.remote.s32 $0x1  }
0xcd: {  	_ =	sfence.sel $0xFFFF  }
0xce: {  	[dreg:$0x0] =	wrdreg $0xFFFFFFFF;
	(pc) =	sbr.abs _section_cstart, $3  }
0xcf: {  	[dreg:$0x1] =	wrdreg $0xFFFFFFFF  }
0xd0: {  	_ =	task.clear_ibuf [dreg:s22], $0x2FFFF;
	_ =	strace $0x9FFFFFFF  }
0xd1: {  	(tm) =	ssettm $0x7FFFFFFF  }
tec
execute0_lowered:
.L_overlay_start_1:
0x0: {  	(tag) =	ssettag $0x1  }
0x1: {  	s2 =	rddreg [dreg:$0x0];
	s1 =	srdreg.scid  }
0x2: {  	s0 =	stileid.u32;
	s4 =	rddreg [dreg:$0x1]  }
0x3: {  	s3 =	simm.s32 $0x0;
	s11 =	simm.s32 $0x1000;
	s15 =	simm.s32 $0x6000  }
0x4: {  	s17 =	simm.s32 $0x8800;
	s18 =	simm.s32 $0x200;
	s19 =	simm.s32 $0xB000  }
0x5: {  	s20 =	simm.s32 $0x1;
	s21 =	simm.s32 $0x3;
	s22 =	simm.s32 $0x5  }
0x6: {  	s23 =	simm.s32 $0x6;
	s28 =	simm.s32 $0xA;
	s29 =	simm.s32 $0x0  }
0x7: {  	s6 =	sand.u32 $0x1, s1;
	s5 =	sshll.u32 s0, $0x1;
	[smem:$0x7FF] =	sst s3  }
0x8: {  	s9 =	sadd.s32 $0x207A00, s4;
	s26 =	smul.u32 $0xA00, s0;
	s5 =	sor.u32 s6, s5  }
0x9: {  	_ =	strace $0x8000004D;
	s8 =	ssub.s32 $0x2, s6;
	s31 =	smul.u32 $0x500, s6  }
0xa: {  	s7 =	sshll.u32 s5, $0x9;
	s24 =	sshrl.u32 s8, $0x1;
	s10 =	smul.u32 $0x500, s5  }
.Ltmp0:
0xb: {  	s7 =	sadd.s32 s7, s4;
	s25 =	ssub.s32 s8, s24;
	(pc) =	sbr.rel .LBB2_1-.Ltmp0, $4  }
0xc: {  	s8 =	sadd.s32 s26, s9;
	s24 =	simm.s32 $0x7;
	s26 =	simm.s32 $0x9  }
0xd: {  	s4 =	sadd.s32 $0x7A00, s7;
	s5 =	smax.u32 s25, $0x1;
	s30 =	sadd.s32 s9, s10  }
0xe: {  	s8 =	sadd.s32 s31, s8;
	s9 =	simm.s32 $0xB;
	s10 =	simm.s32 $0x50  }
0xf: {  	s25 =	simm.s32 $0x8;
	s6 =	sadd.s32 $0xD2000, s30;
	s7 =	sadd.s32 $0xE6000, s30  }
.LBB2_4:
0x10: {  	_ =	swait.ge [sflag:s23], $0x2800  }
0x11: {  	[sflag:s23] =	ssyncset.done $0x0  }
0x12: {  	[sflag:s23] =	ssyncadd.s32 $0xFFFFD800  }
0x13: {  	_ =	swait.ge [sflag:s24], $0x2800  }
0x14: {  	[sflag:s24] =	ssyncset.done $0x0  }
0x15: {  	[sflag:s24] =	ssyncadd.s32 $0xFFFFD800  }
0x16: {  	_ =	swait.ge [sflag:s25], $0x2800  }
0x17: {  	[sflag:s25] =	ssyncset.done $0x0  }
0x18: {  	s29 =	sadd.s32 $0x1, s29;
	[sflag:s25] =	ssyncadd.s32 $0xFFFFD800  }
0x19: {  	p0 =	sne.s32 s29, s5;
	_ =	swait.ge [sflag:s26], $0x2800  }
.Ltmp1:
0x1a: {  	[sflag:s26] =	ssyncset.done $0x0;
	(pc) =	sbr.rel @!p0 .LBB2_5-.Ltmp1, $4  }
0x1b: {  	[sflag:s26] =	ssyncadd.s32 $0xFFFFD800  }
0x1c: {  	_ =	swait.ge [sflag:s28], $0x2800  }
0x1d: {  	[sflag:s28] =	ssyncset.done $0x0  }
0x1e: {  	[sflag:s28] =	ssyncadd.s32 $0xFFFFD800  }
.LBB2_1:
0x1f: {  	[tilespmem:s3], [sflag:$0xB] =	stream.linear.gather [hbm4b:s4+s3], $0xC80, $0x38;
	[tilespmem:$0xD800] =	vst v63  }
0x20: {  	_ =	swait.ge [sflag:s9], $0xC80  }
0x21: {  	[sflag:s9] =	ssyncset.done $0x0  }
0x22: {  	[sflag:s9] =	ssyncadd.s32 $0xFFFFF380  }
0x23: {  	[tilespmem:s11], [sflag:$0x1] =	stream.indirect.gather [hbm4b:s2+s10], $0x80, s3, s10, $0xb8;
	[tilespmem:$0xD800] =	vst v63  }
0x24: {  	s0 =	simm.s32 $0x80;
	s1 =	simm.s32 $0x3800  }
0x25: {  	[tilespmem:s1], [sflag:$0x2] =	stream.indirect.gather [hbm4b:s2+s10], $0x80, s0, s10, $0xb8;
	[tilespmem:$0xD800] =	vst v63  }
0x26: {  	s14 =	simm.s32 $0x100  }
0x27: {  	[tilespmem:s15], [sflag:$0x3] =	stream.indirect.gather [hbm4b:s2+s10], $0x80, s14, s10, $0xb8;
	[tilespmem:$0xD800] =	vst v63  }
0x28: {  	s16 =	simm.s32 $0x180  }
0x29: {  	[tilespmem:s17], [sflag:$0x4] =	stream.indirect.gather [hbm4b:s2+s10], $0x80, s16, s10, $0xb8;
	[tilespmem:$0xD800] =	vst v63  }
0x2a: {  	s30 =	smov.u32 s8;
	s31 =	simm.s32 $0x0  }
0x2b: {  	[tilespmem:s19], [sflag:$0x5] =	stream.indirect.gather [hbm4b:s2+s10], $0x80, s18, s10, $0xb8;
	[tilespmem:$0xD800] =	vst v63  }
.LBB2_2:
0x2c: {  	_ =	swait.ge [sflag:s20], $0x2800  }
0x2d: {  	p0 =	seq.s32 s31, $0x2800;
	[sflag:s20] =	ssyncset.done $0x0  }
0x2e: {  	s1 =	simm.s32 @p0 $0x2;
	[sflag:s20] =	ssyncadd.s32 $0xFFFFD800  }
0x2f: {  	[hbm4b:s30+s3] =	stream.linear.scatter [tilespmem:s11], [sflag:$0x6], $0x2800, $0x38;
	[tilespmem:$0xD800] =	vst v63  }
0x30: {  	_ =	swait.ge @p0 [sflag:s1], $0x2800  }
0x31: {  	[sflag:s1] =	ssyncset.done @p0 $0x0  }
0x32: {  	s0 =	simm.s32 @p0 $0x3800;
	[sflag:s1] =	ssyncadd.s32 @p0 $0xFFFFD800;
	s1 =	simm.s32 @p0 $0x0  }
0x33: {  	[hbm4b:s6+s1] =	stream.linear.scatter @p0 [tilespmem:s0], [sflag:$0x7], $0x2800, $0x38;
	[tilespmem:$0xD800] =	vst v63  }
0x34: {  	s0 =	simm.s32 @!p0 $0x6  }
0x35: {  	_ =	swait.ge @!p0 [sflag:s0], $0x2800  }
0x36: {  	[sflag:s0] =	ssyncset.done @!p0 $0x0  }
0x37: {  	[sflag:s0] =	ssyncadd.s32 @!p0 $0xFFFFD800;
	s0 =	sshra.s32 @!p0 s31, $0x2  }
0x38: {  	s13 =	simm.s32 @!p0 $0x50;
	s14 =	simm.s32 @!p0 $0x1000;
	s12 =	sadd.s32 @!p0 $0x280, s0  }
0x39: {  	[tilespmem:s14], [sflag:$0x1] =	stream.indirect.gather @!p0 [hbm4b:s2+s13], $0x80, s12, s13, $0xb8;
	[tilespmem:$0xD800] =	vst v63  }
0x3a: {  	s12 =	simm.s32 @!p0 $0x2  }
0x3b: {  	_ =	swait.ge @!p0 [sflag:s12], $0x2800  }
0x3c: {  	s16 =	simm.s32 @!p0 $0x3800;
	[sflag:s12] =	ssyncset.done @!p0 $0x0  }
0x3d: {  	s14 =	simm.s32 @!p0 $0x0;
	[sflag:s12] =	ssyncadd.s32 @!p0 $0xFFFFD800;
	s12 =	sadd.s32 @!p0 $0xA000, s30  }
0x3e: {  	[hbm4b:s12+s14] =	stream.linear.scatter @!p0 [tilespmem:s16], [sflag:$0x7], $0x2800, $0x38;
	[tilespmem:$0xD800] =	vst v63  }
0x3f: {  	s12 =	simm.s32 @!p0 $0x7  }
0x40: {  	_ =	swait.ge @!p0 [sflag:s12], $0x2800  }
0x41: {  	[sflag:s12] =	ssyncset.done @!p0 $0x0  }
0x42: {  	[sflag:s12] =	ssyncadd.s32 @!p0 $0xFFFFD800;
	s12 =	sadd.s32 @!p0 $0x300, s0  }
0x43: {  	[tilespmem:s16], [sflag:$0x2] =	stream.indirect.gather @!p0 [hbm4b:s2+s13], $0x80, s12, s13, $0xb8;
	[tilespmem:$0xD800] =	vst v63  }
0x44: {  	_ =	swait.ge [sflag:s21], $0x2800  }
0x45: {  	[sflag:s21] =	ssyncset.done $0x0  }
0x46: {  	s16 =	sadd.s32 $0x14000, s30;
	s12 =	simm.s32 @p0 $0x4;
	[sflag:s21] =	ssyncadd.s32 $0xFFFFD800  }
0x47: {  	[hbm4b:s16+s3] =	stream.linear.scatter [tilespmem:s15], [sflag:$0x8], $0x2800, $0x38;
	[tilespmem:$0xD800] =	vst v63  }
0x48: {  	_ =	swait.ge @p0 [sflag:s12], $0x2800  }
0x49: {  	[sflag:s12] =	ssyncset.done @p0 $0x0  }
0x4a: {  	[sflag:s12] =	ssyncadd.s32 @p0 $0xFFFFD800;
	s12 =	simm.s32 @p0 $0x8800  }
0x4b: {  	[hbm4b:s7+s1] =	stream.linear.scatter @p0 [tilespmem:s12], [sflag:$0x9], $0x2800, $0x38;
	[tilespmem:$0xD800] =	vst v63  }
0x4c: {  	s1 =	simm.s32 @!p0 $0x8  }
0x4d: {  	_ =	swait.ge @!p0 [sflag:s1], $0x2800  }
0x4e: {  	[sflag:s1] =	ssyncset.done @!p0 $0x0  }
0x4f: {  	s12 =	simm.s32 @!p0 $0x6000;
	[sflag:s1] =	ssyncadd.s32 @!p0 $0xFFFFD800;
	s1 =	sadd.s32 @!p0 $0x380, s0  }
0x50: {  	[tilespmem:s12], [sflag:$0x3] =	stream.indirect.gather @!p0 [hbm4b:s2+s13], $0x80, s1, s13, $0xb8;
	[tilespmem:$0xD800] =	vst v63  }
0x51: {  	s1 =	simm.s32 @!p0 $0x4  }
0x52: {  	_ =	swait.ge @!p0 [sflag:s1], $0x2800  }
0x53: {  	[sflag:s1] =	ssyncset.done @!p0 $0x0  }
0x54: {  	s12 =	simm.s32 @!p0 $0x8800;
	[sflag:s1] =	ssyncadd.s32 @!p0 $0xFFFFD800;
	s1 =	sadd.s32 @!p0 $0x1E000, s30  }
0x55: {  	[hbm4b:s1+s14] =	stream.linear.scatter @!p0 [tilespmem:s12], [sflag:$0x9], $0x2800, $0x38;
	[tilespmem:$0xD800] =	vst v63  }
0x56: {  	s1 =	simm.s32 @!p0 $0x9  }
0x57: {  	_ =	swait.ge @!p0 [sflag:s1], $0x2800  }
0x58: {  	[sflag:s1] =	ssyncset.done @!p0 $0x0  }
0x59: {  	s0 =	sadd.s32 @!p0 $0x400, s0;
	[sflag:s1] =	ssyncadd.s32 @!p0 $0xFFFFD800  }
0x5a: {  	[tilespmem:s12], [sflag:$0x4] =	stream.indirect.gather @!p0 [hbm4b:s2+s13], $0x80, s0, s13, $0xb8;
	[tilespmem:$0xD800] =	vst v63  }
.Ltmp2:
0x5b: {  	_ = 	snop;
	(pc) =	sbr.rel @p0 .LBB2_4-.Ltmp2, $4  }
0x5c: {  	_ =	swait.ge [sflag:s22], $0x2800  }
0x5d: {  	[sflag:s22] =	ssyncset.done $0x0  }
0x5e: {  	s16 =	sadd.s32 $0x28000, s30;
	[sflag:s22] =	ssyncadd.s32 $0xFFFFD800  }
0x5f: {  	[hbm4b:s16+s3] =	stream.linear.scatter [tilespmem:s19], [sflag:$0xA], $0x2800, $0x38;
	[tilespmem:$0xD800] =	vst v63  }
.Ltmp3:
0x60: {  	(pc) =	sbr.rel .LBB2_2-.Ltmp3, $4  }
0x61: {  	_ =	swait.ge [sflag:s28], $0x2800  }
0x62: {  	s0 =	sshra.s32 s31, $0x2;
	s31 =	sadd.s32 $0xA00, s31;
	[sflag:s28] =	ssyncset.done $0x0  }
0x63: {  	s30 =	sadd.s32 $0x32000, s30;
	s0 =	sadd.s32 $0x480, s0;
	[sflag:s28] =	ssyncadd.s32 $0xFFFFD800  }
0x64: {  	[tilespmem:s19], [sflag:$0x5] =	stream.indirect.gather [hbm4b:s2+s10], $0x80, s0, s10, $0xb8;
	[tilespmem:$0xD800] =	vst v63  }
.LBB2_5:
0x65: {  	_ =	sfence.sel $0x180000  }
0x66: {  	[bflag:$0x0] =	sbarrier.arrive $0xFFFF  }
0x67: {  	_ =	strace $0x9000004D  }
0x68: {  	s0 =	stileid.u32;
	[bflag:$0x2] =	sbarrier.arrive $0xFFFF  }
0x69: {  	p0 =	sne.s32 s0, $0x0;
	s0 =	rddreg [dreg:$0x2]  }
0x6a: {  	s0 =	sadd.s32 @!p0 $0x100000, s0  }
0x6b: {  	[sflag:s0] =	ssyncadd.tile.s32 @!p0 $0x1;
	_ =	shalt  }
.Lfunc_end2:
_tile_overlayer_lowered:
.L_overlay_start_2:
0x6c: {  	(tag) =	ssettag $0x2  }
0x6d: {  	s0 =	rddreg [dreg:$0x0];
	s2 =	stileid.u32  }
0x6e: {  	s1 =	rddreg [dreg:$0x1];
	p0 =	sne.s32 s2, $0x0  }
0x6f: {  	s3 =	rddreg [dreg:$0x2];
	[bflag:$0x3] =	sbarrier.arrive $0xFFFF;
	s2 =	simm.s32 @!p0 $0x1C0B  }
0x70: {  	[timem:s3], [sflag:s2] =	dma.local @!p0 [hbm:s0], s1  }
0x71: {  	s0 =	simm.s32 @!p0 $0xB  }
0x72: {  	_ =	swait.ge @!p0 [sflag:s0], s1  }
0x73: {  	s1 =	ssub.s32 @!p0 $0x0, s1;
	[sflag:s0] =	ssyncset.done @!p0 $0x0  }
0x74: {  	[sflag:s0] =	ssyncadd.s32 @!p0 s1  }
0x75: {  	[bflag:$0x3] =	sbarrier.arrive $0xFFFF  }
0x76: {  	_ =	shalt  }

// kernel: kernel.21.cloned.1.call-start
scs
__scs_entry_jumppad:
0x0: {  	(pc) =	sbr.rel $0x88, $3  }
0x1: {  	(tag) =	ssettag $0x0;
	lr =	simm.s32 $0x1  }
0x2: {  	[smem:$0x3F8F] =	sst lr;
	_ =	strace $0xD0000000  }
0x3: {  	_ = 	snop  }
0x4: {  	_ = 	snop  }
0x5: {  	_ = 	snop  }
0x6: {  	_ = 	snop  }
0x7: {  	_ = 	snop  }
__scs_overlays_trampoline_lowered:
0x8: {  	[smem:$0x3F9E] =	sst s0  }
0x9: {  	[smem:$0x3F9F] =	sst s1  }
0xa: {  	[smem:$0x3FA0] =	sst s2  }
0xb: {  	[smem:$0x3FA1] =	sst s3  }
0xc: {  	[smem:$0x3FA2] =	sst s4  }
0xd: {  	[smem:$0x3FA3] =	sst s5  }
0xe: {  	[smem:$0x3FA4] =	sst s6  }
0xf: {  	[smem:$0x3FA5] =	sst s7  }
0x10: {  	[smem:$0x3FA6] =	sst s8  }
0x11: {  	[smem:$0x3FA7] =	sst s9;
	s0 =	simm.s32 @!p0 $0x0  }
0x12: {  	s1 =	sld [smem:$0x3F8D];
	s0 =	simm.s32 @p0 $0x1  }
0x13: {  	[smem:$0x3FA8] =	sst s0;
	s0 =	simm.s32 @!p1 $0x0  }
0x14: {  	s2 =	sld [smem:$0x3F8C];
	s0 =	simm.s32 @p1 $0x1  }
0x15: {  	[smem:$0x3FA9] =	sst s0;
	s0 =	simm.s32 @!p2 $0x0  }
0x16: {  	s3 =	sld [smem:$0x3FDB];
	s0 =	simm.s32 @p2 $0x1  }
0x17: {  	s4 =	simm.s32 $0x1BF5;
	[smem:$0x3FAB] =	sst s0  }
0x18: {  	s0 =	sld [smem:$0x3F8E];
	_ =	swait.ge [sflag:s4], $0x0  }
0x19: {  	s7 =	sld [smem:$0x3F8F]  }
0x1a: {  	s8 =	sadd.s32 $0xFFFFE003, lr  }
0x1b: {  	s9 =	sadd.s32 $0xFFFFFEF7, lr;
	s5 =	simm.s32 $0xFFFFFFFF;
	p2 =	slt.u32 s8, $0xFFFFF086  }
0x1c: {  	p1 =	slt.u32 s9, $0xF7A;
	s5 =	simm.s32 @!p2 $0x0  }
0x1d: {  	s5 =	simm.s32 @p1 $0x1;
	p0 =	seq.s32 s7, s2  }
0x1e: {  	s7 =	smul.u32 @!p0 $0xF7A, s2;
	p2 =	seq.s32 @!p0 s5, $0x0  }
0x1f: {  	s9 =	smul.u32 $0xF7A, s1;
	s8 =	simm.s32 @!p0 $0x1BF5;
	p2 =	por !p2, p0  }
0x20: {  	[sflag:s8] =	ssyncset.s32 @!p0 $0xFFFFF086;
	s6 =	sadd.s32 @!p0 s3, s7;
	s7 =	simm.s32 @!p0 $0x108  }
0x21: {  	s3 =	sadd.s32 s3, s9;
	s6 =	sadd.s32 @!p0 $0x88, s6;
	s7 =	simm.s32 @p2 $0x1082  }
0x22: {  	[simem:s7], [sflag:s8] =	dma.local @!p0 [hbm:s6], $0xF7A  }
0x23: {  	s9 =	sor.u32 $0xD0000000, s2;
	s6 =	simm.s32 $0x108;
	_ =	swait.ge @!p0 [sflag:s8], $0x0  }
0x24: {  	s3 =	sadd.s32 $0x88, s3;
	s6 =	simm.s32 @!p1 $0x1082;
	[sflag:s4] =	ssyncset.s32 $0xFFFFF086  }
0x25: {  	[simem:s6], [sflag:s4] =	dma.local [hbm:s3], $0xF7A  }
0x26: {  	[smem:$0x3F8F] =	sst s1;
	(tag) =	ssettag s2;
	_ =	strace s9  }
0x27: {  	s1 =	sld [smem:$0x3F9F]  }
0x28: {  	s2 =	sld [smem:$0x3FA0]  }
0x29: {  	s4 =	sld [smem:$0x3FA2]  }
0x2a: {  	p0 =	seq.s32 s5, $0x0;
	s5 =	sld [smem:$0x3FA3]  }
0x2b: {  	s6 =	sld [smem:$0x3FA4]  }
0x2c: {  	s7 =	sld [smem:$0x3FA5]  }
0x2d: {  	s3 =	simm.s32 $0x108;
	s8 =	sld [smem:$0x3FA6]  }
0x2e: {  	s3 =	simm.s32 @!p0 $0x1082;
	s9 =	sld [smem:$0x3FA7]  }
0x2f: {  	lr =	sadd.s32 s0, s3;
	s0 =	sld [smem:$0x3F9E]  }
0x30: {  	s3 =	sld [smem:$0x3FA1]  }
0x31: {  	[smem:$0x3FAA] =	sst s10  }
0x32: {  	s10 =	sld [smem:$0x3FA8];
	_ =	sdelay $0x3  }
0x33: {  	p0 =	seq.s32 s10, $0x1;
	s10 =	sld [smem:$0x3FAA];
	_ =	sdelay $0x3  }
0x34: {  	[smem:$0x3FAA] =	sst s10  }
0x35: {  	s10 =	sld [smem:$0x3FA9];
	_ =	sdelay $0x3  }
0x36: {  	p1 =	seq.s32 s10, $0x1;
	s10 =	sld [smem:$0x3FAA];
	_ =	sdelay $0x3  }
0x37: {  	[smem:$0x3FAA] =	sst s10  }
0x38: {  	s10 =	sld [smem:$0x3FAB]  }
0x39: {  	_ = 	snop;
	(pc) =	sbr.ind lr, $3  }
0x3a: {  	_ = 	snop  }
0x3b: {  	_ = 	snop  }
0x3c: {  	p2 =	seq.s32 s10, $0x1;
	s10 =	sld [smem:$0x3FAA]  }
0x3d: {  	_ =	shalt  }
0x3e: {  	_ =	shalt  }
0x3f: {  	_ =	shalt  }
0x40: {  	_ =	shalt  }
0x41: {  	_ =	shalt  }
0x42: {  	_ =	shalt  }
0x43: {  	_ =	shalt  }
0x44: {  	_ =	shalt  }
0x45: {  	_ =	shalt  }
0x46: {  	_ =	shalt  }
0x47: {  	_ =	shalt  }
0x48: {  	_ =	shalt  }
0x49: {  	_ =	shalt  }
0x4a: {  	_ =	shalt  }
0x4b: {  	_ =	shalt  }
0x4c: {  	_ =	shalt  }
0x4d: {  	_ =	shalt  }
0x4e: {  	_ =	shalt  }
0x4f: {  	_ =	shalt  }
0x50: {  	_ =	shalt  }
0x51: {  	_ =	shalt  }
0x52: {  	_ =	shalt  }
0x53: {  	_ =	shalt  }
0x54: {  	_ =	shalt  }
0x55: {  	_ =	shalt  }
0x56: {  	_ =	shalt  }
0x57: {  	_ =	shalt  }
0x58: {  	_ =	shalt  }
0x59: {  	_ =	shalt  }
0x5a: {  	_ =	shalt  }
0x5b: {  	_ =	shalt  }
0x5c: {  	_ =	shalt  }
0x5d: {  	_ =	shalt  }
0x5e: {  	_ =	shalt  }
0x5f: {  	_ =	shalt  }
0x60: {  	_ =	shalt  }
0x61: {  	_ =	shalt  }
0x62: {  	_ =	shalt  }
0x63: {  	_ =	shalt  }
0x64: {  	_ =	shalt  }
0x65: {  	_ =	shalt  }
0x66: {  	_ =	shalt  }
0x67: {  	_ =	shalt  }
0x68: {  	_ =	shalt  }
0x69: {  	_ =	shalt  }
0x6a: {  	_ =	shalt  }
0x6b: {  	_ =	shalt  }
0x6c: {  	_ =	shalt  }
0x6d: {  	_ =	shalt  }
0x6e: {  	_ =	shalt  }
0x6f: {  	_ =	shalt  }
0x70: {  	_ =	shalt  }
0x71: {  	_ =	shalt  }
0x72: {  	_ =	shalt  }
0x73: {  	_ =	shalt  }
0x74: {  	_ =	shalt  }
0x75: {  	_ =	shalt  }
0x76: {  	_ =	shalt  }
0x77: {  	_ =	shalt  }
0x78: {  	_ =	shalt  }
0x79: {  	_ =	shalt  }
0x7a: {  	_ =	shalt  }
0x7b: {  	_ =	shalt  }
0x7c: {  	_ =	shalt  }
0x7d: {  	_ =	shalt  }
0x7e: {  	_ =	shalt  }
0x7f: {  	_ =	shalt  }
0x80: {  	_ =	shalt  }
0x81: {  	_ =	shalt  }
0x82: {  	_ =	shalt  }
0x83: {  	_ =	shalt  }
0x84: {  	_ =	shalt  }
0x85: {  	_ =	shalt  }
0x86: {  	_ =	shalt  }
0x87: {  	_ =	shalt  }
.Lfunc_end0:
.L_simem_size_0:
called_computation.3_lowered:
.L_overlay_start_0:
0x88: {  	s2 =	sld [smem:$0x3FD9]  }
0x89: {  	s3 =	sld [smem:$0x3FFE];
	_ =	sdelay $0x1  }
0x8a: {  	s1 =	srdreg.scid  }
0x8b: {  	s0 =	sand.u32 $0x1, s1  }
0x8c: {  	s17 =	sshll.u32 s0, $0xA;
	s2 =	sadd.s32 s3, s2  }
0x8d: {  	s2 =	sadd.s32 s2, s17  }
0x8e: {  	[smem:$0x3FB6] =	sst s2  }
0x8f: {  	_ = 	snop  }
0x90: {  	s18 =	sld [smem:$0x3FC9];
	(tm) =	ssettm $0x1  }
0x91: {  	s19 =	sld [smem:$0x3FFB];
	_ =	sdelay $0x3  }
0x92: {  	_ =	strace s19  }
0x93: {  	s2 =	sld [smem:$0x3FFC];
	_ =	sdelay $0x3  }
0x94: {  	_ =	strace s2  }
0x95: {  	s2 =	sld [smem:$0x3FFD];
	_ =	sdelay $0x3  }
0x96: {  	_ =	strace s2  }
0x97: {  	_ =	strace $0x8FFFFFFF  }
0x98: {  	s20 =	sld [smem:$0x3FDB];
	_ =	sdelay $0x1  }
0x99: {  	s4 =	simm.s32 $_scs_section_size  }
0x9a: {  	s5 =	simm.s32 $_size__tile_overlayer_lowered;
	s6 =	simm.s32 $_tile_overlayer_lowered  }
0x9b: {  	s7 =	simm.s32 $0x1BFF;
	s21 =	sshll.u32 s6, $0x1;
	s4 =	sadd.s32 s4, s20  }
0x9c: {  	s22 =	simm.s32 $0x0;
	s5 =	sshll.u32 s5, $0x1;
	s6 =	sadd.s32 s21, s4  }
0x9d: {  	[timem:s22], [sflag:s7] =	dma.local [hbm:s6], s5  }
0x9e: {  	_ =	swait.ge [sflag:s7], s5  }
0x9f: {  	s5 =	ssub.s32 $0x0, s5;
	[sflag:s7] =	ssyncset.done $0x0  }
0xa0: {  	[sflag:s7] =	ssyncadd.s32 s5;
	_ =	sdelay $0x1  }
0xa1: {  	s23 =	simm.s32 $0x1B8B  }
0xa2: {  	_ =	swait.ge [sflag:s23], $0x1  }
0xa3: {  	[sflag:s23] =	ssyncset.done $0x0  }
0xa4: {  	[sflag:s23] =	ssyncadd.s32 $0xFFFFFFFF  }
0xa5: {  	s5 =	sld [smem:$0x0]  }
0xa6: {  	s6 =	sand.u32 $0xFFFFFFFE, s1  }
0xa7: {  	p0 =	sne.s32 s1, s6  }
0xa8: {  	s6 =	sshll.u32 @p0 s6, $0xE  }
0xa9: {  	s6 =	sadd.s32 @p0 $0x11B8D, s6;
	s7 =	sshll.u32 @p0 s5, $0x11  }
0xaa: {  	s6 =	sor.u32 @p0 s7, s6  }
0xab: {  	[sflag:s6] =	ssyncadd.remote.s32 @p0 $0x1;
	_ =	sdelay $0x1  }
0xac: {  	s6 =	simm.s32 @p0 $0x1B8D  }
0xad: {  	_ =	swait.eq @p0 [sflag:s6], $0x1  }
0xae: {  	[sflag:s6] =	ssyncadd.s32 @p0 $0xFFFFFFFF  }
0xaf: {  	s7 =	sshll.u32 @!p0 s1, $0xE  }
0xb0: {  	s7 =	sor.u32 @!p0 $0x4000, s7;
	s6 =	simm.s32 @!p0 $0x1B8D  }
0xb1: {  	s5 =	sshll.u32 @!p0 s5, $0x11;
	s7 =	sadd.s32 @!p0 $0x11B8D, s7;
	_ =	swait.eq @!p0 [sflag:s6], $0x1  }
0xb2: {  	s5 =	sor.u32 @!p0 s5, s7;
	[sflag:s6] =	ssyncadd.s32 @!p0 $0xFFFFFFFF  }
0xb3: {  	s25 =	simm.s32 $0x1B8E;
	s24 =	sld [smem:$0x3FFE];
	[sflag:s5] =	ssyncadd.remote.s32 @!p0 $0x1  }
0xb4: {  	s26 =	simm.s32 $execute0_lowered;
	[smem:$0x3FD2] =	sst s25  }
0xb5: {  	s6 =	sshll.u32 s26, $0x1;
	_ =	strace $0x80000049;
	[dreg:$0x1] =	wrdreg $0xFFFFFFFF  }
0xb6: {  	s28 =	simm.s32 $_size_execute0_lowered;
	s4 =	sadd.s32 s4, s6;
	[dreg:$0x0] =	wrdreg $0x0  }
0xb7: {  	s6 =	sshll.u32 s28, $0x1;
	[dreg:$0x2] =	wrdreg s4  }
0xb8: {  	[dreg:$0x3] =	wrdreg s6  }
0xb9: {  	[dreg:$0x4] =	wrdreg $0xC0  }
0xba: {  	_ =	task [dreg:s22], $0x5FFFF  }
0xbb: {  	[dreg:$0x1] =	wrdreg $0xFFFFFFFF  }
0xbc: {  	[dreg:$0x0] =	wrdreg $0x60  }
0xbd: {  	[dreg:$0x2] =	wrdreg s18  }
0xbe: {  	[dreg:$0x3] =	wrdreg s24  }
0xbf: {  	[dreg:$0x4] =	wrdreg $0xC  }
0xc0: {  	_ =	task.clear_ibuf [dreg:s22], $0x5FFFF;
	_ =	strace $0x90000049  }
0xc1: {  	s29 =	simm.s32 $0xC;
	_ =	strace $0x8000004B  }
0xc2: {  	_ =	swait.ge [sflag:s29], $0x1  }
0xc3: {  	[sflag:s29] =	ssyncadd.s32 $0xFFFFFFFF  }
0xc4: {  	_ =	strace $0x9000004B  }
0xc5: {  	_ =	sfence  }
0xc6: {  	s30 =	sld [smem:$0x0];
	_ =	sdelay $0x2  }
0xc7: {  	s31 =	sshll.u32 s1, $0xD;
	s1 =	sshrl.u32 s1, $0x2  }
0xc8: {  	s4 =	sand.u32 $0x4000, s31;
	s1 =	sadd.s32 s1, s30  }
0xc9: {  	s0 =	sor.u32 s4, s0;
	s1 =	sshll.u32 s1, $0x11  }
0xca: {  	s0 =	sor.u32 s1, s0  }
0xcb: {  	s0 =	sadd.s32 $0x8F2B, s0  }
0xcc: {  	[sflag:s0] =	ssyncadd.remote.s32 $0x1  }
0xcd: {  	_ =	sfence.sel $0xFFFF  }
0xce: {  	[dreg:$0x0] =	wrdreg $0xFFFFFFFF;
	(pc) =	sbr.abs _section_cstart, $3  }
0xcf: {  	[dreg:$0x1] =	wrdreg $0xFFFFFFFF  }
0xd0: {  	_ =	task.clear_ibuf [dreg:s22], $0x2FFFF;
	_ =	strace $0x9FFFFFFF  }
0xd1: {  	(tm) =	ssettm $0x7FFFFFFF  }
tec
execute0_lowered:
.L_overlay_start_1:
0x0: {  	(tag) =	ssettag $0x1  }
0x1: {  	s2 =	rddreg [dreg:$0x0];
	s1 =	srdreg.scid  }
0x2: {  	s0 =	stileid.u32;
	s4 =	rddreg [dreg:$0x1]  }
0x3: {  	s3 =	simm.s32 $0x0;
	s11 =	simm.s32 $0x1000;
	s15 =	simm.s32 $0x6000  }
0x4: {  	s17 =	simm.s32 $0x8800;
	s18 =	simm.s32 $0x200;
	s19 =	simm.s32 $0xB000  }
0x5: {  	s20 =	simm.s32 $0x1;
	s21 =	simm.s32 $0x3;
	s22 =	simm.s32 $0x5  }
0x6: {  	s23 =	simm.s32 $0x6;
	s28 =	simm.s32 $0xA;
	s29 =	simm.s32 $0x0  }
0x7: {  	s6 =	sand.u32 $0x1, s1;
	s5 =	sshll.u32 s0, $0x1;
	[smem:$0x7FF] =	sst s3  }
0x8: {  	s9 =	sadd.s32 $0x10DA00, s4;
	s26 =	smul.u32 $0xA00, s0;
	s5 =	sor.u32 s6, s5  }
0x9: {  	_ =	strace $0x8000004A;
	s8 =	ssub.s32 $0x2, s6;
	s31 =	smul.u32 $0x500, s6  }
0xa: {  	s7 =	sshll.u32 s5, $0x9;
	s24 =	sshrl.u32 s8, $0x1;
	s10 =	smul.u32 $0x500, s5  }
.Ltmp0:
0xb: {  	s7 =	sadd.s32 s7, s4;
	s25 =	ssub.s32 s8, s24;
	(pc) =	sbr.rel .LBB2_1-.Ltmp0, $4  }
0xc: {  	s8 =	sadd.s32 s26, s9;
	s24 =	simm.s32 $0x7;
	s26 =	simm.s32 $0x9  }
0xd: {  	s4 =	sadd.s32 $0x3A00, s7;
	s5 =	smax.u32 s25, $0x1;
	s30 =	sadd.s32 s9, s10  }
0xe: {  	s8 =	sadd.s32 s31, s8;
	s9 =	simm.s32 $0xB;
	s10 =	simm.s32 $0x50  }
0xf: {  	s25 =	simm.s32 $0x8;
	s6 =	sadd.s32 $0xD2000, s30;
	s7 =	sadd.s32 $0xE6000, s30  }
.LBB2_4:
0x10: {  	_ =	swait.ge [sflag:s23], $0x2800  }
0x11: {  	[sflag:s23] =	ssyncset.done $0x0  }
0x12: {  	[sflag:s23] =	ssyncadd.s32 $0xFFFFD800  }
0x13: {  	_ =	swait.ge [sflag:s24], $0x2800  }
0x14: {  	[sflag:s24] =	ssyncset.done $0x0  }
0x15: {  	[sflag:s24] =	ssyncadd.s32 $0xFFFFD800  }
0x16: {  	_ =	swait.ge [sflag:s25], $0x2800  }
0x17: {  	[sflag:s25] =	ssyncset.done $0x0  }
0x18: {  	s29 =	sadd.s32 $0x1, s29;
	[sflag:s25] =	ssyncadd.s32 $0xFFFFD800  }
0x19: {  	p0 =	sne.s32 s29, s5;
	_ =	swait.ge [sflag:s26], $0x2800  }
.Ltmp1:
0x1a: {  	[sflag:s26] =	ssyncset.done $0x0;
	(pc) =	sbr.rel @!p0 .LBB2_5-.Ltmp1, $4  }
0x1b: {  	[sflag:s26] =	ssyncadd.s32 $0xFFFFD800  }
0x1c: {  	_ =	swait.ge [sflag:s28], $0x2800  }
0x1d: {  	[sflag:s28] =	ssyncset.done $0x0  }
0x1e: {  	[sflag:s28] =	ssyncadd.s32 $0xFFFFD800  }
.LBB2_1:
0x1f: {  	[tilespmem:s3], [sflag:$0xB] =	stream.linear.gather [hbm4b:s4+s3], $0xC80, $0x38;
	[tilespmem:$0xD800] =	vst v63  }
0x20: {  	_ =	swait.ge [sflag:s9], $0xC80  }
0x21: {  	[sflag:s9] =	ssyncset.done $0x0  }
0x22: {  	[sflag:s9] =	ssyncadd.s32 $0xFFFFF380  }
0x23: {  	[tilespmem:s11], [sflag:$0x1] =	stream.indirect.gather [hbm4b:s2+s10], $0x80, s3, s10, $0xb8;
	[tilespmem:$0xD800] =	vst v63  }
0x24: {  	s0 =	simm.s32 $0x80;
	s1 =	simm.s32 $0x3800  }
0x25: {  	[tilespmem:s1], [sflag:$0x2] =	stream.indirect.gather [hbm4b:s2+s10], $0x80, s0, s10, $0xb8;
	[tilespmem:$0xD800] =	vst v63  }
0x26: {  	s14 =	simm.s32 $0x100  }
0x27: {  	[tilespmem:s15], [sflag:$0x3] =	stream.indirect.gather [hbm4b:s2+s10], $0x80, s14, s10, $0xb8;
	[tilespmem:$0xD800] =	vst v63  }
0x28: {  	s16 =	simm.s32 $0x180  }
0x29: {  	[tilespmem:s17], [sflag:$0x4] =	stream.indirect.gather [hbm4b:s2+s10], $0x80, s16, s10, $0xb8;
	[tilespmem:$0xD800] =	vst v63  }
0x2a: {  	s30 =	smov.u32 s8;
	s31 =	simm.s32 $0x0  }
0x2b: {  	[tilespmem:s19], [sflag:$0x5] =	stream.indirect.gather [hbm4b:s2+s10], $0x80, s18, s10, $0xb8;
	[tilespmem:$0xD800] =	vst v63  }
.LBB2_2:
0x2c: {  	_ =	swait.ge [sflag:s20], $0x2800  }
0x2d: {  	p0 =	seq.s32 s31, $0x2800;
	[sflag:s20] =	ssyncset.done $0x0  }
0x2e: {  	s1 =	simm.s32 @p0 $0x2;
	[sflag:s20] =	ssyncadd.s32 $0xFFFFD800  }
0x2f: {  	[hbm4b:s30+s3] =	stream.linear.scatter [tilespmem:s11], [sflag:$0x6], $0x2800, $0x38;
	[tilespmem:$0xD800] =	vst v63  }
0x30: {  	_ =	swait.ge @p0 [sflag:s1], $0x2800  }
0x31: {  	[sflag:s1] =	ssyncset.done @p0 $0x0  }
0x32: {  	s0 =	simm.s32 @p0 $0x3800;
	[sflag:s1] =	ssyncadd.s32 @p0 $0xFFFFD800;
	s1 =	simm.s32 @p0 $0x0  }
0x33: {  	[hbm4b:s6+s1] =	stream.linear.scatter @p0 [tilespmem:s0], [sflag:$0x7], $0x2800, $0x38;
	[tilespmem:$0xD800] =	vst v63  }
0x34: {  	s0 =	simm.s32 @!p0 $0x6  }
0x35: {  	_ =	swait.ge @!p0 [sflag:s0], $0x2800  }
0x36: {  	[sflag:s0] =	ssyncset.done @!p0 $0x0  }
0x37: {  	[sflag:s0] =	ssyncadd.s32 @!p0 $0xFFFFD800;
	s0 =	sshra.s32 @!p0 s31, $0x2  }
0x38: {  	s13 =	simm.s32 @!p0 $0x50;
	s14 =	simm.s32 @!p0 $0x1000;
	s12 =	sadd.s32 @!p0 $0x280, s0  }
0x39: {  	[tilespmem:s14], [sflag:$0x1] =	stream.indirect.gather @!p0 [hbm4b:s2+s13], $0x80, s12, s13, $0xb8;
	[tilespmem:$0xD800] =	vst v63  }
0x3a: {  	s12 =	simm.s32 @!p0 $0x2  }
0x3b: {  	_ =	swait.ge @!p0 [sflag:s12], $0x2800  }
0x3c: {  	s16 =	simm.s32 @!p0 $0x3800;
	[sflag:s12] =	ssyncset.done @!p0 $0x0  }
0x3d: {  	s14 =	simm.s32 @!p0 $0x0;
	[sflag:s12] =	ssyncadd.s32 @!p0 $0xFFFFD800;
	s12 =	sadd.s32 @!p0 $0xA000, s30  }
0x3e: {  	[hbm4b:s12+s14] =	stream.linear.scatter @!p0 [tilespmem:s16], [sflag:$0x7], $0x2800, $0x38;
	[tilespmem:$0xD800] =	vst v63  }
0x3f: {  	s12 =	simm.s32 @!p0 $0x7  }
0x40: {  	_ =	swait.ge @!p0 [sflag:s12], $0x2800  }
0x41: {  	[sflag:s12] =	ssyncset.done @!p0 $0x0  }
0x42: {  	[sflag:s12] =	ssyncadd.s32 @!p0 $0xFFFFD800;
	s12 =	sadd.s32 @!p0 $0x300, s0  }
0x43: {  	[tilespmem:s16], [sflag:$0x2] =	stream.indirect.gather @!p0 [hbm4b:s2+s13], $0x80, s12, s13, $0xb8;
	[tilespmem:$0xD800] =	vst v63  }
0x44: {  	_ =	swait.ge [sflag:s21], $0x2800  }
0x45: {  	[sflag:s21] =	ssyncset.done $0x0  }
0x46: {  	s16 =	sadd.s32 $0x14000, s30;
	s12 =	simm.s32 @p0 $0x4;
	[sflag:s21] =	ssyncadd.s32 $0xFFFFD800  }
0x47: {  	[hbm4b:s16+s3] =	stream.linear.scatter [tilespmem:s15], [sflag:$0x8], $0x2800, $0x38;
	[tilespmem:$0xD800] =	vst v63  }
0x48: {  	_ =	swait.ge @p0 [sflag:s12], $0x2800  }
0x49: {  	[sflag:s12] =	ssyncset.done @p0 $0x0  }
0x4a: {  	[sflag:s12] =	ssyncadd.s32 @p0 $0xFFFFD800;
	s12 =	simm.s32 @p0 $0x8800  }
0x4b: {  	[hbm4b:s7+s1] =	stream.linear.scatter @p0 [tilespmem:s12], [sflag:$0x9], $0x2800, $0x38;
	[tilespmem:$0xD800] =	vst v63  }
0x4c: {  	s1 =	simm.s32 @!p0 $0x8  }
0x4d: {  	_ =	swait.ge @!p0 [sflag:s1], $0x2800  }
0x4e: {  	[sflag:s1] =	ssyncset.done @!p0 $0x0  }
0x4f: {  	s12 =	simm.s32 @!p0 $0x6000;
	[sflag:s1] =	ssyncadd.s32 @!p0 $0xFFFFD800;
	s1 =	sadd.s32 @!p0 $0x380, s0  }
0x50: {  	[tilespmem:s12], [sflag:$0x3] =	stream.indirect.gather @!p0 [hbm4b:s2+s13], $0x80, s1, s13, $0xb8;
	[tilespmem:$0xD800] =	vst v63  }
0x51: {  	s1 =	simm.s32 @!p0 $0x4  }
0x52: {  	_ =	swait.ge @!p0 [sflag:s1], $0x2800  }
0x53: {  	[sflag:s1] =	ssyncset.done @!p0 $0x0  }
0x54: {  	s12 =	simm.s32 @!p0 $0x8800;
	[sflag:s1] =	ssyncadd.s32 @!p0 $0xFFFFD800;
	s1 =	sadd.s32 @!p0 $0x1E000, s30  }
0x55: {  	[hbm4b:s1+s14] =	stream.linear.scatter @!p0 [tilespmem:s12], [sflag:$0x9], $0x2800, $0x38;
	[tilespmem:$0xD800] =	vst v63  }
0x56: {  	s1 =	simm.s32 @!p0 $0x9  }
0x57: {  	_ =	swait.ge @!p0 [sflag:s1], $0x2800  }
0x58: {  	[sflag:s1] =	ssyncset.done @!p0 $0x0  }
0x59: {  	s0 =	sadd.s32 @!p0 $0x400, s0;
	[sflag:s1] =	ssyncadd.s32 @!p0 $0xFFFFD800  }
0x5a: {  	[tilespmem:s12], [sflag:$0x4] =	stream.indirect.gather @!p0 [hbm4b:s2+s13], $0x80, s0, s13, $0xb8;
	[tilespmem:$0xD800] =	vst v63  }
.Ltmp2:
0x5b: {  	_ = 	snop;
	(pc) =	sbr.rel @p0 .LBB2_4-.Ltmp2, $4  }
0x5c: {  	_ =	swait.ge [sflag:s22], $0x2800  }
0x5d: {  	[sflag:s22] =	ssyncset.done $0x0  }
0x5e: {  	s16 =	sadd.s32 $0x28000, s30;
	[sflag:s22] =	ssyncadd.s32 $0xFFFFD800  }
0x5f: {  	[hbm4b:s16+s3] =	stream.linear.scatter [tilespmem:s19], [sflag:$0xA], $0x2800, $0x38;
	[tilespmem:$0xD800] =	vst v63  }
.Ltmp3:
0x60: {  	(pc) =	sbr.rel .LBB2_2-.Ltmp3, $4  }
0x61: {  	_ =	swait.ge [sflag:s28], $0x2800  }
0x62: {  	s0 =	sshra.s32 s31, $0x2;
	s31 =	sadd.s32 $0xA00, s31;
	[sflag:s28] =	ssyncset.done $0x0  }
0x63: {  	s30 =	sadd.s32 $0x32000, s30;
	s0 =	sadd.s32 $0x480, s0;
	[sflag:s28] =	ssyncadd.s32 $0xFFFFD800  }
0x64: {  	[tilespmem:s19], [sflag:$0x5] =	stream.indirect.gather [hbm4b:s2+s10], $0x80, s0, s10, $0xb8;
	[tilespmem:$0xD800] =	vst v63  }
.LBB2_5:
0x65: {  	_ =	sfence.sel $0x180000  }
0x66: {  	[bflag:$0x0] =	sbarrier.arrive $0xFFFF  }
0x67: {  	_ =	strace $0x9000004A  }
0x68: {  	s0 =	stileid.u32;
	[bflag:$0x2] =	sbarrier.arrive $0xFFFF  }
0x69: {  	p0 =	sne.s32 s0, $0x0;
	s0 =	rddreg [dreg:$0x2]  }
0x6a: {  	s0 =	sadd.s32 @!p0 $0x100000, s0  }
0x6b: {  	[sflag:s0] =	ssyncadd.tile.s32 @!p0 $0x1;
	_ =	shalt  }
.Lfunc_end2:
_tile_overlayer_lowered:
.L_overlay_start_2:
0x6c: {  	(tag) =	ssettag $0x2  }
0x6d: {  	s0 =	rddreg [dreg:$0x0];
	s2 =	stileid.u32  }
0x6e: {  	s1 =	rddreg [dreg:$0x1];
	p0 =	sne.s32 s2, $0x0  }
0x6f: {  	s3 =	rddreg [dreg:$0x2];
	[bflag:$0x3] =	sbarrier.arrive $0xFFFF;
	s2 =	simm.s32 @!p0 $0x1C0B  }
0x70: {  	[timem:s3], [sflag:s2] =	dma.local @!p0 [hbm:s0], s1  }
0x71: {  	s0 =	simm.s32 @!p0 $0xB  }
0x72: {  	_ =	swait.ge @!p0 [sflag:s0], s1  }
0x73: {  	s1 =	ssub.s32 @!p0 $0x0, s1;
	[sflag:s0] =	ssyncset.done @!p0 $0x0  }
0x74: {  	[sflag:s0] =	ssyncadd.s32 @!p0 s1  }
0x75: {  	[bflag:$0x3] =	sbarrier.arrive $0xFFFF  }
0x76: {  	_ =	shalt  }

// kernel: kernel.24.cloned.1.call-start
scs
__scs_entry_jumppad:
0x0: {  	(pc) =	sbr.rel $0x88, $3  }
0x1: {  	(tag) =	ssettag $0x0;
	lr =	simm.s32 $0x1  }
0x2: {  	[smem:$0x3F8F] =	sst lr;
	_ =	strace $0xD0000000  }
0x3: {  	_ = 	snop  }
0x4: {  	_ = 	snop  }
0x5: {  	_ = 	snop  }
0x6: {  	_ = 	snop  }
0x7: {  	_ = 	snop  }
__scs_overlays_trampoline_lowered:
0x8: {  	[smem:$0x3F9E] =	sst s0  }
0x9: {  	[smem:$0x3F9F] =	sst s1  }
0xa: {  	[smem:$0x3FA0] =	sst s2  }
0xb: {  	[smem:$0x3FA1] =	sst s3  }
0xc: {  	[smem:$0x3FA2] =	sst s4  }
0xd: {  	[smem:$0x3FA3] =	sst s5  }
0xe: {  	[smem:$0x3FA4] =	sst s6  }
0xf: {  	[smem:$0x3FA5] =	sst s7  }
0x10: {  	[smem:$0x3FA6] =	sst s8  }
0x11: {  	[smem:$0x3FA7] =	sst s9;
	s0 =	simm.s32 @!p0 $0x0  }
0x12: {  	s1 =	sld [smem:$0x3F8D];
	s0 =	simm.s32 @p0 $0x1  }
0x13: {  	[smem:$0x3FA8] =	sst s0;
	s0 =	simm.s32 @!p1 $0x0  }
0x14: {  	s2 =	sld [smem:$0x3F8C];
	s0 =	simm.s32 @p1 $0x1  }
0x15: {  	[smem:$0x3FA9] =	sst s0;
	s0 =	simm.s32 @!p2 $0x0  }
0x16: {  	s3 =	sld [smem:$0x3FDB];
	s0 =	simm.s32 @p2 $0x1  }
0x17: {  	s4 =	simm.s32 $0x1BF5;
	[smem:$0x3FAB] =	sst s0  }
0x18: {  	s0 =	sld [smem:$0x3F8E];
	_ =	swait.ge [sflag:s4], $0x0  }
0x19: {  	s7 =	sld [smem:$0x3F8F]  }
0x1a: {  	s8 =	sadd.s32 $0xFFFFE003, lr  }
0x1b: {  	s9 =	sadd.s32 $0xFFFFFEF7, lr;
	s5 =	simm.s32 $0xFFFFFFFF;
	p2 =	slt.u32 s8, $0xFFFFF086  }
0x1c: {  	p1 =	slt.u32 s9, $0xF7A;
	s5 =	simm.s32 @!p2 $0x0  }
0x1d: {  	s5 =	simm.s32 @p1 $0x1;
	p0 =	seq.s32 s7, s2  }
0x1e: {  	s7 =	smul.u32 @!p0 $0xF7A, s2;
	p2 =	seq.s32 @!p0 s5, $0x0  }
0x1f: {  	s9 =	smul.u32 $0xF7A, s1;
	s8 =	simm.s32 @!p0 $0x1BF5;
	p2 =	por !p2, p0  }
0x20: {  	[sflag:s8] =	ssyncset.s32 @!p0 $0xFFFFF086;
	s6 =	sadd.s32 @!p0 s3, s7;
	s7 =	simm.s32 @!p0 $0x108  }
0x21: {  	s3 =	sadd.s32 s3, s9;
	s6 =	sadd.s32 @!p0 $0x88, s6;
	s7 =	simm.s32 @p2 $0x1082  }
0x22: {  	[simem:s7], [sflag:s8] =	dma.local @!p0 [hbm:s6], $0xF7A  }
0x23: {  	s9 =	sor.u32 $0xD0000000, s2;
	s6 =	simm.s32 $0x108;
	_ =	swait.ge @!p0 [sflag:s8], $0x0  }
0x24: {  	s3 =	sadd.s32 $0x88, s3;
	s6 =	simm.s32 @!p1 $0x1082;
	[sflag:s4] =	ssyncset.s32 $0xFFFFF086  }
0x25: {  	[simem:s6], [sflag:s4] =	dma.local [hbm:s3], $0xF7A  }
0x26: {  	[smem:$0x3F8F] =	sst s1;
	(tag) =	ssettag s2;
	_ =	strace s9  }
0x27: {  	s1 =	sld [smem:$0x3F9F]  }
0x28: {  	s2 =	sld [smem:$0x3FA0]  }
0x29: {  	s4 =	sld [smem:$0x3FA2]  }
0x2a: {  	p0 =	seq.s32 s5, $0x0;
	s5 =	sld [smem:$0x3FA3]  }
0x2b: {  	s6 =	sld [smem:$0x3FA4]  }
0x2c: {  	s7 =	sld [smem:$0x3FA5]  }
0x2d: {  	s3 =	simm.s32 $0x108;
	s8 =	sld [smem:$0x3FA6]  }
0x2e: {  	s3 =	simm.s32 @!p0 $0x1082;
	s9 =	sld [smem:$0x3FA7]  }
0x2f: {  	lr =	sadd.s32 s0, s3;
	s0 =	sld [smem:$0x3F9E]  }
0x30: {  	s3 =	sld [smem:$0x3FA1]  }
0x31: {  	[smem:$0x3FAA] =	sst s10  }
0x32: {  	s10 =	sld [smem:$0x3FA8];
	_ =	sdelay $0x3  }
0x33: {  	p0 =	seq.s32 s10, $0x1;
	s10 =	sld [smem:$0x3FAA];
	_ =	sdelay $0x3  }
0x34: {  	[smem:$0x3FAA] =	sst s10  }
0x35: {  	s10 =	sld [smem:$0x3FA9];
	_ =	sdelay $0x3  }
0x36: {  	p1 =	seq.s32 s10, $0x1;
	s10 =	sld [smem:$0x3FAA];
	_ =	sdelay $0x3  }
0x37: {  	[smem:$0x3FAA] =	sst s10  }
0x38: {  	s10 =	sld [smem:$0x3FAB]  }
0x39: {  	_ = 	snop;
	(pc) =	sbr.ind lr, $3  }
0x3a: {  	_ = 	snop  }
0x3b: {  	_ = 	snop  }
0x3c: {  	p2 =	seq.s32 s10, $0x1;
	s10 =	sld [smem:$0x3FAA]  }
0x3d: {  	_ =	shalt  }
0x3e: {  	_ =	shalt  }
0x3f: {  	_ =	shalt  }
0x40: {  	_ =	shalt  }
0x41: {  	_ =	shalt  }
0x42: {  	_ =	shalt  }
0x43: {  	_ =	shalt  }
0x44: {  	_ =	shalt  }
0x45: {  	_ =	shalt  }
0x46: {  	_ =	shalt  }
0x47: {  	_ =	shalt  }
0x48: {  	_ =	shalt  }
0x49: {  	_ =	shalt  }
0x4a: {  	_ =	shalt  }
0x4b: {  	_ =	shalt  }
0x4c: {  	_ =	shalt  }
0x4d: {  	_ =	shalt  }
0x4e: {  	_ =	shalt  }
0x4f: {  	_ =	shalt  }
0x50: {  	_ =	shalt  }
0x51: {  	_ =	shalt  }
0x52: {  	_ =	shalt  }
0x53: {  	_ =	shalt  }
0x54: {  	_ =	shalt  }
0x55: {  	_ =	shalt  }
0x56: {  	_ =	shalt  }
0x57: {  	_ =	shalt  }
0x58: {  	_ =	shalt  }
0x59: {  	_ =	shalt  }
0x5a: {  	_ =	shalt  }
0x5b: {  	_ =	shalt  }
0x5c: {  	_ =	shalt  }
0x5d: {  	_ =	shalt  }
0x5e: {  	_ =	shalt  }
0x5f: {  	_ =	shalt  }
0x60: {  	_ =	shalt  }
0x61: {  	_ =	shalt  }
0x62: {  	_ =	shalt  }
0x63: {  	_ =	shalt  }
0x64: {  	_ =	shalt  }
0x65: {  	_ =	shalt  }
0x66: {  	_ =	shalt  }
0x67: {  	_ =	shalt  }
0x68: {  	_ =	shalt  }
0x69: {  	_ =	shalt  }
0x6a: {  	_ =	shalt  }
0x6b: {  	_ =	shalt  }
0x6c: {  	_ =	shalt  }
0x6d: {  	_ =	shalt  }
0x6e: {  	_ =	shalt  }
0x6f: {  	_ =	shalt  }
0x70: {  	_ =	shalt  }
0x71: {  	_ =	shalt  }
0x72: {  	_ =	shalt  }
0x73: {  	_ =	shalt  }
0x74: {  	_ =	shalt  }
0x75: {  	_ =	shalt  }
0x76: {  	_ =	shalt  }
0x77: {  	_ =	shalt  }
0x78: {  	_ =	shalt  }
0x79: {  	_ =	shalt  }
0x7a: {  	_ =	shalt  }
0x7b: {  	_ =	shalt  }
0x7c: {  	_ =	shalt  }
0x7d: {  	_ =	shalt  }
0x7e: {  	_ =	shalt  }
0x7f: {  	_ =	shalt  }
0x80: {  	_ =	shalt  }
0x81: {  	_ =	shalt  }
0x82: {  	_ =	shalt  }
0x83: {  	_ =	shalt  }
0x84: {  	_ =	shalt  }
0x85: {  	_ =	shalt  }
0x86: {  	_ =	shalt  }
0x87: {  	_ =	shalt  }
.Lfunc_end0:
.L_simem_size_0:
called_computation.4_lowered:
.L_overlay_start_0:
0x88: {  	s2 =	sld [smem:$0x3FD9]  }
0x89: {  	s3 =	sld [smem:$0x3FFE];
	_ =	sdelay $0x1  }
0x8a: {  	s1 =	srdreg.scid  }
0x8b: {  	s0 =	sand.u32 $0x1, s1  }
0x8c: {  	s17 =	sshll.u32 s0, $0xA;
	s2 =	sadd.s32 s3, s2  }
0x8d: {  	s2 =	sadd.s32 s2, s17  }
0x8e: {  	[smem:$0x3FB6] =	sst s2  }
0x8f: {  	_ = 	snop  }
0x90: {  	s2 =	sld [smem:$0x3FC9]  }
0x91: {  	s18 =	sld [smem:$0x3FD0];
	(tm) =	ssettm $0x1  }
0x92: {  	s4 =	sld [smem:$0x3FFB];
	_ =	sdelay $0x3  }
0x93: {  	_ =	strace s4  }
0x94: {  	s4 =	sld [smem:$0x3FFC];
	_ =	sdelay $0x3  }
0x95: {  	_ =	strace s4  }
0x96: {  	s4 =	sld [smem:$0x3FFD];
	_ =	sdelay $0x3  }
0x97: {  	_ =	strace s4  }
0x98: {  	_ =	strace $0x8FFFFFFF  }
0x99: {  	s19 =	sld [smem:$0x3FDB];
	_ =	sdelay $0x1  }
0x9a: {  	s5 =	simm.s32 $_scs_section_size  }
0x9b: {  	s6 =	simm.s32 $_size__tile_overlayer_lowered;
	s7 =	simm.s32 $_tile_overlayer_lowered  }
0x9c: {  	s22 =	simm.s32 $0x1BFF;
	s21 =	sshll.u32 s7, $0x1;
	s4 =	sadd.s32 s5, s19  }
0x9d: {  	s8 =	simm.s32 $0x0;
	s20 =	sshll.u32 s6, $0x1;
	s6 =	sadd.s32 s21, s4  }
0x9e: {  	[timem:s8], [sflag:s22] =	dma.local [hbm:s6], s20  }
0x9f: {  	_ =	swait.ge [sflag:s22], s20  }
0xa0: {  	s5 =	ssub.s32 $0x0, s20;
	[sflag:s22] =	ssyncset.done $0x0  }
0xa1: {  	[sflag:s22] =	ssyncadd.s32 s5;
	_ =	sdelay $0x1  }
0xa2: {  	s23 =	simm.s32 $0x1B8B  }
0xa3: {  	_ =	swait.ge [sflag:s23], $0x1  }
0xa4: {  	[sflag:s23] =	ssyncset.done $0x0  }
0xa5: {  	s25 =	simm.s32 $0x1B8E;
	s24 =	sld [smem:$0x3FFE];
	[sflag:s23] =	ssyncadd.s32 $0xFFFFFFFF  }
0xa6: {  	s26 =	simm.s32 $execute0_lowered;
	[smem:$0x3FD2] =	sst s25  }
0xa7: {  	s6 =	sshll.u32 s26, $0x1;
	_ =	strace $0x80000046;
	[dreg:$0x1] =	wrdreg $0xFFFFFFFF  }
0xa8: {  	s28 =	simm.s32 $_size_execute0_lowered;
	s4 =	sadd.s32 s4, s6;
	[dreg:$0x0] =	wrdreg $0x0  }
0xa9: {  	s6 =	sshll.u32 s28, $0x1;
	[dreg:$0x2] =	wrdreg s4  }
0xaa: {  	[dreg:$0x3] =	wrdreg s6  }
0xab: {  	[dreg:$0x4] =	wrdreg $0xC0  }
0xac: {  	_ =	task [dreg:s8], $0x5FFFF  }
0xad: {  	[dreg:$0x1] =	wrdreg $0xFFFFFFFF  }
0xae: {  	[dreg:$0x0] =	wrdreg $0x60  }
0xaf: {  	[dreg:$0x2] =	wrdreg s2  }
0xb0: {  	[dreg:$0x3] =	wrdreg s18  }
0xb1: {  	[dreg:$0x4] =	wrdreg s24  }
0xb2: {  	[dreg:$0x5] =	wrdreg $0xD  }
0xb3: {  	_ =	task.clear_ibuf [dreg:s8], $0x6FFFF;
	_ =	strace $0x90000046  }
0xb4: {  	s29 =	simm.s32 $0xD;
	_ =	strace $0x80000048  }
0xb5: {  	_ =	swait.ge [sflag:s29], $0x1  }
0xb6: {  	[sflag:s29] =	ssyncadd.s32 $0xFFFFFFFF  }
0xb7: {  	_ =	strace $0x90000048  }
0xb8: {  	_ =	sfence  }
0xb9: {  	s30 =	sld [smem:$0x0];
	_ =	sdelay $0x2  }
0xba: {  	s31 =	sshll.u32 s1, $0xD;
	s1 =	sshrl.u32 s1, $0x2  }
0xbb: {  	s3 =	sand.u32 $0x4000, s31;
	s1 =	sadd.s32 s1, s30  }
0xbc: {  	s0 =	sor.u32 s3, s0;
	s1 =	sshll.u32 s1, $0x11  }
0xbd: {  	s0 =	sor.u32 s1, s0  }
0xbe: {  	s0 =	sadd.s32 $0x8F2B, s0  }
0xbf: {  	[sflag:s0] =	ssyncadd.remote.s32 $0x1  }
0xc0: {  	_ =	sfence.sel $0xFFFF  }
0xc1: {  	[dreg:$0x0] =	wrdreg $0xFFFFFFFF;
	(pc) =	sbr.abs _section_cstart, $3  }
0xc2: {  	[dreg:$0x1] =	wrdreg $0xFFFFFFFF  }
0xc3: {  	_ =	task.clear_ibuf [dreg:s8], $0x2FFFF;
	_ =	strace $0x9FFFFFFF  }
0xc4: {  	(tm) =	ssettm $0x7FFFFFFF  }
0xc5: {  	_ =	shalt  }
tec
execute0_lowered:
.L_overlay_start_1:
0x0: {  	(tag) =	ssettag $0x1  }
0x1: {  	s1 =	rddreg [dreg:$0x0]  }
0x2: {  	s4 =	rddreg [dreg:$0x1]  }
0x3: {  	s5 =	rddreg [dreg:$0x2];
	s3 =	simm.s32 $0x0  }
0x4: {  	s6 =	srdreg.scid;
	s0 =	stileid.u32;
	s11 =	simm.s32 $0x1000  }
0x5: {  	s15 =	simm.s32 $0x6000;
	s17 =	simm.s32 $0x8800;
	s18 =	simm.s32 $0x200  }
0x6: {  	s19 =	simm.s32 $0xB000;
	s20 =	simm.s32 $0x1;
	s21 =	simm.s32 $0x3  }
0x7: {  	s22 =	simm.s32 $0x5;
	s23 =	simm.s32 $0x6;
	s24 =	simm.s32 $0x7  }
0x8: {  	s25 =	simm.s32 $0x8;
	s28 =	simm.s32 $0xA;
	s29 =	simm.s32 $0x0  }
0x9: {  	[smem:$0x7FF] =	sst s3;
	s6 =	sand.u32 $0x1, s6;
	s7 =	sshll.u32 s0, $0x1  }
0xa: {  	s8 =	sadd.s32 $0x13A00, s5;
	s30 =	smul.u32 $0xA00, s0;
	_ =	strace $0x80000047  }
0xb: {  	s26 =	ssub.s32 $0x2, s6;
	s7 =	sor.u32 s6, s7;
	s31 =	smul.u32 $0x500, s6  }
.Ltmp0:
0xc: {  	s9 =	sshrl.u32 s26, $0x1;
	s10 =	sshll.u32 s7, $0x9;
	(pc) =	sbr.rel .LBB2_1-.Ltmp0, $4  }
0xd: {  	s7 =	smul.u32 $0x500, s7;
	s5 =	ssub.s32 s26, s9;
	s4 =	sadd.s32 s4, s10  }
0xe: {  	s9 =	simm.s32 $0xB;
	s10 =	simm.s32 $0x50;
	s26 =	simm.s32 $0x9  }
0xf: {  	s5 =	smax.u32 s5, $0x1;
	s7 =	sadd.s32 s8, s7;
	s8 =	sadd.s32 s30, s8  }
0x10: {  	s6 =	sadd.s32 $0xD2000, s7;
	s7 =	sadd.s32 $0xE6000, s7;
	s8 =	sadd.s32 s31, s8  }
.LBB2_4:
0x11: {  	_ =	swait.ge [sflag:s23], $0x2800  }
0x12: {  	[sflag:s23] =	ssyncset.done $0x0  }
0x13: {  	[sflag:s23] =	ssyncadd.s32 $0xFFFFD800  }
0x14: {  	_ =	swait.ge [sflag:s24], $0x2800  }
0x15: {  	[sflag:s24] =	ssyncset.done $0x0  }
0x16: {  	[sflag:s24] =	ssyncadd.s32 $0xFFFFD800  }
0x17: {  	_ =	swait.ge [sflag:s25], $0x2800  }
0x18: {  	[sflag:s25] =	ssyncset.done $0x0  }
0x19: {  	s29 =	sadd.s32 $0x1, s29;
	[sflag:s25] =	ssyncadd.s32 $0xFFFFD800  }
0x1a: {  	p0 =	sne.s32 s29, s5;
	_ =	swait.ge [sflag:s26], $0x2800  }
.Ltmp1:
0x1b: {  	[sflag:s26] =	ssyncset.done $0x0;
	(pc) =	sbr.rel @!p0 .LBB2_5-.Ltmp1, $4  }
0x1c: {  	[sflag:s26] =	ssyncadd.s32 $0xFFFFD800  }
0x1d: {  	_ =	swait.ge [sflag:s28], $0x2800  }
0x1e: {  	[sflag:s28] =	ssyncset.done $0x0  }
0x1f: {  	[sflag:s28] =	ssyncadd.s32 $0xFFFFD800  }
.LBB2_1:
0x20: {  	[tilespmem:s3], [sflag:$0xB] =	stream.linear.gather [hbm4b:s4+s3], $0xC80, $0x38;
	[tilespmem:$0xD800] =	vst v63  }
0x21: {  	_ =	swait.ge [sflag:s9], $0xC80  }
0x22: {  	[sflag:s9] =	ssyncset.done $0x0  }
0x23: {  	[sflag:s9] =	ssyncadd.s32 $0xFFFFF380  }
0x24: {  	[tilespmem:s11], [sflag:$0x1] =	stream.indirect.gather [hbm4b:s1+s10], $0x80, s3, s10, $0xb8;
	[tilespmem:$0xD800] =	vst v63  }
0x25: {  	s0 =	simm.s32 $0x80;
	s2 =	simm.s32 $0x3800  }
0x26: {  	[tilespmem:s2], [sflag:$0x2] =	stream.indirect.gather [hbm4b:s1+s10], $0x80, s0, s10, $0xb8;
	[tilespmem:$0xD800] =	vst v63  }
0x27: {  	s14 =	simm.s32 $0x100  }
0x28: {  	[tilespmem:s15], [sflag:$0x3] =	stream.indirect.gather [hbm4b:s1+s10], $0x80, s14, s10, $0xb8;
	[tilespmem:$0xD800] =	vst v63  }
0x29: {  	s16 =	simm.s32 $0x180  }
0x2a: {  	[tilespmem:s17], [sflag:$0x4] =	stream.indirect.gather [hbm4b:s1+s10], $0x80, s16, s10, $0xb8;
	[tilespmem:$0xD800] =	vst v63  }
0x2b: {  	s30 =	smov.u32 s8;
	s31 =	simm.s32 $0x0  }
0x2c: {  	[tilespmem:s19], [sflag:$0x5] =	stream.indirect.gather [hbm4b:s1+s10], $0x80, s18, s10, $0xb8;
	[tilespmem:$0xD800] =	vst v63  }
.LBB2_2:
0x2d: {  	_ =	swait.ge [sflag:s20], $0x2800  }
0x2e: {  	p0 =	seq.s32 s31, $0x2800;
	[sflag:s20] =	ssyncset.done $0x0  }
0x2f: {  	s0 =	simm.s32 @p0 $0x2;
	[sflag:s20] =	ssyncadd.s32 $0xFFFFD800  }
0x30: {  	[hbm4b:s30+s3] =	stream.linear.scatter [tilespmem:s11], [sflag:$0x6], $0x2800, $0x38;
	[tilespmem:$0xD800] =	vst v63  }
0x31: {  	_ =	swait.ge @p0 [sflag:s0], $0x2800  }
0x32: {  	[sflag:s0] =	ssyncset.done @p0 $0x0  }
0x33: {  	s2 =	simm.s32 @p0 $0x3800;
	[sflag:s0] =	ssyncadd.s32 @p0 $0xFFFFD800;
	s0 =	simm.s32 @p0 $0x0  }
0x34: {  	[hbm4b:s6+s0] =	stream.linear.scatter @p0 [tilespmem:s2], [sflag:$0x7], $0x2800, $0x38;
	[tilespmem:$0xD800] =	vst v63  }
0x35: {  	s2 =	simm.s32 @!p0 $0x6  }
0x36: {  	_ =	swait.ge @!p0 [sflag:s2], $0x2800  }
0x37: {  	[sflag:s2] =	ssyncset.done @!p0 $0x0  }
0x38: {  	[sflag:s2] =	ssyncadd.s32 @!p0 $0xFFFFD800;
	s2 =	sshra.s32 @!p0 s31, $0x2  }
0x39: {  	s13 =	simm.s32 @!p0 $0x50;
	s14 =	simm.s32 @!p0 $0x1000;
	s12 =	sadd.s32 @!p0 $0x280, s2  }
0x3a: {  	[tilespmem:s14], [sflag:$0x1] =	stream.indirect.gather @!p0 [hbm4b:s1+s13], $0x80, s12, s13, $0xb8;
	[tilespmem:$0xD800] =	vst v63  }
0x3b: {  	s12 =	simm.s32 @!p0 $0x2  }
0x3c: {  	_ =	swait.ge @!p0 [sflag:s12], $0x2800  }
0x3d: {  	s16 =	simm.s32 @!p0 $0x3800;
	[sflag:s12] =	ssyncset.done @!p0 $0x0  }
0x3e: {  	s14 =	simm.s32 @!p0 $0x0;
	[sflag:s12] =	ssyncadd.s32 @!p0 $0xFFFFD800;
	s12 =	sadd.s32 @!p0 $0xA000, s30  }
0x3f: {  	[hbm4b:s12+s14] =	stream.linear.scatter @!p0 [tilespmem:s16], [sflag:$0x7], $0x2800, $0x38;
	[tilespmem:$0xD800] =	vst v63  }
0x40: {  	s12 =	simm.s32 @!p0 $0x7  }
0x41: {  	_ =	swait.ge @!p0 [sflag:s12], $0x2800  }
0x42: {  	[sflag:s12] =	ssyncset.done @!p0 $0x0  }
0x43: {  	[sflag:s12] =	ssyncadd.s32 @!p0 $0xFFFFD800;
	s12 =	sadd.s32 @!p0 $0x300, s2  }
0x44: {  	[tilespmem:s16], [sflag:$0x2] =	stream.indirect.gather @!p0 [hbm4b:s1+s13], $0x80, s12, s13, $0xb8;
	[tilespmem:$0xD800] =	vst v63  }
0x45: {  	_ =	swait.ge [sflag:s21], $0x2800  }
0x46: {  	[sflag:s21] =	ssyncset.done $0x0  }
0x47: {  	s16 =	sadd.s32 $0x14000, s30;
	s12 =	simm.s32 @p0 $0x4;
	[sflag:s21] =	ssyncadd.s32 $0xFFFFD800  }
0x48: {  	[hbm4b:s16+s3] =	stream.linear.scatter [tilespmem:s15], [sflag:$0x8], $0x2800, $0x38;
	[tilespmem:$0xD800] =	vst v63  }
0x49: {  	_ =	swait.ge @p0 [sflag:s12], $0x2800  }
0x4a: {  	[sflag:s12] =	ssyncset.done @p0 $0x0  }
0x4b: {  	[sflag:s12] =	ssyncadd.s32 @p0 $0xFFFFD800;
	s12 =	simm.s32 @p0 $0x8800  }
0x4c: {  	[hbm4b:s7+s0] =	stream.linear.scatter @p0 [tilespmem:s12], [sflag:$0x9], $0x2800, $0x38;
	[tilespmem:$0xD800] =	vst v63  }
0x4d: {  	s0 =	simm.s32 @!p0 $0x8  }
0x4e: {  	_ =	swait.ge @!p0 [sflag:s0], $0x2800  }
0x4f: {  	[sflag:s0] =	ssyncset.done @!p0 $0x0  }
0x50: {  	s12 =	simm.s32 @!p0 $0x6000;
	[sflag:s0] =	ssyncadd.s32 @!p0 $0xFFFFD800;
	s0 =	sadd.s32 @!p0 $0x380, s2  }
0x51: {  	[tilespmem:s12], [sflag:$0x3] =	stream.indirect.gather @!p0 [hbm4b:s1+s13], $0x80, s0, s13, $0xb8;
	[tilespmem:$0xD800] =	vst v63  }
0x52: {  	s0 =	simm.s32 @!p0 $0x4  }
0x53: {  	_ =	swait.ge @!p0 [sflag:s0], $0x2800  }
0x54: {  	[sflag:s0] =	ssyncset.done @!p0 $0x0  }
0x55: {  	s12 =	simm.s32 @!p0 $0x8800;
	[sflag:s0] =	ssyncadd.s32 @!p0 $0xFFFFD800;
	s0 =	sadd.s32 @!p0 $0x1E000, s30  }
0x56: {  	[hbm4b:s0+s14] =	stream.linear.scatter @!p0 [tilespmem:s12], [sflag:$0x9], $0x2800, $0x38;
	[tilespmem:$0xD800] =	vst v63  }
0x57: {  	s0 =	simm.s32 @!p0 $0x9  }
0x58: {  	_ =	swait.ge @!p0 [sflag:s0], $0x2800  }
0x59: {  	[sflag:s0] =	ssyncset.done @!p0 $0x0  }
0x5a: {  	[sflag:s0] =	ssyncadd.s32 @!p0 $0xFFFFD800;
	s0 =	sadd.s32 @!p0 $0x400, s2  }
0x5b: {  	[tilespmem:s12], [sflag:$0x4] =	stream.indirect.gather @!p0 [hbm4b:s1+s13], $0x80, s0, s13, $0xb8;
	[tilespmem:$0xD800] =	vst v63  }
.Ltmp2:
0x5c: {  	_ = 	snop;
	(pc) =	sbr.rel @p0 .LBB2_4-.Ltmp2, $4  }
0x5d: {  	_ =	swait.ge [sflag:s22], $0x2800  }
0x5e: {  	[sflag:s22] =	ssyncset.done $0x0  }
0x5f: {  	s16 =	sadd.s32 $0x28000, s30;
	[sflag:s22] =	ssyncadd.s32 $0xFFFFD800  }
0x60: {  	[hbm4b:s16+s3] =	stream.linear.scatter [tilespmem:s19], [sflag:$0xA], $0x2800, $0x38;
	[tilespmem:$0xD800] =	vst v63  }
.Ltmp3:
0x61: {  	(pc) =	sbr.rel .LBB2_2-.Ltmp3, $4  }
0x62: {  	_ =	swait.ge [sflag:s28], $0x2800  }
0x63: {  	s0 =	sshra.s32 s31, $0x2;
	s31 =	sadd.s32 $0xA00, s31;
	[sflag:s28] =	ssyncset.done $0x0  }
0x64: {  	s30 =	sadd.s32 $0x32000, s30;
	s0 =	sadd.s32 $0x480, s0;
	[sflag:s28] =	ssyncadd.s32 $0xFFFFD800  }
0x65: {  	[tilespmem:s19], [sflag:$0x5] =	stream.indirect.gather [hbm4b:s1+s10], $0x80, s0, s10, $0xb8;
	[tilespmem:$0xD800] =	vst v63  }
.LBB2_5:
0x66: {  	_ =	sfence.sel $0x180000  }
0x67: {  	[bflag:$0x0] =	sbarrier.arrive $0xFFFF  }
0x68: {  	_ =	strace $0x90000047  }
0x69: {  	s0 =	stileid.u32;
	[bflag:$0x2] =	sbarrier.arrive $0xFFFF  }
0x6a: {  	p0 =	sne.s32 s0, $0x0;
	s0 =	rddreg [dreg:$0x3]  }
0x6b: {  	s0 =	sadd.s32 @!p0 $0x100000, s0  }
0x6c: {  	[sflag:s0] =	ssyncadd.tile.s32 @!p0 $0x1;
	_ =	shalt  }
.Lfunc_end2:
_tile_overlayer_lowered:
.L_overlay_start_2:
0x6d: {  	(tag) =	ssettag $0x2  }
0x6e: {  	s0 =	rddreg [dreg:$0x0];
	s2 =	stileid.u32  }
0x6f: {  	s1 =	rddreg [dreg:$0x1];
	p0 =	sne.s32 s2, $0x0  }
0x70: {  	s3 =	rddreg [dreg:$0x2];
	[bflag:$0x3] =	sbarrier.arrive $0xFFFF;
	s2 =	simm.s32 @!p0 $0x1C0B  }
0x71: {  	[timem:s3], [sflag:s2] =	dma.local @!p0 [hbm:s0], s1  }
0x72: {  	s0 =	simm.s32 @!p0 $0xB  }
0x73: {  	_ =	swait.ge @!p0 [sflag:s0], s1  }
0x74: {  	s1 =	ssub.s32 @!p0 $0x0, s1;
	[sflag:s0] =	ssyncset.done @!p0 $0x0  }
0x75: {  	[sflag:s0] =	ssyncadd.s32 @!p0 s1  }
0x76: {  	[bflag:$0x3] =	sbarrier.arrive $0xFFFF  }
0x77: {  	_ =	shalt  }

</sc_bundles>
